<compile_context>
chip_gen: v7x
topology: tpu7x:2x2x1
jax: 0.10.2.dev20260603
libtpu: 0.0.44.dev20260713+nightly
codegen_flags: <defaults>
</compile_context>

<pallas_src>
import functools

import jax
import jax.numpy as jnp
from jax import lax
from jax.experimental import pallas as pl
from jax.experimental.pallas import tpu as pltpu
from jax.experimental.pallas import tpu_sc as plsc

H = 128
EPS = 1e-5
NC = 2
NS = 16
NW = NC * NS
K_GATHER = 40
K_SCATTER = 80
SEG = 2

F32 = jnp.float32


def _ln_relu(h, g, b):
    mu = jnp.mean(h, axis=-1, keepdims=True)
    var = jnp.mean((h - mu) ** 2, axis=-1, keepdims=True)
    return jnp.maximum((h - mu) * lax.rsqrt(var + EPS) * g + b, 0.0)



def _node_pre_body(nf, wn, bn, gn, ben, w1, w2, bm, x_o, a_o, b_o):
    h = jnp.dot(nf[...], wn[...], preferred_element_type=F32) + bn[...]
    x = _ln_relu(h, gn[...], ben[...])
    x_o[...] = x
    a_o[...] = jnp.dot(x, w1[...], preferred_element_type=F32) + bm[...]
    b_o[...] = jnp.dot(x, w2[...], preferred_element_type=F32)


def _node_pre(nf, wn, bn, gn, ben, w1, w2, bm):
    n = nf.shape[0]
    blk = 5000
    grid = n // blk
    full = lambda i: (0, 0)
    chunk = lambda i: (i, 0)
    specs = [
        pl.BlockSpec((blk, H), chunk),
        pl.BlockSpec((H, H), full),
        pl.BlockSpec((1, H), full),
        pl.BlockSpec((1, H), full),
        pl.BlockSpec((1, H), full),
        pl.BlockSpec((H, H), full),
        pl.BlockSpec((H, H), full),
        pl.BlockSpec((1, H), full),
    ]
    out = jax.ShapeDtypeStruct((n, H), F32)
    return pl.pallas_call(
        _node_pre_body,
        grid=(grid,),
        in_specs=specs,
        out_specs=[pl.BlockSpec((blk, H), chunk)] * 3,
        out_shape=[out, out, out],
    )(nf, wn, bn, gn, ben, w1, w2, bm)



def _sc_gather_kernel(n_nodes, seg_off, seg_e):
    K_EDGE = K_GATHER
    epw = seg_e // NW
    chunks = epw // K_EDGE
    S = 4
    n_pad = ((n_nodes + NS * 8 - 1) // (NS * 8)) * (NS * 8)
    rpt = n_pad // NS
    mesh = plsc.VectorSubcoreMesh(core_axis_name="c", subcore_axis_name="s")
    out = jax.ShapeDtypeStruct((seg_e, H), F32)

    @functools.partial(
        pl.kernel,
        mesh=mesh,
        out_type=[out, out],
        scratch_types=(
            [pltpu.VMEM_SHARED((n_pad, H), F32)]
            + [pltpu.VMEM((epw,), jnp.int32) for _ in range(2)]
            + [pltpu.VMEM((K_EDGE, H), F32) for _ in range(S)]
            + [pltpu.SemaphoreType.DMA for _ in range(2 * S)]
        ),
    )
    def sc_gather(a_hbm, b_hbm, row_hbm, col_hbm, ar_hbm, bc_hbm, *scr):
        tab_sh = scr[0]
        idx_r_all, idx_c_all = scr[1:3]
        buf = scr[3:3 + S]
        sg = scr[3 + S:3 + 2 * S]
        sw = scr[3 + 2 * S:3 + 3 * S]
        ci = lax.axis_index("c")
        si = lax.axis_index("s")
        base_w = (ci * NS + si) * epw
        base_i = seg_off + base_w
        pltpu.sync_copy(row_hbm.at[pl.ds(base_i, epw)], idx_r_all)
        pltpu.sync_copy(col_hbm.at[pl.ds(base_i, epw)], idx_c_all)

        def one_pass(tab_hbm, idx_all, out_hbm):
            pltpu.sync_copy(tab_hbm.at[pl.ds(si * rpt, rpt)],
                            tab_sh.at[pl.ds(si * rpt, rpt)])
            plsc.subcore_barrier()

            def issue_g(i, s):
                pltpu.async_copy(
                    tab_sh.at[idx_all.at[pl.ds(i * K_EDGE, K_EDGE)]],
                    buf[s], sg[s])

            def wait_g(i, s):
                pltpu.make_async_copy(
                    tab_sh.at[idx_all.at[pl.ds(i * K_EDGE, K_EDGE)]],
                    buf[s], sg[s]).wait()

            def issue_w(i, s):
                base = base_w + i * K_EDGE
                pltpu.async_copy(buf[s], out_hbm.at[pl.ds(base, K_EDGE)],
                                 sw[s])

            def wait_w(i, s):
                base = base_w + i * K_EDGE
                pltpu.make_async_copy(
                    buf[s], out_hbm.at[pl.ds(base, K_EDGE)], sw[s]).wait()

            assert chunks >= 6
            issue_g(0, 0)
            issue_g(1, 1)
            issue_g(2, 2)
            wait_g(0, 0)
            issue_w(0, 0)
            issue_g(3, 3)
            wait_g(1, 1)
            issue_w(1, 1)
            wait_w(0, 0)
            issue_g(4, 0)

            def body(i, carry):
                for k in range(S):
                    j = 4 * i + 2 + k
                    s = (2 + k) % S
                    sp = (s + 3) % S
                    wait_g(j, s)
                    issue_w(j, s)
                    wait_w(j - 1, sp)
                    issue_g(j + 3, sp)
                return carry

            niter = (chunks - 5) // 4
            lax.fori_loop(0, niter, body, 0)
            for t in range((chunks - 5) % 4):
                j = 2 + 4 * niter + t
                s = j % S
                sp = (j + 3) % S
                wait_g(j, s)
                issue_w(j, s)
                wait_w(j - 1, sp)
                issue_g(j + 3, sp)
            for j in range(chunks - 3, chunks):
                wait_g(j, j % S)
                issue_w(j, j % S)
            for j in range(chunks - 4, chunks):
                wait_w(j, j % S)
            plsc.subcore_barrier()

        one_pass(a_hbm, idx_r_all, ar_hbm)
        one_pass(b_hbm, idx_c_all, bc_hbm)

    return sc_gather



def _msg_body(ef, ar, bc, we, be_, ge, bee, w2, gm, bem, msg_o):
    h = jnp.dot(ef[...], we[...], preferred_element_type=F32) + be_[...]
    ea = _ln_relu(h, ge[...], bee[...])
    v = ar[...] + bc[...] + jnp.dot(ea, w2[...], preferred_element_type=F32)
    msg_o[...] = _ln_relu(v, gm[...], bem[...])


def _msg_tc(ef, ar, bc, we, be_, ge, bee, w2, gm, bem, seg_off):
    d = ef.shape[1]
    e = ar.shape[0]
    blk = 6400
    grid = e // blk
    sb = seg_off // blk
    full = lambda i: (0, 0)
    chunk = lambda i: (i, 0)
    ef_chunk = lambda i: (sb + i, 0)
    return pl.pallas_call(
        _msg_body,
        grid=(grid,),
        in_specs=[
            pl.BlockSpec((blk, d), ef_chunk),
            pl.BlockSpec((blk, H), chunk),
            pl.BlockSpec((blk, H), chunk),
            pl.BlockSpec((d, H), full),
            pl.BlockSpec((1, H), full),
            pl.BlockSpec((1, H), full),
            pl.BlockSpec((1, H), full),
            pl.BlockSpec((H, H), full),
            pl.BlockSpec((1, H), full),
            pl.BlockSpec((1, H), full),
        ],
        out_specs=pl.BlockSpec((blk, H), chunk),
        out_shape=jax.ShapeDtypeStruct((e, H), F32),
    )(ef, ar, bc, we, be_, ge, bee, w2, gm, bem)



def _sc_scatter_kernel(n_nodes, seg_off, seg_e):
    K_EDGE = K_SCATTER
    epw = seg_e // NW
    chunks = epw // K_EDGE
    n_pad = ((n_nodes + NS * 8 - 1) // (NS * 8)) * (NS * 8)
    rpt = n_pad // NS
    mesh = plsc.VectorSubcoreMesh(core_axis_name="c", subcore_axis_name="s")

    @functools.partial(
        pl.kernel,
        mesh=mesh,
        out_type=jax.ShapeDtypeStruct((NC, n_pad, H), F32),
        scratch_types=[
            pltpu.VMEM_SHARED((n_pad, H), F32),
            pltpu.VMEM((epw,), jnp.int32),
            pltpu.VMEM((epw,), jnp.int32),
            pltpu.VMEM((K_EDGE, H), F32),
            pltpu.VMEM((K_EDGE, H), F32),
            pltpu.SemaphoreType.DMA,
            pltpu.SemaphoreType.DMA,
            pltpu.SemaphoreType.DMA,
            pltpu.SemaphoreType.DMA,
            pltpu.SemaphoreType.DMA,
            pltpu.SemaphoreType.DMA,
        ],
    )
    def sc_scatter(msg_hbm, row_hbm, col_hbm, zeros_hbm, out_hbm, aggr_sh,
                   idx_r_all, idx_c_all, m_0, m_1,
                   sl0, sl1, sr0, sr1, sc0, sc1):
        ci = lax.axis_index("c")
        si = lax.axis_index("s")
        wid = ci * NS + si
        pltpu.sync_copy(zeros_hbm.at[pl.ds(si * rpt, rpt)],
                        aggr_sh.at[pl.ds(si * rpt, rpt)])

        base_w = wid * epw
        base_i = seg_off + base_w
        pltpu.sync_copy(row_hbm.at[pl.ds(base_i, epw)], idx_r_all)
        pltpu.sync_copy(col_hbm.at[pl.ds(base_i, epw)], idx_c_all)
        plsc.subcore_barrier()

        sets = ((m_0, sl0, sr0, sc0), (m_1, sl1, sr1, sc1))

        def idx(i, all_):
            return all_.at[pl.ds(i * K_EDGE, K_EDGE)]

        def issue(i, s):
            buf, sl, sr, sc_ = s
            base = base_w + i * K_EDGE
            pltpu.async_copy(msg_hbm.at[pl.ds(base, K_EDGE)], buf, sl)

        def wait_load(i, s):
            buf, sl, sr, sc_ = s
            base = base_w + i * K_EDGE
            pltpu.make_async_copy(
                msg_hbm.at[pl.ds(base, K_EDGE)], buf, sl).wait()

        def scatter(i, s):
            buf, sl, sr, sc_ = s
            pltpu.async_copy(buf, aggr_sh.at[idx(i, idx_r_all)], sr, add=True)
            pltpu.async_copy(buf, aggr_sh.at[idx(i, idx_c_all)], sc_,
                             add=True)

        def wait_scatter(i, s):
            buf, sl, sr, sc_ = s
            pltpu.make_async_copy(buf, aggr_sh.at[idx(i, idx_r_all)],
                                  sr).wait()
            pltpu.make_async_copy(buf, aggr_sh.at[idx(i, idx_c_all)],
                                  sc_).wait()

        issue(0, sets[0])

        def pipe(i, carry):
            wait_load(2 * i, sets[0])
            issue(2 * i + 1, sets[1])
            scatter(2 * i, sets[0])
            wait_load(2 * i + 1, sets[1])
            wait_scatter(2 * i, sets[0])
            issue(2 * i + 2, sets[0])
            scatter(2 * i + 1, sets[1])
            wait_scatter(2 * i + 1, sets[1])
            return carry

        if chunks % 2 == 1:
            lax.fori_loop(0, (chunks - 1) // 2, pipe, 0)
            wait_load(chunks - 1, sets[0])
            scatter(chunks - 1, sets[0])
            wait_scatter(chunks - 1, sets[0])
        else:
            c0 = chunks - 2
            lax.fori_loop(0, (chunks - 2) // 2, pipe, 0)
            wait_load(c0, sets[0])
            issue(c0 + 1, sets[1])
            scatter(c0, sets[0])
            wait_load(c0 + 1, sets[1])
            wait_scatter(c0, sets[0])
            scatter(c0 + 1, sets[1])
            wait_scatter(c0 + 1, sets[1])
        plsc.subcore_barrier()
        pltpu.sync_copy(aggr_sh.at[pl.ds(si * rpt, rpt)],
                        out_hbm.at[ci, pl.ds(si * rpt, rpt)])

    return sc_scatter



def _finish_body(nparts, *refs):
    (x, *ps), (bt, u1, u2, bu, gu, beu, wo1, bo1, go, beo, wo2, bo2,
               out, sums, counts) = refs[:1 + nparts], refs[1 + nparts:]
    i = pl.program_id(0)
    nsteps = pl.num_programs(0)

    @pl.when(i == 0)
    def _init():
        sums[...] = jnp.zeros_like(sums)
        counts[...] = jnp.zeros_like(counts)

    ag = ps[0][...]
    for p in ps[1:]:
        ag = ag + p[...]
    h = (jnp.dot(x[...], u1[...], preferred_element_type=F32)
         + jnp.dot(ag, u2[...], preferred_element_type=F32) + bu[...])
    upd = _ln_relu(h, gu[...], beu[...])
    b = bt[...]
    for g in range(4):
        m = b == g
        sums[g:g + 1, :] += jnp.sum(jnp.where(m, upd, 0.0), axis=0,
                                    keepdims=True)
        counts[g:g + 1, :] += jnp.sum(m.astype(F32), axis=0, keepdims=True)

    @pl.when(i == nsteps - 1)
    def _tail():
        rep = sums[...] / jnp.maximum(counts[...], 1.0)
        hh = jnp.dot(rep, wo1[...], preferred_element_type=F32) + bo1[...]
        h2 = _ln_relu(hh, go[...], beo[...])
        o8 = jnp.dot(h2, wo2[...], preferred_element_type=F32) + bo2[...]
        out[...] = o8[0:4, :]


def _finish(x, parts, bt, u1, u2, bu, gu, beu, wo1, bo1, go, beo, wo2, bo2):
    n = x.shape[0]
    blk = 2000
    grid = n // blk
    full = lambda i: (0, 0)
    chunk = lambda i: (i, 0)
    return pl.pallas_call(
        functools.partial(_finish_body, len(parts)),
        grid=(grid,),
        in_specs=[
            pl.BlockSpec((blk, H), chunk),
        ] + [pl.BlockSpec((blk, H), chunk)] * len(parts) + [
            pl.BlockSpec((blk, 1), chunk),
            pl.BlockSpec((H, H), full),
            pl.BlockSpec((H, H), full),
            pl.BlockSpec((1, H), full),
            pl.BlockSpec((1, H), full),
            pl.BlockSpec((1, H), full),
            pl.BlockSpec((H, H), full),
            pl.BlockSpec((1, H), full),
            pl.BlockSpec((1, H), full),
            pl.BlockSpec((1, H), full),
            pl.BlockSpec((H, H), full),
            pl.BlockSpec((1, H), full),
        ],
        out_specs=pl.BlockSpec((4, H), full),
        out_shape=jax.ShapeDtypeStruct((4, H), F32),
        scratch_shapes=[
            pltpu.VMEM((8, H), F32),
            pltpu.VMEM((8, H), F32),
        ],
    )(x, *parts, bt, u1, u2, bu, gu, beu, wo1, bo1, go, beo, wo2, bo2)



def kernel(node_features, edge_index, edge_features, edge_types,
           node_positions, batch, is_mutation,
           W_node, b_node, g_node, be_node, W_edge, b_edge, g_edge, be_edge,
           W_msg, b_msg, g_msg, be_msg, W_upd, b_upd, g_upd, be_upd,
           W_o1, b_o1, g_o, be_o, W_o2, b_o2):
    n = node_features.shape[0]
    e = edge_features.shape[0]
    row = edge_index[0].astype(jnp.int32)
    col = edge_index[1].astype(jnp.int32)
    w1 = W_msg[:H]
    w2 = W_msg[H:]
    r2 = lambda v: v.reshape(1, H)

    x, a, b = _node_pre(node_features, W_node, r2(b_node), r2(g_node),
                        r2(be_node), w1, w2, r2(b_msg))
    n_pad = ((n + NS * 8 - 1) // (NS * 8)) * (NS * 8)
    pad = lambda v: jnp.concatenate(
        [v, jnp.zeros((n_pad - n, H), F32)], axis=0)
    a_p, b_p = pad(a), pad(b)
    zeros = jnp.zeros((n_pad, H), F32)
    gran = NW * 80 * 5
    units = e // gran
    seg_units = [units // SEG + (1 if s < units % SEG else 0)
                 for s in range(SEG)]
    seg_sizes = [u * gran for u in seg_units]
    seg_offs = [sum(seg_sizes[:s]) for s in range(SEG)]
    parts = []
    for s in range(SEG):
        off, es = seg_offs[s], seg_sizes[s]
        ar, bc = _sc_gather_kernel(n, off, es)(a_p, b_p, row, col)
        msg = _msg_tc(edge_features, ar, bc, W_edge, r2(b_edge),
                      r2(g_edge), r2(be_edge), w2, r2(g_msg), r2(be_msg),
                      off)
        parts.append(_sc_scatter_kernel(n, off, es)(msg, row, col, zeros))
    out = _finish(x, [p[c, :n] for p in parts for c in range(NC)],
                  batch.astype(jnp.int32).reshape(n, 1),
                  W_upd[:H], W_upd[H:], r2(b_upd), r2(g_upd), r2(be_upd),
                  W_o1, r2(b_o1), r2(g_o), r2(be_o), W_o2, r2(b_o2))
    return out

# --- scband reference (transcript-rebuilt; emitter-appended) ---
"""Pipeline reference for scband-simplified-geometric-gnn-33191507263866 (READ-ONLY COPY).

The authoritative reference and input builder live on the scoring server;
editing this copy changes nothing except your own understanding.
"""

import jax, jax.numpy as jnp
import numpy as np

H = 128
EDGE_DIM = 16
NUM_GRAPHS = 4

def layer_norm(x, g, b, eps=1e-5):
    mu = jnp.mean(x, axis=-1, keepdims=True)
    var = jnp.mean((x - mu) ** 2, axis=-1, keepdims=True)
    return (x - mu) / jnp.sqrt(var + eps) * g + b

def setup_inputs(seed: int = 0) -> dict:
    key = jax.random.key(seed)
    ks = jax.random.split(key, 20)
    N, E = 10000, 320000
    inp = {}
    inp['node_features'] = jax.random.normal(ks[0], (N, 128), dtype=jnp.float32)
    inp['edge_index'] = jax.random.randint(ks[1], (2, E), 0, N, dtype=jnp.int64)
    inp['edge_features'] = jax.random.normal(ks[2], (E, EDGE_DIM), dtype=jnp.float32)
    inp['edge_types'] = jax.random.randint(ks[3], (E,), 0, 4, dtype=jnp.int64)
    inp['node_positions'] = jax.random.normal(ks[4], (N, 3), dtype=jnp.float32)
    inp['batch'] = jnp.sort(jax.random.randint(ks[5], (N,), 0, NUM_GRAPHS, dtype=jnp.int64))
    inp['is_mutation'] = jnp.zeros((N,), dtype=jnp.bool_)
    # parameters
    inp['W_node'] = jax.random.normal(ks[6], (128, H), dtype=jnp.float32) * 0.05
    inp['b_node'] = jnp.zeros((H,), dtype=jnp.float32)
    inp['g_node'] = jnp.ones((H,), dtype=jnp.float32)
    inp['be_node'] = jnp.zeros((H,), dtype=jnp.float32)
    inp['W_edge'] = jax.random.normal(ks[7], (EDGE_DIM, H), dtype=jnp.float32) * 0.05
    inp['b_edge'] = jnp.zeros((H,), dtype=jnp.float32)
    inp['g_edge'] = jnp.ones((H,), dtype=jnp.float32)
    inp['be_edge'] = jnp.zeros((H,), dtype=jnp.float32)
    inp['W_msg'] = jax.random.normal(ks[8], (2 * H, H), dtype=jnp.float32) * 0.05
    inp['b_msg'] = jnp.zeros((H,), dtype=jnp.float32)
    inp['g_msg'] = jnp.ones((H,), dtype=jnp.float32)
    inp['be_msg'] = jnp.zeros((H,), dtype=jnp.float32)
    inp['W_upd'] = jax.random.normal(ks[9], (2 * H, H), dtype=jnp.float32) * 0.05
    inp['b_upd'] = jnp.zeros((H,), dtype=jnp.float32)
    inp['g_upd'] = jnp.ones((H,), dtype=jnp.float32)
    inp['be_upd'] = jnp.zeros((H,), dtype=jnp.float32)
    inp['W_o1'] = jax.random.normal(ks[10], (H, 128), dtype=jnp.float32) * 0.05
    inp['b_o1'] = jnp.zeros((128,), dtype=jnp.float32)
    inp['g_o'] = jnp.ones((128,), dtype=jnp.float32)
    inp['be_o'] = jnp.zeros((128,), dtype=jnp.float32)
    inp['W_o2'] = jax.random.normal(ks[11], (128, 128), dtype=jnp.float32) * 0.05
    inp['b_o2'] = jnp.zeros((128,), dtype=jnp.float32)
    return inp

def reference(node_features, edge_index, edge_features, edge_types, node_positions, batch, is_mutation,
              W_node, b_node, g_node, be_node, W_edge, b_edge, g_edge, be_edge,
              W_msg, b_msg, g_msg, be_msg, W_upd, b_upd, g_upd, be_upd,
              W_o1, b_o1, g_o, be_o, W_o2, b_o2):
    # node_proj: Linear + LayerNorm + ReLU
    x = jax.nn.relu(layer_norm(node_features @ W_node + b_node, g_node, be_node))
    # edge_proj
    edge_attr = jax.nn.relu(layer_norm(edge_features @ W_edge + b_edge, g_edge, be_edge))
    row = edge_index[0]
    col = edge_index[1]
    msg_input = jnp.concatenate([x[row], x[col] + edge_attr], axis=-1)
    messages = jax.nn.relu(layer_norm(msg_input @ W_msg + b_msg, g_msg, be_msg))
    aggr = jnp.zeros_like(x)
    aggr = aggr.at[row].add(messages)
    aggr = aggr.at[col].add(messages)
    update_input = jnp.concatenate([x, aggr], axis=-1)
    updated_x = jax.nn.relu(layer_norm(update_input @ W_upd + b_upd, g_upd, be_upd))
    # residue_indices is empty -> geometric branch skipped
    # global_mean_pool
    sums = jax.ops.segment_sum(updated_x, batch, num_segments=NUM_GRAPHS)
    counts = jax.ops.segment_sum(jnp.ones((updated_x.shape[0],), dtype=jnp.float32), batch, num_segments=NUM_GRAPHS)
    graph_rep = sums / jnp.maximum(counts, 1.0)[:, None]
    h = jax.nn.relu(layer_norm(graph_rep @ W_o1 + b_o1, g_o, be_o))
    out = h @ W_o2 + b_o2
    return out

if __name__ == "__main__":
    import jax
    _d = setup_inputs()
    print(jax.jit(kernel)(*tuple(_d.values())))

</pallas_src>

<mosaic_0001>
#map = affine_map<(d0, d1) -> (0, 0)>
#map1 = affine_map<(d0, d1) -> (0)>
#map2 = affine_map<(d0, d1) -> (0, 0, 0)>
module attributes {stable_mosaic.version = 14 : i64} {
  func.func @sc_scatter(%arg0: i32, %arg1: i32, %arg2: memref<166400x128xf32, #tpu.memory_space<hbm>>, %arg3: memref<320000xi32, #tpu.memory_space<hbm>>, %arg4: memref<320000xi32, #tpu.memory_space<hbm>>, %arg5: memref<10112x128xf32, #tpu.memory_space<hbm>>, %arg6: memref<2x10112x128xf32, #tpu.memory_space<hbm>>, %arg7: memref<10112x128xf32, #tpu.memory_space<vmem_shared>>, %arg8: memref<5200xi32, #tpu.memory_space<vmem>>, %arg9: memref<5200xi32, #tpu.memory_space<vmem>>, %arg10: memref<80x128xf32, #tpu.memory_space<vmem>>, %arg11: memref<80x128xf32, #tpu.memory_space<vmem>>, %arg12: memref<!tpu.dma_semaphore, #tpu.memory_space<semaphore_mem>>, %arg13: memref<!tpu.dma_semaphore, #tpu.memory_space<semaphore_mem>>, %arg14: memref<!tpu.dma_semaphore, #tpu.memory_space<semaphore_mem>>, %arg15: memref<!tpu.dma_semaphore, #tpu.memory_space<semaphore_mem>>, %arg16: memref<!tpu.dma_semaphore, #tpu.memory_space<semaphore_mem>>, %arg17: memref<!tpu.dma_semaphore, #tpu.memory_space<semaphore_mem>>) attributes {dimension_semantics = [#tpu.dimension_semantics<core_parallel>, #tpu.dimension_semantics<subcore_parallel>], iteration_bounds = array<i64: 2, 16>, scalar_prefetch = 0 : i64, scratch_operands = 11 : i64, tpu.core_type = #tpu.core_type<sc_vector_subcore>, window_params = [{transform_indices = #map}, {transform_indices = #map1}, {transform_indices = #map1}, {transform_indices = #map}, {transform_indices = #map2}]} {
    %mul3A = arith.constant 16 : i32
    %mul3A_0 = arith.muli %arg0, %mul3A : i32
    %add3A = arith.addi %mul3A_0, %arg1 : i32
    %mul3A_1 = arith.constant 632 : i32
    %mul3A_2 = arith.muli %arg1, %mul3A_1 : i32
    %mul3A_3 = arith.constant 632 : i32
    %mul3A_4 = arith.muli %arg1, %mul3A_3 : i32
    "tpu.region"() ({
      %run_scoped3A = tpu.sem_alloc : memref<!tpu.dma_semaphore, #tpu.memory_space<semaphore_mem>>
      %dma_start3A_49 = arith.constant 0 : i32
      %dma_start3A_50 = tpu.memref_slice %arg7[%mul3A_4, %dma_start3A_49] : memref<10112x128xf32, #tpu.memory_space<vmem_shared>> -> memref<632x128xf32, #tpu.memory_space<vmem_shared>>
      %dma_start3A_51 = arith.constant 0 : i32
      %dma_start3A_52 = tpu.memref_slice %arg5[%mul3A_2, %dma_start3A_51] : memref<10112x128xf32, #tpu.memory_space<hbm>> -> memref<632x128xf32, #tpu.memory_space<hbm>>
      tpu.enqueue_dma source(%dma_start3A_52 : memref<632x128xf32, #tpu.memory_space<hbm>>) target(%dma_start3A_50 : memref<632x128xf32, #tpu.memory_space<vmem_shared>>) target_semaphore(%run_scoped3A : memref<!tpu.dma_semaphore, #tpu.memory_space<semaphore_mem>>)
      %dma_wait3A_53 = arith.constant 0 : i32
      %dma_wait3A_54 = tpu.memref_slice %arg7[%mul3A_4, %dma_wait3A_53] : memref<10112x128xf32, #tpu.memory_space<vmem_shared>> -> memref<632x128xf32, #tpu.memory_space<vmem_shared>>
      %dma_wait3A_55 = arith.constant 0 : i32
      %dma_wait3A_56 = tpu.memref_slice %arg5[%mul3A_2, %dma_wait3A_55] : memref<10112x128xf32, #tpu.memory_space<hbm>> -> memref<632x128xf32, #tpu.memory_space<hbm>>
      tpu.wait_dma2 semaphore(%run_scoped3A : memref<!tpu.dma_semaphore, #tpu.memory_space<semaphore_mem>>) src(%dma_wait3A_56 : memref<632x128xf32, #tpu.memory_space<hbm>>) dst(%dma_wait3A_54 : memref<632x128xf32, #tpu.memory_space<vmem_shared>>)
      tpu.yield
    }) : () -> ()
    %mul3A_5 = arith.constant 5200 : i32
    %mul3A_6 = arith.muli %add3A, %mul3A_5 : i32
    %add3A_7 = arith.constant 0 : i32
    %add3A_8 = arith.addi %add3A_7, %mul3A_6 : i32
    "tpu.region"() ({
      %run_scoped3A = tpu.sem_alloc : memref<!tpu.dma_semaphore, #tpu.memory_space<semaphore_mem>>
      %dma_start3A_49 = tpu.memref_slice %arg3[%add3A_8] : memref<320000xi32, #tpu.memory_space<hbm>> -> memref<5200xi32, #tpu.memory_space<hbm>>
      %dma_start3A_50 = tpu.memref_slice %arg3[%add3A_8] : memref<320000xi32, #tpu.memory_space<hbm>> -> memref<5200xi32, #tpu.memory_space<hbm>>
      tpu.enqueue_dma source(%dma_start3A_50 : memref<5200xi32, #tpu.memory_space<hbm>>) target(%arg8 : memref<5200xi32, #tpu.memory_space<vmem>>) target_semaphore(%run_scoped3A : memref<!tpu.dma_semaphore, #tpu.memory_space<semaphore_mem>>)
      %dma_wait3A_51 = tpu.memref_slice %arg3[%add3A_8] : memref<320000xi32, #tpu.memory_space<hbm>> -> memref<5200xi32, #tpu.memory_space<hbm>>
      %dma_wait3A_52 = tpu.memref_slice %arg3[%add3A_8] : memref<320000xi32, #tpu.memory_space<hbm>> -> memref<5200xi32, #tpu.memory_space<hbm>>
      tpu.wait_dma2 semaphore(%run_scoped3A : memref<!tpu.dma_semaphore, #tpu.memory_space<semaphore_mem>>) src(%dma_wait3A_52 : memref<5200xi32, #tpu.memory_space<hbm>>) dst(%arg8 : memref<5200xi32, #tpu.memory_space<vmem>>)
      tpu.yield
    }) : () -> ()
    "tpu.region"() ({
      %run_scoped3A = tpu.sem_alloc : memref<!tpu.dma_semaphore, #tpu.memory_space<semaphore_mem>>
      %dma_start3A_49 = tpu.memref_slice %arg4[%add3A_8] : memref<320000xi32, #tpu.memory_space<hbm>> -> memref<5200xi32, #tpu.memory_space<hbm>>
      %dma_start3A_50 = tpu.memref_slice %arg4[%add3A_8] : memref<320000xi32, #tpu.memory_space<hbm>> -> memref<5200xi32, #tpu.memory_space<hbm>>
      tpu.enqueue_dma source(%dma_start3A_50 : memref<5200xi32, #tpu.memory_space<hbm>>) target(%arg9 : memref<5200xi32, #tpu.memory_space<vmem>>) target_semaphore(%run_scoped3A : memref<!tpu.dma_semaphore, #tpu.memory_space<semaphore_mem>>)
      %dma_wait3A_51 = tpu.memref_slice %arg4[%add3A_8] : memref<320000xi32, #tpu.memory_space<hbm>> -> memref<5200xi32, #tpu.memory_space<hbm>>
      %dma_wait3A_52 = tpu.memref_slice %arg4[%add3A_8] : memref<320000xi32, #tpu.memory_space<hbm>> -> memref<5200xi32, #tpu.memory_space<hbm>>
      tpu.wait_dma2 semaphore(%run_scoped3A : memref<!tpu.dma_semaphore, #tpu.memory_space<semaphore_mem>>) src(%dma_wait3A_52 : memref<5200xi32, #tpu.memory_space<hbm>>) dst(%arg9 : memref<5200xi32, #tpu.memory_space<vmem>>)
      tpu.yield
    }) : () -> ()
    %barrier3A = arith.constant 0 : index
    tpu.barrier barrier_id(%barrier3A)
    %add3A_9 = arith.constant 0 : i32
    %add3A_10 = arith.addi %mul3A_6, %add3A_9 : i32
    %dma_start3A = arith.constant 0 : i32
    %dma_start3A_11 = tpu.memref_slice %arg2[%add3A_10, %dma_start3A] : memref<166400x128xf32, #tpu.memory_space<hbm>> -> memref<80x128xf32, #tpu.memory_space<hbm>>
    %dma_start3A_12 = arith.constant 0 : i32
    %dma_start3A_13 = tpu.memref_slice %arg2[%add3A_10, %dma_start3A_12] : memref<166400x128xf32, #tpu.memory_space<hbm>> -> memref<80x128xf32, #tpu.memory_space<hbm>>
    tpu.enqueue_dma source(%dma_start3A_13 : memref<80x128xf32, #tpu.memory_space<hbm>>) target(%arg10 : memref<80x128xf32, #tpu.memory_space<vmem>>) target_semaphore(%arg12 : memref<!tpu.dma_semaphore, #tpu.memory_space<semaphore_mem>>)
    %scan3A = arith.constant 0 : i32
    %scan3A_14 = arith.constant 0 : i32
    %scan3A_15 = arith.constant 32 : i32
    %scan3A_16 = arith.addi %scan3A_14, %scan3A_15 : i32
    %scan3A_17 = arith.constant 1 : i32
    scf.for %scan3A_49 = %scan3A_14 to %scan3A_16 step %scan3A_17  : i32 {
      %mul3A_50 = arith.constant 2 : i32
      %mul3A_51 = arith.muli %mul3A_50, %scan3A_49 : i32
      %mul3A_52 = arith.constant 80 : i32
      %mul3A_53 = arith.muli %mul3A_51, %mul3A_52 : i32
      %add3A_54 = arith.addi %mul3A_6, %mul3A_53 : i32
      %dma_wait3A_55 = arith.constant 0 : i32
      %dma_wait3A_56 = tpu.memref_slice %arg2[%add3A_54, %dma_wait3A_55] : memref<166400x128xf32, #tpu.memory_space<hbm>> -> memref<80x128xf32, #tpu.memory_space<hbm>>
      %dma_wait3A_57 = arith.constant 0 : i32
      %dma_wait3A_58 = tpu.memref_slice %arg2[%add3A_54, %dma_wait3A_57] : memref<166400x128xf32, #tpu.memory_space<hbm>> -> memref<80x128xf32, #tpu.memory_space<hbm>>
      tpu.wait_dma2 semaphore(%arg12 : memref<!tpu.dma_semaphore, #tpu.memory_space<semaphore_mem>>) src(%dma_wait3A_58 : memref<80x128xf32, #tpu.memory_space<hbm>>) dst(%arg10 : memref<80x128xf32, #tpu.memory_space<vmem>>)
      %mul3A_59 = arith.constant 2 : i32
      %mul3A_60 = arith.muli %mul3A_59, %scan3A_49 : i32
      %add3A_61 = arith.constant 1 : i32
      %add3A_62 = arith.addi %mul3A_60, %add3A_61 : i32
      %mul3A_63 = arith.constant 80 : i32
      %mul3A_64 = arith.muli %add3A_62, %mul3A_63 : i32
      %add3A_65 = arith.addi %mul3A_6, %mul3A_64 : i32
      %dma_start3A_66 = arith.constant 0 : i32
      %dma_start3A_67 = tpu.memref_slice %arg2[%add3A_65, %dma_start3A_66] : memref<166400x128xf32, #tpu.memory_space<hbm>> -> memref<80x128xf32, #tpu.memory_space<hbm>>
      %dma_start3A_68 = arith.constant 0 : i32
      %dma_start3A_69 = tpu.memref_slice %arg2[%add3A_65, %dma_start3A_68] : memref<166400x128xf32, #tpu.memory_space<hbm>> -> memref<80x128xf32, #tpu.memory_space<hbm>>
      tpu.enqueue_dma source(%dma_start3A_69 : memref<80x128xf32, #tpu.memory_space<hbm>>) target(%arg11 : memref<80x128xf32, #tpu.memory_space<vmem>>) target_semaphore(%arg13 : memref<!tpu.dma_semaphore, #tpu.memory_space<semaphore_mem>>)
      %mul3A_70 = arith.constant 2 : i32
      %mul3A_71 = arith.muli %mul3A_70, %scan3A_49 : i32
      %mul3A_72 = arith.constant 80 : i32
      %mul3A_73 = arith.muli %mul3A_71, %mul3A_72 : i32
      %dma_start3A_74 = tpu.memref_slice %arg8[%mul3A_73] : memref<5200xi32, #tpu.memory_space<vmem>> -> memref<80xi32, #tpu.memory_space<vmem>>
      %dma_start3A_75 = arith.constant 0 : i32
      %dma_start3A_76 = arith.constant 0 : i32
      %dma_start3A_77 = tpu.memref_slice %arg7[%dma_start3A_75, %dma_start3A_76] : memref<10112x128xf32, #tpu.memory_space<vmem_shared>> -> memref<10112x128xf32, #tpu.memory_space<vmem_shared>>
      tpu.enqueue_indirect_dma source(%arg10 : memref<80x128xf32, #tpu.memory_space<vmem>>) target(%dma_start3A_77 : memref<10112x128xf32, #tpu.memory_space<vmem_shared>>) offsets(%dma_start3A_74 : memref<80xi32, #tpu.memory_space<vmem>>) semaphore(%arg14 : memref<!tpu.dma_semaphore, #tpu.memory_space<semaphore_mem>>) {add = true}
      %mul3A_78 = arith.constant 80 : i32
      %mul3A_79 = arith.muli %mul3A_71, %mul3A_78 : i32
      %dma_start3A_80 = tpu.memref_slice %arg9[%mul3A_79] : memref<5200xi32, #tpu.memory_space<vmem>> -> memref<80xi32, #tpu.memory_space<vmem>>
      %dma_start3A_81 = arith.constant 0 : i32
      %dma_start3A_82 = arith.constant 0 : i32
      %dma_start3A_83 = tpu.memref_slice %arg7[%dma_start3A_81, %dma_start3A_82] : memref<10112x128xf32, #tpu.memory_space<vmem_shared>> -> memref<10112x128xf32, #tpu.memory_space<vmem_shared>>
      tpu.enqueue_indirect_dma source(%arg10 : memref<80x128xf32, #tpu.memory_space<vmem>>) target(%dma_start3A_83 : memref<10112x128xf32, #tpu.memory_space<vmem_shared>>) offsets(%dma_start3A_80 : memref<80xi32, #tpu.memory_space<vmem>>) semaphore(%arg16 : memref<!tpu.dma_semaphore, #tpu.memory_space<semaphore_mem>>) {add = true}
      %mul3A_84 = arith.constant 2 : i32
      %mul3A_85 = arith.muli %mul3A_84, %scan3A_49 : i32
      %add3A_86 = arith.constant 1 : i32
      %add3A_87 = arith.addi %mul3A_85, %add3A_86 : i32
      %mul3A_88 = arith.constant 80 : i32
      %mul3A_89 = arith.muli %add3A_87, %mul3A_88 : i32
      %add3A_90 = arith.addi %mul3A_6, %mul3A_89 : i32
      %dma_wait3A_91 = arith.constant 0 : i32
      %dma_wait3A_92 = tpu.memref_slice %arg2[%add3A_90, %dma_wait3A_91] : memref<166400x128xf32, #tpu.memory_space<hbm>> -> memref<80x128xf32, #tpu.memory_space<hbm>>
      %dma_wait3A_93 = arith.constant 0 : i32
      %dma_wait3A_94 = tpu.memref_slice %arg2[%add3A_90, %dma_wait3A_93] : memref<166400x128xf32, #tpu.memory_space<hbm>> -> memref<80x128xf32, #tpu.memory_space<hbm>>
      tpu.wait_dma2 semaphore(%arg13 : memref<!tpu.dma_semaphore, #tpu.memory_space<semaphore_mem>>) src(%dma_wait3A_94 : memref<80x128xf32, #tpu.memory_space<hbm>>) dst(%arg11 : memref<80x128xf32, #tpu.memory_space<vmem>>)
      %mul3A_95 = arith.constant 2 : i32
      %mul3A_96 = arith.muli %mul3A_95, %scan3A_49 : i32
      %mul3A_97 = arith.constant 80 : i32
      %mul3A_98 = arith.muli %mul3A_96, %mul3A_97 : i32
      %dma_wait3A_99 = tpu.memref_slice %arg8[%mul3A_98] : memref<5200xi32, #tpu.memory_space<vmem>> -> memref<80xi32, #tpu.memory_space<vmem>>
      %dma_wait3A_100 = arith.constant 0 : i32
      %dma_wait3A_101 = arith.constant 0 : i32
      %dma_wait3A_102 = tpu.memref_slice %arg7[%dma_wait3A_100, %dma_wait3A_101] : memref<10112x128xf32, #tpu.memory_space<vmem_shared>> -> memref<10112x128xf32, #tpu.memory_space<vmem_shared>>
      tpu.wait_indirect_dma semaphore(%arg14 : memref<!tpu.dma_semaphore, #tpu.memory_space<semaphore_mem>>) src(%arg10 : memref<80x128xf32, #tpu.memory_space<vmem>>) dst(%dma_wait3A_102 : memref<10112x128xf32, #tpu.memory_space<vmem_shared>>)
      %mul3A_103 = arith.constant 80 : i32
      %mul3A_104 = arith.muli %mul3A_96, %mul3A_103 : i32
      %dma_wait3A_105 = tpu.memref_slice %arg9[%mul3A_104] : memref<5200xi32, #tpu.memory_space<vmem>> -> memref<80xi32, #tpu.memory_space<vmem>>
      %dma_wait3A_106 = arith.constant 0 : i32
      %dma_wait3A_107 = arith.constant 0 : i32
      %dma_wait3A_108 = tpu.memref_slice %arg7[%dma_wait3A_106, %dma_wait3A_107] : memref<10112x128xf32, #tpu.memory_space<vmem_shared>> -> memref<10112x128xf32, #tpu.memory_space<vmem_shared>>
      tpu.wait_indirect_dma semaphore(%arg16 : memref<!tpu.dma_semaphore, #tpu.memory_space<semaphore_mem>>) src(%arg10 : memref<80x128xf32, #tpu.memory_space<vmem>>) dst(%dma_wait3A_108 : memref<10112x128xf32, #tpu.memory_space<vmem_shared>>)
      %mul3A_109 = arith.constant 2 : i32
      %mul3A_110 = arith.muli %mul3A_109, %scan3A_49 : i32
      %add3A_111 = arith.constant 2 : i32
      %add3A_112 = arith.addi %mul3A_110, %add3A_111 : i32
      %mul3A_113 = arith.constant 80 : i32
      %mul3A_114 = arith.muli %add3A_112, %mul3A_113 : i32
      %add3A_115 = arith.addi %mul3A_6, %mul3A_114 : i32
      %dma_start3A_116 = arith.constant 0 : i32
      %dma_start3A_117 = tpu.memref_slice %arg2[%add3A_115, %dma_start3A_116] : memref<166400x128xf32, #tpu.memory_space<hbm>> -> memref<80x128xf32, #tpu.memory_space<hbm>>
      %dma_start3A_118 = arith.constant 0 : i32
      %dma_start3A_119 = tpu.memref_slice %arg2[%add3A_115, %dma_start3A_118] : memref<166400x128xf32, #tpu.memory_space<hbm>> -> memref<80x128xf32, #tpu.memory_space<hbm>>
      tpu.enqueue_dma source(%dma_start3A_119 : memref<80x128xf32, #tpu.memory_space<hbm>>) target(%arg10 : memref<80x128xf32, #tpu.memory_space<vmem>>) target_semaphore(%arg12 : memref<!tpu.dma_semaphore, #tpu.memory_space<semaphore_mem>>)
      %mul3A_120 = arith.constant 2 : i32
      %mul3A_121 = arith.muli %mul3A_120, %scan3A_49 : i32
      %add3A_122 = arith.constant 1 : i32
      %add3A_123 = arith.addi %mul3A_121, %add3A_122 : i32
      %mul3A_124 = arith.constant 80 : i32
      %mul3A_125 = arith.muli %add3A_123, %mul3A_124 : i32
      %dma_start3A_126 = tpu.memref_slice %arg8[%mul3A_125] : memref<5200xi32, #tpu.memory_space<vmem>> -> memref<80xi32, #tpu.memory_space<vmem>>
      %dma_start3A_127 = arith.constant 0 : i32
      %dma_start3A_128 = arith.constant 0 : i32
      %dma_start3A_129 = tpu.memref_slice %arg7[%dma_start3A_127, %dma_start3A_128] : memref<10112x128xf32, #tpu.memory_space<vmem_shared>> -> memref<10112x128xf32, #tpu.memory_space<vmem_shared>>
      tpu.enqueue_indirect_dma source(%arg11 : memref<80x128xf32, #tpu.memory_space<vmem>>) target(%dma_start3A_129 : memref<10112x128xf32, #tpu.memory_space<vmem_shared>>) offsets(%dma_start3A_126 : memref<80xi32, #tpu.memory_space<vmem>>) semaphore(%arg15 : memref<!tpu.dma_semaphore, #tpu.memory_space<semaphore_mem>>) {add = true}
      %mul3A_130 = arith.constant 80 : i32
      %mul3A_131 = arith.muli %add3A_123, %mul3A_130 : i32
      %dma_start3A_132 = tpu.memref_slice %arg9[%mul3A_131] : memref<5200xi32, #tpu.memory_space<vmem>> -> memref<80xi32, #tpu.memory_space<vmem>>
      %dma_start3A_133 = arith.constant 0 : i32
      %dma_start3A_134 = arith.constant 0 : i32
      %dma_start3A_135 = tpu.memref_slice %arg7[%dma_start3A_133, %dma_start3A_134] : memref<10112x128xf32, #tpu.memory_space<vmem_shared>> -> memref<10112x128xf32, #tpu.memory_space<vmem_shared>>
      tpu.enqueue_indirect_dma source(%arg11 : memref<80x128xf32, #tpu.memory_space<vmem>>) target(%dma_start3A_135 : memref<10112x128xf32, #tpu.memory_space<vmem_shared>>) offsets(%dma_start3A_132 : memref<80xi32, #tpu.memory_space<vmem>>) semaphore(%arg17 : memref<!tpu.dma_semaphore, #tpu.memory_space<semaphore_mem>>) {add = true}
      %mul3A_136 = arith.constant 2 : i32
      %mul3A_137 = arith.muli %mul3A_136, %scan3A_49 : i32
      %add3A_138 = arith.constant 1 : i32
      %add3A_139 = arith.addi %mul3A_137, %add3A_138 : i32
      %mul3A_140 = arith.constant 80 : i32
      %mul3A_141 = arith.muli %add3A_139, %mul3A_140 : i32
      %dma_wait3A_142 = tpu.memref_slice %arg8[%mul3A_141] : memref<5200xi32, #tpu.memory_space<vmem>> -> memref<80xi32, #tpu.memory_space<vmem>>
      %dma_wait3A_143 = arith.constant 0 : i32
      %dma_wait3A_144 = arith.constant 0 : i32
      %dma_wait3A_145 = tpu.memref_slice %arg7[%dma_wait3A_143, %dma_wait3A_144] : memref<10112x128xf32, #tpu.memory_space<vmem_shared>> -> memref<10112x128xf32, #tpu.memory_space<vmem_shared>>
      tpu.wait_indirect_dma semaphore(%arg15 : memref<!tpu.dma_semaphore, #tpu.memory_space<semaphore_mem>>) src(%arg11 : memref<80x128xf32, #tpu.memory_space<vmem>>) dst(%dma_wait3A_145 : memref<10112x128xf32, #tpu.memory_space<vmem_shared>>)
      %mul3A_146 = arith.constant 80 : i32
      %mul3A_147 = arith.muli %add3A_139, %mul3A_146 : i32
      %dma_wait3A_148 = tpu.memref_slice %arg9[%mul3A_147] : memref<5200xi32, #tpu.memory_space<vmem>> -> memref<80xi32, #tpu.memory_space<vmem>>
      %dma_wait3A_149 = arith.constant 0 : i32
      %dma_wait3A_150 = arith.constant 0 : i32
      %dma_wait3A_151 = tpu.memref_slice %arg7[%dma_wait3A_149, %dma_wait3A_150] : memref<10112x128xf32, #tpu.memory_space<vmem_shared>> -> memref<10112x128xf32, #tpu.memory_space<vmem_shared>>
      tpu.wait_indirect_dma semaphore(%arg17 : memref<!tpu.dma_semaphore, #tpu.memory_space<semaphore_mem>>) src(%arg11 : memref<80x128xf32, #tpu.memory_space<vmem>>) dst(%dma_wait3A_151 : memref<10112x128xf32, #tpu.memory_space<vmem_shared>>)
    }
    %scan3A_18 = arith.constant 32 : i32
    %add3A_19 = arith.constant 5120 : i32
    %add3A_20 = arith.addi %mul3A_6, %add3A_19 : i32
    %dma_wait3A = arith.constant 0 : i32
    %dma_wait3A_21 = tpu.memref_slice %arg2[%add3A_20, %dma_wait3A] : memref<166400x128xf32, #tpu.memory_space<hbm>> -> memref<80x128xf32, #tpu.memory_space<hbm>>
    %dma_wait3A_22 = arith.constant 0 : i32
    %dma_wait3A_23 = tpu.memref_slice %arg2[%add3A_20, %dma_wait3A_22] : memref<166400x128xf32, #tpu.memory_space<hbm>> -> memref<80x128xf32, #tpu.memory_space<hbm>>
    tpu.wait_dma2 semaphore(%arg12 : memref<!tpu.dma_semaphore, #tpu.memory_space<semaphore_mem>>) src(%dma_wait3A_23 : memref<80x128xf32, #tpu.memory_space<hbm>>) dst(%arg10 : memref<80x128xf32, #tpu.memory_space<vmem>>)
    %dma_start3A_24 = arith.constant 5120 : i32
    %dma_start3A_25 = tpu.memref_slice %arg8[%dma_start3A_24] : memref<5200xi32, #tpu.memory_space<vmem>> -> memref<80xi32, #tpu.memory_space<vmem>>
    %dma_start3A_26 = arith.constant 0 : i32
    %dma_start3A_27 = arith.constant 0 : i32
    %dma_start3A_28 = tpu.memref_slice %arg7[%dma_start3A_26, %dma_start3A_27] : memref<10112x128xf32, #tpu.memory_space<vmem_shared>> -> memref<10112x128xf32, #tpu.memory_space<vmem_shared>>
    tpu.enqueue_indirect_dma source(%arg10 : memref<80x128xf32, #tpu.memory_space<vmem>>) target(%dma_start3A_28 : memref<10112x128xf32, #tpu.memory_space<vmem_shared>>) offsets(%dma_start3A_25 : memref<80xi32, #tpu.memory_space<vmem>>) semaphore(%arg14 : memref<!tpu.dma_semaphore, #tpu.memory_space<semaphore_mem>>) {add = true}
    %dma_start3A_29 = arith.constant 5120 : i32
    %dma_start3A_30 = tpu.memref_slice %arg9[%dma_start3A_29] : memref<5200xi32, #tpu.memory_space<vmem>> -> memref<80xi32, #tpu.memory_space<vmem>>
    %dma_start3A_31 = arith.constant 0 : i32
    %dma_start3A_32 = arith.constant 0 : i32
    %dma_start3A_33 = tpu.memref_slice %arg7[%dma_start3A_31, %dma_start3A_32] : memref<10112x128xf32, #tpu.memory_space<vmem_shared>> -> memref<10112x128xf32, #tpu.memory_space<vmem_shared>>
    tpu.enqueue_indirect_dma source(%arg10 : memref<80x128xf32, #tpu.memory_space<vmem>>) target(%dma_start3A_33 : memref<10112x128xf32, #tpu.memory_space<vmem_shared>>) offsets(%dma_start3A_30 : memref<80xi32, #tpu.memory_space<vmem>>) semaphore(%arg16 : memref<!tpu.dma_semaphore, #tpu.memory_space<semaphore_mem>>) {add = true}
    %dma_wait3A_34 = arith.constant 5120 : i32
    %dma_wait3A_35 = tpu.memref_slice %arg8[%dma_wait3A_34] : memref<5200xi32, #tpu.memory_space<vmem>> -> memref<80xi32, #tpu.memory_space<vmem>>
    %dma_wait3A_36 = arith.constant 0 : i32
    %dma_wait3A_37 = arith.constant 0 : i32
    %dma_wait3A_38 = tpu.memref_slice %arg7[%dma_wait3A_36, %dma_wait3A_37] : memref<10112x128xf32, #tpu.memory_space<vmem_shared>> -> memref<10112x128xf32, #tpu.memory_space<vmem_shared>>
    tpu.wait_indirect_dma semaphore(%arg14 : memref<!tpu.dma_semaphore, #tpu.memory_space<semaphore_mem>>) src(%arg10 : memref<80x128xf32, #tpu.memory_space<vmem>>) dst(%dma_wait3A_38 : memref<10112x128xf32, #tpu.memory_space<vmem_shared>>)
    %dma_wait3A_39 = arith.constant 5120 : i32
    %dma_wait3A_40 = tpu.memref_slice %arg9[%dma_wait3A_39] : memref<5200xi32, #tpu.memory_space<vmem>> -> memref<80xi32, #tpu.memory_space<vmem>>
    %dma_wait3A_41 = arith.constant 0 : i32
    %dma_wait3A_42 = arith.constant 0 : i32
    %dma_wait3A_43 = tpu.memref_slice %arg7[%dma_wait3A_41, %dma_wait3A_42] : memref<10112x128xf32, #tpu.memory_space<vmem_shared>> -> memref<10112x128xf32, #tpu.memory_space<vmem_shared>>
    tpu.wait_indirect_dma semaphore(%arg16 : memref<!tpu.dma_semaphore, #tpu.memory_space<semaphore_mem>>) src(%arg10 : memref<80x128xf32, #tpu.memory_space<vmem>>) dst(%dma_wait3A_43 : memref<10112x128xf32, #tpu.memory_space<vmem_shared>>)
    %barrier3A_44 = arith.constant 0 : index
    tpu.barrier barrier_id(%barrier3A_44)
    %mul3A_45 = arith.constant 632 : i32
    %mul3A_46 = arith.muli %arg1, %mul3A_45 : i32
    %mul3A_47 = arith.constant 632 : i32
    %mul3A_48 = arith.muli %arg1, %mul3A_47 : i32
    "tpu.region"() ({
      %run_scoped3A = tpu.sem_alloc : memref<!tpu.dma_semaphore, #tpu.memory_space<semaphore_mem>>
      %dma_start3A_49 = arith.constant 0 : i32
      %dma_start3A_50 = tpu.memref_slice %arg6[%arg0, %mul3A_48, %dma_start3A_49] : memref<2x10112x128xf32, #tpu.memory_space<hbm>> -> memref<1x632x128xf32, #tpu.memory_space<hbm>>
      %dma_start3A_51 = tpu.memref_squeeze %dma_start3A_50 : memref<1x632x128xf32, #tpu.memory_space<hbm>> -> memref<632x128xf32, #tpu.memory_space<hbm>>
      %dma_start3A_52 = arith.constant 0 : i32
      %dma_start3A_53 = tpu.memref_slice %arg7[%mul3A_46, %dma_start3A_52] : memref<10112x128xf32, #tpu.memory_space<vmem_shared>> -> memref<632x128xf32, #tpu.memory_space<vmem_shared>>
      tpu.enqueue_dma source(%dma_start3A_53 : memref<632x128xf32, #tpu.memory_space<vmem_shared>>) target(%dma_start3A_51 : memref<632x128xf32, #tpu.memory_space<hbm>>) target_semaphore(%run_scoped3A : memref<!tpu.dma_semaphore, #tpu.memory_space<semaphore_mem>>)
      %dma_wait3A_54 = arith.constant 0 : i32
      %dma_wait3A_55 = tpu.memref_slice %arg6[%arg0, %mul3A_48, %dma_wait3A_54] : memref<2x10112x128xf32, #tpu.memory_space<hbm>> -> memref<1x632x128xf32, #tpu.memory_space<hbm>>
      %dma_wait3A_56 = tpu.memref_squeeze %dma_wait3A_55 : memref<1x632x128xf32, #tpu.memory_space<hbm>> -> memref<632x128xf32, #tpu.memory_space<hbm>>
      %dma_wait3A_57 = arith.constant 0 : i32
      %dma_wait3A_58 = tpu.memref_slice %arg7[%mul3A_46, %dma_wait3A_57] : memref<10112x128xf32, #tpu.memory_space<vmem_shared>> -> memref<632x128xf32, #tpu.memory_space<vmem_shared>>
      tpu.wait_dma2 semaphore(%run_scoped3A : memref<!tpu.dma_semaphore, #tpu.memory_space<semaphore_mem>>) src(%dma_wait3A_58 : memref<632x128xf32, #tpu.memory_space<vmem_shared>>) dst(%dma_wait3A_56 : memref<632x128xf32, #tpu.memory_space<hbm>>)
      tpu.yield
    }) : () -> ()
    return
  }
}

#map = affine_map<(d0, d1) -> (0, 0)>
#map1 = affine_map<(d0, d1) -> (0)>
module attributes {stable_mosaic.version = 14 : i64} {
  func.func @sc_gather(%arg0: i32, %arg1: i32, %arg2: memref<10112x128xf32, #tpu.memory_space<hbm>>, %arg3: memref<10112x128xf32, #tpu.memory_space<hbm>>, %arg4: memref<320000xi32, #tpu.memory_space<hbm>>, %arg5: memref<320000xi32, #tpu.memory_space<hbm>>, %arg6: memref<153600x128xf32, #tpu.memory_space<hbm>>, %arg7: memref<153600x128xf32, #tpu.memory_space<hbm>>, %arg8: memref<10112x128xf32, #tpu.memory_space<vmem_shared>>, %arg9: memref<4800xi32, #tpu.memory_space<vmem>>, %arg10: memref<4800xi32, #tpu.memory_space<vmem>>, %arg11: memref<40x128xf32, #tpu.memory_space<vmem>>, %arg12: memref<40x128xf32, #tpu.memory_space<vmem>>, %arg13: memref<40x128xf32, #tpu.memory_space<vmem>>, %arg14: memref<40x128xf32, #tpu.memory_space<vmem>>, %arg15: memref<!tpu.dma_semaphore, #tpu.memory_space<semaphore_mem>>, %arg16: memref<!tpu.dma_semaphore, #tpu.memory_space<semaphore_mem>>, %arg17: memref<!tpu.dma_semaphore, #tpu.memory_space<semaphore_mem>>, %arg18: memref<!tpu.dma_semaphore, #tpu.memory_space<semaphore_mem>>, %arg19: memref<!tpu.dma_semaphore, #tpu.memory_space<semaphore_mem>>, %arg20: memref<!tpu.dma_semaphore, #tpu.memory_space<semaphore_mem>>, %arg21: memref<!tpu.dma_semaphore, #tpu.memory_space<semaphore_mem>>, %arg22: memref<!tpu.dma_semaphore, #tpu.memory_space<semaphore_mem>>) attributes {dimension_semantics = [#tpu.dimension_semantics<core_parallel>, #tpu.dimension_semantics<subcore_parallel>], iteration_bounds = array<i64: 2, 16>, scalar_prefetch = 0 : i64, scratch_operands = 15 : i64, tpu.core_type = #tpu.core_type<sc_vector_subcore>, window_params = [{transform_indices = #map}, {transform_indices = #map}, {transform_indices = #map1}, {transform_indices = #map1}, {transform_indices = #map}, {transform_indices = #map}]} {
    %mul3A = arith.constant 16 : i32
    %mul3A_0 = arith.muli %arg0, %mul3A : i32
    %add3A = arith.addi %mul3A_0, %arg1 : i32
    %mul3A_1 = arith.constant 4800 : i32
    %mul3A_2 = arith.muli %add3A, %mul3A_1 : i32
    %add3A_3 = arith.constant 166400 : i32
    %add3A_4 = arith.addi %add3A_3, %mul3A_2 : i32
    "tpu.region"() ({
      %run_scoped3A = tpu.sem_alloc : memref<!tpu.dma_semaphore, #tpu.memory_space<semaphore_mem>>
      %dma_start3A_377 = tpu.memref_slice %arg4[%add3A_4] : memref<320000xi32, #tpu.memory_space<hbm>> -> memref<4800xi32, #tpu.memory_space<hbm>>
      %dma_start3A_378 = tpu.memref_slice %arg4[%add3A_4] : memref<320000xi32, #tpu.memory_space<hbm>> -> memref<4800xi32, #tpu.memory_space<hbm>>
      tpu.enqueue_dma source(%dma_start3A_378 : memref<4800xi32, #tpu.memory_space<hbm>>) target(%arg9 : memref<4800xi32, #tpu.memory_space<vmem>>) target_semaphore(%run_scoped3A : memref<!tpu.dma_semaphore, #tpu.memory_space<semaphore_mem>>)
      %dma_wait3A_379 = tpu.memref_slice %arg4[%add3A_4] : memref<320000xi32, #tpu.memory_space<hbm>> -> memref<4800xi32, #tpu.memory_space<hbm>>
      %dma_wait3A_380 = tpu.memref_slice %arg4[%add3A_4] : memref<320000xi32, #tpu.memory_space<hbm>> -> memref<4800xi32, #tpu.memory_space<hbm>>
      tpu.wait_dma2 semaphore(%run_scoped3A : memref<!tpu.dma_semaphore, #tpu.memory_space<semaphore_mem>>) src(%dma_wait3A_380 : memref<4800xi32, #tpu.memory_space<hbm>>) dst(%arg9 : memref<4800xi32, #tpu.memory_space<vmem>>)
      tpu.yield
    }) : () -> ()
    "tpu.region"() ({
      %run_scoped3A = tpu.sem_alloc : memref<!tpu.dma_semaphore, #tpu.memory_space<semaphore_mem>>
      %dma_start3A_377 = tpu.memref_slice %arg5[%add3A_4] : memref<320000xi32, #tpu.memory_space<hbm>> -> memref<4800xi32, #tpu.memory_space<hbm>>
      %dma_start3A_378 = tpu.memref_slice %arg5[%add3A_4] : memref<320000xi32, #tpu.memory_space<hbm>> -> memref<4800xi32, #tpu.memory_space<hbm>>
      tpu.enqueue_dma source(%dma_start3A_378 : memref<4800xi32, #tpu.memory_space<hbm>>) target(%arg10 : memref<4800xi32, #tpu.memory_space<vmem>>) target_semaphore(%run_scoped3A : memref<!tpu.dma_semaphore, #tpu.memory_space<semaphore_mem>>)
      %dma_wait3A_379 = tpu.memref_slice %arg5[%add3A_4] : memref<320000xi32, #tpu.memory_space<hbm>> -> memref<4800xi32, #tpu.memory_space<hbm>>
      %dma_wait3A_380 = tpu.memref_slice %arg5[%add3A_4] : memref<320000xi32, #tpu.memory_space<hbm>> -> memref<4800xi32, #tpu.memory_space<hbm>>
      tpu.wait_dma2 semaphore(%run_scoped3A : memref<!tpu.dma_semaphore, #tpu.memory_space<semaphore_mem>>) src(%dma_wait3A_380 : memref<4800xi32, #tpu.memory_space<hbm>>) dst(%arg10 : memref<4800xi32, #tpu.memory_space<vmem>>)
      tpu.yield
    }) : () -> ()
    %mul3A_5 = arith.constant 632 : i32
    %mul3A_6 = arith.muli %arg1, %mul3A_5 : i32
    %mul3A_7 = arith.constant 632 : i32
    %mul3A_8 = arith.muli %arg1, %mul3A_7 : i32
    "tpu.region"() ({
      %run_scoped3A = tpu.sem_alloc : memref<!tpu.dma_semaphore, #tpu.memory_space<semaphore_mem>>
      %dma_start3A_377 = arith.constant 0 : i32
      %dma_start3A_378 = tpu.memref_slice %arg8[%mul3A_8, %dma_start3A_377] : memref<10112x128xf32, #tpu.memory_space<vmem_shared>> -> memref<632x128xf32, #tpu.memory_space<vmem_shared>>
      %dma_start3A_379 = arith.constant 0 : i32
      %dma_start3A_380 = tpu.memref_slice %arg2[%mul3A_6, %dma_start3A_379] : memref<10112x128xf32, #tpu.memory_space<hbm>> -> memref<632x128xf32, #tpu.memory_space<hbm>>
      tpu.enqueue_dma source(%dma_start3A_380 : memref<632x128xf32, #tpu.memory_space<hbm>>) target(%dma_start3A_378 : memref<632x128xf32, #tpu.memory_space<vmem_shared>>) target_semaphore(%run_scoped3A : memref<!tpu.dma_semaphore, #tpu.memory_space<semaphore_mem>>)
      %dma_wait3A_381 = arith.constant 0 : i32
      %dma_wait3A_382 = tpu.memref_slice %arg8[%mul3A_8, %dma_wait3A_381] : memref<10112x128xf32, #tpu.memory_space<vmem_shared>> -> memref<632x128xf32, #tpu.memory_space<vmem_shared>>
      %dma_wait3A_383 = arith.constant 0 : i32
      %dma_wait3A_384 = tpu.memref_slice %arg2[%mul3A_6, %dma_wait3A_383] : memref<10112x128xf32, #tpu.memory_space<hbm>> -> memref<632x128xf32, #tpu.memory_space<hbm>>
      tpu.wait_dma2 semaphore(%run_scoped3A : memref<!tpu.dma_semaphore, #tpu.memory_space<semaphore_mem>>) src(%dma_wait3A_384 : memref<632x128xf32, #tpu.memory_space<hbm>>) dst(%dma_wait3A_382 : memref<632x128xf32, #tpu.memory_space<vmem_shared>>)
      tpu.yield
    }) : () -> ()
    %barrier3A = arith.constant 0 : index
    tpu.barrier barrier_id(%barrier3A)
    %dma_start3A = arith.constant 0 : i32
    %dma_start3A_9 = tpu.memref_slice %arg9[%dma_start3A] : memref<4800xi32, #tpu.memory_space<vmem>> -> memref<40xi32, #tpu.memory_space<vmem>>
    %dma_start3A_10 = arith.constant 0 : i32
    %dma_start3A_11 = arith.constant 0 : i32
    %dma_start3A_12 = tpu.memref_slice %arg8[%dma_start3A_10, %dma_start3A_11] : memref<10112x128xf32, #tpu.memory_space<vmem_shared>> -> memref<10112x128xf32, #tpu.memory_space<vmem_shared>>
    tpu.enqueue_indirect_dma source(%dma_start3A_12 : memref<10112x128xf32, #tpu.memory_space<vmem_shared>>) target(%arg11 : memref<40x128xf32, #tpu.memory_space<vmem>>) offsets(%dma_start3A_9 : memref<40xi32, #tpu.memory_space<vmem>>) semaphore(%arg15 : memref<!tpu.dma_semaphore, #tpu.memory_space<semaphore_mem>>)
    %dma_start3A_13 = arith.constant 40 : i32
    %dma_start3A_14 = tpu.memref_slice %arg9[%dma_start3A_13] : memref<4800xi32, #tpu.memory_space<vmem>> -> memref<40xi32, #tpu.memory_space<vmem>>
    %dma_start3A_15 = arith.constant 0 : i32
    %dma_start3A_16 = arith.constant 0 : i32
    %dma_start3A_17 = tpu.memref_slice %arg8[%dma_start3A_15, %dma_start3A_16] : memref<10112x128xf32, #tpu.memory_space<vmem_shared>> -> memref<10112x128xf32, #tpu.memory_space<vmem_shared>>
    tpu.enqueue_indirect_dma source(%dma_start3A_17 : memref<10112x128xf32, #tpu.memory_space<vmem_shared>>) target(%arg12 : memref<40x128xf32, #tpu.memory_space<vmem>>) offsets(%dma_start3A_14 : memref<40xi32, #tpu.memory_space<vmem>>) semaphore(%arg16 : memref<!tpu.dma_semaphore, #tpu.memory_space<semaphore_mem>>)
    %dma_start3A_18 = arith.constant 80 : i32
    %dma_start3A_19 = tpu.memref_slice %arg9[%dma_start3A_18] : memref<4800xi32, #tpu.memory_space<vmem>> -> memref<40xi32, #tpu.memory_space<vmem>>
    %dma_start3A_20 = arith.constant 0 : i32
    %dma_start3A_21 = arith.constant 0 : i32
    %dma_start3A_22 = tpu.memref_slice %arg8[%dma_start3A_20, %dma_start3A_21] : memref<10112x128xf32, #tpu.memory_space<vmem_shared>> -> memref<10112x128xf32, #tpu.memory_space<vmem_shared>>
    tpu.enqueue_indirect_dma source(%dma_start3A_22 : memref<10112x128xf32, #tpu.memory_space<vmem_shared>>) target(%arg13 : memref<40x128xf32, #tpu.memory_space<vmem>>) offsets(%dma_start3A_19 : memref<40xi32, #tpu.memory_space<vmem>>) semaphore(%arg17 : memref<!tpu.dma_semaphore, #tpu.memory_space<semaphore_mem>>)
    %dma_wait3A = arith.constant 0 : i32
    %dma_wait3A_23 = tpu.memref_slice %arg9[%dma_wait3A] : memref<4800xi32, #tpu.memory_space<vmem>> -> memref<40xi32, #tpu.memory_space<vmem>>
    %dma_wait3A_24 = arith.constant 0 : i32
    %dma_wait3A_25 = arith.constant 0 : i32
    %dma_wait3A_26 = tpu.memref_slice %arg8[%dma_wait3A_24, %dma_wait3A_25] : memref<10112x128xf32, #tpu.memory_space<vmem_shared>> -> memref<10112x128xf32, #tpu.memory_space<vmem_shared>>
    tpu.wait_indirect_dma semaphore(%arg15 : memref<!tpu.dma_semaphore, #tpu.memory_space<semaphore_mem>>) src(%dma_wait3A_26 : memref<10112x128xf32, #tpu.memory_space<vmem_shared>>) dst(%arg11 : memref<40x128xf32, #tpu.memory_space<vmem>>)
    %add3A_27 = arith.constant 0 : i32
    %add3A_28 = arith.addi %mul3A_2, %add3A_27 : i32
    %dma_start3A_29 = arith.constant 0 : i32
    %dma_start3A_30 = tpu.memref_slice %arg6[%add3A_28, %dma_start3A_29] : memref<153600x128xf32, #tpu.memory_space<hbm>> -> memref<40x128xf32, #tpu.memory_space<hbm>>
    %dma_start3A_31 = arith.constant 0 : i32
    %dma_start3A_32 = tpu.memref_slice %arg6[%add3A_28, %dma_start3A_31] : memref<153600x128xf32, #tpu.memory_space<hbm>> -> memref<40x128xf32, #tpu.memory_space<hbm>>
    tpu.enqueue_dma source(%arg11 : memref<40x128xf32, #tpu.memory_space<vmem>>) target(%dma_start3A_32 : memref<40x128xf32, #tpu.memory_space<hbm>>) target_semaphore(%arg19 : memref<!tpu.dma_semaphore, #tpu.memory_space<semaphore_mem>>)
    %dma_start3A_33 = arith.constant 120 : i32
    %dma_start3A_34 = tpu.memref_slice %arg9[%dma_start3A_33] : memref<4800xi32, #tpu.memory_space<vmem>> -> memref<40xi32, #tpu.memory_space<vmem>>
    %dma_start3A_35 = arith.constant 0 : i32
    %dma_start3A_36 = arith.constant 0 : i32
    %dma_start3A_37 = tpu.memref_slice %arg8[%dma_start3A_35, %dma_start3A_36] : memref<10112x128xf32, #tpu.memory_space<vmem_shared>> -> memref<10112x128xf32, #tpu.memory_space<vmem_shared>>
    tpu.enqueue_indirect_dma source(%dma_start3A_37 : memref<10112x128xf32, #tpu.memory_space<vmem_shared>>) target(%arg14 : memref<40x128xf32, #tpu.memory_space<vmem>>) offsets(%dma_start3A_34 : memref<40xi32, #tpu.memory_space<vmem>>) semaphore(%arg18 : memref<!tpu.dma_semaphore, #tpu.memory_space<semaphore_mem>>)
    %dma_wait3A_38 = arith.constant 40 : i32
    %dma_wait3A_39 = tpu.memref_slice %arg9[%dma_wait3A_38] : memref<4800xi32, #tpu.memory_space<vmem>> -> memref<40xi32, #tpu.memory_space<vmem>>
    %dma_wait3A_40 = arith.constant 0 : i32
    %dma_wait3A_41 = arith.constant 0 : i32
    %dma_wait3A_42 = tpu.memref_slice %arg8[%dma_wait3A_40, %dma_wait3A_41] : memref<10112x128xf32, #tpu.memory_space<vmem_shared>> -> memref<10112x128xf32, #tpu.memory_space<vmem_shared>>
    tpu.wait_indirect_dma semaphore(%arg16 : memref<!tpu.dma_semaphore, #tpu.memory_space<semaphore_mem>>) src(%dma_wait3A_42 : memref<10112x128xf32, #tpu.memory_space<vmem_shared>>) dst(%arg12 : memref<40x128xf32, #tpu.memory_space<vmem>>)
    %add3A_43 = arith.constant 40 : i32
    %add3A_44 = arith.addi %mul3A_2, %add3A_43 : i32
    %dma_start3A_45 = arith.constant 0 : i32
    %dma_start3A_46 = tpu.memref_slice %arg6[%add3A_44, %dma_start3A_45] : memref<153600x128xf32, #tpu.memory_space<hbm>> -> memref<40x128xf32, #tpu.memory_space<hbm>>
    %dma_start3A_47 = arith.constant 0 : i32
    %dma_start3A_48 = tpu.memref_slice %arg6[%add3A_44, %dma_start3A_47] : memref<153600x128xf32, #tpu.memory_space<hbm>> -> memref<40x128xf32, #tpu.memory_space<hbm>>
    tpu.enqueue_dma source(%arg12 : memref<40x128xf32, #tpu.memory_space<vmem>>) target(%dma_start3A_48 : memref<40x128xf32, #tpu.memory_space<hbm>>) target_semaphore(%arg20 : memref<!tpu.dma_semaphore, #tpu.memory_space<semaphore_mem>>)
    %add3A_49 = arith.constant 0 : i32
    %add3A_50 = arith.addi %mul3A_2, %add3A_49 : i32
    %dma_wait3A_51 = arith.constant 0 : i32
    %dma_wait3A_52 = tpu.memref_slice %arg6[%add3A_50, %dma_wait3A_51] : memref<153600x128xf32, #tpu.memory_space<hbm>> -> memref<40x128xf32, #tpu.memory_space<hbm>>
    %dma_wait3A_53 = arith.constant 0 : i32
    %dma_wait3A_54 = tpu.memref_slice %arg6[%add3A_50, %dma_wait3A_53] : memref<153600x128xf32, #tpu.memory_space<hbm>> -> memref<40x128xf32, #tpu.memory_space<hbm>>
    tpu.wait_dma2 semaphore(%arg19 : memref<!tpu.dma_semaphore, #tpu.memory_space<semaphore_mem>>) src(%arg11 : memref<40x128xf32, #tpu.memory_space<vmem>>) dst(%dma_wait3A_54 : memref<40x128xf32, #tpu.memory_space<hbm>>)
    %dma_start3A_55 = arith.constant 160 : i32
    %dma_start3A_56 = tpu.memref_slice %arg9[%dma_start3A_55] : memref<4800xi32, #tpu.memory_space<vmem>> -> memref<40xi32, #tpu.memory_space<vmem>>
    %dma_start3A_57 = arith.constant 0 : i32
    %dma_start3A_58 = arith.constant 0 : i32
    %dma_start3A_59 = tpu.memref_slice %arg8[%dma_start3A_57, %dma_start3A_58] : memref<10112x128xf32, #tpu.memory_space<vmem_shared>> -> memref<10112x128xf32, #tpu.memory_space<vmem_shared>>
    tpu.enqueue_indirect_dma source(%dma_start3A_59 : memref<10112x128xf32, #tpu.memory_space<vmem_shared>>) target(%arg11 : memref<40x128xf32, #tpu.memory_space<vmem>>) offsets(%dma_start3A_56 : memref<40xi32, #tpu.memory_space<vmem>>) semaphore(%arg15 : memref<!tpu.dma_semaphore, #tpu.memory_space<semaphore_mem>>)
    %scan3A = arith.constant 0 : i32
    %scan3A_60 = arith.constant 0 : i32
    %scan3A_61 = arith.constant 28 : i32
    %scan3A_62 = arith.addi %scan3A_60, %scan3A_61 : i32
    %scan3A_63 = arith.constant 1 : i32
    scf.for %scan3A_377 = %scan3A_60 to %scan3A_62 step %scan3A_63  : i32 {
      %mul3A_378 = arith.constant 4 : i32
      %mul3A_379 = arith.muli %mul3A_378, %scan3A_377 : i32
      %add3A_380 = arith.constant 2 : i32
      %add3A_381 = arith.addi %mul3A_379, %add3A_380 : i32
      %add3A_382 = arith.constant 0 : i32
      %add3A_383 = arith.addi %add3A_381, %add3A_382 : i32
      %mul3A_384 = arith.constant 40 : i32
      %mul3A_385 = arith.muli %add3A_383, %mul3A_384 : i32
      %dma_wait3A_386 = tpu.memref_slice %arg9[%mul3A_385] : memref<4800xi32, #tpu.memory_space<vmem>> -> memref<40xi32, #tpu.memory_space<vmem>>
      %dma_wait3A_387 = arith.constant 0 : i32
      %dma_wait3A_388 = arith.constant 0 : i32
      %dma_wait3A_389 = tpu.memref_slice %arg8[%dma_wait3A_387, %dma_wait3A_388] : memref<10112x128xf32, #tpu.memory_space<vmem_shared>> -> memref<10112x128xf32, #tpu.memory_space<vmem_shared>>
      tpu.wait_indirect_dma semaphore(%arg17 : memref<!tpu.dma_semaphore, #tpu.memory_space<semaphore_mem>>) src(%dma_wait3A_389 : memref<10112x128xf32, #tpu.memory_space<vmem_shared>>) dst(%arg13 : memref<40x128xf32, #tpu.memory_space<vmem>>)
      %mul3A_390 = arith.constant 40 : i32
      %mul3A_391 = arith.muli %add3A_383, %mul3A_390 : i32
      %add3A_392 = arith.addi %mul3A_2, %mul3A_391 : i32
      %dma_start3A_393 = arith.constant 0 : i32
      %dma_start3A_394 = tpu.memref_slice %arg6[%add3A_392, %dma_start3A_393] : memref<153600x128xf32, #tpu.memory_space<hbm>> -> memref<40x128xf32, #tpu.memory_space<hbm>>
      %dma_start3A_395 = arith.constant 0 : i32
      %dma_start3A_396 = tpu.memref_slice %arg6[%add3A_392, %dma_start3A_395] : memref<153600x128xf32, #tpu.memory_space<hbm>> -> memref<40x128xf32, #tpu.memory_space<hbm>>
      tpu.enqueue_dma source(%arg13 : memref<40x128xf32, #tpu.memory_space<vmem>>) target(%dma_start3A_396 : memref<40x128xf32, #tpu.memory_space<hbm>>) target_semaphore(%arg21 : memref<!tpu.dma_semaphore, #tpu.memory_space<semaphore_mem>>)
      %sub3A = arith.constant 1 : i32
      %sub3A_397 = arith.subi %add3A_383, %sub3A : i32
      %mul3A_398 = arith.constant 40 : i32
      %mul3A_399 = arith.muli %sub3A_397, %mul3A_398 : i32
      %add3A_400 = arith.addi %mul3A_2, %mul3A_399 : i32
      %dma_wait3A_401 = arith.constant 0 : i32
      %dma_wait3A_402 = tpu.memref_slice %arg6[%add3A_400, %dma_wait3A_401] : memref<153600x128xf32, #tpu.memory_space<hbm>> -> memref<40x128xf32, #tpu.memory_space<hbm>>
      %dma_wait3A_403 = arith.constant 0 : i32
      %dma_wait3A_404 = tpu.memref_slice %arg6[%add3A_400, %dma_wait3A_403] : memref<153600x128xf32, #tpu.memory_space<hbm>> -> memref<40x128xf32, #tpu.memory_space<hbm>>
      tpu.wait_dma2 semaphore(%arg20 : memref<!tpu.dma_semaphore, #tpu.memory_space<semaphore_mem>>) src(%arg12 : memref<40x128xf32, #tpu.memory_space<vmem>>) dst(%dma_wait3A_404 : memref<40x128xf32, #tpu.memory_space<hbm>>)
      %add3A_405 = arith.constant 3 : i32
      %add3A_406 = arith.addi %add3A_383, %add3A_405 : i32
      %mul3A_407 = arith.constant 40 : i32
      %mul3A_408 = arith.muli %add3A_406, %mul3A_407 : i32
      %dma_start3A_409 = tpu.memref_slice %arg9[%mul3A_408] : memref<4800xi32, #tpu.memory_space<vmem>> -> memref<40xi32, #tpu.memory_space<vmem>>
      %dma_start3A_410 = arith.constant 0 : i32
      %dma_start3A_411 = arith.constant 0 : i32
      %dma_start3A_412 = tpu.memref_slice %arg8[%dma_start3A_410, %dma_start3A_411] : memref<10112x128xf32, #tpu.memory_space<vmem_shared>> -> memref<10112x128xf32, #tpu.memory_space<vmem_shared>>
      tpu.enqueue_indirect_dma source(%dma_start3A_412 : memref<10112x128xf32, #tpu.memory_space<vmem_shared>>) target(%arg12 : memref<40x128xf32, #tpu.memory_space<vmem>>) offsets(%dma_start3A_409 : memref<40xi32, #tpu.memory_space<vmem>>) semaphore(%arg16 : memref<!tpu.dma_semaphore, #tpu.memory_space<semaphore_mem>>)
      %mul3A_413 = arith.constant 4 : i32
      %mul3A_414 = arith.muli %mul3A_413, %scan3A_377 : i32
      %add3A_415 = arith.constant 2 : i32
      %add3A_416 = arith.addi %mul3A_414, %add3A_415 : i32
      %add3A_417 = arith.constant 1 : i32
      %add3A_418 = arith.addi %add3A_416, %add3A_417 : i32
      %mul3A_419 = arith.constant 40 : i32
      %mul3A_420 = arith.muli %add3A_418, %mul3A_419 : i32
      %dma_wait3A_421 = tpu.memref_slice %arg9[%mul3A_420] : memref<4800xi32, #tpu.memory_space<vmem>> -> memref<40xi32, #tpu.memory_space<vmem>>
      %dma_wait3A_422 = arith.constant 0 : i32
      %dma_wait3A_423 = arith.constant 0 : i32
      %dma_wait3A_424 = tpu.memref_slice %arg8[%dma_wait3A_422, %dma_wait3A_423] : memref<10112x128xf32, #tpu.memory_space<vmem_shared>> -> memref<10112x128xf32, #tpu.memory_space<vmem_shared>>
      tpu.wait_indirect_dma semaphore(%arg18 : memref<!tpu.dma_semaphore, #tpu.memory_space<semaphore_mem>>) src(%dma_wait3A_424 : memref<10112x128xf32, #tpu.memory_space<vmem_shared>>) dst(%arg14 : memref<40x128xf32, #tpu.memory_space<vmem>>)
      %mul3A_425 = arith.constant 40 : i32
      %mul3A_426 = arith.muli %add3A_418, %mul3A_425 : i32
      %add3A_427 = arith.addi %mul3A_2, %mul3A_426 : i32
      %dma_start3A_428 = arith.constant 0 : i32
      %dma_start3A_429 = tpu.memref_slice %arg6[%add3A_427, %dma_start3A_428] : memref<153600x128xf32, #tpu.memory_space<hbm>> -> memref<40x128xf32, #tpu.memory_space<hbm>>
      %dma_start3A_430 = arith.constant 0 : i32
      %dma_start3A_431 = tpu.memref_slice %arg6[%add3A_427, %dma_start3A_430] : memref<153600x128xf32, #tpu.memory_space<hbm>> -> memref<40x128xf32, #tpu.memory_space<hbm>>
      tpu.enqueue_dma source(%arg14 : memref<40x128xf32, #tpu.memory_space<vmem>>) target(%dma_start3A_431 : memref<40x128xf32, #tpu.memory_space<hbm>>) target_semaphore(%arg22 : memref<!tpu.dma_semaphore, #tpu.memory_space<semaphore_mem>>)
      %sub3A_432 = arith.constant 1 : i32
      %sub3A_433 = arith.subi %add3A_418, %sub3A_432 : i32
      %mul3A_434 = arith.constant 40 : i32
      %mul3A_435 = arith.muli %sub3A_433, %mul3A_434 : i32
      %add3A_436 = arith.addi %mul3A_2, %mul3A_435 : i32
      %dma_wait3A_437 = arith.constant 0 : i32
      %dma_wait3A_438 = tpu.memref_slice %arg6[%add3A_436, %dma_wait3A_437] : memref<153600x128xf32, #tpu.memory_space<hbm>> -> memref<40x128xf32, #tpu.memory_space<hbm>>
      %dma_wait3A_439 = arith.constant 0 : i32
      %dma_wait3A_440 = tpu.memref_slice %arg6[%add3A_436, %dma_wait3A_439] : memref<153600x128xf32, #tpu.memory_space<hbm>> -> memref<40x128xf32, #tpu.memory_space<hbm>>
      tpu.wait_dma2 semaphore(%arg21 : memref<!tpu.dma_semaphore, #tpu.memory_space<semaphore_mem>>) src(%arg13 : memref<40x128xf32, #tpu.memory_space<vmem>>) dst(%dma_wait3A_440 : memref<40x128xf32, #tpu.memory_space<hbm>>)
      %add3A_441 = arith.constant 3 : i32
      %add3A_442 = arith.addi %add3A_418, %add3A_441 : i32
      %mul3A_443 = arith.constant 40 : i32
      %mul3A_444 = arith.muli %add3A_442, %mul3A_443 : i32
      %dma_start3A_445 = tpu.memref_slice %arg9[%mul3A_444] : memref<4800xi32, #tpu.memory_space<vmem>> -> memref<40xi32, #tpu.memory_space<vmem>>
      %dma_start3A_446 = arith.constant 0 : i32
      %dma_start3A_447 = arith.constant 0 : i32
      %dma_start3A_448 = tpu.memref_slice %arg8[%dma_start3A_446, %dma_start3A_447] : memref<10112x128xf32, #tpu.memory_space<vmem_shared>> -> memref<10112x128xf32, #tpu.memory_space<vmem_shared>>
      tpu.enqueue_indirect_dma source(%dma_start3A_448 : memref<10112x128xf32, #tpu.memory_space<vmem_shared>>) target(%arg13 : memref<40x128xf32, #tpu.memory_space<vmem>>) offsets(%dma_start3A_445 : memref<40xi32, #tpu.memory_space<vmem>>) semaphore(%arg17 : memref<!tpu.dma_semaphore, #tpu.memory_space<semaphore_mem>>)
      %mul3A_449 = arith.constant 4 : i32
      %mul3A_450 = arith.muli %mul3A_449, %scan3A_377 : i32
      %add3A_451 = arith.constant 2 : i32
      %add3A_452 = arith.addi %mul3A_450, %add3A_451 : i32
      %add3A_453 = arith.constant 2 : i32
      %add3A_454 = arith.addi %add3A_452, %add3A_453 : i32
      %mul3A_455 = arith.constant 40 : i32
      %mul3A_456 = arith.muli %add3A_454, %mul3A_455 : i32
      %dma_wait3A_457 = tpu.memref_slice %arg9[%mul3A_456] : memref<4800xi32, #tpu.memory_space<vmem>> -> memref<40xi32, #tpu.memory_space<vmem>>
      %dma_wait3A_458 = arith.constant 0 : i32
      %dma_wait3A_459 = arith.constant 0 : i32
      %dma_wait3A_460 = tpu.memref_slice %arg8[%dma_wait3A_458, %dma_wait3A_459] : memref<10112x128xf32, #tpu.memory_space<vmem_shared>> -> memref<10112x128xf32, #tpu.memory_space<vmem_shared>>
      tpu.wait_indirect_dma semaphore(%arg15 : memref<!tpu.dma_semaphore, #tpu.memory_space<semaphore_mem>>) src(%dma_wait3A_460 : memref<10112x128xf32, #tpu.memory_space<vmem_shared>>) dst(%arg11 : memref<40x128xf32, #tpu.memory_space<vmem>>)
      %mul3A_461 = arith.constant 40 : i32
      %mul3A_462 = arith.muli %add3A_454, %mul3A_461 : i32
      %add3A_463 = arith.addi %mul3A_2, %mul3A_462 : i32
      %dma_start3A_464 = arith.constant 0 : i32
      %dma_start3A_465 = tpu.memref_slice %arg6[%add3A_463, %dma_start3A_464] : memref<153600x128xf32, #tpu.memory_space<hbm>> -> memref<40x128xf32, #tpu.memory_space<hbm>>
      %dma_start3A_466 = arith.constant 0 : i32
      %dma_start3A_467 = tpu.memref_slice %arg6[%add3A_463, %dma_start3A_466] : memref<153600x128xf32, #tpu.memory_space<hbm>> -> memref<40x128xf32, #tpu.memory_space<hbm>>
      tpu.enqueue_dma source(%arg11 : memref<40x128xf32, #tpu.memory_space<vmem>>) target(%dma_start3A_467 : memref<40x128xf32, #tpu.memory_space<hbm>>) target_semaphore(%arg19 : memref<!tpu.dma_semaphore, #tpu.memory_space<semaphore_mem>>)
      %sub3A_468 = arith.constant 1 : i32
      %sub3A_469 = arith.subi %add3A_454, %sub3A_468 : i32
      %mul3A_470 = arith.constant 40 : i32
      %mul3A_471 = arith.muli %sub3A_469, %mul3A_470 : i32
      %add3A_472 = arith.addi %mul3A_2, %mul3A_471 : i32
      %dma_wait3A_473 = arith.constant 0 : i32
      %dma_wait3A_474 = tpu.memref_slice %arg6[%add3A_472, %dma_wait3A_473] : memref<153600x128xf32, #tpu.memory_space<hbm>> -> memref<40x128xf32, #tpu.memory_space<hbm>>
      %dma_wait3A_475 = arith.constant 0 : i32
      %dma_wait3A_476 = tpu.memref_slice %arg6[%add3A_472, %dma_wait3A_475] : memref<153600x128xf32, #tpu.memory_space<hbm>> -> memref<40x128xf32, #tpu.memory_space<hbm>>
      tpu.wait_dma2 semaphore(%arg22 : memref<!tpu.dma_semaphore, #tpu.memory_space<semaphore_mem>>) src(%arg14 : memref<40x128xf32, #tpu.memory_space<vmem>>) dst(%dma_wait3A_476 : memref<40x128xf32, #tpu.memory_space<hbm>>)
      %add3A_477 = arith.constant 3 : i32
      %add3A_478 = arith.addi %add3A_454, %add3A_477 : i32
      %mul3A_479 = arith.constant 40 : i32
      %mul3A_480 = arith.muli %add3A_478, %mul3A_479 : i32
      %dma_start3A_481 = tpu.memref_slice %arg9[%mul3A_480] : memref<4800xi32, #tpu.memory_space<vmem>> -> memref<40xi32, #tpu.memory_space<vmem>>
      %dma_start3A_482 = arith.constant 0 : i32
      %dma_start3A_483 = arith.constant 0 : i32
      %dma_start3A_484 = tpu.memref_slice %arg8[%dma_start3A_482, %dma_start3A_483] : memref<10112x128xf32, #tpu.memory_space<vmem_shared>> -> memref<10112x128xf32, #tpu.memory_space<vmem_shared>>
      tpu.enqueue_indirect_dma source(%dma_start3A_484 : memref<10112x128xf32, #tpu.memory_space<vmem_shared>>) target(%arg14 : memref<40x128xf32, #tpu.memory_space<vmem>>) offsets(%dma_start3A_481 : memref<40xi32, #tpu.memory_space<vmem>>) semaphore(%arg18 : memref<!tpu.dma_semaphore, #tpu.memory_space<semaphore_mem>>)
      %mul3A_485 = arith.constant 4 : i32
      %mul3A_486 = arith.muli %mul3A_485, %scan3A_377 : i32
      %add3A_487 = arith.constant 2 : i32
      %add3A_488 = arith.addi %mul3A_486, %add3A_487 : i32
      %add3A_489 = arith.constant 3 : i32
      %add3A_490 = arith.addi %add3A_488, %add3A_489 : i32
      %mul3A_491 = arith.constant 40 : i32
      %mul3A_492 = arith.muli %add3A_490, %mul3A_491 : i32
      %dma_wait3A_493 = tpu.memref_slice %arg9[%mul3A_492] : memref<4800xi32, #tpu.memory_space<vmem>> -> memref<40xi32, #tpu.memory_space<vmem>>
      %dma_wait3A_494 = arith.constant 0 : i32
      %dma_wait3A_495 = arith.constant 0 : i32
      %dma_wait3A_496 = tpu.memref_slice %arg8[%dma_wait3A_494, %dma_wait3A_495] : memref<10112x128xf32, #tpu.memory_space<vmem_shared>> -> memref<10112x128xf32, #tpu.memory_space<vmem_shared>>
      tpu.wait_indirect_dma semaphore(%arg16 : memref<!tpu.dma_semaphore, #tpu.memory_space<semaphore_mem>>) src(%dma_wait3A_496 : memref<10112x128xf32, #tpu.memory_space<vmem_shared>>) dst(%arg12 : memref<40x128xf32, #tpu.memory_space<vmem>>)
      %mul3A_497 = arith.constant 40 : i32
      %mul3A_498 = arith.muli %add3A_490, %mul3A_497 : i32
      %add3A_499 = arith.addi %mul3A_2, %mul3A_498 : i32
      %dma_start3A_500 = arith.constant 0 : i32
      %dma_start3A_501 = tpu.memref_slice %arg6[%add3A_499, %dma_start3A_500] : memref<153600x128xf32, #tpu.memory_space<hbm>> -> memref<40x128xf32, #tpu.memory_space<hbm>>
      %dma_start3A_502 = arith.constant 0 : i32
      %dma_start3A_503 = tpu.memref_slice %arg6[%add3A_499, %dma_start3A_502] : memref<153600x128xf32, #tpu.memory_space<hbm>> -> memref<40x128xf32, #tpu.memory_space<hbm>>
      tpu.enqueue_dma source(%arg12 : memref<40x128xf32, #tpu.memory_space<vmem>>) target(%dma_start3A_503 : memref<40x128xf32, #tpu.memory_space<hbm>>) target_semaphore(%arg20 : memref<!tpu.dma_semaphore, #tpu.memory_space<semaphore_mem>>)
      %sub3A_504 = arith.constant 1 : i32
      %sub3A_505 = arith.subi %add3A_490, %sub3A_504 : i32
      %mul3A_506 = arith.constant 40 : i32
      %mul3A_507 = arith.muli %sub3A_505, %mul3A_506 : i32
      %add3A_508 = arith.addi %mul3A_2, %mul3A_507 : i32
      %dma_wait3A_509 = arith.constant 0 : i32
      %dma_wait3A_510 = tpu.memref_slice %arg6[%add3A_508, %dma_wait3A_509] : memref<153600x128xf32, #tpu.memory_space<hbm>> -> memref<40x128xf32, #tpu.memory_space<hbm>>
      %dma_wait3A_511 = arith.constant 0 : i32
      %dma_wait3A_512 = tpu.memref_slice %arg6[%add3A_508, %dma_wait3A_511] : memref<153600x128xf32, #tpu.memory_space<hbm>> -> memref<40x128xf32, #tpu.memory_space<hbm>>
      tpu.wait_dma2 semaphore(%arg19 : memref<!tpu.dma_semaphore, #tpu.memory_space<semaphore_mem>>) src(%arg11 : memref<40x128xf32, #tpu.memory_space<vmem>>) dst(%dma_wait3A_512 : memref<40x128xf32, #tpu.memory_space<hbm>>)
      %add3A_513 = arith.constant 3 : i32
      %add3A_514 = arith.addi %add3A_490, %add3A_513 : i32
      %mul3A_515 = arith.constant 40 : i32
      %mul3A_516 = arith.muli %add3A_514, %mul3A_515 : i32
      %dma_start3A_517 = tpu.memref_slice %arg9[%mul3A_516] : memref<4800xi32, #tpu.memory_space<vmem>> -> memref<40xi32, #tpu.memory_space<vmem>>
      %dma_start3A_518 = arith.constant 0 : i32
      %dma_start3A_519 = arith.constant 0 : i32
      %dma_start3A_520 = tpu.memref_slice %arg8[%dma_start3A_518, %dma_start3A_519] : memref<10112x128xf32, #tpu.memory_space<vmem_shared>> -> memref<10112x128xf32, #tpu.memory_space<vmem_shared>>
      tpu.enqueue_indirect_dma source(%dma_start3A_520 : memref<10112x128xf32, #tpu.memory_space<vmem_shared>>) target(%arg11 : memref<40x128xf32, #tpu.memory_space<vmem>>) offsets(%dma_start3A_517 : memref<40xi32, #tpu.memory_space<vmem>>) semaphore(%arg15 : memref<!tpu.dma_semaphore, #tpu.memory_space<semaphore_mem>>)
    }
    %scan3A_64 = arith.constant 28 : i32
    %dma_wait3A_65 = arith.constant 4560 : i32
    %dma_wait3A_66 = tpu.memref_slice %arg9[%dma_wait3A_65] : memref<4800xi32, #tpu.memory_space<vmem>> -> memref<40xi32, #tpu.memory_space<vmem>>
    %dma_wait3A_67 = arith.constant 0 : i32
    %dma_wait3A_68 = arith.constant 0 : i32
    %dma_wait3A_69 = tpu.memref_slice %arg8[%dma_wait3A_67, %dma_wait3A_68] : memref<10112x128xf32, #tpu.memory_space<vmem_shared>> -> memref<10112x128xf32, #tpu.memory_space<vmem_shared>>
    tpu.wait_indirect_dma semaphore(%arg17 : memref<!tpu.dma_semaphore, #tpu.memory_space<semaphore_mem>>) src(%dma_wait3A_69 : memref<10112x128xf32, #tpu.memory_space<vmem_shared>>) dst(%arg13 : memref<40x128xf32, #tpu.memory_space<vmem>>)
    %add3A_70 = arith.constant 4560 : i32
    %add3A_71 = arith.addi %mul3A_2, %add3A_70 : i32
    %dma_start3A_72 = arith.constant 0 : i32
    %dma_start3A_73 = tpu.memref_slice %arg6[%add3A_71, %dma_start3A_72] : memref<153600x128xf32, #tpu.memory_space<hbm>> -> memref<40x128xf32, #tpu.memory_space<hbm>>
    %dma_start3A_74 = arith.constant 0 : i32
    %dma_start3A_75 = tpu.memref_slice %arg6[%add3A_71, %dma_start3A_74] : memref<153600x128xf32, #tpu.memory_space<hbm>> -> memref<40x128xf32, #tpu.memory_space<hbm>>
    tpu.enqueue_dma source(%arg13 : memref<40x128xf32, #tpu.memory_space<vmem>>) target(%dma_start3A_75 : memref<40x128xf32, #tpu.memory_space<hbm>>) target_semaphore(%arg21 : memref<!tpu.dma_semaphore, #tpu.memory_space<semaphore_mem>>)
    %add3A_76 = arith.constant 4520 : i32
    %add3A_77 = arith.addi %mul3A_2, %add3A_76 : i32
    %dma_wait3A_78 = arith.constant 0 : i32
    %dma_wait3A_79 = tpu.memref_slice %arg6[%add3A_77, %dma_wait3A_78] : memref<153600x128xf32, #tpu.memory_space<hbm>> -> memref<40x128xf32, #tpu.memory_space<hbm>>
    %dma_wait3A_80 = arith.constant 0 : i32
    %dma_wait3A_81 = tpu.memref_slice %arg6[%add3A_77, %dma_wait3A_80] : memref<153600x128xf32, #tpu.memory_space<hbm>> -> memref<40x128xf32, #tpu.memory_space<hbm>>
    tpu.wait_dma2 semaphore(%arg20 : memref<!tpu.dma_semaphore, #tpu.memory_space<semaphore_mem>>) src(%arg12 : memref<40x128xf32, #tpu.memory_space<vmem>>) dst(%dma_wait3A_81 : memref<40x128xf32, #tpu.memory_space<hbm>>)
    %dma_start3A_82 = arith.constant 4680 : i32
    %dma_start3A_83 = tpu.memref_slice %arg9[%dma_start3A_82] : memref<4800xi32, #tpu.memory_space<vmem>> -> memref<40xi32, #tpu.memory_space<vmem>>
    %dma_start3A_84 = arith.constant 0 : i32
    %dma_start3A_85 = arith.constant 0 : i32
    %dma_start3A_86 = tpu.memref_slice %arg8[%dma_start3A_84, %dma_start3A_85] : memref<10112x128xf32, #tpu.memory_space<vmem_shared>> -> memref<10112x128xf32, #tpu.memory_space<vmem_shared>>
    tpu.enqueue_indirect_dma source(%dma_start3A_86 : memref<10112x128xf32, #tpu.memory_space<vmem_shared>>) target(%arg12 : memref<40x128xf32, #tpu.memory_space<vmem>>) offsets(%dma_start3A_83 : memref<40xi32, #tpu.memory_space<vmem>>) semaphore(%arg16 : memref<!tpu.dma_semaphore, #tpu.memory_space<semaphore_mem>>)
    %dma_wait3A_87 = arith.constant 4600 : i32
    %dma_wait3A_88 = tpu.memref_slice %arg9[%dma_wait3A_87] : memref<4800xi32, #tpu.memory_space<vmem>> -> memref<40xi32, #tpu.memory_space<vmem>>
    %dma_wait3A_89 = arith.constant 0 : i32
    %dma_wait3A_90 = arith.constant 0 : i32
    %dma_wait3A_91 = tpu.memref_slice %arg8[%dma_wait3A_89, %dma_wait3A_90] : memref<10112x128xf32, #tpu.memory_space<vmem_shared>> -> memref<10112x128xf32, #tpu.memory_space<vmem_shared>>
    tpu.wait_indirect_dma semaphore(%arg18 : memref<!tpu.dma_semaphore, #tpu.memory_space<semaphore_mem>>) src(%dma_wait3A_91 : memref<10112x128xf32, #tpu.memory_space<vmem_shared>>) dst(%arg14 : memref<40x128xf32, #tpu.memory_space<vmem>>)
    %add3A_92 = arith.constant 4600 : i32
    %add3A_93 = arith.addi %mul3A_2, %add3A_92 : i32
    %dma_start3A_94 = arith.constant 0 : i32
    %dma_start3A_95 = tpu.memref_slice %arg6[%add3A_93, %dma_start3A_94] : memref<153600x128xf32, #tpu.memory_space<hbm>> -> memref<40x128xf32, #tpu.memory_space<hbm>>
    %dma_start3A_96 = arith.constant 0 : i32
    %dma_start3A_97 = tpu.memref_slice %arg6[%add3A_93, %dma_start3A_96] : memref<153600x128xf32, #tpu.memory_space<hbm>> -> memref<40x128xf32, #tpu.memory_space<hbm>>
    tpu.enqueue_dma source(%arg14 : memref<40x128xf32, #tpu.memory_space<vmem>>) target(%dma_start3A_97 : memref<40x128xf32, #tpu.memory_space<hbm>>) target_semaphore(%arg22 : memref<!tpu.dma_semaphore, #tpu.memory_space<semaphore_mem>>)
    %add3A_98 = arith.constant 4560 : i32
    %add3A_99 = arith.addi %mul3A_2, %add3A_98 : i32
    %dma_wait3A_100 = arith.constant 0 : i32
    %dma_wait3A_101 = tpu.memref_slice %arg6[%add3A_99, %dma_wait3A_100] : memref<153600x128xf32, #tpu.memory_space<hbm>> -> memref<40x128xf32, #tpu.memory_space<hbm>>
    %dma_wait3A_102 = arith.constant 0 : i32
    %dma_wait3A_103 = tpu.memref_slice %arg6[%add3A_99, %dma_wait3A_102] : memref<153600x128xf32, #tpu.memory_space<hbm>> -> memref<40x128xf32, #tpu.memory_space<hbm>>
    tpu.wait_dma2 semaphore(%arg21 : memref<!tpu.dma_semaphore, #tpu.memory_space<semaphore_mem>>) src(%arg13 : memref<40x128xf32, #tpu.memory_space<vmem>>) dst(%dma_wait3A_103 : memref<40x128xf32, #tpu.memory_space<hbm>>)
    %dma_start3A_104 = arith.constant 4720 : i32
    %dma_start3A_105 = tpu.memref_slice %arg9[%dma_start3A_104] : memref<4800xi32, #tpu.memory_space<vmem>> -> memref<40xi32, #tpu.memory_space<vmem>>
    %dma_start3A_106 = arith.constant 0 : i32
    %dma_start3A_107 = arith.constant 0 : i32
    %dma_start3A_108 = tpu.memref_slice %arg8[%dma_start3A_106, %dma_start3A_107] : memref<10112x128xf32, #tpu.memory_space<vmem_shared>> -> memref<10112x128xf32, #tpu.memory_space<vmem_shared>>
    tpu.enqueue_indirect_dma source(%dma_start3A_108 : memref<10112x128xf32, #tpu.memory_space<vmem_shared>>) target(%arg13 : memref<40x128xf32, #tpu.memory_space<vmem>>) offsets(%dma_start3A_105 : memref<40xi32, #tpu.memory_space<vmem>>) semaphore(%arg17 : memref<!tpu.dma_semaphore, #tpu.memory_space<semaphore_mem>>)
    %dma_wait3A_109 = arith.constant 4640 : i32
    %dma_wait3A_110 = tpu.memref_slice %arg9[%dma_wait3A_109] : memref<4800xi32, #tpu.memory_space<vmem>> -> memref<40xi32, #tpu.memory_space<vmem>>
    %dma_wait3A_111 = arith.constant 0 : i32
    %dma_wait3A_112 = arith.constant 0 : i32
    %dma_wait3A_113 = tpu.memref_slice %arg8[%dma_wait3A_111, %dma_wait3A_112] : memref<10112x128xf32, #tpu.memory_space<vmem_shared>> -> memref<10112x128xf32, #tpu.memory_space<vmem_shared>>
    tpu.wait_indirect_dma semaphore(%arg15 : memref<!tpu.dma_semaphore, #tpu.memory_space<semaphore_mem>>) src(%dma_wait3A_113 : memref<10112x128xf32, #tpu.memory_space<vmem_shared>>) dst(%arg11 : memref<40x128xf32, #tpu.memory_space<vmem>>)
    %add3A_114 = arith.constant 4640 : i32
    %add3A_115 = arith.addi %mul3A_2, %add3A_114 : i32
    %dma_start3A_116 = arith.constant 0 : i32
    %dma_start3A_117 = tpu.memref_slice %arg6[%add3A_115, %dma_start3A_116] : memref<153600x128xf32, #tpu.memory_space<hbm>> -> memref<40x128xf32, #tpu.memory_space<hbm>>
    %dma_start3A_118 = arith.constant 0 : i32
    %dma_start3A_119 = tpu.memref_slice %arg6[%add3A_115, %dma_start3A_118] : memref<153600x128xf32, #tpu.memory_space<hbm>> -> memref<40x128xf32, #tpu.memory_space<hbm>>
    tpu.enqueue_dma source(%arg11 : memref<40x128xf32, #tpu.memory_space<vmem>>) target(%dma_start3A_119 : memref<40x128xf32, #tpu.memory_space<hbm>>) target_semaphore(%arg19 : memref<!tpu.dma_semaphore, #tpu.memory_space<semaphore_mem>>)
    %add3A_120 = arith.constant 4600 : i32
    %add3A_121 = arith.addi %mul3A_2, %add3A_120 : i32
    %dma_wait3A_122 = arith.constant 0 : i32
    %dma_wait3A_123 = tpu.memref_slice %arg6[%add3A_121, %dma_wait3A_122] : memref<153600x128xf32, #tpu.memory_space<hbm>> -> memref<40x128xf32, #tpu.memory_space<hbm>>
    %dma_wait3A_124 = arith.constant 0 : i32
    %dma_wait3A_125 = tpu.memref_slice %arg6[%add3A_121, %dma_wait3A_124] : memref<153600x128xf32, #tpu.memory_space<hbm>> -> memref<40x128xf32, #tpu.memory_space<hbm>>
    tpu.wait_dma2 semaphore(%arg22 : memref<!tpu.dma_semaphore, #tpu.memory_space<semaphore_mem>>) src(%arg14 : memref<40x128xf32, #tpu.memory_space<vmem>>) dst(%dma_wait3A_125 : memref<40x128xf32, #tpu.memory_space<hbm>>)
    %dma_start3A_126 = arith.constant 4760 : i32
    %dma_start3A_127 = tpu.memref_slice %arg9[%dma_start3A_126] : memref<4800xi32, #tpu.memory_space<vmem>> -> memref<40xi32, #tpu.memory_space<vmem>>
    %dma_start3A_128 = arith.constant 0 : i32
    %dma_start3A_129 = arith.constant 0 : i32
    %dma_start3A_130 = tpu.memref_slice %arg8[%dma_start3A_128, %dma_start3A_129] : memref<10112x128xf32, #tpu.memory_space<vmem_shared>> -> memref<10112x128xf32, #tpu.memory_space<vmem_shared>>
    tpu.enqueue_indirect_dma source(%dma_start3A_130 : memref<10112x128xf32, #tpu.memory_space<vmem_shared>>) target(%arg14 : memref<40x128xf32, #tpu.memory_space<vmem>>) offsets(%dma_start3A_127 : memref<40xi32, #tpu.memory_space<vmem>>) semaphore(%arg18 : memref<!tpu.dma_semaphore, #tpu.memory_space<semaphore_mem>>)
    %dma_wait3A_131 = arith.constant 4680 : i32
    %dma_wait3A_132 = tpu.memref_slice %arg9[%dma_wait3A_131] : memref<4800xi32, #tpu.memory_space<vmem>> -> memref<40xi32, #tpu.memory_space<vmem>>
    %dma_wait3A_133 = arith.constant 0 : i32
    %dma_wait3A_134 = arith.constant 0 : i32
    %dma_wait3A_135 = tpu.memref_slice %arg8[%dma_wait3A_133, %dma_wait3A_134] : memref<10112x128xf32, #tpu.memory_space<vmem_shared>> -> memref<10112x128xf32, #tpu.memory_space<vmem_shared>>
    tpu.wait_indirect_dma semaphore(%arg16 : memref<!tpu.dma_semaphore, #tpu.memory_space<semaphore_mem>>) src(%dma_wait3A_135 : memref<10112x128xf32, #tpu.memory_space<vmem_shared>>) dst(%arg12 : memref<40x128xf32, #tpu.memory_space<vmem>>)
    %add3A_136 = arith.constant 4680 : i32
    %add3A_137 = arith.addi %mul3A_2, %add3A_136 : i32
    %dma_start3A_138 = arith.constant 0 : i32
    %dma_start3A_139 = tpu.memref_slice %arg6[%add3A_137, %dma_start3A_138] : memref<153600x128xf32, #tpu.memory_space<hbm>> -> memref<40x128xf32, #tpu.memory_space<hbm>>
    %dma_start3A_140 = arith.constant 0 : i32
    %dma_start3A_141 = tpu.memref_slice %arg6[%add3A_137, %dma_start3A_140] : memref<153600x128xf32, #tpu.memory_space<hbm>> -> memref<40x128xf32, #tpu.memory_space<hbm>>
    tpu.enqueue_dma source(%arg12 : memref<40x128xf32, #tpu.memory_space<vmem>>) target(%dma_start3A_141 : memref<40x128xf32, #tpu.memory_space<hbm>>) target_semaphore(%arg20 : memref<!tpu.dma_semaphore, #tpu.memory_space<semaphore_mem>>)
    %dma_wait3A_142 = arith.constant 4720 : i32
    %dma_wait3A_143 = tpu.memref_slice %arg9[%dma_wait3A_142] : memref<4800xi32, #tpu.memory_space<vmem>> -> memref<40xi32, #tpu.memory_space<vmem>>
    %dma_wait3A_144 = arith.constant 0 : i32
    %dma_wait3A_145 = arith.constant 0 : i32
    %dma_wait3A_146 = tpu.memref_slice %arg8[%dma_wait3A_144, %dma_wait3A_145] : memref<10112x128xf32, #tpu.memory_space<vmem_shared>> -> memref<10112x128xf32, #tpu.memory_space<vmem_shared>>
    tpu.wait_indirect_dma semaphore(%arg17 : memref<!tpu.dma_semaphore, #tpu.memory_space<semaphore_mem>>) src(%dma_wait3A_146 : memref<10112x128xf32, #tpu.memory_space<vmem_shared>>) dst(%arg13 : memref<40x128xf32, #tpu.memory_space<vmem>>)
    %add3A_147 = arith.constant 4720 : i32
    %add3A_148 = arith.addi %mul3A_2, %add3A_147 : i32
    %dma_start3A_149 = arith.constant 0 : i32
    %dma_start3A_150 = tpu.memref_slice %arg6[%add3A_148, %dma_start3A_149] : memref<153600x128xf32, #tpu.memory_space<hbm>> -> memref<40x128xf32, #tpu.memory_space<hbm>>
    %dma_start3A_151 = arith.constant 0 : i32
    %dma_start3A_152 = tpu.memref_slice %arg6[%add3A_148, %dma_start3A_151] : memref<153600x128xf32, #tpu.memory_space<hbm>> -> memref<40x128xf32, #tpu.memory_space<hbm>>
    tpu.enqueue_dma source(%arg13 : memref<40x128xf32, #tpu.memory_space<vmem>>) target(%dma_start3A_152 : memref<40x128xf32, #tpu.memory_space<hbm>>) target_semaphore(%arg21 : memref<!tpu.dma_semaphore, #tpu.memory_space<semaphore_mem>>)
    %dma_wait3A_153 = arith.constant 4760 : i32
    %dma_wait3A_154 = tpu.memref_slice %arg9[%dma_wait3A_153] : memref<4800xi32, #tpu.memory_space<vmem>> -> memref<40xi32, #tpu.memory_space<vmem>>
    %dma_wait3A_155 = arith.constant 0 : i32
    %dma_wait3A_156 = arith.constant 0 : i32
    %dma_wait3A_157 = tpu.memref_slice %arg8[%dma_wait3A_155, %dma_wait3A_156] : memref<10112x128xf32, #tpu.memory_space<vmem_shared>> -> memref<10112x128xf32, #tpu.memory_space<vmem_shared>>
    tpu.wait_indirect_dma semaphore(%arg18 : memref<!tpu.dma_semaphore, #tpu.memory_space<semaphore_mem>>) src(%dma_wait3A_157 : memref<10112x128xf32, #tpu.memory_space<vmem_shared>>) dst(%arg14 : memref<40x128xf32, #tpu.memory_space<vmem>>)
    %add3A_158 = arith.constant 4760 : i32
    %add3A_159 = arith.addi %mul3A_2, %add3A_158 : i32
    %dma_start3A_160 = arith.constant 0 : i32
    %dma_start3A_161 = tpu.memref_slice %arg6[%add3A_159, %dma_start3A_160] : memref<153600x128xf32, #tpu.memory_space<hbm>> -> memref<40x128xf32, #tpu.memory_space<hbm>>
    %dma_start3A_162 = arith.constant 0 : i32
    %dma_start3A_163 = tpu.memref_slice %arg6[%add3A_159, %dma_start3A_162] : memref<153600x128xf32, #tpu.memory_space<hbm>> -> memref<40x128xf32, #tpu.memory_space<hbm>>
    tpu.enqueue_dma source(%arg14 : memref<40x128xf32, #tpu.memory_space<vmem>>) target(%dma_start3A_163 : memref<40x128xf32, #tpu.memory_space<hbm>>) target_semaphore(%arg22 : memref<!tpu.dma_semaphore, #tpu.memory_space<semaphore_mem>>)
    %add3A_164 = arith.constant 4640 : i32
    %add3A_165 = arith.addi %mul3A_2, %add3A_164 : i32
    %dma_wait3A_166 = arith.constant 0 : i32
    %dma_wait3A_167 = tpu.memref_slice %arg6[%add3A_165, %dma_wait3A_166] : memref<153600x128xf32, #tpu.memory_space<hbm>> -> memref<40x128xf32, #tpu.memory_space<hbm>>
    %dma_wait3A_168 = arith.constant 0 : i32
    %dma_wait3A_169 = tpu.memref_slice %arg6[%add3A_165, %dma_wait3A_168] : memref<153600x128xf32, #tpu.memory_space<hbm>> -> memref<40x128xf32, #tpu.memory_space<hbm>>
    tpu.wait_dma2 semaphore(%arg19 : memref<!tpu.dma_semaphore, #tpu.memory_space<semaphore_mem>>) src(%arg11 : memref<40x128xf32, #tpu.memory_space<vmem>>) dst(%dma_wait3A_169 : memref<40x128xf32, #tpu.memory_space<hbm>>)
    %add3A_170 = arith.constant 4680 : i32
    %add3A_171 = arith.addi %mul3A_2, %add3A_170 : i32
    %dma_wait3A_172 = arith.constant 0 : i32
    %dma_wait3A_173 = tpu.memref_slice %arg6[%add3A_171, %dma_wait3A_172] : memref<153600x128xf32, #tpu.memory_space<hbm>> -> memref<40x128xf32, #tpu.memory_space<hbm>>
    %dma_wait3A_174 = arith.constant 0 : i32
    %dma_wait3A_175 = tpu.memref_slice %arg6[%add3A_171, %dma_wait3A_174] : memref<153600x128xf32, #tpu.memory_space<hbm>> -> memref<40x128xf32, #tpu.memory_space<hbm>>
    tpu.wait_dma2 semaphore(%arg20 : memref<!tpu.dma_semaphore, #tpu.memory_space<semaphore_mem>>) src(%arg12 : memref<40x128xf32, #tpu.memory_space<vmem>>) dst(%dma_wait3A_175 : memref<40x128xf32, #tpu.memory_space<hbm>>)
    %add3A_176 = arith.constant 4720 : i32
    %add3A_177 = arith.addi %mul3A_2, %add3A_176 : i32
    %dma_wait3A_178 = arith.constant 0 : i32
    %dma_wait3A_179 = tpu.memref_slice %arg6[%add3A_177, %dma_wait3A_178] : memref<153600x128xf32, #tpu.memory_space<hbm>> -> memref<40x128xf32, #tpu.memory_space<hbm>>
    %dma_wait3A_180 = arith.constant 0 : i32
    %dma_wait3A_181 = tpu.memref_slice %arg6[%add3A_177, %dma_wait3A_180] : memref<153600x128xf32, #tpu.memory_space<hbm>> -> memref<40x128xf32, #tpu.memory_space<hbm>>
    tpu.wait_dma2 semaphore(%arg21 : memref<!tpu.dma_semaphore, #tpu.memory_space<semaphore_mem>>) src(%arg13 : memref<40x128xf32, #tpu.memory_space<vmem>>) dst(%dma_wait3A_181 : memref<40x128xf32, #tpu.memory_space<hbm>>)
    %add3A_182 = arith.constant 4760 : i32
    %add3A_183 = arith.addi %mul3A_2, %add3A_182 : i32
    %dma_wait3A_184 = arith.constant 0 : i32
    %dma_wait3A_185 = tpu.memref_slice %arg6[%add3A_183, %dma_wait3A_184] : memref<153600x128xf32, #tpu.memory_space<hbm>> -> memref<40x128xf32, #tpu.memory_space<hbm>>
    %dma_wait3A_186 = arith.constant 0 : i32
    %dma_wait3A_187 = tpu.memref_slice %arg6[%add3A_183, %dma_wait3A_186] : memref<153600x128xf32, #tpu.memory_space<hbm>> -> memref<40x128xf32, #tpu.memory_space<hbm>>
    tpu.wait_dma2 semaphore(%arg22 : memref<!tpu.dma_semaphore, #tpu.memory_space<semaphore_mem>>) src(%arg14 : memref<40x128xf32, #tpu.memory_space<vmem>>) dst(%dma_wait3A_187 : memref<40x128xf32, #tpu.memory_space<hbm>>)
    %barrier3A_188 = arith.constant 0 : index
    tpu.barrier barrier_id(%barrier3A_188)
    %mul3A_189 = arith.constant 632 : i32
    %mul3A_190 = arith.muli %arg1, %mul3A_189 : i32
    %mul3A_191 = arith.constant 632 : i32
    %mul3A_192 = arith.muli %arg1, %mul3A_191 : i32
    "tpu.region"() ({
      %run_scoped3A = tpu.sem_alloc : memref<!tpu.dma_semaphore, #tpu.memory_space<semaphore_mem>>
      %dma_start3A_377 = arith.constant 0 : i32
      %dma_start3A_378 = tpu.memref_slice %arg8[%mul3A_192, %dma_start3A_377] : memref<10112x128xf32, #tpu.memory_space<vmem_shared>> -> memref<632x128xf32, #tpu.memory_space<vmem_shared>>
      %dma_start3A_379 = arith.constant 0 : i32
      %dma_start3A_380 = tpu.memref_slice %arg3[%mul3A_190, %dma_start3A_379] : memref<10112x128xf32, #tpu.memory_space<hbm>> -> memref<632x128xf32, #tpu.memory_space<hbm>>
      tpu.enqueue_dma source(%dma_start3A_380 : memref<632x128xf32, #tpu.memory_space<hbm>>) target(%dma_start3A_378 : memref<632x128xf32, #tpu.memory_space<vmem_shared>>) target_semaphore(%run_scoped3A : memref<!tpu.dma_semaphore, #tpu.memory_space<semaphore_mem>>)
      %dma_wait3A_381 = arith.constant 0 : i32
      %dma_wait3A_382 = tpu.memref_slice %arg8[%mul3A_192, %dma_wait3A_381] : memref<10112x128xf32, #tpu.memory_space<vmem_shared>> -> memref<632x128xf32, #tpu.memory_space<vmem_shared>>
      %dma_wait3A_383 = arith.constant 0 : i32
      %dma_wait3A_384 = tpu.memref_slice %arg3[%mul3A_190, %dma_wait3A_383] : memref<10112x128xf32, #tpu.memory_space<hbm>> -> memref<632x128xf32, #tpu.memory_space<hbm>>
      tpu.wait_dma2 semaphore(%run_scoped3A : memref<!tpu.dma_semaphore, #tpu.memory_space<semaphore_mem>>) src(%dma_wait3A_384 : memref<632x128xf32, #tpu.memory_space<hbm>>) dst(%dma_wait3A_382 : memref<632x128xf32, #tpu.memory_space<vmem_shared>>)
      tpu.yield
    }) : () -> ()
    %barrier3A_193 = arith.constant 0 : index
    tpu.barrier barrier_id(%barrier3A_193)
    %dma_start3A_194 = arith.constant 0 : i32
    %dma_start3A_195 = tpu.memref_slice %arg10[%dma_start3A_194] : memref<4800xi32, #tpu.memory_space<vmem>> -> memref<40xi32, #tpu.memory_space<vmem>>
    %dma_start3A_196 = arith.constant 0 : i32
    %dma_start3A_197 = arith.constant 0 : i32
    %dma_start3A_198 = tpu.memref_slice %arg8[%dma_start3A_196, %dma_start3A_197] : memref<10112x128xf32, #tpu.memory_space<vmem_shared>> -> memref<10112x128xf32, #tpu.memory_space<vmem_shared>>
    tpu.enqueue_indirect_dma source(%dma_start3A_198 : memref<10112x128xf32, #tpu.memory_space<vmem_shared>>) target(%arg11 : memref<40x128xf32, #tpu.memory_space<vmem>>) offsets(%dma_start3A_195 : memref<40xi32, #tpu.memory_space<vmem>>) semaphore(%arg15 : memref<!tpu.dma_semaphore, #tpu.memory_space<semaphore_mem>>)
    %dma_start3A_199 = arith.constant 40 : i32
    %dma_start3A_200 = tpu.memref_slice %arg10[%dma_start3A_199] : memref<4800xi32, #tpu.memory_space<vmem>> -> memref<40xi32, #tpu.memory_space<vmem>>
    %dma_start3A_201 = arith.constant 0 : i32
    %dma_start3A_202 = arith.constant 0 : i32
    %dma_start3A_203 = tpu.memref_slice %arg8[%dma_start3A_201, %dma_start3A_202] : memref<10112x128xf32, #tpu.memory_space<vmem_shared>> -> memref<10112x128xf32, #tpu.memory_space<vmem_shared>>
    tpu.enqueue_indirect_dma source(%dma_start3A_203 : memref<10112x128xf32, #tpu.memory_space<vmem_shared>>) target(%arg12 : memref<40x128xf32, #tpu.memory_space<vmem>>) offsets(%dma_start3A_200 : memref<40xi32, #tpu.memory_space<vmem>>) semaphore(%arg16 : memref<!tpu.dma_semaphore, #tpu.memory_space<semaphore_mem>>)
    %dma_start3A_204 = arith.constant 80 : i32
    %dma_start3A_205 = tpu.memref_slice %arg10[%dma_start3A_204] : memref<4800xi32, #tpu.memory_space<vmem>> -> memref<40xi32, #tpu.memory_space<vmem>>
    %dma_start3A_206 = arith.constant 0 : i32
    %dma_start3A_207 = arith.constant 0 : i32
    %dma_start3A_208 = tpu.memref_slice %arg8[%dma_start3A_206, %dma_start3A_207] : memref<10112x128xf32, #tpu.memory_space<vmem_shared>> -> memref<10112x128xf32, #tpu.memory_space<vmem_shared>>
    tpu.enqueue_indirect_dma source(%dma_start3A_208 : memref<10112x128xf32, #tpu.memory_space<vmem_shared>>) target(%arg13 : memref<40x128xf32, #tpu.memory_space<vmem>>) offsets(%dma_start3A_205 : memref<40xi32, #tpu.memory_space<vmem>>) semaphore(%arg17 : memref<!tpu.dma_semaphore, #tpu.memory_space<semaphore_mem>>)
    %dma_wait3A_209 = arith.constant 0 : i32
    %dma_wait3A_210 = tpu.memref_slice %arg10[%dma_wait3A_209] : memref<4800xi32, #tpu.memory_space<vmem>> -> memref<40xi32, #tpu.memory_space<vmem>>
    %dma_wait3A_211 = arith.constant 0 : i32
    %dma_wait3A_212 = arith.constant 0 : i32
    %dma_wait3A_213 = tpu.memref_slice %arg8[%dma_wait3A_211, %dma_wait3A_212] : memref<10112x128xf32, #tpu.memory_space<vmem_shared>> -> memref<10112x128xf32, #tpu.memory_space<vmem_shared>>
    tpu.wait_indirect_dma semaphore(%arg15 : memref<!tpu.dma_semaphore, #tpu.memory_space<semaphore_mem>>) src(%dma_wait3A_213 : memref<10112x128xf32, #tpu.memory_space<vmem_shared>>) dst(%arg11 : memref<40x128xf32, #tpu.memory_space<vmem>>)
    %add3A_214 = arith.constant 0 : i32
    %add3A_215 = arith.addi %mul3A_2, %add3A_214 : i32
    %dma_start3A_216 = arith.constant 0 : i32
    %dma_start3A_217 = tpu.memref_slice %arg7[%add3A_215, %dma_start3A_216] : memref<153600x128xf32, #tpu.memory_space<hbm>> -> memref<40x128xf32, #tpu.memory_space<hbm>>
    %dma_start3A_218 = arith.constant 0 : i32
    %dma_start3A_219 = tpu.memref_slice %arg7[%add3A_215, %dma_start3A_218] : memref<153600x128xf32, #tpu.memory_space<hbm>> -> memref<40x128xf32, #tpu.memory_space<hbm>>
    tpu.enqueue_dma source(%arg11 : memref<40x128xf32, #tpu.memory_space<vmem>>) target(%dma_start3A_219 : memref<40x128xf32, #tpu.memory_space<hbm>>) target_semaphore(%arg19 : memref<!tpu.dma_semaphore, #tpu.memory_space<semaphore_mem>>)
    %dma_start3A_220 = arith.constant 120 : i32
    %dma_start3A_221 = tpu.memref_slice %arg10[%dma_start3A_220] : memref<4800xi32, #tpu.memory_space<vmem>> -> memref<40xi32, #tpu.memory_space<vmem>>
    %dma_start3A_222 = arith.constant 0 : i32
    %dma_start3A_223 = arith.constant 0 : i32
    %dma_start3A_224 = tpu.memref_slice %arg8[%dma_start3A_222, %dma_start3A_223] : memref<10112x128xf32, #tpu.memory_space<vmem_shared>> -> memref<10112x128xf32, #tpu.memory_space<vmem_shared>>
    tpu.enqueue_indirect_dma source(%dma_start3A_224 : memref<10112x128xf32, #tpu.memory_space<vmem_shared>>) target(%arg14 : memref<40x128xf32, #tpu.memory_space<vmem>>) offsets(%dma_start3A_221 : memref<40xi32, #tpu.memory_space<vmem>>) semaphore(%arg18 : memref<!tpu.dma_semaphore, #tpu.memory_space<semaphore_mem>>)
    %dma_wait3A_225 = arith.constant 40 : i32
    %dma_wait3A_226 = tpu.memref_slice %arg10[%dma_wait3A_225] : memref<4800xi32, #tpu.memory_space<vmem>> -> memref<40xi32, #tpu.memory_space<vmem>>
    %dma_wait3A_227 = arith.constant 0 : i32
    %dma_wait3A_228 = arith.constant 0 : i32
    %dma_wait3A_229 = tpu.memref_slice %arg8[%dma_wait3A_227, %dma_wait3A_228] : memref<10112x128xf32, #tpu.memory_space<vmem_shared>> -> memref<10112x128xf32, #tpu.memory_space<vmem_shared>>
    tpu.wait_indirect_dma semaphore(%arg16 : memref<!tpu.dma_semaphore, #tpu.memory_space<semaphore_mem>>) src(%dma_wait3A_229 : memref<10112x128xf32, #tpu.memory_space<vmem_shared>>) dst(%arg12 : memref<40x128xf32, #tpu.memory_space<vmem>>)
    %add3A_230 = arith.constant 40 : i32
    %add3A_231 = arith.addi %mul3A_2, %add3A_230 : i32
    %dma_start3A_232 = arith.constant 0 : i32
    %dma_start3A_233 = tpu.memref_slice %arg7[%add3A_231, %dma_start3A_232] : memref<153600x128xf32, #tpu.memory_space<hbm>> -> memref<40x128xf32, #tpu.memory_space<hbm>>
    %dma_start3A_234 = arith.constant 0 : i32
    %dma_start3A_235 = tpu.memref_slice %arg7[%add3A_231, %dma_start3A_234] : memref<153600x128xf32, #tpu.memory_space<hbm>> -> memref<40x128xf32, #tpu.memory_space<hbm>>
    tpu.enqueue_dma source(%arg12 : memref<40x128xf32, #tpu.memory_space<vmem>>) target(%dma_start3A_235 : memref<40x128xf32, #tpu.memory_space<hbm>>) target_semaphore(%arg20 : memref<!tpu.dma_semaphore, #tpu.memory_space<semaphore_mem>>)
    %add3A_236 = arith.constant 0 : i32
    %add3A_237 = arith.addi %mul3A_2, %add3A_236 : i32
    %dma_wait3A_238 = arith.constant 0 : i32
    %dma_wait3A_239 = tpu.memref_slice %arg7[%add3A_237, %dma_wait3A_238] : memref<153600x128xf32, #tpu.memory_space<hbm>> -> memref<40x128xf32, #tpu.memory_space<hbm>>
    %dma_wait3A_240 = arith.constant 0 : i32
    %dma_wait3A_241 = tpu.memref_slice %arg7[%add3A_237, %dma_wait3A_240] : memref<153600x128xf32, #tpu.memory_space<hbm>> -> memref<40x128xf32, #tpu.memory_space<hbm>>
    tpu.wait_dma2 semaphore(%arg19 : memref<!tpu.dma_semaphore, #tpu.memory_space<semaphore_mem>>) src(%arg11 : memref<40x128xf32, #tpu.memory_space<vmem>>) dst(%dma_wait3A_241 : memref<40x128xf32, #tpu.memory_space<hbm>>)
    %dma_start3A_242 = arith.constant 160 : i32
    %dma_start3A_243 = tpu.memref_slice %arg10[%dma_start3A_242] : memref<4800xi32, #tpu.memory_space<vmem>> -> memref<40xi32, #tpu.memory_space<vmem>>
    %dma_start3A_244 = arith.constant 0 : i32
    %dma_start3A_245 = arith.constant 0 : i32
    %dma_start3A_246 = tpu.memref_slice %arg8[%dma_start3A_244, %dma_start3A_245] : memref<10112x128xf32, #tpu.memory_space<vmem_shared>> -> memref<10112x128xf32, #tpu.memory_space<vmem_shared>>
    tpu.enqueue_indirect_dma source(%dma_start3A_246 : memref<10112x128xf32, #tpu.memory_space<vmem_shared>>) target(%arg11 : memref<40x128xf32, #tpu.memory_space<vmem>>) offsets(%dma_start3A_243 : memref<40xi32, #tpu.memory_space<vmem>>) semaphore(%arg15 : memref<!tpu.dma_semaphore, #tpu.memory_space<semaphore_mem>>)
    %scan3A_247 = arith.constant 0 : i32
    %scan3A_248 = arith.constant 0 : i32
    %scan3A_249 = arith.constant 28 : i32
    %scan3A_250 = arith.addi %scan3A_248, %scan3A_249 : i32
    %scan3A_251 = arith.constant 1 : i32
    scf.for %scan3A_377 = %scan3A_248 to %scan3A_250 step %scan3A_251  : i32 {
      %mul3A_378 = arith.constant 4 : i32
      %mul3A_379 = arith.muli %mul3A_378, %scan3A_377 : i32
      %add3A_380 = arith.constant 2 : i32
      %add3A_381 = arith.addi %mul3A_379, %add3A_380 : i32
      %add3A_382 = arith.constant 0 : i32
      %add3A_383 = arith.addi %add3A_381, %add3A_382 : i32
      %mul3A_384 = arith.constant 40 : i32
      %mul3A_385 = arith.muli %add3A_383, %mul3A_384 : i32
      %dma_wait3A_386 = tpu.memref_slice %arg10[%mul3A_385] : memref<4800xi32, #tpu.memory_space<vmem>> -> memref<40xi32, #tpu.memory_space<vmem>>
      %dma_wait3A_387 = arith.constant 0 : i32
      %dma_wait3A_388 = arith.constant 0 : i32
      %dma_wait3A_389 = tpu.memref_slice %arg8[%dma_wait3A_387, %dma_wait3A_388] : memref<10112x128xf32, #tpu.memory_space<vmem_shared>> -> memref<10112x128xf32, #tpu.memory_space<vmem_shared>>
      tpu.wait_indirect_dma semaphore(%arg17 : memref<!tpu.dma_semaphore, #tpu.memory_space<semaphore_mem>>) src(%dma_wait3A_389 : memref<10112x128xf32, #tpu.memory_space<vmem_shared>>) dst(%arg13 : memref<40x128xf32, #tpu.memory_space<vmem>>)
      %mul3A_390 = arith.constant 40 : i32
      %mul3A_391 = arith.muli %add3A_383, %mul3A_390 : i32
      %add3A_392 = arith.addi %mul3A_2, %mul3A_391 : i32
      %dma_start3A_393 = arith.constant 0 : i32
      %dma_start3A_394 = tpu.memref_slice %arg7[%add3A_392, %dma_start3A_393] : memref<153600x128xf32, #tpu.memory_space<hbm>> -> memref<40x128xf32, #tpu.memory_space<hbm>>
      %dma_start3A_395 = arith.constant 0 : i32
      %dma_start3A_396 = tpu.memref_slice %arg7[%add3A_392, %dma_start3A_395] : memref<153600x128xf32, #tpu.memory_space<hbm>> -> memref<40x128xf32, #tpu.memory_space<hbm>>
      tpu.enqueue_dma source(%arg13 : memref<40x128xf32, #tpu.memory_space<vmem>>) target(%dma_start3A_396 : memref<40x128xf32, #tpu.memory_space<hbm>>) target_semaphore(%arg21 : memref<!tpu.dma_semaphore, #tpu.memory_space<semaphore_mem>>)
      %sub3A = arith.constant 1 : i32
      %sub3A_397 = arith.subi %add3A_383, %sub3A : i32
      %mul3A_398 = arith.constant 40 : i32
      %mul3A_399 = arith.muli %sub3A_397, %mul3A_398 : i32
      %add3A_400 = arith.addi %mul3A_2, %mul3A_399 : i32
      %dma_wait3A_401 = arith.constant 0 : i32
      %dma_wait3A_402 = tpu.memref_slice %arg7[%add3A_400, %dma_wait3A_401] : memref<153600x128xf32, #tpu.memory_space<hbm>> -> memref<40x128xf32, #tpu.memory_space<hbm>>
      %dma_wait3A_403 = arith.constant 0 : i32
      %dma_wait3A_404 = tpu.memref_slice %arg7[%add3A_400, %dma_wait3A_403] : memref<153600x128xf32, #tpu.memory_space<hbm>> -> memref<40x128xf32, #tpu.memory_space<hbm>>
      tpu.wait_dma2 semaphore(%arg20 : memref<!tpu.dma_semaphore, #tpu.memory_space<semaphore_mem>>) src(%arg12 : memref<40x128xf32, #tpu.memory_space<vmem>>) dst(%dma_wait3A_404 : memref<40x128xf32, #tpu.memory_space<hbm>>)
      %add3A_405 = arith.constant 3 : i32
      %add3A_406 = arith.addi %add3A_383, %add3A_405 : i32
      %mul3A_407 = arith.constant 40 : i32
      %mul3A_408 = arith.muli %add3A_406, %mul3A_407 : i32
      %dma_start3A_409 = tpu.memref_slice %arg10[%mul3A_408] : memref<4800xi32, #tpu.memory_space<vmem>> -> memref<40xi32, #tpu.memory_space<vmem>>
      %dma_start3A_410 = arith.constant 0 : i32
      %dma_start3A_411 = arith.constant 0 : i32
      %dma_start3A_412 = tpu.memref_slice %arg8[%dma_start3A_410, %dma_start3A_411] : memref<10112x128xf32, #tpu.memory_space<vmem_shared>> -> memref<10112x128xf32, #tpu.memory_space<vmem_shared>>
      tpu.enqueue_indirect_dma source(%dma_start3A_412 : memref<10112x128xf32, #tpu.memory_space<vmem_shared>>) target(%arg12 : memref<40x128xf32, #tpu.memory_space<vmem>>) offsets(%dma_start3A_409 : memref<40xi32, #tpu.memory_space<vmem>>) semaphore(%arg16 : memref<!tpu.dma_semaphore, #tpu.memory_space<semaphore_mem>>)
      %mul3A_413 = arith.constant 4 : i32
      %mul3A_414 = arith.muli %mul3A_413, %scan3A_377 : i32
      %add3A_415 = arith.constant 2 : i32
      %add3A_416 = arith.addi %mul3A_414, %add3A_415 : i32
      %add3A_417 = arith.constant 1 : i32
      %add3A_418 = arith.addi %add3A_416, %add3A_417 : i32
      %mul3A_419 = arith.constant 40 : i32
      %mul3A_420 = arith.muli %add3A_418, %mul3A_419 : i32
      %dma_wait3A_421 = tpu.memref_slice %arg10[%mul3A_420] : memref<4800xi32, #tpu.memory_space<vmem>> -> memref<40xi32, #tpu.memory_space<vmem>>
      %dma_wait3A_422 = arith.constant 0 : i32
      %dma_wait3A_423 = arith.constant 0 : i32
      %dma_wait3A_424 = tpu.memref_slice %arg8[%dma_wait3A_422, %dma_wait3A_423] : memref<10112x128xf32, #tpu.memory_space<vmem_shared>> -> memref<10112x128xf32, #tpu.memory_space<vmem_shared>>
      tpu.wait_indirect_dma semaphore(%arg18 : memref<!tpu.dma_semaphore, #tpu.memory_space<semaphore_mem>>) src(%dma_wait3A_424 : memref<10112x128xf32, #tpu.memory_space<vmem_shared>>) dst(%arg14 : memref<40x128xf32, #tpu.memory_space<vmem>>)
      %mul3A_425 = arith.constant 40 : i32
      %mul3A_426 = arith.muli %add3A_418, %mul3A_425 : i32
      %add3A_427 = arith.addi %mul3A_2, %mul3A_426 : i32
      %dma_start3A_428 = arith.constant 0 : i32
      %dma_start3A_429 = tpu.memref_slice %arg7[%add3A_427, %dma_start3A_428] : memref<153600x128xf32, #tpu.memory_space<hbm>> -> memref<40x128xf32, #tpu.memory_space<hbm>>
      %dma_start3A_430 = arith.constant 0 : i32
      %dma_start3A_431 = tpu.memref_slice %arg7[%add3A_427, %dma_start3A_430] : memref<153600x128xf32, #tpu.memory_space<hbm>> -> memref<40x128xf32, #tpu.memory_space<hbm>>
      tpu.enqueue_dma source(%arg14 : memref<40x128xf32, #tpu.memory_space<vmem>>) target(%dma_start3A_431 : memref<40x128xf32, #tpu.memory_space<hbm>>) target_semaphore(%arg22 : memref<!tpu.dma_semaphore, #tpu.memory_space<semaphore_mem>>)
      %sub3A_432 = arith.constant 1 : i32
      %sub3A_433 = arith.subi %add3A_418, %sub3A_432 : i32
      %mul3A_434 = arith.constant 40 : i32
      %mul3A_435 = arith.muli %sub3A_433, %mul3A_434 : i32
      %add3A_436 = arith.addi %mul3A_2, %mul3A_435 : i32
      %dma_wait3A_437 = arith.constant 0 : i32
      %dma_wait3A_438 = tpu.memref_slice %arg7[%add3A_436, %dma_wait3A_437] : memref<153600x128xf32, #tpu.memory_space<hbm>> -> memref<40x128xf32, #tpu.memory_space<hbm>>
      %dma_wait3A_439 = arith.constant 0 : i32
      %dma_wait3A_440 = tpu.memref_slice %arg7[%add3A_436, %dma_wait3A_439] : memref<153600x128xf32, #tpu.memory_space<hbm>> -> memref<40x128xf32, #tpu.memory_space<hbm>>
      tpu.wait_dma2 semaphore(%arg21 : memref<!tpu.dma_semaphore, #tpu.memory_space<semaphore_mem>>) src(%arg13 : memref<40x128xf32, #tpu.memory_space<vmem>>) dst(%dma_wait3A_440 : memref<40x128xf32, #tpu.memory_space<hbm>>)
      %add3A_441 = arith.constant 3 : i32
      %add3A_442 = arith.addi %add3A_418, %add3A_441 : i32
      %mul3A_443 = arith.constant 40 : i32
      %mul3A_444 = arith.muli %add3A_442, %mul3A_443 : i32
      %dma_start3A_445 = tpu.memref_slice %arg10[%mul3A_444] : memref<4800xi32, #tpu.memory_space<vmem>> -> memref<40xi32, #tpu.memory_space<vmem>>
      %dma_start3A_446 = arith.constant 0 : i32
      %dma_start3A_447 = arith.constant 0 : i32
      %dma_start3A_448 = tpu.memref_slice %arg8[%dma_start3A_446, %dma_start3A_447] : memref<10112x128xf32, #tpu.memory_space<vmem_shared>> -> memref<10112x128xf32, #tpu.memory_space<vmem_shared>>
      tpu.enqueue_indirect_dma source(%dma_start3A_448 : memref<10112x128xf32, #tpu.memory_space<vmem_shared>>) target(%arg13 : memref<40x128xf32, #tpu.memory_space<vmem>>) offsets(%dma_start3A_445 : memref<40xi32, #tpu.memory_space<vmem>>) semaphore(%arg17 : memref<!tpu.dma_semaphore, #tpu.memory_space<semaphore_mem>>)
      %mul3A_449 = arith.constant 4 : i32
      %mul3A_450 = arith.muli %mul3A_449, %scan3A_377 : i32
      %add3A_451 = arith.constant 2 : i32
      %add3A_452 = arith.addi %mul3A_450, %add3A_451 : i32
      %add3A_453 = arith.constant 2 : i32
      %add3A_454 = arith.addi %add3A_452, %add3A_453 : i32
      %mul3A_455 = arith.constant 40 : i32
      %mul3A_456 = arith.muli %add3A_454, %mul3A_455 : i32
      %dma_wait3A_457 = tpu.memref_slice %arg10[%mul3A_456] : memref<4800xi32, #tpu.memory_space<vmem>> -> memref<40xi32, #tpu.memory_space<vmem>>
      %dma_wait3A_458 = arith.constant 0 : i32
      %dma_wait3A_459 = arith.constant 0 : i32
      %dma_wait3A_460 = tpu.memref_slice %arg8[%dma_wait3A_458, %dma_wait3A_459] : memref<10112x128xf32, #tpu.memory_space<vmem_shared>> -> memref<10112x128xf32, #tpu.memory_space<vmem_shared>>
      tpu.wait_indirect_dma semaphore(%arg15 : memref<!tpu.dma_semaphore, #tpu.memory_space<semaphore_mem>>) src(%dma_wait3A_460 : memref<10112x128xf32, #tpu.memory_space<vmem_shared>>) dst(%arg11 : memref<40x128xf32, #tpu.memory_space<vmem>>)
      %mul3A_461 = arith.constant 40 : i32
      %mul3A_462 = arith.muli %add3A_454, %mul3A_461 : i32
      %add3A_463 = arith.addi %mul3A_2, %mul3A_462 : i32
      %dma_start3A_464 = arith.constant 0 : i32
      %dma_start3A_465 = tpu.memref_slice %arg7[%add3A_463, %dma_start3A_464] : memref<153600x128xf32, #tpu.memory_space<hbm>> -> memref<40x128xf32, #tpu.memory_space<hbm>>
      %dma_start3A_466 = arith.constant 0 : i32
      %dma_start3A_467 = tpu.memref_slice %arg7[%add3A_463, %dma_start3A_466] : memref<153600x128xf32, #tpu.memory_space<hbm>> -> memref<40x128xf32, #tpu.memory_space<hbm>>
      tpu.enqueue_dma source(%arg11 : memref<40x128xf32, #tpu.memory_space<vmem>>) target(%dma_start3A_467 : memref<40x128xf32, #tpu.memory_space<hbm>>) target_semaphore(%arg19 : memref<!tpu.dma_semaphore, #tpu.memory_space<semaphore_mem>>)
      %sub3A_468 = arith.constant 1 : i32
      %sub3A_469 = arith.subi %add3A_454, %sub3A_468 : i32
      %mul3A_470 = arith.constant 40 : i32
      %mul3A_471 = arith.muli %sub3A_469, %mul3A_470 : i32
      %add3A_472 = arith.addi %mul3A_2, %mul3A_471 : i32
      %dma_wait3A_473 = arith.constant 0 : i32
      %dma_wait3A_474 = tpu.memref_slice %arg7[%add3A_472, %dma_wait3A_473] : memref<153600x128xf32, #tpu.memory_space<hbm>> -> memref<40x128xf32, #tpu.memory_space<hbm>>
      %dma_wait3A_475 = arith.constant 0 : i32
      %dma_wait3A_476 = tpu.memref_slice %arg7[%add3A_472, %dma_wait3A_475] : memref<153600x128xf32, #tpu.memory_space<hbm>> -> memref<40x128xf32, #tpu.memory_space<hbm>>
      tpu.wait_dma2 semaphore(%arg22 : memref<!tpu.dma_semaphore, #tpu.memory_space<semaphore_mem>>) src(%arg14 : memref<40x128xf32, #tpu.memory_space<vmem>>) dst(%dma_wait3A_476 : memref<40x128xf32, #tpu.memory_space<hbm>>)
      %add3A_477 = arith.constant 3 : i32
      %add3A_478 = arith.addi %add3A_454, %add3A_477 : i32
      %mul3A_479 = arith.constant 40 : i32
      %mul3A_480 = arith.muli %add3A_478, %mul3A_479 : i32
      %dma_start3A_481 = tpu.memref_slice %arg10[%mul3A_480] : memref<4800xi32, #tpu.memory_space<vmem>> -> memref<40xi32, #tpu.memory_space<vmem>>
      %dma_start3A_482 = arith.constant 0 : i32
      %dma_start3A_483 = arith.constant 0 : i32
      %dma_start3A_484 = tpu.memref_slice %arg8[%dma_start3A_482, %dma_start3A_483] : memref<10112x128xf32, #tpu.memory_space<vmem_shared>> -> memref<10112x128xf32, #tpu.memory_space<vmem_shared>>
      tpu.enqueue_indirect_dma source(%dma_start3A_484 : memref<10112x128xf32, #tpu.memory_space<vmem_shared>>) target(%arg14 : memref<40x128xf32, #tpu.memory_space<vmem>>) offsets(%dma_start3A_481 : memref<40xi32, #tpu.memory_space<vmem>>) semaphore(%arg18 : memref<!tpu.dma_semaphore, #tpu.memory_space<semaphore_mem>>)
      %mul3A_485 = arith.constant 4 : i32
      %mul3A_486 = arith.muli %mul3A_485, %scan3A_377 : i32
      %add3A_487 = arith.constant 2 : i32
      %add3A_488 = arith.addi %mul3A_486, %add3A_487 : i32
      %add3A_489 = arith.constant 3 : i32
      %add3A_490 = arith.addi %add3A_488, %add3A_489 : i32
      %mul3A_491 = arith.constant 40 : i32
      %mul3A_492 = arith.muli %add3A_490, %mul3A_491 : i32
      %dma_wait3A_493 = tpu.memref_slice %arg10[%mul3A_492] : memref<4800xi32, #tpu.memory_space<vmem>> -> memref<40xi32, #tpu.memory_space<vmem>>
      %dma_wait3A_494 = arith.constant 0 : i32
      %dma_wait3A_495 = arith.constant 0 : i32
      %dma_wait3A_496 = tpu.memref_slice %arg8[%dma_wait3A_494, %dma_wait3A_495] : memref<10112x128xf32, #tpu.memory_space<vmem_shared>> -> memref<10112x128xf32, #tpu.memory_space<vmem_shared>>
      tpu.wait_indirect_dma semaphore(%arg16 : memref<!tpu.dma_semaphore, #tpu.memory_space<semaphore_mem>>) src(%dma_wait3A_496 : memref<10112x128xf32, #tpu.memory_space<vmem_shared>>) dst(%arg12 : memref<40x128xf32, #tpu.memory_space<vmem>>)
      %mul3A_497 = arith.constant 40 : i32
      %mul3A_498 = arith.muli %add3A_490, %mul3A_497 : i32
      %add3A_499 = arith.addi %mul3A_2, %mul3A_498 : i32
      %dma_start3A_500 = arith.constant 0 : i32
      %dma_start3A_501 = tpu.memref_slice %arg7[%add3A_499, %dma_start3A_500] : memref<153600x128xf32, #tpu.memory_space<hbm>> -> memref<40x128xf32, #tpu.memory_space<hbm>>
      %dma_start3A_502 = arith.constant 0 : i32
      %dma_start3A_503 = tpu.memref_slice %arg7[%add3A_499, %dma_start3A_502] : memref<153600x128xf32, #tpu.memory_space<hbm>> -> memref<40x128xf32, #tpu.memory_space<hbm>>
      tpu.enqueue_dma source(%arg12 : memref<40x128xf32, #tpu.memory_space<vmem>>) target(%dma_start3A_503 : memref<40x128xf32, #tpu.memory_space<hbm>>) target_semaphore(%arg20 : memref<!tpu.dma_semaphore, #tpu.memory_space<semaphore_mem>>)
      %sub3A_504 = arith.constant 1 : i32
      %sub3A_505 = arith.subi %add3A_490, %sub3A_504 : i32
      %mul3A_506 = arith.constant 40 : i32
      %mul3A_507 = arith.muli %sub3A_505, %mul3A_506 : i32
      %add3A_508 = arith.addi %mul3A_2, %mul3A_507 : i32
      %dma_wait3A_509 = arith.constant 0 : i32
      %dma_wait3A_510 = tpu.memref_slice %arg7[%add3A_508, %dma_wait3A_509] : memref<153600x128xf32, #tpu.memory_space<hbm>> -> memref<40x128xf32, #tpu.memory_space<hbm>>
      %dma_wait3A_511 = arith.constant 0 : i32
      %dma_wait3A_512 = tpu.memref_slice %arg7[%add3A_508, %dma_wait3A_511] : memref<153600x128xf32, #tpu.memory_space<hbm>> -> memref<40x128xf32, #tpu.memory_space<hbm>>
      tpu.wait_dma2 semaphore(%arg19 : memref<!tpu.dma_semaphore, #tpu.memory_space<semaphore_mem>>) src(%arg11 : memref<40x128xf32, #tpu.memory_space<vmem>>) dst(%dma_wait3A_512 : memref<40x128xf32, #tpu.memory_space<hbm>>)
      %add3A_513 = arith.constant 3 : i32
      %add3A_514 = arith.addi %add3A_490, %add3A_513 : i32
      %mul3A_515 = arith.constant 40 : i32
      %mul3A_516 = arith.muli %add3A_514, %mul3A_515 : i32
      %dma_start3A_517 = tpu.memref_slice %arg10[%mul3A_516] : memref<4800xi32, #tpu.memory_space<vmem>> -> memref<40xi32, #tpu.memory_space<vmem>>
      %dma_start3A_518 = arith.constant 0 : i32
      %dma_start3A_519 = arith.constant 0 : i32
      %dma_start3A_520 = tpu.memref_slice %arg8[%dma_start3A_518, %dma_start3A_519] : memref<10112x128xf32, #tpu.memory_space<vmem_shared>> -> memref<10112x128xf32, #tpu.memory_space<vmem_shared>>
      tpu.enqueue_indirect_dma source(%dma_start3A_520 : memref<10112x128xf32, #tpu.memory_space<vmem_shared>>) target(%arg11 : memref<40x128xf32, #tpu.memory_space<vmem>>) offsets(%dma_start3A_517 : memref<40xi32, #tpu.memory_space<vmem>>) semaphore(%arg15 : memref<!tpu.dma_semaphore, #tpu.memory_space<semaphore_mem>>)
    }
    %scan3A_252 = arith.constant 28 : i32
    %dma_wait3A_253 = arith.constant 4560 : i32
    %dma_wait3A_254 = tpu.memref_slice %arg10[%dma_wait3A_253] : memref<4800xi32, #tpu.memory_space<vmem>> -> memref<40xi32, #tpu.memory_space<vmem>>
    %dma_wait3A_255 = arith.constant 0 : i32
    %dma_wait3A_256 = arith.constant 0 : i32
    %dma_wait3A_257 = tpu.memref_slice %arg8[%dma_wait3A_255, %dma_wait3A_256] : memref<10112x128xf32, #tpu.memory_space<vmem_shared>> -> memref<10112x128xf32, #tpu.memory_space<vmem_shared>>
    tpu.wait_indirect_dma semaphore(%arg17 : memref<!tpu.dma_semaphore, #tpu.memory_space<semaphore_mem>>) src(%dma_wait3A_257 : memref<10112x128xf32, #tpu.memory_space<vmem_shared>>) dst(%arg13 : memref<40x128xf32, #tpu.memory_space<vmem>>)
    %add3A_258 = arith.constant 4560 : i32
    %add3A_259 = arith.addi %mul3A_2, %add3A_258 : i32
    %dma_start3A_260 = arith.constant 0 : i32
    %dma_start3A_261 = tpu.memref_slice %arg7[%add3A_259, %dma_start3A_260] : memref<153600x128xf32, #tpu.memory_space<hbm>> -> memref<40x128xf32, #tpu.memory_space<hbm>>
    %dma_start3A_262 = arith.constant 0 : i32
    %dma_start3A_263 = tpu.memref_slice %arg7[%add3A_259, %dma_start3A_262] : memref<153600x128xf32, #tpu.memory_space<hbm>> -> memref<40x128xf32, #tpu.memory_space<hbm>>
    tpu.enqueue_dma source(%arg13 : memref<40x128xf32, #tpu.memory_space<vmem>>) target(%dma_start3A_263 : memref<40x128xf32, #tpu.memory_space<hbm>>) target_semaphore(%arg21 : memref<!tpu.dma_semaphore, #tpu.memory_space<semaphore_mem>>)
    %add3A_264 = arith.constant 4520 : i32
    %add3A_265 = arith.addi %mul3A_2, %add3A_264 : i32
    %dma_wait3A_266 = arith.constant 0 : i32
    %dma_wait3A_267 = tpu.memref_slice %arg7[%add3A_265, %dma_wait3A_266] : memref<153600x128xf32, #tpu.memory_space<hbm>> -> memref<40x128xf32, #tpu.memory_space<hbm>>
    %dma_wait3A_268 = arith.constant 0 : i32
    %dma_wait3A_269 = tpu.memref_slice %arg7[%add3A_265, %dma_wait3A_268] : memref<153600x128xf32, #tpu.memory_space<hbm>> -> memref<40x128xf32, #tpu.memory_space<hbm>>
    tpu.wait_dma2 semaphore(%arg20 : memref<!tpu.dma_semaphore, #tpu.memory_space<semaphore_mem>>) src(%arg12 : memref<40x128xf32, #tpu.memory_space<vmem>>) dst(%dma_wait3A_269 : memref<40x128xf32, #tpu.memory_space<hbm>>)
    %dma_start3A_270 = arith.constant 4680 : i32
    %dma_start3A_271 = tpu.memref_slice %arg10[%dma_start3A_270] : memref<4800xi32, #tpu.memory_space<vmem>> -> memref<40xi32, #tpu.memory_space<vmem>>
    %dma_start3A_272 = arith.constant 0 : i32
    %dma_start3A_273 = arith.constant 0 : i32
    %dma_start3A_274 = tpu.memref_slice %arg8[%dma_start3A_272, %dma_start3A_273] : memref<10112x128xf32, #tpu.memory_space<vmem_shared>> -> memref<10112x128xf32, #tpu.memory_space<vmem_shared>>
    tpu.enqueue_indirect_dma source(%dma_start3A_274 : memref<10112x128xf32, #tpu.memory_space<vmem_shared>>) target(%arg12 : memref<40x128xf32, #tpu.memory_space<vmem>>) offsets(%dma_start3A_271 : memref<40xi32, #tpu.memory_space<vmem>>) semaphore(%arg16 : memref<!tpu.dma_semaphore, #tpu.memory_space<semaphore_mem>>)
    %dma_wait3A_275 = arith.constant 4600 : i32
    %dma_wait3A_276 = tpu.memref_slice %arg10[%dma_wait3A_275] : memref<4800xi32, #tpu.memory_space<vmem>> -> memref<40xi32, #tpu.memory_space<vmem>>
    %dma_wait3A_277 = arith.constant 0 : i32
    %dma_wait3A_278 = arith.constant 0 : i32
    %dma_wait3A_279 = tpu.memref_slice %arg8[%dma_wait3A_277, %dma_wait3A_278] : memref<10112x128xf32, #tpu.memory_space<vmem_shared>> -> memref<10112x128xf32, #tpu.memory_space<vmem_shared>>
    tpu.wait_indirect_dma semaphore(%arg18 : memref<!tpu.dma_semaphore, #tpu.memory_space<semaphore_mem>>) src(%dma_wait3A_279 : memref<10112x128xf32, #tpu.memory_space<vmem_shared>>) dst(%arg14 : memref<40x128xf32, #tpu.memory_space<vmem>>)
    %add3A_280 = arith.constant 4600 : i32
    %add3A_281 = arith.addi %mul3A_2, %add3A_280 : i32
    %dma_start3A_282 = arith.constant 0 : i32
    %dma_start3A_283 = tpu.memref_slice %arg7[%add3A_281, %dma_start3A_282] : memref<153600x128xf32, #tpu.memory_space<hbm>> -> memref<40x128xf32, #tpu.memory_space<hbm>>
    %dma_start3A_284 = arith.constant 0 : i32
    %dma_start3A_285 = tpu.memref_slice %arg7[%add3A_281, %dma_start3A_284] : memref<153600x128xf32, #tpu.memory_space<hbm>> -> memref<40x128xf32, #tpu.memory_space<hbm>>
    tpu.enqueue_dma source(%arg14 : memref<40x128xf32, #tpu.memory_space<vmem>>) target(%dma_start3A_285 : memref<40x128xf32, #tpu.memory_space<hbm>>) target_semaphore(%arg22 : memref<!tpu.dma_semaphore, #tpu.memory_space<semaphore_mem>>)
    %add3A_286 = arith.constant 4560 : i32
    %add3A_287 = arith.addi %mul3A_2, %add3A_286 : i32
    %dma_wait3A_288 = arith.constant 0 : i32
    %dma_wait3A_289 = tpu.memref_slice %arg7[%add3A_287, %dma_wait3A_288] : memref<153600x128xf32, #tpu.memory_space<hbm>> -> memref<40x128xf32, #tpu.memory_space<hbm>>
    %dma_wait3A_290 = arith.constant 0 : i32
    %dma_wait3A_291 = tpu.memref_slice %arg7[%add3A_287, %dma_wait3A_290] : memref<153600x128xf32, #tpu.memory_space<hbm>> -> memref<40x128xf32, #tpu.memory_space<hbm>>
    tpu.wait_dma2 semaphore(%arg21 : memref<!tpu.dma_semaphore, #tpu.memory_space<semaphore_mem>>) src(%arg13 : memref<40x128xf32, #tpu.memory_space<vmem>>) dst(%dma_wait3A_291 : memref<40x128xf32, #tpu.memory_space<hbm>>)
    %dma_start3A_292 = arith.constant 4720 : i32
    %dma_start3A_293 = tpu.memref_slice %arg10[%dma_start3A_292] : memref<4800xi32, #tpu.memory_space<vmem>> -> memref<40xi32, #tpu.memory_space<vmem>>
    %dma_start3A_294 = arith.constant 0 : i32
    %dma_start3A_295 = arith.constant 0 : i32
    %dma_start3A_296 = tpu.memref_slice %arg8[%dma_start3A_294, %dma_start3A_295] : memref<10112x128xf32, #tpu.memory_space<vmem_shared>> -> memref<10112x128xf32, #tpu.memory_space<vmem_shared>>
    tpu.enqueue_indirect_dma source(%dma_start3A_296 : memref<10112x128xf32, #tpu.memory_space<vmem_shared>>) target(%arg13 : memref<40x128xf32, #tpu.memory_space<vmem>>) offsets(%dma_start3A_293 : memref<40xi32, #tpu.memory_space<vmem>>) semaphore(%arg17 : memref<!tpu.dma_semaphore, #tpu.memory_space<semaphore_mem>>)
    %dma_wait3A_297 = arith.constant 4640 : i32
    %dma_wait3A_298 = tpu.memref_slice %arg10[%dma_wait3A_297] : memref<4800xi32, #tpu.memory_space<vmem>> -> memref<40xi32, #tpu.memory_space<vmem>>
    %dma_wait3A_299 = arith.constant 0 : i32
    %dma_wait3A_300 = arith.constant 0 : i32
    %dma_wait3A_301 = tpu.memref_slice %arg8[%dma_wait3A_299, %dma_wait3A_300] : memref<10112x128xf32, #tpu.memory_space<vmem_shared>> -> memref<10112x128xf32, #tpu.memory_space<vmem_shared>>
    tpu.wait_indirect_dma semaphore(%arg15 : memref<!tpu.dma_semaphore, #tpu.memory_space<semaphore_mem>>) src(%dma_wait3A_301 : memref<10112x128xf32, #tpu.memory_space<vmem_shared>>) dst(%arg11 : memref<40x128xf32, #tpu.memory_space<vmem>>)
    %add3A_302 = arith.constant 4640 : i32
    %add3A_303 = arith.addi %mul3A_2, %add3A_302 : i32
    %dma_start3A_304 = arith.constant 0 : i32
    %dma_start3A_305 = tpu.memref_slice %arg7[%add3A_303, %dma_start3A_304] : memref<153600x128xf32, #tpu.memory_space<hbm>> -> memref<40x128xf32, #tpu.memory_space<hbm>>
    %dma_start3A_306 = arith.constant 0 : i32
    %dma_start3A_307 = tpu.memref_slice %arg7[%add3A_303, %dma_start3A_306] : memref<153600x128xf32, #tpu.memory_space<hbm>> -> memref<40x128xf32, #tpu.memory_space<hbm>>
    tpu.enqueue_dma source(%arg11 : memref<40x128xf32, #tpu.memory_space<vmem>>) target(%dma_start3A_307 : memref<40x128xf32, #tpu.memory_space<hbm>>) target_semaphore(%arg19 : memref<!tpu.dma_semaphore, #tpu.memory_space<semaphore_mem>>)
    %add3A_308 = arith.constant 4600 : i32
    %add3A_309 = arith.addi %mul3A_2, %add3A_308 : i32
    %dma_wait3A_310 = arith.constant 0 : i32
    %dma_wait3A_311 = tpu.memref_slice %arg7[%add3A_309, %dma_wait3A_310] : memref<153600x128xf32, #tpu.memory_space<hbm>> -> memref<40x128xf32, #tpu.memory_space<hbm>>
    %dma_wait3A_312 = arith.constant 0 : i32
    %dma_wait3A_313 = tpu.memref_slice %arg7[%add3A_309, %dma_wait3A_312] : memref<153600x128xf32, #tpu.memory_space<hbm>> -> memref<40x128xf32, #tpu.memory_space<hbm>>
    tpu.wait_dma2 semaphore(%arg22 : memref<!tpu.dma_semaphore, #tpu.memory_space<semaphore_mem>>) src(%arg14 : memref<40x128xf32, #tpu.memory_space<vmem>>) dst(%dma_wait3A_313 : memref<40x128xf32, #tpu.memory_space<hbm>>)
    %dma_start3A_314 = arith.constant 4760 : i32
    %dma_start3A_315 = tpu.memref_slice %arg10[%dma_start3A_314] : memref<4800xi32, #tpu.memory_space<vmem>> -> memref<40xi32, #tpu.memory_space<vmem>>
    %dma_start3A_316 = arith.constant 0 : i32
    %dma_start3A_317 = arith.constant 0 : i32
    %dma_start3A_318 = tpu.memref_slice %arg8[%dma_start3A_316, %dma_start3A_317] : memref<10112x128xf32, #tpu.memory_space<vmem_shared>> -> memref<10112x128xf32, #tpu.memory_space<vmem_shared>>
    tpu.enqueue_indirect_dma source(%dma_start3A_318 : memref<10112x128xf32, #tpu.memory_space<vmem_shared>>) target(%arg14 : memref<40x128xf32, #tpu.memory_space<vmem>>) offsets(%dma_start3A_315 : memref<40xi32, #tpu.memory_space<vmem>>) semaphore(%arg18 : memref<!tpu.dma_semaphore, #tpu.memory_space<semaphore_mem>>)
    %dma_wait3A_319 = arith.constant 4680 : i32
    %dma_wait3A_320 = tpu.memref_slice %arg10[%dma_wait3A_319] : memref<4800xi32, #tpu.memory_space<vmem>> -> memref<40xi32, #tpu.memory_space<vmem>>
    %dma_wait3A_321 = arith.constant 0 : i32
    %dma_wait3A_322 = arith.constant 0 : i32
    %dma_wait3A_323 = tpu.memref_slice %arg8[%dma_wait3A_321, %dma_wait3A_322] : memref<10112x128xf32, #tpu.memory_space<vmem_shared>> -> memref<10112x128xf32, #tpu.memory_space<vmem_shared>>
    tpu.wait_indirect_dma semaphore(%arg16 : memref<!tpu.dma_semaphore, #tpu.memory_space<semaphore_mem>>) src(%dma_wait3A_323 : memref<10112x128xf32, #tpu.memory_space<vmem_shared>>) dst(%arg12 : memref<40x128xf32, #tpu.memory_space<vmem>>)
    %add3A_324 = arith.constant 4680 : i32
    %add3A_325 = arith.addi %mul3A_2, %add3A_324 : i32
    %dma_start3A_326 = arith.constant 0 : i32
    %dma_start3A_327 = tpu.memref_slice %arg7[%add3A_325, %dma_start3A_326] : memref<153600x128xf32, #tpu.memory_space<hbm>> -> memref<40x128xf32, #tpu.memory_space<hbm>>
    %dma_start3A_328 = arith.constant 0 : i32
    %dma_start3A_329 = tpu.memref_slice %arg7[%add3A_325, %dma_start3A_328] : memref<153600x128xf32, #tpu.memory_space<hbm>> -> memref<40x128xf32, #tpu.memory_space<hbm>>
    tpu.enqueue_dma source(%arg12 : memref<40x128xf32, #tpu.memory_space<vmem>>) target(%dma_start3A_329 : memref<40x128xf32, #tpu.memory_space<hbm>>) target_semaphore(%arg20 : memref<!tpu.dma_semaphore, #tpu.memory_space<semaphore_mem>>)
    %dma_wait3A_330 = arith.constant 4720 : i32
    %dma_wait3A_331 = tpu.memref_slice %arg10[%dma_wait3A_330] : memref<4800xi32, #tpu.memory_space<vmem>> -> memref<40xi32, #tpu.memory_space<vmem>>
    %dma_wait3A_332 = arith.constant 0 : i32
    %dma_wait3A_333 = arith.constant 0 : i32
    %dma_wait3A_334 = tpu.memref_slice %arg8[%dma_wait3A_332, %dma_wait3A_333] : memref<10112x128xf32, #tpu.memory_space<vmem_shared>> -> memref<10112x128xf32, #tpu.memory_space<vmem_shared>>
    tpu.wait_indirect_dma semaphore(%arg17 : memref<!tpu.dma_semaphore, #tpu.memory_space<semaphore_mem>>) src(%dma_wait3A_334 : memref<10112x128xf32, #tpu.memory_space<vmem_shared>>) dst(%arg13 : memref<40x128xf32, #tpu.memory_space<vmem>>)
    %add3A_335 = arith.constant 4720 : i32
    %add3A_336 = arith.addi %mul3A_2, %add3A_335 : i32
    %dma_start3A_337 = arith.constant 0 : i32
    %dma_start3A_338 = tpu.memref_slice %arg7[%add3A_336, %dma_start3A_337] : memref<153600x128xf32, #tpu.memory_space<hbm>> -> memref<40x128xf32, #tpu.memory_space<hbm>>
    %dma_start3A_339 = arith.constant 0 : i32
    %dma_start3A_340 = tpu.memref_slice %arg7[%add3A_336, %dma_start3A_339] : memref<153600x128xf32, #tpu.memory_space<hbm>> -> memref<40x128xf32, #tpu.memory_space<hbm>>
    tpu.enqueue_dma source(%arg13 : memref<40x128xf32, #tpu.memory_space<vmem>>) target(%dma_start3A_340 : memref<40x128xf32, #tpu.memory_space<hbm>>) target_semaphore(%arg21 : memref<!tpu.dma_semaphore, #tpu.memory_space<semaphore_mem>>)
    %dma_wait3A_341 = arith.constant 4760 : i32
    %dma_wait3A_342 = tpu.memref_slice %arg10[%dma_wait3A_341] : memref<4800xi32, #tpu.memory_space<vmem>> -> memref<40xi32, #tpu.memory_space<vmem>>
    %dma_wait3A_343 = arith.constant 0 : i32
    %dma_wait3A_344 = arith.constant 0 : i32
    %dma_wait3A_345 = tpu.memref_slice %arg8[%dma_wait3A_343, %dma_wait3A_344] : memref<10112x128xf32, #tpu.memory_space<vmem_shared>> -> memref<10112x128xf32, #tpu.memory_space<vmem_shared>>
    tpu.wait_indirect_dma semaphore(%arg18 : memref<!tpu.dma_semaphore, #tpu.memory_space<semaphore_mem>>) src(%dma_wait3A_345 : memref<10112x128xf32, #tpu.memory_space<vmem_shared>>) dst(%arg14 : memref<40x128xf32, #tpu.memory_space<vmem>>)
    %add3A_346 = arith.constant 4760 : i32
    %add3A_347 = arith.addi %mul3A_2, %add3A_346 : i32
    %dma_start3A_348 = arith.constant 0 : i32
    %dma_start3A_349 = tpu.memref_slice %arg7[%add3A_347, %dma_start3A_348] : memref<153600x128xf32, #tpu.memory_space<hbm>> -> memref<40x128xf32, #tpu.memory_space<hbm>>
    %dma_start3A_350 = arith.constant 0 : i32
    %dma_start3A_351 = tpu.memref_slice %arg7[%add3A_347, %dma_start3A_350] : memref<153600x128xf32, #tpu.memory_space<hbm>> -> memref<40x128xf32, #tpu.memory_space<hbm>>
    tpu.enqueue_dma source(%arg14 : memref<40x128xf32, #tpu.memory_space<vmem>>) target(%dma_start3A_351 : memref<40x128xf32, #tpu.memory_space<hbm>>) target_semaphore(%arg22 : memref<!tpu.dma_semaphore, #tpu.memory_space<semaphore_mem>>)
    %add3A_352 = arith.constant 4640 : i32
    %add3A_353 = arith.addi %mul3A_2, %add3A_352 : i32
    %dma_wait3A_354 = arith.constant 0 : i32
    %dma_wait3A_355 = tpu.memref_slice %arg7[%add3A_353, %dma_wait3A_354] : memref<153600x128xf32, #tpu.memory_space<hbm>> -> memref<40x128xf32, #tpu.memory_space<hbm>>
    %dma_wait3A_356 = arith.constant 0 : i32
    %dma_wait3A_357 = tpu.memref_slice %arg7[%add3A_353, %dma_wait3A_356] : memref<153600x128xf32, #tpu.memory_space<hbm>> -> memref<40x128xf32, #tpu.memory_space<hbm>>
    tpu.wait_dma2 semaphore(%arg19 : memref<!tpu.dma_semaphore, #tpu.memory_space<semaphore_mem>>) src(%arg11 : memref<40x128xf32, #tpu.memory_space<vmem>>) dst(%dma_wait3A_357 : memref<40x128xf32, #tpu.memory_space<hbm>>)
    %add3A_358 = arith.constant 4680 : i32
    %add3A_359 = arith.addi %mul3A_2, %add3A_358 : i32
    %dma_wait3A_360 = arith.constant 0 : i32
    %dma_wait3A_361 = tpu.memref_slice %arg7[%add3A_359, %dma_wait3A_360] : memref<153600x128xf32, #tpu.memory_space<hbm>> -> memref<40x128xf32, #tpu.memory_space<hbm>>
    %dma_wait3A_362 = arith.constant 0 : i32
    %dma_wait3A_363 = tpu.memref_slice %arg7[%add3A_359, %dma_wait3A_362] : memref<153600x128xf32, #tpu.memory_space<hbm>> -> memref<40x128xf32, #tpu.memory_space<hbm>>
    tpu.wait_dma2 semaphore(%arg20 : memref<!tpu.dma_semaphore, #tpu.memory_space<semaphore_mem>>) src(%arg12 : memref<40x128xf32, #tpu.memory_space<vmem>>) dst(%dma_wait3A_363 : memref<40x128xf32, #tpu.memory_space<hbm>>)
    %add3A_364 = arith.constant 4720 : i32
    %add3A_365 = arith.addi %mul3A_2, %add3A_364 : i32
    %dma_wait3A_366 = arith.constant 0 : i32
    %dma_wait3A_367 = tpu.memref_slice %arg7[%add3A_365, %dma_wait3A_366] : memref<153600x128xf32, #tpu.memory_space<hbm>> -> memref<40x128xf32, #tpu.memory_space<hbm>>
    %dma_wait3A_368 = arith.constant 0 : i32
    %dma_wait3A_369 = tpu.memref_slice %arg7[%add3A_365, %dma_wait3A_368] : memref<153600x128xf32, #tpu.memory_space<hbm>> -> memref<40x128xf32, #tpu.memory_space<hbm>>
    tpu.wait_dma2 semaphore(%arg21 : memref<!tpu.dma_semaphore, #tpu.memory_space<semaphore_mem>>) src(%arg13 : memref<40x128xf32, #tpu.memory_space<vmem>>) dst(%dma_wait3A_369 : memref<40x128xf32, #tpu.memory_space<hbm>>)
    %add3A_370 = arith.constant 4760 : i32
    %add3A_371 = arith.addi %mul3A_2, %add3A_370 : i32
    %dma_wait3A_372 = arith.constant 0 : i32
    %dma_wait3A_373 = tpu.memref_slice %arg7[%add3A_371, %dma_wait3A_372] : memref<153600x128xf32, #tpu.memory_space<hbm>> -> memref<40x128xf32, #tpu.memory_space<hbm>>
    %dma_wait3A_374 = arith.constant 0 : i32
    %dma_wait3A_375 = tpu.memref_slice %arg7[%add3A_371, %dma_wait3A_374] : memref<153600x128xf32, #tpu.memory_space<hbm>> -> memref<40x128xf32, #tpu.memory_space<hbm>>
    tpu.wait_dma2 semaphore(%arg22 : memref<!tpu.dma_semaphore, #tpu.memory_space<semaphore_mem>>) src(%arg14 : memref<40x128xf32, #tpu.memory_space<vmem>>) dst(%dma_wait3A_375 : memref<40x128xf32, #tpu.memory_space<hbm>>)
    %barrier3A_376 = arith.constant 0 : index
    tpu.barrier barrier_id(%barrier3A_376)
    return
  }
}

#map = affine_map<(d0, d1) -> (0, 0)>
#map1 = affine_map<(d0, d1) -> (0)>
module attributes {stable_mosaic.version = 14 : i64} {
  func.func @sc_gather(%arg0: i32, %arg1: i32, %arg2: memref<10112x128xf32, #tpu.memory_space<hbm>>, %arg3: memref<10112x128xf32, #tpu.memory_space<hbm>>, %arg4: memref<320000xi32, #tpu.memory_space<hbm>>, %arg5: memref<320000xi32, #tpu.memory_space<hbm>>, %arg6: memref<166400x128xf32, #tpu.memory_space<hbm>>, %arg7: memref<166400x128xf32, #tpu.memory_space<hbm>>, %arg8: memref<10112x128xf32, #tpu.memory_space<vmem_shared>>, %arg9: memref<5200xi32, #tpu.memory_space<vmem>>, %arg10: memref<5200xi32, #tpu.memory_space<vmem>>, %arg11: memref<40x128xf32, #tpu.memory_space<vmem>>, %arg12: memref<40x128xf32, #tpu.memory_space<vmem>>, %arg13: memref<40x128xf32, #tpu.memory_space<vmem>>, %arg14: memref<40x128xf32, #tpu.memory_space<vmem>>, %arg15: memref<!tpu.dma_semaphore, #tpu.memory_space<semaphore_mem>>, %arg16: memref<!tpu.dma_semaphore, #tpu.memory_space<semaphore_mem>>, %arg17: memref<!tpu.dma_semaphore, #tpu.memory_space<semaphore_mem>>, %arg18: memref<!tpu.dma_semaphore, #tpu.memory_space<semaphore_mem>>, %arg19: memref<!tpu.dma_semaphore, #tpu.memory_space<semaphore_mem>>, %arg20: memref<!tpu.dma_semaphore, #tpu.memory_space<semaphore_mem>>, %arg21: memref<!tpu.dma_semaphore, #tpu.memory_space<semaphore_mem>>, %arg22: memref<!tpu.dma_semaphore, #tpu.memory_space<semaphore_mem>>) attributes {dimension_semantics = [#tpu.dimension_semantics<core_parallel>, #tpu.dimension_semantics<subcore_parallel>], iteration_bounds = array<i64: 2, 16>, scalar_prefetch = 0 : i64, scratch_operands = 15 : i64, tpu.core_type = #tpu.core_type<sc_vector_subcore>, window_params = [{transform_indices = #map}, {transform_indices = #map}, {transform_indices = #map1}, {transform_indices = #map1}, {transform_indices = #map}, {transform_indices = #map}]} {
    %mul3A = arith.constant 16 : i32
    %mul3A_0 = arith.muli %arg0, %mul3A : i32
    %add3A = arith.addi %mul3A_0, %arg1 : i32
    %mul3A_1 = arith.constant 5200 : i32
    %mul3A_2 = arith.muli %add3A, %mul3A_1 : i32
    %add3A_3 = arith.constant 0 : i32
    %add3A_4 = arith.addi %add3A_3, %mul3A_2 : i32
    "tpu.region"() ({
      %run_scoped3A = tpu.sem_alloc : memref<!tpu.dma_semaphore, #tpu.memory_space<semaphore_mem>>
      %dma_start3A_289 = tpu.memref_slice %arg4[%add3A_4] : memref<320000xi32, #tpu.memory_space<hbm>> -> memref<5200xi32, #tpu.memory_space<hbm>>
      %dma_start3A_290 = tpu.memref_slice %arg4[%add3A_4] : memref<320000xi32, #tpu.memory_space<hbm>> -> memref<5200xi32, #tpu.memory_space<hbm>>
      tpu.enqueue_dma source(%dma_start3A_290 : memref<5200xi32, #tpu.memory_space<hbm>>) target(%arg9 : memref<5200xi32, #tpu.memory_space<vmem>>) target_semaphore(%run_scoped3A : memref<!tpu.dma_semaphore, #tpu.memory_space<semaphore_mem>>)
      %dma_wait3A_291 = tpu.memref_slice %arg4[%add3A_4] : memref<320000xi32, #tpu.memory_space<hbm>> -> memref<5200xi32, #tpu.memory_space<hbm>>
      %dma_wait3A_292 = tpu.memref_slice %arg4[%add3A_4] : memref<320000xi32, #tpu.memory_space<hbm>> -> memref<5200xi32, #tpu.memory_space<hbm>>
      tpu.wait_dma2 semaphore(%run_scoped3A : memref<!tpu.dma_semaphore, #tpu.memory_space<semaphore_mem>>) src(%dma_wait3A_292 : memref<5200xi32, #tpu.memory_space<hbm>>) dst(%arg9 : memref<5200xi32, #tpu.memory_space<vmem>>)
      tpu.yield
    }) : () -> ()
    "tpu.region"() ({
      %run_scoped3A = tpu.sem_alloc : memref<!tpu.dma_semaphore, #tpu.memory_space<semaphore_mem>>
      %dma_start3A_289 = tpu.memref_slice %arg5[%add3A_4] : memref<320000xi32, #tpu.memory_space<hbm>> -> memref<5200xi32, #tpu.memory_space<hbm>>
      %dma_start3A_290 = tpu.memref_slice %arg5[%add3A_4] : memref<320000xi32, #tpu.memory_space<hbm>> -> memref<5200xi32, #tpu.memory_space<hbm>>
      tpu.enqueue_dma source(%dma_start3A_290 : memref<5200xi32, #tpu.memory_space<hbm>>) target(%arg10 : memref<5200xi32, #tpu.memory_space<vmem>>) target_semaphore(%run_scoped3A : memref<!tpu.dma_semaphore, #tpu.memory_space<semaphore_mem>>)
      %dma_wait3A_291 = tpu.memref_slice %arg5[%add3A_4] : memref<320000xi32, #tpu.memory_space<hbm>> -> memref<5200xi32, #tpu.memory_space<hbm>>
      %dma_wait3A_292 = tpu.memref_slice %arg5[%add3A_4] : memref<320000xi32, #tpu.memory_space<hbm>> -> memref<5200xi32, #tpu.memory_space<hbm>>
      tpu.wait_dma2 semaphore(%run_scoped3A : memref<!tpu.dma_semaphore, #tpu.memory_space<semaphore_mem>>) src(%dma_wait3A_292 : memref<5200xi32, #tpu.memory_space<hbm>>) dst(%arg10 : memref<5200xi32, #tpu.memory_space<vmem>>)
      tpu.yield
    }) : () -> ()
    %mul3A_5 = arith.constant 632 : i32
    %mul3A_6 = arith.muli %arg1, %mul3A_5 : i32
    %mul3A_7 = arith.constant 632 : i32
    %mul3A_8 = arith.muli %arg1, %mul3A_7 : i32
    "tpu.region"() ({
      %run_scoped3A = tpu.sem_alloc : memref<!tpu.dma_semaphore, #tpu.memory_space<semaphore_mem>>
      %dma_start3A_289 = arith.constant 0 : i32
      %dma_start3A_290 = tpu.memref_slice %arg8[%mul3A_8, %dma_start3A_289] : memref<10112x128xf32, #tpu.memory_space<vmem_shared>> -> memref<632x128xf32, #tpu.memory_space<vmem_shared>>
      %dma_start3A_291 = arith.constant 0 : i32
      %dma_start3A_292 = tpu.memref_slice %arg2[%mul3A_6, %dma_start3A_291] : memref<10112x128xf32, #tpu.memory_space<hbm>> -> memref<632x128xf32, #tpu.memory_space<hbm>>
      tpu.enqueue_dma source(%dma_start3A_292 : memref<632x128xf32, #tpu.memory_space<hbm>>) target(%dma_start3A_290 : memref<632x128xf32, #tpu.memory_space<vmem_shared>>) target_semaphore(%run_scoped3A : memref<!tpu.dma_semaphore, #tpu.memory_space<semaphore_mem>>)
      %dma_wait3A_293 = arith.constant 0 : i32
      %dma_wait3A_294 = tpu.memref_slice %arg8[%mul3A_8, %dma_wait3A_293] : memref<10112x128xf32, #tpu.memory_space<vmem_shared>> -> memref<632x128xf32, #tpu.memory_space<vmem_shared>>
      %dma_wait3A_295 = arith.constant 0 : i32
      %dma_wait3A_296 = tpu.memref_slice %arg2[%mul3A_6, %dma_wait3A_295] : memref<10112x128xf32, #tpu.memory_space<hbm>> -> memref<632x128xf32, #tpu.memory_space<hbm>>
      tpu.wait_dma2 semaphore(%run_scoped3A : memref<!tpu.dma_semaphore, #tpu.memory_space<semaphore_mem>>) src(%dma_wait3A_296 : memref<632x128xf32, #tpu.memory_space<hbm>>) dst(%dma_wait3A_294 : memref<632x128xf32, #tpu.memory_space<vmem_shared>>)
      tpu.yield
    }) : () -> ()
    %barrier3A = arith.constant 0 : index
    tpu.barrier barrier_id(%barrier3A)
    %dma_start3A = arith.constant 0 : i32
    %dma_start3A_9 = tpu.memref_slice %arg9[%dma_start3A] : memref<5200xi32, #tpu.memory_space<vmem>> -> memref<40xi32, #tpu.memory_space<vmem>>
    %dma_start3A_10 = arith.constant 0 : i32
    %dma_start3A_11 = arith.constant 0 : i32
    %dma_start3A_12 = tpu.memref_slice %arg8[%dma_start3A_10, %dma_start3A_11] : memref<10112x128xf32, #tpu.memory_space<vmem_shared>> -> memref<10112x128xf32, #tpu.memory_space<vmem_shared>>
    tpu.enqueue_indirect_dma source(%dma_start3A_12 : memref<10112x128xf32, #tpu.memory_space<vmem_shared>>) target(%arg11 : memref<40x128xf32, #tpu.memory_space<vmem>>) offsets(%dma_start3A_9 : memref<40xi32, #tpu.memory_space<vmem>>) semaphore(%arg15 : memref<!tpu.dma_semaphore, #tpu.memory_space<semaphore_mem>>)
    %dma_start3A_13 = arith.constant 40 : i32
    %dma_start3A_14 = tpu.memref_slice %arg9[%dma_start3A_13] : memref<5200xi32, #tpu.memory_space<vmem>> -> memref<40xi32, #tpu.memory_space<vmem>>
    %dma_start3A_15 = arith.constant 0 : i32
    %dma_start3A_16 = arith.constant 0 : i32
    %dma_start3A_17 = tpu.memref_slice %arg8[%dma_start3A_15, %dma_start3A_16] : memref<10112x128xf32, #tpu.memory_space<vmem_shared>> -> memref<10112x128xf32, #tpu.memory_space<vmem_shared>>
    tpu.enqueue_indirect_dma source(%dma_start3A_17 : memref<10112x128xf32, #tpu.memory_space<vmem_shared>>) target(%arg12 : memref<40x128xf32, #tpu.memory_space<vmem>>) offsets(%dma_start3A_14 : memref<40xi32, #tpu.memory_space<vmem>>) semaphore(%arg16 : memref<!tpu.dma_semaphore, #tpu.memory_space<semaphore_mem>>)
    %dma_start3A_18 = arith.constant 80 : i32
    %dma_start3A_19 = tpu.memref_slice %arg9[%dma_start3A_18] : memref<5200xi32, #tpu.memory_space<vmem>> -> memref<40xi32, #tpu.memory_space<vmem>>
    %dma_start3A_20 = arith.constant 0 : i32
    %dma_start3A_21 = arith.constant 0 : i32
    %dma_start3A_22 = tpu.memref_slice %arg8[%dma_start3A_20, %dma_start3A_21] : memref<10112x128xf32, #tpu.memory_space<vmem_shared>> -> memref<10112x128xf32, #tpu.memory_space<vmem_shared>>
    tpu.enqueue_indirect_dma source(%dma_start3A_22 : memref<10112x128xf32, #tpu.memory_space<vmem_shared>>) target(%arg13 : memref<40x128xf32, #tpu.memory_space<vmem>>) offsets(%dma_start3A_19 : memref<40xi32, #tpu.memory_space<vmem>>) semaphore(%arg17 : memref<!tpu.dma_semaphore, #tpu.memory_space<semaphore_mem>>)
    %dma_wait3A = arith.constant 0 : i32
    %dma_wait3A_23 = tpu.memref_slice %arg9[%dma_wait3A] : memref<5200xi32, #tpu.memory_space<vmem>> -> memref<40xi32, #tpu.memory_space<vmem>>
    %dma_wait3A_24 = arith.constant 0 : i32
    %dma_wait3A_25 = arith.constant 0 : i32
    %dma_wait3A_26 = tpu.memref_slice %arg8[%dma_wait3A_24, %dma_wait3A_25] : memref<10112x128xf32, #tpu.memory_space<vmem_shared>> -> memref<10112x128xf32, #tpu.memory_space<vmem_shared>>
    tpu.wait_indirect_dma semaphore(%arg15 : memref<!tpu.dma_semaphore, #tpu.memory_space<semaphore_mem>>) src(%dma_wait3A_26 : memref<10112x128xf32, #tpu.memory_space<vmem_shared>>) dst(%arg11 : memref<40x128xf32, #tpu.memory_space<vmem>>)
    %add3A_27 = arith.constant 0 : i32
    %add3A_28 = arith.addi %mul3A_2, %add3A_27 : i32
    %dma_start3A_29 = arith.constant 0 : i32
    %dma_start3A_30 = tpu.memref_slice %arg6[%add3A_28, %dma_start3A_29] : memref<166400x128xf32, #tpu.memory_space<hbm>> -> memref<40x128xf32, #tpu.memory_space<hbm>>
    %dma_start3A_31 = arith.constant 0 : i32
    %dma_start3A_32 = tpu.memref_slice %arg6[%add3A_28, %dma_start3A_31] : memref<166400x128xf32, #tpu.memory_space<hbm>> -> memref<40x128xf32, #tpu.memory_space<hbm>>
    tpu.enqueue_dma source(%arg11 : memref<40x128xf32, #tpu.memory_space<vmem>>) target(%dma_start3A_32 : memref<40x128xf32, #tpu.memory_space<hbm>>) target_semaphore(%arg19 : memref<!tpu.dma_semaphore, #tpu.memory_space<semaphore_mem>>)
    %dma_start3A_33 = arith.constant 120 : i32
    %dma_start3A_34 = tpu.memref_slice %arg9[%dma_start3A_33] : memref<5200xi32, #tpu.memory_space<vmem>> -> memref<40xi32, #tpu.memory_space<vmem>>
    %dma_start3A_35 = arith.constant 0 : i32
    %dma_start3A_36 = arith.constant 0 : i32
    %dma_start3A_37 = tpu.memref_slice %arg8[%dma_start3A_35, %dma_start3A_36] : memref<10112x128xf32, #tpu.memory_space<vmem_shared>> -> memref<10112x128xf32, #tpu.memory_space<vmem_shared>>
    tpu.enqueue_indirect_dma source(%dma_start3A_37 : memref<10112x128xf32, #tpu.memory_space<vmem_shared>>) target(%arg14 : memref<40x128xf32, #tpu.memory_space<vmem>>) offsets(%dma_start3A_34 : memref<40xi32, #tpu.memory_space<vmem>>) semaphore(%arg18 : memref<!tpu.dma_semaphore, #tpu.memory_space<semaphore_mem>>)
    %dma_wait3A_38 = arith.constant 40 : i32
    %dma_wait3A_39 = tpu.memref_slice %arg9[%dma_wait3A_38] : memref<5200xi32, #tpu.memory_space<vmem>> -> memref<40xi32, #tpu.memory_space<vmem>>
    %dma_wait3A_40 = arith.constant 0 : i32
    %dma_wait3A_41 = arith.constant 0 : i32
    %dma_wait3A_42 = tpu.memref_slice %arg8[%dma_wait3A_40, %dma_wait3A_41] : memref<10112x128xf32, #tpu.memory_space<vmem_shared>> -> memref<10112x128xf32, #tpu.memory_space<vmem_shared>>
    tpu.wait_indirect_dma semaphore(%arg16 : memref<!tpu.dma_semaphore, #tpu.memory_space<semaphore_mem>>) src(%dma_wait3A_42 : memref<10112x128xf32, #tpu.memory_space<vmem_shared>>) dst(%arg12 : memref<40x128xf32, #tpu.memory_space<vmem>>)
    %add3A_43 = arith.constant 40 : i32
    %add3A_44 = arith.addi %mul3A_2, %add3A_43 : i32
    %dma_start3A_45 = arith.constant 0 : i32
    %dma_start3A_46 = tpu.memref_slice %arg6[%add3A_44, %dma_start3A_45] : memref<166400x128xf32, #tpu.memory_space<hbm>> -> memref<40x128xf32, #tpu.memory_space<hbm>>
    %dma_start3A_47 = arith.constant 0 : i32
    %dma_start3A_48 = tpu.memref_slice %arg6[%add3A_44, %dma_start3A_47] : memref<166400x128xf32, #tpu.memory_space<hbm>> -> memref<40x128xf32, #tpu.memory_space<hbm>>
    tpu.enqueue_dma source(%arg12 : memref<40x128xf32, #tpu.memory_space<vmem>>) target(%dma_start3A_48 : memref<40x128xf32, #tpu.memory_space<hbm>>) target_semaphore(%arg20 : memref<!tpu.dma_semaphore, #tpu.memory_space<semaphore_mem>>)
    %add3A_49 = arith.constant 0 : i32
    %add3A_50 = arith.addi %mul3A_2, %add3A_49 : i32
    %dma_wait3A_51 = arith.constant 0 : i32
    %dma_wait3A_52 = tpu.memref_slice %arg6[%add3A_50, %dma_wait3A_51] : memref<166400x128xf32, #tpu.memory_space<hbm>> -> memref<40x128xf32, #tpu.memory_space<hbm>>
    %dma_wait3A_53 = arith.constant 0 : i32
    %dma_wait3A_54 = tpu.memref_slice %arg6[%add3A_50, %dma_wait3A_53] : memref<166400x128xf32, #tpu.memory_space<hbm>> -> memref<40x128xf32, #tpu.memory_space<hbm>>
    tpu.wait_dma2 semaphore(%arg19 : memref<!tpu.dma_semaphore, #tpu.memory_space<semaphore_mem>>) src(%arg11 : memref<40x128xf32, #tpu.memory_space<vmem>>) dst(%dma_wait3A_54 : memref<40x128xf32, #tpu.memory_space<hbm>>)
    %dma_start3A_55 = arith.constant 160 : i32
    %dma_start3A_56 = tpu.memref_slice %arg9[%dma_start3A_55] : memref<5200xi32, #tpu.memory_space<vmem>> -> memref<40xi32, #tpu.memory_space<vmem>>
    %dma_start3A_57 = arith.constant 0 : i32
    %dma_start3A_58 = arith.constant 0 : i32
    %dma_start3A_59 = tpu.memref_slice %arg8[%dma_start3A_57, %dma_start3A_58] : memref<10112x128xf32, #tpu.memory_space<vmem_shared>> -> memref<10112x128xf32, #tpu.memory_space<vmem_shared>>
    tpu.enqueue_indirect_dma source(%dma_start3A_59 : memref<10112x128xf32, #tpu.memory_space<vmem_shared>>) target(%arg11 : memref<40x128xf32, #tpu.memory_space<vmem>>) offsets(%dma_start3A_56 : memref<40xi32, #tpu.memory_space<vmem>>) semaphore(%arg15 : memref<!tpu.dma_semaphore, #tpu.memory_space<semaphore_mem>>)
    %scan3A = arith.constant 0 : i32
    %scan3A_60 = arith.constant 0 : i32
    %scan3A_61 = arith.constant 31 : i32
    %scan3A_62 = arith.addi %scan3A_60, %scan3A_61 : i32
    %scan3A_63 = arith.constant 1 : i32
    scf.for %scan3A_289 = %scan3A_60 to %scan3A_62 step %scan3A_63  : i32 {
      %mul3A_290 = arith.constant 4 : i32
      %mul3A_291 = arith.muli %mul3A_290, %scan3A_289 : i32
      %add3A_292 = arith.constant 2 : i32
      %add3A_293 = arith.addi %mul3A_291, %add3A_292 : i32
      %add3A_294 = arith.constant 0 : i32
      %add3A_295 = arith.addi %add3A_293, %add3A_294 : i32
      %mul3A_296 = arith.constant 40 : i32
      %mul3A_297 = arith.muli %add3A_295, %mul3A_296 : i32
      %dma_wait3A_298 = tpu.memref_slice %arg9[%mul3A_297] : memref<5200xi32, #tpu.memory_space<vmem>> -> memref<40xi32, #tpu.memory_space<vmem>>
      %dma_wait3A_299 = arith.constant 0 : i32
      %dma_wait3A_300 = arith.constant 0 : i32
      %dma_wait3A_301 = tpu.memref_slice %arg8[%dma_wait3A_299, %dma_wait3A_300] : memref<10112x128xf32, #tpu.memory_space<vmem_shared>> -> memref<10112x128xf32, #tpu.memory_space<vmem_shared>>
      tpu.wait_indirect_dma semaphore(%arg17 : memref<!tpu.dma_semaphore, #tpu.memory_space<semaphore_mem>>) src(%dma_wait3A_301 : memref<10112x128xf32, #tpu.memory_space<vmem_shared>>) dst(%arg13 : memref<40x128xf32, #tpu.memory_space<vmem>>)
      %mul3A_302 = arith.constant 40 : i32
      %mul3A_303 = arith.muli %add3A_295, %mul3A_302 : i32
      %add3A_304 = arith.addi %mul3A_2, %mul3A_303 : i32
      %dma_start3A_305 = arith.constant 0 : i32
      %dma_start3A_306 = tpu.memref_slice %arg6[%add3A_304, %dma_start3A_305] : memref<166400x128xf32, #tpu.memory_space<hbm>> -> memref<40x128xf32, #tpu.memory_space<hbm>>
      %dma_start3A_307 = arith.constant 0 : i32
      %dma_start3A_308 = tpu.memref_slice %arg6[%add3A_304, %dma_start3A_307] : memref<166400x128xf32, #tpu.memory_space<hbm>> -> memref<40x128xf32, #tpu.memory_space<hbm>>
      tpu.enqueue_dma source(%arg13 : memref<40x128xf32, #tpu.memory_space<vmem>>) target(%dma_start3A_308 : memref<40x128xf32, #tpu.memory_space<hbm>>) target_semaphore(%arg21 : memref<!tpu.dma_semaphore, #tpu.memory_space<semaphore_mem>>)
      %sub3A = arith.constant 1 : i32
      %sub3A_309 = arith.subi %add3A_295, %sub3A : i32
      %mul3A_310 = arith.constant 40 : i32
      %mul3A_311 = arith.muli %sub3A_309, %mul3A_310 : i32
      %add3A_312 = arith.addi %mul3A_2, %mul3A_311 : i32
      %dma_wait3A_313 = arith.constant 0 : i32
      %dma_wait3A_314 = tpu.memref_slice %arg6[%add3A_312, %dma_wait3A_313] : memref<166400x128xf32, #tpu.memory_space<hbm>> -> memref<40x128xf32, #tpu.memory_space<hbm>>
      %dma_wait3A_315 = arith.constant 0 : i32
      %dma_wait3A_316 = tpu.memref_slice %arg6[%add3A_312, %dma_wait3A_315] : memref<166400x128xf32, #tpu.memory_space<hbm>> -> memref<40x128xf32, #tpu.memory_space<hbm>>
      tpu.wait_dma2 semaphore(%arg20 : memref<!tpu.dma_semaphore, #tpu.memory_space<semaphore_mem>>) src(%arg12 : memref<40x128xf32, #tpu.memory_space<vmem>>) dst(%dma_wait3A_316 : memref<40x128xf32, #tpu.memory_space<hbm>>)
      %add3A_317 = arith.constant 3 : i32
      %add3A_318 = arith.addi %add3A_295, %add3A_317 : i32
      %mul3A_319 = arith.constant 40 : i32
      %mul3A_320 = arith.muli %add3A_318, %mul3A_319 : i32
      %dma_start3A_321 = tpu.memref_slice %arg9[%mul3A_320] : memref<5200xi32, #tpu.memory_space<vmem>> -> memref<40xi32, #tpu.memory_space<vmem>>
      %dma_start3A_322 = arith.constant 0 : i32
      %dma_start3A_323 = arith.constant 0 : i32
      %dma_start3A_324 = tpu.memref_slice %arg8[%dma_start3A_322, %dma_start3A_323] : memref<10112x128xf32, #tpu.memory_space<vmem_shared>> -> memref<10112x128xf32, #tpu.memory_space<vmem_shared>>
      tpu.enqueue_indirect_dma source(%dma_start3A_324 : memref<10112x128xf32, #tpu.memory_space<vmem_shared>>) target(%arg12 : memref<40x128xf32, #tpu.memory_space<vmem>>) offsets(%dma_start3A_321 : memref<40xi32, #tpu.memory_space<vmem>>) semaphore(%arg16 : memref<!tpu.dma_semaphore, #tpu.memory_space<semaphore_mem>>)
      %mul3A_325 = arith.constant 4 : i32
      %mul3A_326 = arith.muli %mul3A_325, %scan3A_289 : i32
      %add3A_327 = arith.constant 2 : i32
      %add3A_328 = arith.addi %mul3A_326, %add3A_327 : i32
      %add3A_329 = arith.constant 1 : i32
      %add3A_330 = arith.addi %add3A_328, %add3A_329 : i32
      %mul3A_331 = arith.constant 40 : i32
      %mul3A_332 = arith.muli %add3A_330, %mul3A_331 : i32
      %dma_wait3A_333 = tpu.memref_slice %arg9[%mul3A_332] : memref<5200xi32, #tpu.memory_space<vmem>> -> memref<40xi32, #tpu.memory_space<vmem>>
      %dma_wait3A_334 = arith.constant 0 : i32
      %dma_wait3A_335 = arith.constant 0 : i32
      %dma_wait3A_336 = tpu.memref_slice %arg8[%dma_wait3A_334, %dma_wait3A_335] : memref<10112x128xf32, #tpu.memory_space<vmem_shared>> -> memref<10112x128xf32, #tpu.memory_space<vmem_shared>>
      tpu.wait_indirect_dma semaphore(%arg18 : memref<!tpu.dma_semaphore, #tpu.memory_space<semaphore_mem>>) src(%dma_wait3A_336 : memref<10112x128xf32, #tpu.memory_space<vmem_shared>>) dst(%arg14 : memref<40x128xf32, #tpu.memory_space<vmem>>)
      %mul3A_337 = arith.constant 40 : i32
      %mul3A_338 = arith.muli %add3A_330, %mul3A_337 : i32
      %add3A_339 = arith.addi %mul3A_2, %mul3A_338 : i32
      %dma_start3A_340 = arith.constant 0 : i32
      %dma_start3A_341 = tpu.memref_slice %arg6[%add3A_339, %dma_start3A_340] : memref<166400x128xf32, #tpu.memory_space<hbm>> -> memref<40x128xf32, #tpu.memory_space<hbm>>
      %dma_start3A_342 = arith.constant 0 : i32
      %dma_start3A_343 = tpu.memref_slice %arg6[%add3A_339, %dma_start3A_342] : memref<166400x128xf32, #tpu.memory_space<hbm>> -> memref<40x128xf32, #tpu.memory_space<hbm>>
      tpu.enqueue_dma source(%arg14 : memref<40x128xf32, #tpu.memory_space<vmem>>) target(%dma_start3A_343 : memref<40x128xf32, #tpu.memory_space<hbm>>) target_semaphore(%arg22 : memref<!tpu.dma_semaphore, #tpu.memory_space<semaphore_mem>>)
      %sub3A_344 = arith.constant 1 : i32
      %sub3A_345 = arith.subi %add3A_330, %sub3A_344 : i32
      %mul3A_346 = arith.constant 40 : i32
      %mul3A_347 = arith.muli %sub3A_345, %mul3A_346 : i32
      %add3A_348 = arith.addi %mul3A_2, %mul3A_347 : i32
      %dma_wait3A_349 = arith.constant 0 : i32
      %dma_wait3A_350 = tpu.memref_slice %arg6[%add3A_348, %dma_wait3A_349] : memref<166400x128xf32, #tpu.memory_space<hbm>> -> memref<40x128xf32, #tpu.memory_space<hbm>>
      %dma_wait3A_351 = arith.constant 0 : i32
      %dma_wait3A_352 = tpu.memref_slice %arg6[%add3A_348, %dma_wait3A_351] : memref<166400x128xf32, #tpu.memory_space<hbm>> -> memref<40x128xf32, #tpu.memory_space<hbm>>
      tpu.wait_dma2 semaphore(%arg21 : memref<!tpu.dma_semaphore, #tpu.memory_space<semaphore_mem>>) src(%arg13 : memref<40x128xf32, #tpu.memory_space<vmem>>) dst(%dma_wait3A_352 : memref<40x128xf32, #tpu.memory_space<hbm>>)
      %add3A_353 = arith.constant 3 : i32
      %add3A_354 = arith.addi %add3A_330, %add3A_353 : i32
      %mul3A_355 = arith.constant 40 : i32
      %mul3A_356 = arith.muli %add3A_354, %mul3A_355 : i32
      %dma_start3A_357 = tpu.memref_slice %arg9[%mul3A_356] : memref<5200xi32, #tpu.memory_space<vmem>> -> memref<40xi32, #tpu.memory_space<vmem>>
      %dma_start3A_358 = arith.constant 0 : i32
      %dma_start3A_359 = arith.constant 0 : i32
      %dma_start3A_360 = tpu.memref_slice %arg8[%dma_start3A_358, %dma_start3A_359] : memref<10112x128xf32, #tpu.memory_space<vmem_shared>> -> memref<10112x128xf32, #tpu.memory_space<vmem_shared>>
      tpu.enqueue_indirect_dma source(%dma_start3A_360 : memref<10112x128xf32, #tpu.memory_space<vmem_shared>>) target(%arg13 : memref<40x128xf32, #tpu.memory_space<vmem>>) offsets(%dma_start3A_357 : memref<40xi32, #tpu.memory_space<vmem>>) semaphore(%arg17 : memref<!tpu.dma_semaphore, #tpu.memory_space<semaphore_mem>>)
      %mul3A_361 = arith.constant 4 : i32
      %mul3A_362 = arith.muli %mul3A_361, %scan3A_289 : i32
      %add3A_363 = arith.constant 2 : i32
      %add3A_364 = arith.addi %mul3A_362, %add3A_363 : i32
      %add3A_365 = arith.constant 2 : i32
      %add3A_366 = arith.addi %add3A_364, %add3A_365 : i32
      %mul3A_367 = arith.constant 40 : i32
      %mul3A_368 = arith.muli %add3A_366, %mul3A_367 : i32
      %dma_wait3A_369 = tpu.memref_slice %arg9[%mul3A_368] : memref<5200xi32, #tpu.memory_space<vmem>> -> memref<40xi32, #tpu.memory_space<vmem>>
      %dma_wait3A_370 = arith.constant 0 : i32
      %dma_wait3A_371 = arith.constant 0 : i32
      %dma_wait3A_372 = tpu.memref_slice %arg8[%dma_wait3A_370, %dma_wait3A_371] : memref<10112x128xf32, #tpu.memory_space<vmem_shared>> -> memref<10112x128xf32, #tpu.memory_space<vmem_shared>>
      tpu.wait_indirect_dma semaphore(%arg15 : memref<!tpu.dma_semaphore, #tpu.memory_space<semaphore_mem>>) src(%dma_wait3A_372 : memref<10112x128xf32, #tpu.memory_space<vmem_shared>>) dst(%arg11 : memref<40x128xf32, #tpu.memory_space<vmem>>)
      %mul3A_373 = arith.constant 40 : i32
      %mul3A_374 = arith.muli %add3A_366, %mul3A_373 : i32
      %add3A_375 = arith.addi %mul3A_2, %mul3A_374 : i32
      %dma_start3A_376 = arith.constant 0 : i32
      %dma_start3A_377 = tpu.memref_slice %arg6[%add3A_375, %dma_start3A_376] : memref<166400x128xf32, #tpu.memory_space<hbm>> -> memref<40x128xf32, #tpu.memory_space<hbm>>
      %dma_start3A_378 = arith.constant 0 : i32
      %dma_start3A_379 = tpu.memref_slice %arg6[%add3A_375, %dma_start3A_378] : memref<166400x128xf32, #tpu.memory_space<hbm>> -> memref<40x128xf32, #tpu.memory_space<hbm>>
      tpu.enqueue_dma source(%arg11 : memref<40x128xf32, #tpu.memory_space<vmem>>) target(%dma_start3A_379 : memref<40x128xf32, #tpu.memory_space<hbm>>) target_semaphore(%arg19 : memref<!tpu.dma_semaphore, #tpu.memory_space<semaphore_mem>>)
      %sub3A_380 = arith.constant 1 : i32
      %sub3A_381 = arith.subi %add3A_366, %sub3A_380 : i32
      %mul3A_382 = arith.constant 40 : i32
      %mul3A_383 = arith.muli %sub3A_381, %mul3A_382 : i32
      %add3A_384 = arith.addi %mul3A_2, %mul3A_383 : i32
      %dma_wait3A_385 = arith.constant 0 : i32
      %dma_wait3A_386 = tpu.memref_slice %arg6[%add3A_384, %dma_wait3A_385] : memref<166400x128xf32, #tpu.memory_space<hbm>> -> memref<40x128xf32, #tpu.memory_space<hbm>>
      %dma_wait3A_387 = arith.constant 0 : i32
      %dma_wait3A_388 = tpu.memref_slice %arg6[%add3A_384, %dma_wait3A_387] : memref<166400x128xf32, #tpu.memory_space<hbm>> -> memref<40x128xf32, #tpu.memory_space<hbm>>
      tpu.wait_dma2 semaphore(%arg22 : memref<!tpu.dma_semaphore, #tpu.memory_space<semaphore_mem>>) src(%arg14 : memref<40x128xf32, #tpu.memory_space<vmem>>) dst(%dma_wait3A_388 : memref<40x128xf32, #tpu.memory_space<hbm>>)
      %add3A_389 = arith.constant 3 : i32
      %add3A_390 = arith.addi %add3A_366, %add3A_389 : i32
      %mul3A_391 = arith.constant 40 : i32
      %mul3A_392 = arith.muli %add3A_390, %mul3A_391 : i32
      %dma_start3A_393 = tpu.memref_slice %arg9[%mul3A_392] : memref<5200xi32, #tpu.memory_space<vmem>> -> memref<40xi32, #tpu.memory_space<vmem>>
      %dma_start3A_394 = arith.constant 0 : i32
      %dma_start3A_395 = arith.constant 0 : i32
      %dma_start3A_396 = tpu.memref_slice %arg8[%dma_start3A_394, %dma_start3A_395] : memref<10112x128xf32, #tpu.memory_space<vmem_shared>> -> memref<10112x128xf32, #tpu.memory_space<vmem_shared>>
      tpu.enqueue_indirect_dma source(%dma_start3A_396 : memref<10112x128xf32, #tpu.memory_space<vmem_shared>>) target(%arg14 : memref<40x128xf32, #tpu.memory_space<vmem>>) offsets(%dma_start3A_393 : memref<40xi32, #tpu.memory_space<vmem>>) semaphore(%arg18 : memref<!tpu.dma_semaphore, #tpu.memory_space<semaphore_mem>>)
      %mul3A_397 = arith.constant 4 : i32
      %mul3A_398 = arith.muli %mul3A_397, %scan3A_289 : i32
      %add3A_399 = arith.constant 2 : i32
      %add3A_400 = arith.addi %mul3A_398, %add3A_399 : i32
      %add3A_401 = arith.constant 3 : i32
      %add3A_402 = arith.addi %add3A_400, %add3A_401 : i32
      %mul3A_403 = arith.constant 40 : i32
      %mul3A_404 = arith.muli %add3A_402, %mul3A_403 : i32
      %dma_wait3A_405 = tpu.memref_slice %arg9[%mul3A_404] : memref<5200xi32, #tpu.memory_space<vmem>> -> memref<40xi32, #tpu.memory_space<vmem>>
      %dma_wait3A_406 = arith.constant 0 : i32
      %dma_wait3A_407 = arith.constant 0 : i32
      %dma_wait3A_408 = tpu.memref_slice %arg8[%dma_wait3A_406, %dma_wait3A_407] : memref<10112x128xf32, #tpu.memory_space<vmem_shared>> -> memref<10112x128xf32, #tpu.memory_space<vmem_shared>>
      tpu.wait_indirect_dma semaphore(%arg16 : memref<!tpu.dma_semaphore, #tpu.memory_space<semaphore_mem>>) src(%dma_wait3A_408 : memref<10112x128xf32, #tpu.memory_space<vmem_shared>>) dst(%arg12 : memref<40x128xf32, #tpu.memory_space<vmem>>)
      %mul3A_409 = arith.constant 40 : i32
      %mul3A_410 = arith.muli %add3A_402, %mul3A_409 : i32
      %add3A_411 = arith.addi %mul3A_2, %mul3A_410 : i32
      %dma_start3A_412 = arith.constant 0 : i32
      %dma_start3A_413 = tpu.memref_slice %arg6[%add3A_411, %dma_start3A_412] : memref<166400x128xf32, #tpu.memory_space<hbm>> -> memref<40x128xf32, #tpu.memory_space<hbm>>
      %dma_start3A_414 = arith.constant 0 : i32
      %dma_start3A_415 = tpu.memref_slice %arg6[%add3A_411, %dma_start3A_414] : memref<166400x128xf32, #tpu.memory_space<hbm>> -> memref<40x128xf32, #tpu.memory_space<hbm>>
      tpu.enqueue_dma source(%arg12 : memref<40x128xf32, #tpu.memory_space<vmem>>) target(%dma_start3A_415 : memref<40x128xf32, #tpu.memory_space<hbm>>) target_semaphore(%arg20 : memref<!tpu.dma_semaphore, #tpu.memory_space<semaphore_mem>>)
      %sub3A_416 = arith.constant 1 : i32
      %sub3A_417 = arith.subi %add3A_402, %sub3A_416 : i32
      %mul3A_418 = arith.constant 40 : i32
      %mul3A_419 = arith.muli %sub3A_417, %mul3A_418 : i32
      %add3A_420 = arith.addi %mul3A_2, %mul3A_419 : i32
      %dma_wait3A_421 = arith.constant 0 : i32
      %dma_wait3A_422 = tpu.memref_slice %arg6[%add3A_420, %dma_wait3A_421] : memref<166400x128xf32, #tpu.memory_space<hbm>> -> memref<40x128xf32, #tpu.memory_space<hbm>>
      %dma_wait3A_423 = arith.constant 0 : i32
      %dma_wait3A_424 = tpu.memref_slice %arg6[%add3A_420, %dma_wait3A_423] : memref<166400x128xf32, #tpu.memory_space<hbm>> -> memref<40x128xf32, #tpu.memory_space<hbm>>
      tpu.wait_dma2 semaphore(%arg19 : memref<!tpu.dma_semaphore, #tpu.memory_space<semaphore_mem>>) src(%arg11 : memref<40x128xf32, #tpu.memory_space<vmem>>) dst(%dma_wait3A_424 : memref<40x128xf32, #tpu.memory_space<hbm>>)
      %add3A_425 = arith.constant 3 : i32
      %add3A_426 = arith.addi %add3A_402, %add3A_425 : i32
      %mul3A_427 = arith.constant 40 : i32
      %mul3A_428 = arith.muli %add3A_426, %mul3A_427 : i32
      %dma_start3A_429 = tpu.memref_slice %arg9[%mul3A_428] : memref<5200xi32, #tpu.memory_space<vmem>> -> memref<40xi32, #tpu.memory_space<vmem>>
      %dma_start3A_430 = arith.constant 0 : i32
      %dma_start3A_431 = arith.constant 0 : i32
      %dma_start3A_432 = tpu.memref_slice %arg8[%dma_start3A_430, %dma_start3A_431] : memref<10112x128xf32, #tpu.memory_space<vmem_shared>> -> memref<10112x128xf32, #tpu.memory_space<vmem_shared>>
      tpu.enqueue_indirect_dma source(%dma_start3A_432 : memref<10112x128xf32, #tpu.memory_space<vmem_shared>>) target(%arg11 : memref<40x128xf32, #tpu.memory_space<vmem>>) offsets(%dma_start3A_429 : memref<40xi32, #tpu.memory_space<vmem>>) semaphore(%arg15 : memref<!tpu.dma_semaphore, #tpu.memory_space<semaphore_mem>>)
    }
    %scan3A_64 = arith.constant 31 : i32
    %dma_wait3A_65 = arith.constant 5040 : i32
    %dma_wait3A_66 = tpu.memref_slice %arg9[%dma_wait3A_65] : memref<5200xi32, #tpu.memory_space<vmem>> -> memref<40xi32, #tpu.memory_space<vmem>>
    %dma_wait3A_67 = arith.constant 0 : i32
    %dma_wait3A_68 = arith.constant 0 : i32
    %dma_wait3A_69 = tpu.memref_slice %arg8[%dma_wait3A_67, %dma_wait3A_68] : memref<10112x128xf32, #tpu.memory_space<vmem_shared>> -> memref<10112x128xf32, #tpu.memory_space<vmem_shared>>
    tpu.wait_indirect_dma semaphore(%arg17 : memref<!tpu.dma_semaphore, #tpu.memory_space<semaphore_mem>>) src(%dma_wait3A_69 : memref<10112x128xf32, #tpu.memory_space<vmem_shared>>) dst(%arg13 : memref<40x128xf32, #tpu.memory_space<vmem>>)
    %add3A_70 = arith.constant 5040 : i32
    %add3A_71 = arith.addi %mul3A_2, %add3A_70 : i32
    %dma_start3A_72 = arith.constant 0 : i32
    %dma_start3A_73 = tpu.memref_slice %arg6[%add3A_71, %dma_start3A_72] : memref<166400x128xf32, #tpu.memory_space<hbm>> -> memref<40x128xf32, #tpu.memory_space<hbm>>
    %dma_start3A_74 = arith.constant 0 : i32
    %dma_start3A_75 = tpu.memref_slice %arg6[%add3A_71, %dma_start3A_74] : memref<166400x128xf32, #tpu.memory_space<hbm>> -> memref<40x128xf32, #tpu.memory_space<hbm>>
    tpu.enqueue_dma source(%arg13 : memref<40x128xf32, #tpu.memory_space<vmem>>) target(%dma_start3A_75 : memref<40x128xf32, #tpu.memory_space<hbm>>) target_semaphore(%arg21 : memref<!tpu.dma_semaphore, #tpu.memory_space<semaphore_mem>>)
    %add3A_76 = arith.constant 5000 : i32
    %add3A_77 = arith.addi %mul3A_2, %add3A_76 : i32
    %dma_wait3A_78 = arith.constant 0 : i32
    %dma_wait3A_79 = tpu.memref_slice %arg6[%add3A_77, %dma_wait3A_78] : memref<166400x128xf32, #tpu.memory_space<hbm>> -> memref<40x128xf32, #tpu.memory_space<hbm>>
    %dma_wait3A_80 = arith.constant 0 : i32
    %dma_wait3A_81 = tpu.memref_slice %arg6[%add3A_77, %dma_wait3A_80] : memref<166400x128xf32, #tpu.memory_space<hbm>> -> memref<40x128xf32, #tpu.memory_space<hbm>>
    tpu.wait_dma2 semaphore(%arg20 : memref<!tpu.dma_semaphore, #tpu.memory_space<semaphore_mem>>) src(%arg12 : memref<40x128xf32, #tpu.memory_space<vmem>>) dst(%dma_wait3A_81 : memref<40x128xf32, #tpu.memory_space<hbm>>)
    %dma_start3A_82 = arith.constant 5160 : i32
    %dma_start3A_83 = tpu.memref_slice %arg9[%dma_start3A_82] : memref<5200xi32, #tpu.memory_space<vmem>> -> memref<40xi32, #tpu.memory_space<vmem>>
    %dma_start3A_84 = arith.constant 0 : i32
    %dma_start3A_85 = arith.constant 0 : i32
    %dma_start3A_86 = tpu.memref_slice %arg8[%dma_start3A_84, %dma_start3A_85] : memref<10112x128xf32, #tpu.memory_space<vmem_shared>> -> memref<10112x128xf32, #tpu.memory_space<vmem_shared>>
    tpu.enqueue_indirect_dma source(%dma_start3A_86 : memref<10112x128xf32, #tpu.memory_space<vmem_shared>>) target(%arg12 : memref<40x128xf32, #tpu.memory_space<vmem>>) offsets(%dma_start3A_83 : memref<40xi32, #tpu.memory_space<vmem>>) semaphore(%arg16 : memref<!tpu.dma_semaphore, #tpu.memory_space<semaphore_mem>>)
    %dma_wait3A_87 = arith.constant 5080 : i32
    %dma_wait3A_88 = tpu.memref_slice %arg9[%dma_wait3A_87] : memref<5200xi32, #tpu.memory_space<vmem>> -> memref<40xi32, #tpu.memory_space<vmem>>
    %dma_wait3A_89 = arith.constant 0 : i32
    %dma_wait3A_90 = arith.constant 0 : i32
    %dma_wait3A_91 = tpu.memref_slice %arg8[%dma_wait3A_89, %dma_wait3A_90] : memref<10112x128xf32, #tpu.memory_space<vmem_shared>> -> memref<10112x128xf32, #tpu.memory_space<vmem_shared>>
    tpu.wait_indirect_dma semaphore(%arg18 : memref<!tpu.dma_semaphore, #tpu.memory_space<semaphore_mem>>) src(%dma_wait3A_91 : memref<10112x128xf32, #tpu.memory_space<vmem_shared>>) dst(%arg14 : memref<40x128xf32, #tpu.memory_space<vmem>>)
    %add3A_92 = arith.constant 5080 : i32
    %add3A_93 = arith.addi %mul3A_2, %add3A_92 : i32
    %dma_start3A_94 = arith.constant 0 : i32
    %dma_start3A_95 = tpu.memref_slice %arg6[%add3A_93, %dma_start3A_94] : memref<166400x128xf32, #tpu.memory_space<hbm>> -> memref<40x128xf32, #tpu.memory_space<hbm>>
    %dma_start3A_96 = arith.constant 0 : i32
    %dma_start3A_97 = tpu.memref_slice %arg6[%add3A_93, %dma_start3A_96] : memref<166400x128xf32, #tpu.memory_space<hbm>> -> memref<40x128xf32, #tpu.memory_space<hbm>>
    tpu.enqueue_dma source(%arg14 : memref<40x128xf32, #tpu.memory_space<vmem>>) target(%dma_start3A_97 : memref<40x128xf32, #tpu.memory_space<hbm>>) target_semaphore(%arg22 : memref<!tpu.dma_semaphore, #tpu.memory_space<semaphore_mem>>)
    %dma_wait3A_98 = arith.constant 5120 : i32
    %dma_wait3A_99 = tpu.memref_slice %arg9[%dma_wait3A_98] : memref<5200xi32, #tpu.memory_space<vmem>> -> memref<40xi32, #tpu.memory_space<vmem>>
    %dma_wait3A_100 = arith.constant 0 : i32
    %dma_wait3A_101 = arith.constant 0 : i32
    %dma_wait3A_102 = tpu.memref_slice %arg8[%dma_wait3A_100, %dma_wait3A_101] : memref<10112x128xf32, #tpu.memory_space<vmem_shared>> -> memref<10112x128xf32, #tpu.memory_space<vmem_shared>>
    tpu.wait_indirect_dma semaphore(%arg15 : memref<!tpu.dma_semaphore, #tpu.memory_space<semaphore_mem>>) src(%dma_wait3A_102 : memref<10112x128xf32, #tpu.memory_space<vmem_shared>>) dst(%arg11 : memref<40x128xf32, #tpu.memory_space<vmem>>)
    %add3A_103 = arith.constant 5120 : i32
    %add3A_104 = arith.addi %mul3A_2, %add3A_103 : i32
    %dma_start3A_105 = arith.constant 0 : i32
    %dma_start3A_106 = tpu.memref_slice %arg6[%add3A_104, %dma_start3A_105] : memref<166400x128xf32, #tpu.memory_space<hbm>> -> memref<40x128xf32, #tpu.memory_space<hbm>>
    %dma_start3A_107 = arith.constant 0 : i32
    %dma_start3A_108 = tpu.memref_slice %arg6[%add3A_104, %dma_start3A_107] : memref<166400x128xf32, #tpu.memory_space<hbm>> -> memref<40x128xf32, #tpu.memory_space<hbm>>
    tpu.enqueue_dma source(%arg11 : memref<40x128xf32, #tpu.memory_space<vmem>>) target(%dma_start3A_108 : memref<40x128xf32, #tpu.memory_space<hbm>>) target_semaphore(%arg19 : memref<!tpu.dma_semaphore, #tpu.memory_space<semaphore_mem>>)
    %dma_wait3A_109 = arith.constant 5160 : i32
    %dma_wait3A_110 = tpu.memref_slice %arg9[%dma_wait3A_109] : memref<5200xi32, #tpu.memory_space<vmem>> -> memref<40xi32, #tpu.memory_space<vmem>>
    %dma_wait3A_111 = arith.constant 0 : i32
    %dma_wait3A_112 = arith.constant 0 : i32
    %dma_wait3A_113 = tpu.memref_slice %arg8[%dma_wait3A_111, %dma_wait3A_112] : memref<10112x128xf32, #tpu.memory_space<vmem_shared>> -> memref<10112x128xf32, #tpu.memory_space<vmem_shared>>
    tpu.wait_indirect_dma semaphore(%arg16 : memref<!tpu.dma_semaphore, #tpu.memory_space<semaphore_mem>>) src(%dma_wait3A_113 : memref<10112x128xf32, #tpu.memory_space<vmem_shared>>) dst(%arg12 : memref<40x128xf32, #tpu.memory_space<vmem>>)
    %add3A_114 = arith.constant 5160 : i32
    %add3A_115 = arith.addi %mul3A_2, %add3A_114 : i32
    %dma_start3A_116 = arith.constant 0 : i32
    %dma_start3A_117 = tpu.memref_slice %arg6[%add3A_115, %dma_start3A_116] : memref<166400x128xf32, #tpu.memory_space<hbm>> -> memref<40x128xf32, #tpu.memory_space<hbm>>
    %dma_start3A_118 = arith.constant 0 : i32
    %dma_start3A_119 = tpu.memref_slice %arg6[%add3A_115, %dma_start3A_118] : memref<166400x128xf32, #tpu.memory_space<hbm>> -> memref<40x128xf32, #tpu.memory_space<hbm>>
    tpu.enqueue_dma source(%arg12 : memref<40x128xf32, #tpu.memory_space<vmem>>) target(%dma_start3A_119 : memref<40x128xf32, #tpu.memory_space<hbm>>) target_semaphore(%arg20 : memref<!tpu.dma_semaphore, #tpu.memory_space<semaphore_mem>>)
    %add3A_120 = arith.constant 5040 : i32
    %add3A_121 = arith.addi %mul3A_2, %add3A_120 : i32
    %dma_wait3A_122 = arith.constant 0 : i32
    %dma_wait3A_123 = tpu.memref_slice %arg6[%add3A_121, %dma_wait3A_122] : memref<166400x128xf32, #tpu.memory_space<hbm>> -> memref<40x128xf32, #tpu.memory_space<hbm>>
    %dma_wait3A_124 = arith.constant 0 : i32
    %dma_wait3A_125 = tpu.memref_slice %arg6[%add3A_121, %dma_wait3A_124] : memref<166400x128xf32, #tpu.memory_space<hbm>> -> memref<40x128xf32, #tpu.memory_space<hbm>>
    tpu.wait_dma2 semaphore(%arg21 : memref<!tpu.dma_semaphore, #tpu.memory_space<semaphore_mem>>) src(%arg13 : memref<40x128xf32, #tpu.memory_space<vmem>>) dst(%dma_wait3A_125 : memref<40x128xf32, #tpu.memory_space<hbm>>)
    %add3A_126 = arith.constant 5080 : i32
    %add3A_127 = arith.addi %mul3A_2, %add3A_126 : i32
    %dma_wait3A_128 = arith.constant 0 : i32
    %dma_wait3A_129 = tpu.memref_slice %arg6[%add3A_127, %dma_wait3A_128] : memref<166400x128xf32, #tpu.memory_space<hbm>> -> memref<40x128xf32, #tpu.memory_space<hbm>>
    %dma_wait3A_130 = arith.constant 0 : i32
    %dma_wait3A_131 = tpu.memref_slice %arg6[%add3A_127, %dma_wait3A_130] : memref<166400x128xf32, #tpu.memory_space<hbm>> -> memref<40x128xf32, #tpu.memory_space<hbm>>
    tpu.wait_dma2 semaphore(%arg22 : memref<!tpu.dma_semaphore, #tpu.memory_space<semaphore_mem>>) src(%arg14 : memref<40x128xf32, #tpu.memory_space<vmem>>) dst(%dma_wait3A_131 : memref<40x128xf32, #tpu.memory_space<hbm>>)
    %add3A_132 = arith.constant 5120 : i32
    %add3A_133 = arith.addi %mul3A_2, %add3A_132 : i32
    %dma_wait3A_134 = arith.constant 0 : i32
    %dma_wait3A_135 = tpu.memref_slice %arg6[%add3A_133, %dma_wait3A_134] : memref<166400x128xf32, #tpu.memory_space<hbm>> -> memref<40x128xf32, #tpu.memory_space<hbm>>
    %dma_wait3A_136 = arith.constant 0 : i32
    %dma_wait3A_137 = tpu.memref_slice %arg6[%add3A_133, %dma_wait3A_136] : memref<166400x128xf32, #tpu.memory_space<hbm>> -> memref<40x128xf32, #tpu.memory_space<hbm>>
    tpu.wait_dma2 semaphore(%arg19 : memref<!tpu.dma_semaphore, #tpu.memory_space<semaphore_mem>>) src(%arg11 : memref<40x128xf32, #tpu.memory_space<vmem>>) dst(%dma_wait3A_137 : memref<40x128xf32, #tpu.memory_space<hbm>>)
    %add3A_138 = arith.constant 5160 : i32
    %add3A_139 = arith.addi %mul3A_2, %add3A_138 : i32
    %dma_wait3A_140 = arith.constant 0 : i32
    %dma_wait3A_141 = tpu.memref_slice %arg6[%add3A_139, %dma_wait3A_140] : memref<166400x128xf32, #tpu.memory_space<hbm>> -> memref<40x128xf32, #tpu.memory_space<hbm>>
    %dma_wait3A_142 = arith.constant 0 : i32
    %dma_wait3A_143 = tpu.memref_slice %arg6[%add3A_139, %dma_wait3A_142] : memref<166400x128xf32, #tpu.memory_space<hbm>> -> memref<40x128xf32, #tpu.memory_space<hbm>>
    tpu.wait_dma2 semaphore(%arg20 : memref<!tpu.dma_semaphore, #tpu.memory_space<semaphore_mem>>) src(%arg12 : memref<40x128xf32, #tpu.memory_space<vmem>>) dst(%dma_wait3A_143 : memref<40x128xf32, #tpu.memory_space<hbm>>)
    %barrier3A_144 = arith.constant 0 : index
    tpu.barrier barrier_id(%barrier3A_144)
    %mul3A_145 = arith.constant 632 : i32
    %mul3A_146 = arith.muli %arg1, %mul3A_145 : i32
    %mul3A_147 = arith.constant 632 : i32
    %mul3A_148 = arith.muli %arg1, %mul3A_147 : i32
    "tpu.region"() ({
      %run_scoped3A = tpu.sem_alloc : memref<!tpu.dma_semaphore, #tpu.memory_space<semaphore_mem>>
      %dma_start3A_289 = arith.constant 0 : i32
      %dma_start3A_290 = tpu.memref_slice %arg8[%mul3A_148, %dma_start3A_289] : memref<10112x128xf32, #tpu.memory_space<vmem_shared>> -> memref<632x128xf32, #tpu.memory_space<vmem_shared>>
      %dma_start3A_291 = arith.constant 0 : i32
      %dma_start3A_292 = tpu.memref_slice %arg3[%mul3A_146, %dma_start3A_291] : memref<10112x128xf32, #tpu.memory_space<hbm>> -> memref<632x128xf32, #tpu.memory_space<hbm>>
      tpu.enqueue_dma source(%dma_start3A_292 : memref<632x128xf32, #tpu.memory_space<hbm>>) target(%dma_start3A_290 : memref<632x128xf32, #tpu.memory_space<vmem_shared>>) target_semaphore(%run_scoped3A : memref<!tpu.dma_semaphore, #tpu.memory_space<semaphore_mem>>)
      %dma_wait3A_293 = arith.constant 0 : i32
      %dma_wait3A_294 = tpu.memref_slice %arg8[%mul3A_148, %dma_wait3A_293] : memref<10112x128xf32, #tpu.memory_space<vmem_shared>> -> memref<632x128xf32, #tpu.memory_space<vmem_shared>>
      %dma_wait3A_295 = arith.constant 0 : i32
      %dma_wait3A_296 = tpu.memref_slice %arg3[%mul3A_146, %dma_wait3A_295] : memref<10112x128xf32, #tpu.memory_space<hbm>> -> memref<632x128xf32, #tpu.memory_space<hbm>>
      tpu.wait_dma2 semaphore(%run_scoped3A : memref<!tpu.dma_semaphore, #tpu.memory_space<semaphore_mem>>) src(%dma_wait3A_296 : memref<632x128xf32, #tpu.memory_space<hbm>>) dst(%dma_wait3A_294 : memref<632x128xf32, #tpu.memory_space<vmem_shared>>)
      tpu.yield
    }) : () -> ()
    %barrier3A_149 = arith.constant 0 : index
    tpu.barrier barrier_id(%barrier3A_149)
    %dma_start3A_150 = arith.constant 0 : i32
    %dma_start3A_151 = tpu.memref_slice %arg10[%dma_start3A_150] : memref<5200xi32, #tpu.memory_space<vmem>> -> memref<40xi32, #tpu.memory_space<vmem>>
    %dma_start3A_152 = arith.constant 0 : i32
    %dma_start3A_153 = arith.constant 0 : i32
    %dma_start3A_154 = tpu.memref_slice %arg8[%dma_start3A_152, %dma_start3A_153] : memref<10112x128xf32, #tpu.memory_space<vmem_shared>> -> memref<10112x128xf32, #tpu.memory_space<vmem_shared>>
    tpu.enqueue_indirect_dma source(%dma_start3A_154 : memref<10112x128xf32, #tpu.memory_space<vmem_shared>>) target(%arg11 : memref<40x128xf32, #tpu.memory_space<vmem>>) offsets(%dma_start3A_151 : memref<40xi32, #tpu.memory_space<vmem>>) semaphore(%arg15 : memref<!tpu.dma_semaphore, #tpu.memory_space<semaphore_mem>>)
    %dma_start3A_155 = arith.constant 40 : i32
    %dma_start3A_156 = tpu.memref_slice %arg10[%dma_start3A_155] : memref<5200xi32, #tpu.memory_space<vmem>> -> memref<40xi32, #tpu.memory_space<vmem>>
    %dma_start3A_157 = arith.constant 0 : i32
    %dma_start3A_158 = arith.constant 0 : i32
    %dma_start3A_159 = tpu.memref_slice %arg8[%dma_start3A_157, %dma_start3A_158] : memref<10112x128xf32, #tpu.memory_space<vmem_shared>> -> memref<10112x128xf32, #tpu.memory_space<vmem_shared>>
    tpu.enqueue_indirect_dma source(%dma_start3A_159 : memref<10112x128xf32, #tpu.memory_space<vmem_shared>>) target(%arg12 : memref<40x128xf32, #tpu.memory_space<vmem>>) offsets(%dma_start3A_156 : memref<40xi32, #tpu.memory_space<vmem>>) semaphore(%arg16 : memref<!tpu.dma_semaphore, #tpu.memory_space<semaphore_mem>>)
    %dma_start3A_160 = arith.constant 80 : i32
    %dma_start3A_161 = tpu.memref_slice %arg10[%dma_start3A_160] : memref<5200xi32, #tpu.memory_space<vmem>> -> memref<40xi32, #tpu.memory_space<vmem>>
    %dma_start3A_162 = arith.constant 0 : i32
    %dma_start3A_163 = arith.constant 0 : i32
    %dma_start3A_164 = tpu.memref_slice %arg8[%dma_start3A_162, %dma_start3A_163] : memref<10112x128xf32, #tpu.memory_space<vmem_shared>> -> memref<10112x128xf32, #tpu.memory_space<vmem_shared>>
    tpu.enqueue_indirect_dma source(%dma_start3A_164 : memref<10112x128xf32, #tpu.memory_space<vmem_shared>>) target(%arg13 : memref<40x128xf32, #tpu.memory_space<vmem>>) offsets(%dma_start3A_161 : memref<40xi32, #tpu.memory_space<vmem>>) semaphore(%arg17 : memref<!tpu.dma_semaphore, #tpu.memory_space<semaphore_mem>>)
    %dma_wait3A_165 = arith.constant 0 : i32
    %dma_wait3A_166 = tpu.memref_slice %arg10[%dma_wait3A_165] : memref<5200xi32, #tpu.memory_space<vmem>> -> memref<40xi32, #tpu.memory_space<vmem>>
    %dma_wait3A_167 = arith.constant 0 : i32
    %dma_wait3A_168 = arith.constant 0 : i32
    %dma_wait3A_169 = tpu.memref_slice %arg8[%dma_wait3A_167, %dma_wait3A_168] : memref<10112x128xf32, #tpu.memory_space<vmem_shared>> -> memref<10112x128xf32, #tpu.memory_space<vmem_shared>>
    tpu.wait_indirect_dma semaphore(%arg15 : memref<!tpu.dma_semaphore, #tpu.memory_space<semaphore_mem>>) src(%dma_wait3A_169 : memref<10112x128xf32, #tpu.memory_space<vmem_shared>>) dst(%arg11 : memref<40x128xf32, #tpu.memory_space<vmem>>)
    %add3A_170 = arith.constant 0 : i32
    %add3A_171 = arith.addi %mul3A_2, %add3A_170 : i32
    %dma_start3A_172 = arith.constant 0 : i32
    %dma_start3A_173 = tpu.memref_slice %arg7[%add3A_171, %dma_start3A_172] : memref<166400x128xf32, #tpu.memory_space<hbm>> -> memref<40x128xf32, #tpu.memory_space<hbm>>
    %dma_start3A_174 = arith.constant 0 : i32
    %dma_start3A_175 = tpu.memref_slice %arg7[%add3A_171, %dma_start3A_174] : memref<166400x128xf32, #tpu.memory_space<hbm>> -> memref<40x128xf32, #tpu.memory_space<hbm>>
    tpu.enqueue_dma source(%arg11 : memref<40x128xf32, #tpu.memory_space<vmem>>) target(%dma_start3A_175 : memref<40x128xf32, #tpu.memory_space<hbm>>) target_semaphore(%arg19 : memref<!tpu.dma_semaphore, #tpu.memory_space<semaphore_mem>>)
    %dma_start3A_176 = arith.constant 120 : i32
    %dma_start3A_177 = tpu.memref_slice %arg10[%dma_start3A_176] : memref<5200xi32, #tpu.memory_space<vmem>> -> memref<40xi32, #tpu.memory_space<vmem>>
    %dma_start3A_178 = arith.constant 0 : i32
    %dma_start3A_179 = arith.constant 0 : i32
    %dma_start3A_180 = tpu.memref_slice %arg8[%dma_start3A_178, %dma_start3A_179] : memref<10112x128xf32, #tpu.memory_space<vmem_shared>> -> memref<10112x128xf32, #tpu.memory_space<vmem_shared>>
    tpu.enqueue_indirect_dma source(%dma_start3A_180 : memref<10112x128xf32, #tpu.memory_space<vmem_shared>>) target(%arg14 : memref<40x128xf32, #tpu.memory_space<vmem>>) offsets(%dma_start3A_177 : memref<40xi32, #tpu.memory_space<vmem>>) semaphore(%arg18 : memref<!tpu.dma_semaphore, #tpu.memory_space<semaphore_mem>>)
    %dma_wait3A_181 = arith.constant 40 : i32
    %dma_wait3A_182 = tpu.memref_slice %arg10[%dma_wait3A_181] : memref<5200xi32, #tpu.memory_space<vmem>> -> memref<40xi32, #tpu.memory_space<vmem>>
    %dma_wait3A_183 = arith.constant 0 : i32
    %dma_wait3A_184 = arith.constant 0 : i32
    %dma_wait3A_185 = tpu.memref_slice %arg8[%dma_wait3A_183, %dma_wait3A_184] : memref<10112x128xf32, #tpu.memory_space<vmem_shared>> -> memref<10112x128xf32, #tpu.memory_space<vmem_shared>>
    tpu.wait_indirect_dma semaphore(%arg16 : memref<!tpu.dma_semaphore, #tpu.memory_space<semaphore_mem>>) src(%dma_wait3A_185 : memref<10112x128xf32, #tpu.memory_space<vmem_shared>>) dst(%arg12 : memref<40x128xf32, #tpu.memory_space<vmem>>)
    %add3A_186 = arith.constant 40 : i32
    %add3A_187 = arith.addi %mul3A_2, %add3A_186 : i32
    %dma_start3A_188 = arith.constant 0 : i32
    %dma_start3A_189 = tpu.memref_slice %arg7[%add3A_187, %dma_start3A_188] : memref<166400x128xf32, #tpu.memory_space<hbm>> -> memref<40x128xf32, #tpu.memory_space<hbm>>
    %dma_start3A_190 = arith.constant 0 : i32
    %dma_start3A_191 = tpu.memref_slice %arg7[%add3A_187, %dma_start3A_190] : memref<166400x128xf32, #tpu.memory_space<hbm>> -> memref<40x128xf32, #tpu.memory_space<hbm>>
    tpu.enqueue_dma source(%arg12 : memref<40x128xf32, #tpu.memory_space<vmem>>) target(%dma_start3A_191 : memref<40x128xf32, #tpu.memory_space<hbm>>) target_semaphore(%arg20 : memref<!tpu.dma_semaphore, #tpu.memory_space<semaphore_mem>>)
    %add3A_192 = arith.constant 0 : i32
    %add3A_193 = arith.addi %mul3A_2, %add3A_192 : i32
    %dma_wait3A_194 = arith.constant 0 : i32
    %dma_wait3A_195 = tpu.memref_slice %arg7[%add3A_193, %dma_wait3A_194] : memref<166400x128xf32, #tpu.memory_space<hbm>> -> memref<40x128xf32, #tpu.memory_space<hbm>>
    %dma_wait3A_196 = arith.constant 0 : i32
    %dma_wait3A_197 = tpu.memref_slice %arg7[%add3A_193, %dma_wait3A_196] : memref<166400x128xf32, #tpu.memory_space<hbm>> -> memref<40x128xf32, #tpu.memory_space<hbm>>
    tpu.wait_dma2 semaphore(%arg19 : memref<!tpu.dma_semaphore, #tpu.memory_space<semaphore_mem>>) src(%arg11 : memref<40x128xf32, #tpu.memory_space<vmem>>) dst(%dma_wait3A_197 : memref<40x128xf32, #tpu.memory_space<hbm>>)
    %dma_start3A_198 = arith.constant 160 : i32
    %dma_start3A_199 = tpu.memref_slice %arg10[%dma_start3A_198] : memref<5200xi32, #tpu.memory_space<vmem>> -> memref<40xi32, #tpu.memory_space<vmem>>
    %dma_start3A_200 = arith.constant 0 : i32
    %dma_start3A_201 = arith.constant 0 : i32
    %dma_start3A_202 = tpu.memref_slice %arg8[%dma_start3A_200, %dma_start3A_201] : memref<10112x128xf32, #tpu.memory_space<vmem_shared>> -> memref<10112x128xf32, #tpu.memory_space<vmem_shared>>
    tpu.enqueue_indirect_dma source(%dma_start3A_202 : memref<10112x128xf32, #tpu.memory_space<vmem_shared>>) target(%arg11 : memref<40x128xf32, #tpu.memory_space<vmem>>) offsets(%dma_start3A_199 : memref<40xi32, #tpu.memory_space<vmem>>) semaphore(%arg15 : memref<!tpu.dma_semaphore, #tpu.memory_space<semaphore_mem>>)
    %scan3A_203 = arith.constant 0 : i32
    %scan3A_204 = arith.constant 0 : i32
    %scan3A_205 = arith.constant 31 : i32
    %scan3A_206 = arith.addi %scan3A_204, %scan3A_205 : i32
    %scan3A_207 = arith.constant 1 : i32
    scf.for %scan3A_289 = %scan3A_204 to %scan3A_206 step %scan3A_207  : i32 {
      %mul3A_290 = arith.constant 4 : i32
      %mul3A_291 = arith.muli %mul3A_290, %scan3A_289 : i32
      %add3A_292 = arith.constant 2 : i32
      %add3A_293 = arith.addi %mul3A_291, %add3A_292 : i32
      %add3A_294 = arith.constant 0 : i32
      %add3A_295 = arith.addi %add3A_293, %add3A_294 : i32
      %mul3A_296 = arith.constant 40 : i32
      %mul3A_297 = arith.muli %add3A_295, %mul3A_296 : i32
      %dma_wait3A_298 = tpu.memref_slice %arg10[%mul3A_297] : memref<5200xi32, #tpu.memory_space<vmem>> -> memref<40xi32, #tpu.memory_space<vmem>>
      %dma_wait3A_299 = arith.constant 0 : i32
      %dma_wait3A_300 = arith.constant 0 : i32
      %dma_wait3A_301 = tpu.memref_slice %arg8[%dma_wait3A_299, %dma_wait3A_300] : memref<10112x128xf32, #tpu.memory_space<vmem_shared>> -> memref<10112x128xf32, #tpu.memory_space<vmem_shared>>
      tpu.wait_indirect_dma semaphore(%arg17 : memref<!tpu.dma_semaphore, #tpu.memory_space<semaphore_mem>>) src(%dma_wait3A_301 : memref<10112x128xf32, #tpu.memory_space<vmem_shared>>) dst(%arg13 : memref<40x128xf32, #tpu.memory_space<vmem>>)
      %mul3A_302 = arith.constant 40 : i32
      %mul3A_303 = arith.muli %add3A_295, %mul3A_302 : i32
      %add3A_304 = arith.addi %mul3A_2, %mul3A_303 : i32
      %dma_start3A_305 = arith.constant 0 : i32
      %dma_start3A_306 = tpu.memref_slice %arg7[%add3A_304, %dma_start3A_305] : memref<166400x128xf32, #tpu.memory_space<hbm>> -> memref<40x128xf32, #tpu.memory_space<hbm>>
      %dma_start3A_307 = arith.constant 0 : i32
      %dma_start3A_308 = tpu.memref_slice %arg7[%add3A_304, %dma_start3A_307] : memref<166400x128xf32, #tpu.memory_space<hbm>> -> memref<40x128xf32, #tpu.memory_space<hbm>>
      tpu.enqueue_dma source(%arg13 : memref<40x128xf32, #tpu.memory_space<vmem>>) target(%dma_start3A_308 : memref<40x128xf32, #tpu.memory_space<hbm>>) target_semaphore(%arg21 : memref<!tpu.dma_semaphore, #tpu.memory_space<semaphore_mem>>)
      %sub3A = arith.constant 1 : i32
      %sub3A_309 = arith.subi %add3A_295, %sub3A : i32
      %mul3A_310 = arith.constant 40 : i32
      %mul3A_311 = arith.muli %sub3A_309, %mul3A_310 : i32
      %add3A_312 = arith.addi %mul3A_2, %mul3A_311 : i32
      %dma_wait3A_313 = arith.constant 0 : i32
      %dma_wait3A_314 = tpu.memref_slice %arg7[%add3A_312, %dma_wait3A_313] : memref<166400x128xf32, #tpu.memory_space<hbm>> -> memref<40x128xf32, #tpu.memory_space<hbm>>
      %dma_wait3A_315 = arith.constant 0 : i32
      %dma_wait3A_316 = tpu.memref_slice %arg7[%add3A_312, %dma_wait3A_315] : memref<166400x128xf32, #tpu.memory_space<hbm>> -> memref<40x128xf32, #tpu.memory_space<hbm>>
      tpu.wait_dma2 semaphore(%arg20 : memref<!tpu.dma_semaphore, #tpu.memory_space<semaphore_mem>>) src(%arg12 : memref<40x128xf32, #tpu.memory_space<vmem>>) dst(%dma_wait3A_316 : memref<40x128xf32, #tpu.memory_space<hbm>>)
      %add3A_317 = arith.constant 3 : i32
      %add3A_318 = arith.addi %add3A_295, %add3A_317 : i32
      %mul3A_319 = arith.constant 40 : i32
      %mul3A_320 = arith.muli %add3A_318, %mul3A_319 : i32
      %dma_start3A_321 = tpu.memref_slice %arg10[%mul3A_320] : memref<5200xi32, #tpu.memory_space<vmem>> -> memref<40xi32, #tpu.memory_space<vmem>>
      %dma_start3A_322 = arith.constant 0 : i32
      %dma_start3A_323 = arith.constant 0 : i32
      %dma_start3A_324 = tpu.memref_slice %arg8[%dma_start3A_322, %dma_start3A_323] : memref<10112x128xf32, #tpu.memory_space<vmem_shared>> -> memref<10112x128xf32, #tpu.memory_space<vmem_shared>>
      tpu.enqueue_indirect_dma source(%dma_start3A_324 : memref<10112x128xf32, #tpu.memory_space<vmem_shared>>) target(%arg12 : memref<40x128xf32, #tpu.memory_space<vmem>>) offsets(%dma_start3A_321 : memref<40xi32, #tpu.memory_space<vmem>>) semaphore(%arg16 : memref<!tpu.dma_semaphore, #tpu.memory_space<semaphore_mem>>)
      %mul3A_325 = arith.constant 4 : i32
      %mul3A_326 = arith.muli %mul3A_325, %scan3A_289 : i32
      %add3A_327 = arith.constant 2 : i32
      %add3A_328 = arith.addi %mul3A_326, %add3A_327 : i32
      %add3A_329 = arith.constant 1 : i32
      %add3A_330 = arith.addi %add3A_328, %add3A_329 : i32
      %mul3A_331 = arith.constant 40 : i32
      %mul3A_332 = arith.muli %add3A_330, %mul3A_331 : i32
      %dma_wait3A_333 = tpu.memref_slice %arg10[%mul3A_332] : memref<5200xi32, #tpu.memory_space<vmem>> -> memref<40xi32, #tpu.memory_space<vmem>>
      %dma_wait3A_334 = arith.constant 0 : i32
      %dma_wait3A_335 = arith.constant 0 : i32
      %dma_wait3A_336 = tpu.memref_slice %arg8[%dma_wait3A_334, %dma_wait3A_335] : memref<10112x128xf32, #tpu.memory_space<vmem_shared>> -> memref<10112x128xf32, #tpu.memory_space<vmem_shared>>
      tpu.wait_indirect_dma semaphore(%arg18 : memref<!tpu.dma_semaphore, #tpu.memory_space<semaphore_mem>>) src(%dma_wait3A_336 : memref<10112x128xf32, #tpu.memory_space<vmem_shared>>) dst(%arg14 : memref<40x128xf32, #tpu.memory_space<vmem>>)
      %mul3A_337 = arith.constant 40 : i32
      %mul3A_338 = arith.muli %add3A_330, %mul3A_337 : i32
      %add3A_339 = arith.addi %mul3A_2, %mul3A_338 : i32
      %dma_start3A_340 = arith.constant 0 : i32
      %dma_start3A_341 = tpu.memref_slice %arg7[%add3A_339, %dma_start3A_340] : memref<166400x128xf32, #tpu.memory_space<hbm>> -> memref<40x128xf32, #tpu.memory_space<hbm>>
      %dma_start3A_342 = arith.constant 0 : i32
      %dma_start3A_343 = tpu.memref_slice %arg7[%add3A_339, %dma_start3A_342] : memref<166400x128xf32, #tpu.memory_space<hbm>> -> memref<40x128xf32, #tpu.memory_space<hbm>>
      tpu.enqueue_dma source(%arg14 : memref<40x128xf32, #tpu.memory_space<vmem>>) target(%dma_start3A_343 : memref<40x128xf32, #tpu.memory_space<hbm>>) target_semaphore(%arg22 : memref<!tpu.dma_semaphore, #tpu.memory_space<semaphore_mem>>)
      %sub3A_344 = arith.constant 1 : i32
      %sub3A_345 = arith.subi %add3A_330, %sub3A_344 : i32
      %mul3A_346 = arith.constant 40 : i32
      %mul3A_347 = arith.muli %sub3A_345, %mul3A_346 : i32
      %add3A_348 = arith.addi %mul3A_2, %mul3A_347 : i32
      %dma_wait3A_349 = arith.constant 0 : i32
      %dma_wait3A_350 = tpu.memref_slice %arg7[%add3A_348, %dma_wait3A_349] : memref<166400x128xf32, #tpu.memory_space<hbm>> -> memref<40x128xf32, #tpu.memory_space<hbm>>
      %dma_wait3A_351 = arith.constant 0 : i32
      %dma_wait3A_352 = tpu.memref_slice %arg7[%add3A_348, %dma_wait3A_351] : memref<166400x128xf32, #tpu.memory_space<hbm>> -> memref<40x128xf32, #tpu.memory_space<hbm>>
      tpu.wait_dma2 semaphore(%arg21 : memref<!tpu.dma_semaphore, #tpu.memory_space<semaphore_mem>>) src(%arg13 : memref<40x128xf32, #tpu.memory_space<vmem>>) dst(%dma_wait3A_352 : memref<40x128xf32, #tpu.memory_space<hbm>>)
      %add3A_353 = arith.constant 3 : i32
      %add3A_354 = arith.addi %add3A_330, %add3A_353 : i32
      %mul3A_355 = arith.constant 40 : i32
      %mul3A_356 = arith.muli %add3A_354, %mul3A_355 : i32
      %dma_start3A_357 = tpu.memref_slice %arg10[%mul3A_356] : memref<5200xi32, #tpu.memory_space<vmem>> -> memref<40xi32, #tpu.memory_space<vmem>>
      %dma_start3A_358 = arith.constant 0 : i32
      %dma_start3A_359 = arith.constant 0 : i32
      %dma_start3A_360 = tpu.memref_slice %arg8[%dma_start3A_358, %dma_start3A_359] : memref<10112x128xf32, #tpu.memory_space<vmem_shared>> -> memref<10112x128xf32, #tpu.memory_space<vmem_shared>>
      tpu.enqueue_indirect_dma source(%dma_start3A_360 : memref<10112x128xf32, #tpu.memory_space<vmem_shared>>) target(%arg13 : memref<40x128xf32, #tpu.memory_space<vmem>>) offsets(%dma_start3A_357 : memref<40xi32, #tpu.memory_space<vmem>>) semaphore(%arg17 : memref<!tpu.dma_semaphore, #tpu.memory_space<semaphore_mem>>)
      %mul3A_361 = arith.constant 4 : i32
      %mul3A_362 = arith.muli %mul3A_361, %scan3A_289 : i32
      %add3A_363 = arith.constant 2 : i32
      %add3A_364 = arith.addi %mul3A_362, %add3A_363 : i32
      %add3A_365 = arith.constant 2 : i32
      %add3A_366 = arith.addi %add3A_364, %add3A_365 : i32
      %mul3A_367 = arith.constant 40 : i32
      %mul3A_368 = arith.muli %add3A_366, %mul3A_367 : i32
      %dma_wait3A_369 = tpu.memref_slice %arg10[%mul3A_368] : memref<5200xi32, #tpu.memory_space<vmem>> -> memref<40xi32, #tpu.memory_space<vmem>>
      %dma_wait3A_370 = arith.constant 0 : i32
      %dma_wait3A_371 = arith.constant 0 : i32
      %dma_wait3A_372 = tpu.memref_slice %arg8[%dma_wait3A_370, %dma_wait3A_371] : memref<10112x128xf32, #tpu.memory_space<vmem_shared>> -> memref<10112x128xf32, #tpu.memory_space<vmem_shared>>
      tpu.wait_indirect_dma semaphore(%arg15 : memref<!tpu.dma_semaphore, #tpu.memory_space<semaphore_mem>>) src(%dma_wait3A_372 : memref<10112x128xf32, #tpu.memory_space<vmem_shared>>) dst(%arg11 : memref<40x128xf32, #tpu.memory_space<vmem>>)
      %mul3A_373 = arith.constant 40 : i32
      %mul3A_374 = arith.muli %add3A_366, %mul3A_373 : i32
      %add3A_375 = arith.addi %mul3A_2, %mul3A_374 : i32
      %dma_start3A_376 = arith.constant 0 : i32
      %dma_start3A_377 = tpu.memref_slice %arg7[%add3A_375, %dma_start3A_376] : memref<166400x128xf32, #tpu.memory_space<hbm>> -> memref<40x128xf32, #tpu.memory_space<hbm>>
      %dma_start3A_378 = arith.constant 0 : i32
      %dma_start3A_379 = tpu.memref_slice %arg7[%add3A_375, %dma_start3A_378] : memref<166400x128xf32, #tpu.memory_space<hbm>> -> memref<40x128xf32, #tpu.memory_space<hbm>>
      tpu.enqueue_dma source(%arg11 : memref<40x128xf32, #tpu.memory_space<vmem>>) target(%dma_start3A_379 : memref<40x128xf32, #tpu.memory_space<hbm>>) target_semaphore(%arg19 : memref<!tpu.dma_semaphore, #tpu.memory_space<semaphore_mem>>)
      %sub3A_380 = arith.constant 1 : i32
      %sub3A_381 = arith.subi %add3A_366, %sub3A_380 : i32
      %mul3A_382 = arith.constant 40 : i32
      %mul3A_383 = arith.muli %sub3A_381, %mul3A_382 : i32
      %add3A_384 = arith.addi %mul3A_2, %mul3A_383 : i32
      %dma_wait3A_385 = arith.constant 0 : i32
      %dma_wait3A_386 = tpu.memref_slice %arg7[%add3A_384, %dma_wait3A_385] : memref<166400x128xf32, #tpu.memory_space<hbm>> -> memref<40x128xf32, #tpu.memory_space<hbm>>
      %dma_wait3A_387 = arith.constant 0 : i32
      %dma_wait3A_388 = tpu.memref_slice %arg7[%add3A_384, %dma_wait3A_387] : memref<166400x128xf32, #tpu.memory_space<hbm>> -> memref<40x128xf32, #tpu.memory_space<hbm>>
      tpu.wait_dma2 semaphore(%arg22 : memref<!tpu.dma_semaphore, #tpu.memory_space<semaphore_mem>>) src(%arg14 : memref<40x128xf32, #tpu.memory_space<vmem>>) dst(%dma_wait3A_388 : memref<40x128xf32, #tpu.memory_space<hbm>>)
      %add3A_389 = arith.constant 3 : i32
      %add3A_390 = arith.addi %add3A_366, %add3A_389 : i32
      %mul3A_391 = arith.constant 40 : i32
      %mul3A_392 = arith.muli %add3A_390, %mul3A_391 : i32
      %dma_start3A_393 = tpu.memref_slice %arg10[%mul3A_392] : memref<5200xi32, #tpu.memory_space<vmem>> -> memref<40xi32, #tpu.memory_space<vmem>>
      %dma_start3A_394 = arith.constant 0 : i32
      %dma_start3A_395 = arith.constant 0 : i32
      %dma_start3A_396 = tpu.memref_slice %arg8[%dma_start3A_394, %dma_start3A_395] : memref<10112x128xf32, #tpu.memory_space<vmem_shared>> -> memref<10112x128xf32, #tpu.memory_space<vmem_shared>>
      tpu.enqueue_indirect_dma source(%dma_start3A_396 : memref<10112x128xf32, #tpu.memory_space<vmem_shared>>) target(%arg14 : memref<40x128xf32, #tpu.memory_space<vmem>>) offsets(%dma_start3A_393 : memref<40xi32, #tpu.memory_space<vmem>>) semaphore(%arg18 : memref<!tpu.dma_semaphore, #tpu.memory_space<semaphore_mem>>)
      %mul3A_397 = arith.constant 4 : i32
      %mul3A_398 = arith.muli %mul3A_397, %scan3A_289 : i32
      %add3A_399 = arith.constant 2 : i32
      %add3A_400 = arith.addi %mul3A_398, %add3A_399 : i32
      %add3A_401 = arith.constant 3 : i32
      %add3A_402 = arith.addi %add3A_400, %add3A_401 : i32
      %mul3A_403 = arith.constant 40 : i32
      %mul3A_404 = arith.muli %add3A_402, %mul3A_403 : i32
      %dma_wait3A_405 = tpu.memref_slice %arg10[%mul3A_404] : memref<5200xi32, #tpu.memory_space<vmem>> -> memref<40xi32, #tpu.memory_space<vmem>>
      %dma_wait3A_406 = arith.constant 0 : i32
      %dma_wait3A_407 = arith.constant 0 : i32
      %dma_wait3A_408 = tpu.memref_slice %arg8[%dma_wait3A_406, %dma_wait3A_407] : memref<10112x128xf32, #tpu.memory_space<vmem_shared>> -> memref<10112x128xf32, #tpu.memory_space<vmem_shared>>
      tpu.wait_indirect_dma semaphore(%arg16 : memref<!tpu.dma_semaphore, #tpu.memory_space<semaphore_mem>>) src(%dma_wait3A_408 : memref<10112x128xf32, #tpu.memory_space<vmem_shared>>) dst(%arg12 : memref<40x128xf32, #tpu.memory_space<vmem>>)
      %mul3A_409 = arith.constant 40 : i32
      %mul3A_410 = arith.muli %add3A_402, %mul3A_409 : i32
      %add3A_411 = arith.addi %mul3A_2, %mul3A_410 : i32
      %dma_start3A_412 = arith.constant 0 : i32
      %dma_start3A_413 = tpu.memref_slice %arg7[%add3A_411, %dma_start3A_412] : memref<166400x128xf32, #tpu.memory_space<hbm>> -> memref<40x128xf32, #tpu.memory_space<hbm>>
      %dma_start3A_414 = arith.constant 0 : i32
      %dma_start3A_415 = tpu.memref_slice %arg7[%add3A_411, %dma_start3A_414] : memref<166400x128xf32, #tpu.memory_space<hbm>> -> memref<40x128xf32, #tpu.memory_space<hbm>>
      tpu.enqueue_dma source(%arg12 : memref<40x128xf32, #tpu.memory_space<vmem>>) target(%dma_start3A_415 : memref<40x128xf32, #tpu.memory_space<hbm>>) target_semaphore(%arg20 : memref<!tpu.dma_semaphore, #tpu.memory_space<semaphore_mem>>)
      %sub3A_416 = arith.constant 1 : i32
      %sub3A_417 = arith.subi %add3A_402, %sub3A_416 : i32
      %mul3A_418 = arith.constant 40 : i32
      %mul3A_419 = arith.muli %sub3A_417, %mul3A_418 : i32
      %add3A_420 = arith.addi %mul3A_2, %mul3A_419 : i32
      %dma_wait3A_421 = arith.constant 0 : i32
      %dma_wait3A_422 = tpu.memref_slice %arg7[%add3A_420, %dma_wait3A_421] : memref<166400x128xf32, #tpu.memory_space<hbm>> -> memref<40x128xf32, #tpu.memory_space<hbm>>
      %dma_wait3A_423 = arith.constant 0 : i32
      %dma_wait3A_424 = tpu.memref_slice %arg7[%add3A_420, %dma_wait3A_423] : memref<166400x128xf32, #tpu.memory_space<hbm>> -> memref<40x128xf32, #tpu.memory_space<hbm>>
      tpu.wait_dma2 semaphore(%arg19 : memref<!tpu.dma_semaphore, #tpu.memory_space<semaphore_mem>>) src(%arg11 : memref<40x128xf32, #tpu.memory_space<vmem>>) dst(%dma_wait3A_424 : memref<40x128xf32, #tpu.memory_space<hbm>>)
      %add3A_425 = arith.constant 3 : i32
      %add3A_426 = arith.addi %add3A_402, %add3A_425 : i32
      %mul3A_427 = arith.constant 40 : i32
      %mul3A_428 = arith.muli %add3A_426, %mul3A_427 : i32
      %dma_start3A_429 = tpu.memref_slice %arg10[%mul3A_428] : memref<5200xi32, #tpu.memory_space<vmem>> -> memref<40xi32, #tpu.memory_space<vmem>>
      %dma_start3A_430 = arith.constant 0 : i32
      %dma_start3A_431 = arith.constant 0 : i32
      %dma_start3A_432 = tpu.memref_slice %arg8[%dma_start3A_430, %dma_start3A_431] : memref<10112x128xf32, #tpu.memory_space<vmem_shared>> -> memref<10112x128xf32, #tpu.memory_space<vmem_shared>>
      tpu.enqueue_indirect_dma source(%dma_start3A_432 : memref<10112x128xf32, #tpu.memory_space<vmem_shared>>) target(%arg11 : memref<40x128xf32, #tpu.memory_space<vmem>>) offsets(%dma_start3A_429 : memref<40xi32, #tpu.memory_space<vmem>>) semaphore(%arg15 : memref<!tpu.dma_semaphore, #tpu.memory_space<semaphore_mem>>)
    }
    %scan3A_208 = arith.constant 31 : i32
    %dma_wait3A_209 = arith.constant 5040 : i32
    %dma_wait3A_210 = tpu.memref_slice %arg10[%dma_wait3A_209] : memref<5200xi32, #tpu.memory_space<vmem>> -> memref<40xi32, #tpu.memory_space<vmem>>
    %dma_wait3A_211 = arith.constant 0 : i32
    %dma_wait3A_212 = arith.constant 0 : i32
    %dma_wait3A_213 = tpu.memref_slice %arg8[%dma_wait3A_211, %dma_wait3A_212] : memref<10112x128xf32, #tpu.memory_space<vmem_shared>> -> memref<10112x128xf32, #tpu.memory_space<vmem_shared>>
    tpu.wait_indirect_dma semaphore(%arg17 : memref<!tpu.dma_semaphore, #tpu.memory_space<semaphore_mem>>) src(%dma_wait3A_213 : memref<10112x128xf32, #tpu.memory_space<vmem_shared>>) dst(%arg13 : memref<40x128xf32, #tpu.memory_space<vmem>>)
    %add3A_214 = arith.constant 5040 : i32
    %add3A_215 = arith.addi %mul3A_2, %add3A_214 : i32
    %dma_start3A_216 = arith.constant 0 : i32
    %dma_start3A_217 = tpu.memref_slice %arg7[%add3A_215, %dma_start3A_216] : memref<166400x128xf32, #tpu.memory_space<hbm>> -> memref<40x128xf32, #tpu.memory_space<hbm>>
    %dma_start3A_218 = arith.constant 0 : i32
    %dma_start3A_219 = tpu.memref_slice %arg7[%add3A_215, %dma_start3A_218] : memref<166400x128xf32, #tpu.memory_space<hbm>> -> memref<40x128xf32, #tpu.memory_space<hbm>>
    tpu.enqueue_dma source(%arg13 : memref<40x128xf32, #tpu.memory_space<vmem>>) target(%dma_start3A_219 : memref<40x128xf32, #tpu.memory_space<hbm>>) target_semaphore(%arg21 : memref<!tpu.dma_semaphore, #tpu.memory_space<semaphore_mem>>)
    %add3A_220 = arith.constant 5000 : i32
    %add3A_221 = arith.addi %mul3A_2, %add3A_220 : i32
    %dma_wait3A_222 = arith.constant 0 : i32
    %dma_wait3A_223 = tpu.memref_slice %arg7[%add3A_221, %dma_wait3A_222] : memref<166400x128xf32, #tpu.memory_space<hbm>> -> memref<40x128xf32, #tpu.memory_space<hbm>>
    %dma_wait3A_224 = arith.constant 0 : i32
    %dma_wait3A_225 = tpu.memref_slice %arg7[%add3A_221, %dma_wait3A_224] : memref<166400x128xf32, #tpu.memory_space<hbm>> -> memref<40x128xf32, #tpu.memory_space<hbm>>
    tpu.wait_dma2 semaphore(%arg20 : memref<!tpu.dma_semaphore, #tpu.memory_space<semaphore_mem>>) src(%arg12 : memref<40x128xf32, #tpu.memory_space<vmem>>) dst(%dma_wait3A_225 : memref<40x128xf32, #tpu.memory_space<hbm>>)
    %dma_start3A_226 = arith.constant 5160 : i32
    %dma_start3A_227 = tpu.memref_slice %arg10[%dma_start3A_226] : memref<5200xi32, #tpu.memory_space<vmem>> -> memref<40xi32, #tpu.memory_space<vmem>>
    %dma_start3A_228 = arith.constant 0 : i32
    %dma_start3A_229 = arith.constant 0 : i32
    %dma_start3A_230 = tpu.memref_slice %arg8[%dma_start3A_228, %dma_start3A_229] : memref<10112x128xf32, #tpu.memory_space<vmem_shared>> -> memref<10112x128xf32, #tpu.memory_space<vmem_shared>>
    tpu.enqueue_indirect_dma source(%dma_start3A_230 : memref<10112x128xf32, #tpu.memory_space<vmem_shared>>) target(%arg12 : memref<40x128xf32, #tpu.memory_space<vmem>>) offsets(%dma_start3A_227 : memref<40xi32, #tpu.memory_space<vmem>>) semaphore(%arg16 : memref<!tpu.dma_semaphore, #tpu.memory_space<semaphore_mem>>)
    %dma_wait3A_231 = arith.constant 5080 : i32
    %dma_wait3A_232 = tpu.memref_slice %arg10[%dma_wait3A_231] : memref<5200xi32, #tpu.memory_space<vmem>> -> memref<40xi32, #tpu.memory_space<vmem>>
    %dma_wait3A_233 = arith.constant 0 : i32
    %dma_wait3A_234 = arith.constant 0 : i32
    %dma_wait3A_235 = tpu.memref_slice %arg8[%dma_wait3A_233, %dma_wait3A_234] : memref<10112x128xf32, #tpu.memory_space<vmem_shared>> -> memref<10112x128xf32, #tpu.memory_space<vmem_shared>>
    tpu.wait_indirect_dma semaphore(%arg18 : memref<!tpu.dma_semaphore, #tpu.memory_space<semaphore_mem>>) src(%dma_wait3A_235 : memref<10112x128xf32, #tpu.memory_space<vmem_shared>>) dst(%arg14 : memref<40x128xf32, #tpu.memory_space<vmem>>)
    %add3A_236 = arith.constant 5080 : i32
    %add3A_237 = arith.addi %mul3A_2, %add3A_236 : i32
    %dma_start3A_238 = arith.constant 0 : i32
    %dma_start3A_239 = tpu.memref_slice %arg7[%add3A_237, %dma_start3A_238] : memref<166400x128xf32, #tpu.memory_space<hbm>> -> memref<40x128xf32, #tpu.memory_space<hbm>>
    %dma_start3A_240 = arith.constant 0 : i32
    %dma_start3A_241 = tpu.memref_slice %arg7[%add3A_237, %dma_start3A_240] : memref<166400x128xf32, #tpu.memory_space<hbm>> -> memref<40x128xf32, #tpu.memory_space<hbm>>
    tpu.enqueue_dma source(%arg14 : memref<40x128xf32, #tpu.memory_space<vmem>>) target(%dma_start3A_241 : memref<40x128xf32, #tpu.memory_space<hbm>>) target_semaphore(%arg22 : memref<!tpu.dma_semaphore, #tpu.memory_space<semaphore_mem>>)
    %dma_wait3A_242 = arith.constant 5120 : i32
    %dma_wait3A_243 = tpu.memref_slice %arg10[%dma_wait3A_242] : memref<5200xi32, #tpu.memory_space<vmem>> -> memref<40xi32, #tpu.memory_space<vmem>>
    %dma_wait3A_244 = arith.constant 0 : i32
    %dma_wait3A_245 = arith.constant 0 : i32
    %dma_wait3A_246 = tpu.memref_slice %arg8[%dma_wait3A_244, %dma_wait3A_245] : memref<10112x128xf32, #tpu.memory_space<vmem_shared>> -> memref<10112x128xf32, #tpu.memory_space<vmem_shared>>
    tpu.wait_indirect_dma semaphore(%arg15 : memref<!tpu.dma_semaphore, #tpu.memory_space<semaphore_mem>>) src(%dma_wait3A_246 : memref<10112x128xf32, #tpu.memory_space<vmem_shared>>) dst(%arg11 : memref<40x128xf32, #tpu.memory_space<vmem>>)
    %add3A_247 = arith.constant 5120 : i32
    %add3A_248 = arith.addi %mul3A_2, %add3A_247 : i32
    %dma_start3A_249 = arith.constant 0 : i32
    %dma_start3A_250 = tpu.memref_slice %arg7[%add3A_248, %dma_start3A_249] : memref<166400x128xf32, #tpu.memory_space<hbm>> -> memref<40x128xf32, #tpu.memory_space<hbm>>
    %dma_start3A_251 = arith.constant 0 : i32
    %dma_start3A_252 = tpu.memref_slice %arg7[%add3A_248, %dma_start3A_251] : memref<166400x128xf32, #tpu.memory_space<hbm>> -> memref<40x128xf32, #tpu.memory_space<hbm>>
    tpu.enqueue_dma source(%arg11 : memref<40x128xf32, #tpu.memory_space<vmem>>) target(%dma_start3A_252 : memref<40x128xf32, #tpu.memory_space<hbm>>) target_semaphore(%arg19 : memref<!tpu.dma_semaphore, #tpu.memory_space<semaphore_mem>>)
    %dma_wait3A_253 = arith.constant 5160 : i32
    %dma_wait3A_254 = tpu.memref_slice %arg10[%dma_wait3A_253] : memref<5200xi32, #tpu.memory_space<vmem>> -> memref<40xi32, #tpu.memory_space<vmem>>
    %dma_wait3A_255 = arith.constant 0 : i32
    %dma_wait3A_256 = arith.constant 0 : i32
    %dma_wait3A_257 = tpu.memref_slice %arg8[%dma_wait3A_255, %dma_wait3A_256] : memref<10112x128xf32, #tpu.memory_space<vmem_shared>> -> memref<10112x128xf32, #tpu.memory_space<vmem_shared>>
    tpu.wait_indirect_dma semaphore(%arg16 : memref<!tpu.dma_semaphore, #tpu.memory_space<semaphore_mem>>) src(%dma_wait3A_257 : memref<10112x128xf32, #tpu.memory_space<vmem_shared>>) dst(%arg12 : memref<40x128xf32, #tpu.memory_space<vmem>>)
    %add3A_258 = arith.constant 5160 : i32
    %add3A_259 = arith.addi %mul3A_2, %add3A_258 : i32
    %dma_start3A_260 = arith.constant 0 : i32
    %dma_start3A_261 = tpu.memref_slice %arg7[%add3A_259, %dma_start3A_260] : memref<166400x128xf32, #tpu.memory_space<hbm>> -> memref<40x128xf32, #tpu.memory_space<hbm>>
    %dma_start3A_262 = arith.constant 0 : i32
    %dma_start3A_263 = tpu.memref_slice %arg7[%add3A_259, %dma_start3A_262] : memref<166400x128xf32, #tpu.memory_space<hbm>> -> memref<40x128xf32, #tpu.memory_space<hbm>>
    tpu.enqueue_dma source(%arg12 : memref<40x128xf32, #tpu.memory_space<vmem>>) target(%dma_start3A_263 : memref<40x128xf32, #tpu.memory_space<hbm>>) target_semaphore(%arg20 : memref<!tpu.dma_semaphore, #tpu.memory_space<semaphore_mem>>)
    %add3A_264 = arith.constant 5040 : i32
    %add3A_265 = arith.addi %mul3A_2, %add3A_264 : i32
    %dma_wait3A_266 = arith.constant 0 : i32
    %dma_wait3A_267 = tpu.memref_slice %arg7[%add3A_265, %dma_wait3A_266] : memref<166400x128xf32, #tpu.memory_space<hbm>> -> memref<40x128xf32, #tpu.memory_space<hbm>>
    %dma_wait3A_268 = arith.constant 0 : i32
    %dma_wait3A_269 = tpu.memref_slice %arg7[%add3A_265, %dma_wait3A_268] : memref<166400x128xf32, #tpu.memory_space<hbm>> -> memref<40x128xf32, #tpu.memory_space<hbm>>
    tpu.wait_dma2 semaphore(%arg21 : memref<!tpu.dma_semaphore, #tpu.memory_space<semaphore_mem>>) src(%arg13 : memref<40x128xf32, #tpu.memory_space<vmem>>) dst(%dma_wait3A_269 : memref<40x128xf32, #tpu.memory_space<hbm>>)
    %add3A_270 = arith.constant 5080 : i32
    %add3A_271 = arith.addi %mul3A_2, %add3A_270 : i32
    %dma_wait3A_272 = arith.constant 0 : i32
    %dma_wait3A_273 = tpu.memref_slice %arg7[%add3A_271, %dma_wait3A_272] : memref<166400x128xf32, #tpu.memory_space<hbm>> -> memref<40x128xf32, #tpu.memory_space<hbm>>
    %dma_wait3A_274 = arith.constant 0 : i32
    %dma_wait3A_275 = tpu.memref_slice %arg7[%add3A_271, %dma_wait3A_274] : memref<166400x128xf32, #tpu.memory_space<hbm>> -> memref<40x128xf32, #tpu.memory_space<hbm>>
    tpu.wait_dma2 semaphore(%arg22 : memref<!tpu.dma_semaphore, #tpu.memory_space<semaphore_mem>>) src(%arg14 : memref<40x128xf32, #tpu.memory_space<vmem>>) dst(%dma_wait3A_275 : memref<40x128xf32, #tpu.memory_space<hbm>>)
    %add3A_276 = arith.constant 5120 : i32
    %add3A_277 = arith.addi %mul3A_2, %add3A_276 : i32
    %dma_wait3A_278 = arith.constant 0 : i32
    %dma_wait3A_279 = tpu.memref_slice %arg7[%add3A_277, %dma_wait3A_278] : memref<166400x128xf32, #tpu.memory_space<hbm>> -> memref<40x128xf32, #tpu.memory_space<hbm>>
    %dma_wait3A_280 = arith.constant 0 : i32
    %dma_wait3A_281 = tpu.memref_slice %arg7[%add3A_277, %dma_wait3A_280] : memref<166400x128xf32, #tpu.memory_space<hbm>> -> memref<40x128xf32, #tpu.memory_space<hbm>>
    tpu.wait_dma2 semaphore(%arg19 : memref<!tpu.dma_semaphore, #tpu.memory_space<semaphore_mem>>) src(%arg11 : memref<40x128xf32, #tpu.memory_space<vmem>>) dst(%dma_wait3A_281 : memref<40x128xf32, #tpu.memory_space<hbm>>)
    %add3A_282 = arith.constant 5160 : i32
    %add3A_283 = arith.addi %mul3A_2, %add3A_282 : i32
    %dma_wait3A_284 = arith.constant 0 : i32
    %dma_wait3A_285 = tpu.memref_slice %arg7[%add3A_283, %dma_wait3A_284] : memref<166400x128xf32, #tpu.memory_space<hbm>> -> memref<40x128xf32, #tpu.memory_space<hbm>>
    %dma_wait3A_286 = arith.constant 0 : i32
    %dma_wait3A_287 = tpu.memref_slice %arg7[%add3A_283, %dma_wait3A_286] : memref<166400x128xf32, #tpu.memory_space<hbm>> -> memref<40x128xf32, #tpu.memory_space<hbm>>
    tpu.wait_dma2 semaphore(%arg20 : memref<!tpu.dma_semaphore, #tpu.memory_space<semaphore_mem>>) src(%arg12 : memref<40x128xf32, #tpu.memory_space<vmem>>) dst(%dma_wait3A_287 : memref<40x128xf32, #tpu.memory_space<hbm>>)
    %barrier3A_288 = arith.constant 0 : index
    tpu.barrier barrier_id(%barrier3A_288)
    return
  }
}

#map = affine_map<(d0, d1) -> (0, 0)>
#map1 = affine_map<(d0, d1) -> (0)>
#map2 = affine_map<(d0, d1) -> (0, 0, 0)>
module attributes {stable_mosaic.version = 14 : i64} {
  func.func @sc_scatter(%arg0: i32, %arg1: i32, %arg2: memref<153600x128xf32, #tpu.memory_space<hbm>>, %arg3: memref<320000xi32, #tpu.memory_space<hbm>>, %arg4: memref<320000xi32, #tpu.memory_space<hbm>>, %arg5: memref<10112x128xf32, #tpu.memory_space<hbm>>, %arg6: memref<2x10112x128xf32, #tpu.memory_space<hbm>>, %arg7: memref<10112x128xf32, #tpu.memory_space<vmem_shared>>, %arg8: memref<4800xi32, #tpu.memory_space<vmem>>, %arg9: memref<4800xi32, #tpu.memory_space<vmem>>, %arg10: memref<80x128xf32, #tpu.memory_space<vmem>>, %arg11: memref<80x128xf32, #tpu.memory_space<vmem>>, %arg12: memref<!tpu.dma_semaphore, #tpu.memory_space<semaphore_mem>>, %arg13: memref<!tpu.dma_semaphore, #tpu.memory_space<semaphore_mem>>, %arg14: memref<!tpu.dma_semaphore, #tpu.memory_space<semaphore_mem>>, %arg15: memref<!tpu.dma_semaphore, #tpu.memory_space<semaphore_mem>>, %arg16: memref<!tpu.dma_semaphore, #tpu.memory_space<semaphore_mem>>, %arg17: memref<!tpu.dma_semaphore, #tpu.memory_space<semaphore_mem>>) attributes {dimension_semantics = [#tpu.dimension_semantics<core_parallel>, #tpu.dimension_semantics<subcore_parallel>], iteration_bounds = array<i64: 2, 16>, scalar_prefetch = 0 : i64, scratch_operands = 11 : i64, tpu.core_type = #tpu.core_type<sc_vector_subcore>, window_params = [{transform_indices = #map}, {transform_indices = #map1}, {transform_indices = #map1}, {transform_indices = #map}, {transform_indices = #map2}]} {
    %mul3A = arith.constant 16 : i32
    %mul3A_0 = arith.muli %arg0, %mul3A : i32
    %add3A = arith.addi %mul3A_0, %arg1 : i32
    %mul3A_1 = arith.constant 632 : i32
    %mul3A_2 = arith.muli %arg1, %mul3A_1 : i32
    %mul3A_3 = arith.constant 632 : i32
    %mul3A_4 = arith.muli %arg1, %mul3A_3 : i32
    "tpu.region"() ({
      %run_scoped3A = tpu.sem_alloc : memref<!tpu.dma_semaphore, #tpu.memory_space<semaphore_mem>>
      %dma_start3A_81 = arith.constant 0 : i32
      %dma_start3A_82 = tpu.memref_slice %arg7[%mul3A_4, %dma_start3A_81] : memref<10112x128xf32, #tpu.memory_space<vmem_shared>> -> memref<632x128xf32, #tpu.memory_space<vmem_shared>>
      %dma_start3A_83 = arith.constant 0 : i32
      %dma_start3A_84 = tpu.memref_slice %arg5[%mul3A_2, %dma_start3A_83] : memref<10112x128xf32, #tpu.memory_space<hbm>> -> memref<632x128xf32, #tpu.memory_space<hbm>>
      tpu.enqueue_dma source(%dma_start3A_84 : memref<632x128xf32, #tpu.memory_space<hbm>>) target(%dma_start3A_82 : memref<632x128xf32, #tpu.memory_space<vmem_shared>>) target_semaphore(%run_scoped3A : memref<!tpu.dma_semaphore, #tpu.memory_space<semaphore_mem>>)
      %dma_wait3A_85 = arith.constant 0 : i32
      %dma_wait3A_86 = tpu.memref_slice %arg7[%mul3A_4, %dma_wait3A_85] : memref<10112x128xf32, #tpu.memory_space<vmem_shared>> -> memref<632x128xf32, #tpu.memory_space<vmem_shared>>
      %dma_wait3A_87 = arith.constant 0 : i32
      %dma_wait3A_88 = tpu.memref_slice %arg5[%mul3A_2, %dma_wait3A_87] : memref<10112x128xf32, #tpu.memory_space<hbm>> -> memref<632x128xf32, #tpu.memory_space<hbm>>
      tpu.wait_dma2 semaphore(%run_scoped3A : memref<!tpu.dma_semaphore, #tpu.memory_space<semaphore_mem>>) src(%dma_wait3A_88 : memref<632x128xf32, #tpu.memory_space<hbm>>) dst(%dma_wait3A_86 : memref<632x128xf32, #tpu.memory_space<vmem_shared>>)
      tpu.yield
    }) : () -> ()
    %mul3A_5 = arith.constant 4800 : i32
    %mul3A_6 = arith.muli %add3A, %mul3A_5 : i32
    %add3A_7 = arith.constant 166400 : i32
    %add3A_8 = arith.addi %add3A_7, %mul3A_6 : i32
    "tpu.region"() ({
      %run_scoped3A = tpu.sem_alloc : memref<!tpu.dma_semaphore, #tpu.memory_space<semaphore_mem>>
      %dma_start3A_81 = tpu.memref_slice %arg3[%add3A_8] : memref<320000xi32, #tpu.memory_space<hbm>> -> memref<4800xi32, #tpu.memory_space<hbm>>
      %dma_start3A_82 = tpu.memref_slice %arg3[%add3A_8] : memref<320000xi32, #tpu.memory_space<hbm>> -> memref<4800xi32, #tpu.memory_space<hbm>>
      tpu.enqueue_dma source(%dma_start3A_82 : memref<4800xi32, #tpu.memory_space<hbm>>) target(%arg8 : memref<4800xi32, #tpu.memory_space<vmem>>) target_semaphore(%run_scoped3A : memref<!tpu.dma_semaphore, #tpu.memory_space<semaphore_mem>>)
      %dma_wait3A_83 = tpu.memref_slice %arg3[%add3A_8] : memref<320000xi32, #tpu.memory_space<hbm>> -> memref<4800xi32, #tpu.memory_space<hbm>>
      %dma_wait3A_84 = tpu.memref_slice %arg3[%add3A_8] : memref<320000xi32, #tpu.memory_space<hbm>> -> memref<4800xi32, #tpu.memory_space<hbm>>
      tpu.wait_dma2 semaphore(%run_scoped3A : memref<!tpu.dma_semaphore, #tpu.memory_space<semaphore_mem>>) src(%dma_wait3A_84 : memref<4800xi32, #tpu.memory_space<hbm>>) dst(%arg8 : memref<4800xi32, #tpu.memory_space<vmem>>)
      tpu.yield
    }) : () -> ()
    "tpu.region"() ({
      %run_scoped3A = tpu.sem_alloc : memref<!tpu.dma_semaphore, #tpu.memory_space<semaphore_mem>>
      %dma_start3A_81 = tpu.memref_slice %arg4[%add3A_8] : memref<320000xi32, #tpu.memory_space<hbm>> -> memref<4800xi32, #tpu.memory_space<hbm>>
      %dma_start3A_82 = tpu.memref_slice %arg4[%add3A_8] : memref<320000xi32, #tpu.memory_space<hbm>> -> memref<4800xi32, #tpu.memory_space<hbm>>
      tpu.enqueue_dma source(%dma_start3A_82 : memref<4800xi32, #tpu.memory_space<hbm>>) target(%arg9 : memref<4800xi32, #tpu.memory_space<vmem>>) target_semaphore(%run_scoped3A : memref<!tpu.dma_semaphore, #tpu.memory_space<semaphore_mem>>)
      %dma_wait3A_83 = tpu.memref_slice %arg4[%add3A_8] : memref<320000xi32, #tpu.memory_space<hbm>> -> memref<4800xi32, #tpu.memory_space<hbm>>
      %dma_wait3A_84 = tpu.memref_slice %arg4[%add3A_8] : memref<320000xi32, #tpu.memory_space<hbm>> -> memref<4800xi32, #tpu.memory_space<hbm>>
      tpu.wait_dma2 semaphore(%run_scoped3A : memref<!tpu.dma_semaphore, #tpu.memory_space<semaphore_mem>>) src(%dma_wait3A_84 : memref<4800xi32, #tpu.memory_space<hbm>>) dst(%arg9 : memref<4800xi32, #tpu.memory_space<vmem>>)
      tpu.yield
    }) : () -> ()
    %barrier3A = arith.constant 0 : index
    tpu.barrier barrier_id(%barrier3A)
    %add3A_9 = arith.constant 0 : i32
    %add3A_10 = arith.addi %mul3A_6, %add3A_9 : i32
    %dma_start3A = arith.constant 0 : i32
    %dma_start3A_11 = tpu.memref_slice %arg2[%add3A_10, %dma_start3A] : memref<153600x128xf32, #tpu.memory_space<hbm>> -> memref<80x128xf32, #tpu.memory_space<hbm>>
    %dma_start3A_12 = arith.constant 0 : i32
    %dma_start3A_13 = tpu.memref_slice %arg2[%add3A_10, %dma_start3A_12] : memref<153600x128xf32, #tpu.memory_space<hbm>> -> memref<80x128xf32, #tpu.memory_space<hbm>>
    tpu.enqueue_dma source(%dma_start3A_13 : memref<80x128xf32, #tpu.memory_space<hbm>>) target(%arg10 : memref<80x128xf32, #tpu.memory_space<vmem>>) target_semaphore(%arg12 : memref<!tpu.dma_semaphore, #tpu.memory_space<semaphore_mem>>)
    %scan3A = arith.constant 0 : i32
    %scan3A_14 = arith.constant 0 : i32
    %scan3A_15 = arith.constant 29 : i32
    %scan3A_16 = arith.addi %scan3A_14, %scan3A_15 : i32
    %scan3A_17 = arith.constant 1 : i32
    scf.for %scan3A_81 = %scan3A_14 to %scan3A_16 step %scan3A_17  : i32 {
      %mul3A_82 = arith.constant 2 : i32
      %mul3A_83 = arith.muli %mul3A_82, %scan3A_81 : i32
      %mul3A_84 = arith.constant 80 : i32
      %mul3A_85 = arith.muli %mul3A_83, %mul3A_84 : i32
      %add3A_86 = arith.addi %mul3A_6, %mul3A_85 : i32
      %dma_wait3A_87 = arith.constant 0 : i32
      %dma_wait3A_88 = tpu.memref_slice %arg2[%add3A_86, %dma_wait3A_87] : memref<153600x128xf32, #tpu.memory_space<hbm>> -> memref<80x128xf32, #tpu.memory_space<hbm>>
      %dma_wait3A_89 = arith.constant 0 : i32
      %dma_wait3A_90 = tpu.memref_slice %arg2[%add3A_86, %dma_wait3A_89] : memref<153600x128xf32, #tpu.memory_space<hbm>> -> memref<80x128xf32, #tpu.memory_space<hbm>>
      tpu.wait_dma2 semaphore(%arg12 : memref<!tpu.dma_semaphore, #tpu.memory_space<semaphore_mem>>) src(%dma_wait3A_90 : memref<80x128xf32, #tpu.memory_space<hbm>>) dst(%arg10 : memref<80x128xf32, #tpu.memory_space<vmem>>)
      %mul3A_91 = arith.constant 2 : i32
      %mul3A_92 = arith.muli %mul3A_91, %scan3A_81 : i32
      %add3A_93 = arith.constant 1 : i32
      %add3A_94 = arith.addi %mul3A_92, %add3A_93 : i32
      %mul3A_95 = arith.constant 80 : i32
      %mul3A_96 = arith.muli %add3A_94, %mul3A_95 : i32
      %add3A_97 = arith.addi %mul3A_6, %mul3A_96 : i32
      %dma_start3A_98 = arith.constant 0 : i32
      %dma_start3A_99 = tpu.memref_slice %arg2[%add3A_97, %dma_start3A_98] : memref<153600x128xf32, #tpu.memory_space<hbm>> -> memref<80x128xf32, #tpu.memory_space<hbm>>
      %dma_start3A_100 = arith.constant 0 : i32
      %dma_start3A_101 = tpu.memref_slice %arg2[%add3A_97, %dma_start3A_100] : memref<153600x128xf32, #tpu.memory_space<hbm>> -> memref<80x128xf32, #tpu.memory_space<hbm>>
      tpu.enqueue_dma source(%dma_start3A_101 : memref<80x128xf32, #tpu.memory_space<hbm>>) target(%arg11 : memref<80x128xf32, #tpu.memory_space<vmem>>) target_semaphore(%arg13 : memref<!tpu.dma_semaphore, #tpu.memory_space<semaphore_mem>>)
      %mul3A_102 = arith.constant 2 : i32
      %mul3A_103 = arith.muli %mul3A_102, %scan3A_81 : i32
      %mul3A_104 = arith.constant 80 : i32
      %mul3A_105 = arith.muli %mul3A_103, %mul3A_104 : i32
      %dma_start3A_106 = tpu.memref_slice %arg8[%mul3A_105] : memref<4800xi32, #tpu.memory_space<vmem>> -> memref<80xi32, #tpu.memory_space<vmem>>
      %dma_start3A_107 = arith.constant 0 : i32
      %dma_start3A_108 = arith.constant 0 : i32
      %dma_start3A_109 = tpu.memref_slice %arg7[%dma_start3A_107, %dma_start3A_108] : memref<10112x128xf32, #tpu.memory_space<vmem_shared>> -> memref<10112x128xf32, #tpu.memory_space<vmem_shared>>
      tpu.enqueue_indirect_dma source(%arg10 : memref<80x128xf32, #tpu.memory_space<vmem>>) target(%dma_start3A_109 : memref<10112x128xf32, #tpu.memory_space<vmem_shared>>) offsets(%dma_start3A_106 : memref<80xi32, #tpu.memory_space<vmem>>) semaphore(%arg14 : memref<!tpu.dma_semaphore, #tpu.memory_space<semaphore_mem>>) {add = true}
      %mul3A_110 = arith.constant 80 : i32
      %mul3A_111 = arith.muli %mul3A_103, %mul3A_110 : i32
      %dma_start3A_112 = tpu.memref_slice %arg9[%mul3A_111] : memref<4800xi32, #tpu.memory_space<vmem>> -> memref<80xi32, #tpu.memory_space<vmem>>
      %dma_start3A_113 = arith.constant 0 : i32
      %dma_start3A_114 = arith.constant 0 : i32
      %dma_start3A_115 = tpu.memref_slice %arg7[%dma_start3A_113, %dma_start3A_114] : memref<10112x128xf32, #tpu.memory_space<vmem_shared>> -> memref<10112x128xf32, #tpu.memory_space<vmem_shared>>
      tpu.enqueue_indirect_dma source(%arg10 : memref<80x128xf32, #tpu.memory_space<vmem>>) target(%dma_start3A_115 : memref<10112x128xf32, #tpu.memory_space<vmem_shared>>) offsets(%dma_start3A_112 : memref<80xi32, #tpu.memory_space<vmem>>) semaphore(%arg16 : memref<!tpu.dma_semaphore, #tpu.memory_space<semaphore_mem>>) {add = true}
      %mul3A_116 = arith.constant 2 : i32
      %mul3A_117 = arith.muli %mul3A_116, %scan3A_81 : i32
      %add3A_118 = arith.constant 1 : i32
      %add3A_119 = arith.addi %mul3A_117, %add3A_118 : i32
      %mul3A_120 = arith.constant 80 : i32
      %mul3A_121 = arith.muli %add3A_119, %mul3A_120 : i32
      %add3A_122 = arith.addi %mul3A_6, %mul3A_121 : i32
      %dma_wait3A_123 = arith.constant 0 : i32
      %dma_wait3A_124 = tpu.memref_slice %arg2[%add3A_122, %dma_wait3A_123] : memref<153600x128xf32, #tpu.memory_space<hbm>> -> memref<80x128xf32, #tpu.memory_space<hbm>>
      %dma_wait3A_125 = arith.constant 0 : i32
      %dma_wait3A_126 = tpu.memref_slice %arg2[%add3A_122, %dma_wait3A_125] : memref<153600x128xf32, #tpu.memory_space<hbm>> -> memref<80x128xf32, #tpu.memory_space<hbm>>
      tpu.wait_dma2 semaphore(%arg13 : memref<!tpu.dma_semaphore, #tpu.memory_space<semaphore_mem>>) src(%dma_wait3A_126 : memref<80x128xf32, #tpu.memory_space<hbm>>) dst(%arg11 : memref<80x128xf32, #tpu.memory_space<vmem>>)
      %mul3A_127 = arith.constant 2 : i32
      %mul3A_128 = arith.muli %mul3A_127, %scan3A_81 : i32
      %mul3A_129 = arith.constant 80 : i32
      %mul3A_130 = arith.muli %mul3A_128, %mul3A_129 : i32
      %dma_wait3A_131 = tpu.memref_slice %arg8[%mul3A_130] : memref<4800xi32, #tpu.memory_space<vmem>> -> memref<80xi32, #tpu.memory_space<vmem>>
      %dma_wait3A_132 = arith.constant 0 : i32
      %dma_wait3A_133 = arith.constant 0 : i32
      %dma_wait3A_134 = tpu.memref_slice %arg7[%dma_wait3A_132, %dma_wait3A_133] : memref<10112x128xf32, #tpu.memory_space<vmem_shared>> -> memref<10112x128xf32, #tpu.memory_space<vmem_shared>>
      tpu.wait_indirect_dma semaphore(%arg14 : memref<!tpu.dma_semaphore, #tpu.memory_space<semaphore_mem>>) src(%arg10 : memref<80x128xf32, #tpu.memory_space<vmem>>) dst(%dma_wait3A_134 : memref<10112x128xf32, #tpu.memory_space<vmem_shared>>)
      %mul3A_135 = arith.constant 80 : i32
      %mul3A_136 = arith.muli %mul3A_128, %mul3A_135 : i32
      %dma_wait3A_137 = tpu.memref_slice %arg9[%mul3A_136] : memref<4800xi32, #tpu.memory_space<vmem>> -> memref<80xi32, #tpu.memory_space<vmem>>
      %dma_wait3A_138 = arith.constant 0 : i32
      %dma_wait3A_139 = arith.constant 0 : i32
      %dma_wait3A_140 = tpu.memref_slice %arg7[%dma_wait3A_138, %dma_wait3A_139] : memref<10112x128xf32, #tpu.memory_space<vmem_shared>> -> memref<10112x128xf32, #tpu.memory_space<vmem_shared>>
      tpu.wait_indirect_dma semaphore(%arg16 : memref<!tpu.dma_semaphore, #tpu.memory_space<semaphore_mem>>) src(%arg10 : memref<80x128xf32, #tpu.memory_space<vmem>>) dst(%dma_wait3A_140 : memref<10112x128xf32, #tpu.memory_space<vmem_shared>>)
      %mul3A_141 = arith.constant 2 : i32
      %mul3A_142 = arith.muli %mul3A_141, %scan3A_81 : i32
      %add3A_143 = arith.constant 2 : i32
      %add3A_144 = arith.addi %mul3A_142, %add3A_143 : i32
      %mul3A_145 = arith.constant 80 : i32
      %mul3A_146 = arith.muli %add3A_144, %mul3A_145 : i32
      %add3A_147 = arith.addi %mul3A_6, %mul3A_146 : i32
      %dma_start3A_148 = arith.constant 0 : i32
      %dma_start3A_149 = tpu.memref_slice %arg2[%add3A_147, %dma_start3A_148] : memref<153600x128xf32, #tpu.memory_space<hbm>> -> memref<80x128xf32, #tpu.memory_space<hbm>>
      %dma_start3A_150 = arith.constant 0 : i32
      %dma_start3A_151 = tpu.memref_slice %arg2[%add3A_147, %dma_start3A_150] : memref<153600x128xf32, #tpu.memory_space<hbm>> -> memref<80x128xf32, #tpu.memory_space<hbm>>
      tpu.enqueue_dma source(%dma_start3A_151 : memref<80x128xf32, #tpu.memory_space<hbm>>) target(%arg10 : memref<80x128xf32, #tpu.memory_space<vmem>>) target_semaphore(%arg12 : memref<!tpu.dma_semaphore, #tpu.memory_space<semaphore_mem>>)
      %mul3A_152 = arith.constant 2 : i32
      %mul3A_153 = arith.muli %mul3A_152, %scan3A_81 : i32
      %add3A_154 = arith.constant 1 : i32
      %add3A_155 = arith.addi %mul3A_153, %add3A_154 : i32
      %mul3A_156 = arith.constant 80 : i32
      %mul3A_157 = arith.muli %add3A_155, %mul3A_156 : i32
      %dma_start3A_158 = tpu.memref_slice %arg8[%mul3A_157] : memref<4800xi32, #tpu.memory_space<vmem>> -> memref<80xi32, #tpu.memory_space<vmem>>
      %dma_start3A_159 = arith.constant 0 : i32
      %dma_start3A_160 = arith.constant 0 : i32
      %dma_start3A_161 = tpu.memref_slice %arg7[%dma_start3A_159, %dma_start3A_160] : memref<10112x128xf32, #tpu.memory_space<vmem_shared>> -> memref<10112x128xf32, #tpu.memory_space<vmem_shared>>
      tpu.enqueue_indirect_dma source(%arg11 : memref<80x128xf32, #tpu.memory_space<vmem>>) target(%dma_start3A_161 : memref<10112x128xf32, #tpu.memory_space<vmem_shared>>) offsets(%dma_start3A_158 : memref<80xi32, #tpu.memory_space<vmem>>) semaphore(%arg15 : memref<!tpu.dma_semaphore, #tpu.memory_space<semaphore_mem>>) {add = true}
      %mul3A_162 = arith.constant 80 : i32
      %mul3A_163 = arith.muli %add3A_155, %mul3A_162 : i32
      %dma_start3A_164 = tpu.memref_slice %arg9[%mul3A_163] : memref<4800xi32, #tpu.memory_space<vmem>> -> memref<80xi32, #tpu.memory_space<vmem>>
      %dma_start3A_165 = arith.constant 0 : i32
      %dma_start3A_166 = arith.constant 0 : i32
      %dma_start3A_167 = tpu.memref_slice %arg7[%dma_start3A_165, %dma_start3A_166] : memref<10112x128xf32, #tpu.memory_space<vmem_shared>> -> memref<10112x128xf32, #tpu.memory_space<vmem_shared>>
      tpu.enqueue_indirect_dma source(%arg11 : memref<80x128xf32, #tpu.memory_space<vmem>>) target(%dma_start3A_167 : memref<10112x128xf32, #tpu.memory_space<vmem_shared>>) offsets(%dma_start3A_164 : memref<80xi32, #tpu.memory_space<vmem>>) semaphore(%arg17 : memref<!tpu.dma_semaphore, #tpu.memory_space<semaphore_mem>>) {add = true}
      %mul3A_168 = arith.constant 2 : i32
      %mul3A_169 = arith.muli %mul3A_168, %scan3A_81 : i32
      %add3A_170 = arith.constant 1 : i32
      %add3A_171 = arith.addi %mul3A_169, %add3A_170 : i32
      %mul3A_172 = arith.constant 80 : i32
      %mul3A_173 = arith.muli %add3A_171, %mul3A_172 : i32
      %dma_wait3A_174 = tpu.memref_slice %arg8[%mul3A_173] : memref<4800xi32, #tpu.memory_space<vmem>> -> memref<80xi32, #tpu.memory_space<vmem>>
      %dma_wait3A_175 = arith.constant 0 : i32
      %dma_wait3A_176 = arith.constant 0 : i32
      %dma_wait3A_177 = tpu.memref_slice %arg7[%dma_wait3A_175, %dma_wait3A_176] : memref<10112x128xf32, #tpu.memory_space<vmem_shared>> -> memref<10112x128xf32, #tpu.memory_space<vmem_shared>>
      tpu.wait_indirect_dma semaphore(%arg15 : memref<!tpu.dma_semaphore, #tpu.memory_space<semaphore_mem>>) src(%arg11 : memref<80x128xf32, #tpu.memory_space<vmem>>) dst(%dma_wait3A_177 : memref<10112x128xf32, #tpu.memory_space<vmem_shared>>)
      %mul3A_178 = arith.constant 80 : i32
      %mul3A_179 = arith.muli %add3A_171, %mul3A_178 : i32
      %dma_wait3A_180 = tpu.memref_slice %arg9[%mul3A_179] : memref<4800xi32, #tpu.memory_space<vmem>> -> memref<80xi32, #tpu.memory_space<vmem>>
      %dma_wait3A_181 = arith.constant 0 : i32
      %dma_wait3A_182 = arith.constant 0 : i32
      %dma_wait3A_183 = tpu.memref_slice %arg7[%dma_wait3A_181, %dma_wait3A_182] : memref<10112x128xf32, #tpu.memory_space<vmem_shared>> -> memref<10112x128xf32, #tpu.memory_space<vmem_shared>>
      tpu.wait_indirect_dma semaphore(%arg17 : memref<!tpu.dma_semaphore, #tpu.memory_space<semaphore_mem>>) src(%arg11 : memref<80x128xf32, #tpu.memory_space<vmem>>) dst(%dma_wait3A_183 : memref<10112x128xf32, #tpu.memory_space<vmem_shared>>)
    }
    %scan3A_18 = arith.constant 29 : i32
    %add3A_19 = arith.constant 4640 : i32
    %add3A_20 = arith.addi %mul3A_6, %add3A_19 : i32
    %dma_wait3A = arith.constant 0 : i32
    %dma_wait3A_21 = tpu.memref_slice %arg2[%add3A_20, %dma_wait3A] : memref<153600x128xf32, #tpu.memory_space<hbm>> -> memref<80x128xf32, #tpu.memory_space<hbm>>
    %dma_wait3A_22 = arith.constant 0 : i32
    %dma_wait3A_23 = tpu.memref_slice %arg2[%add3A_20, %dma_wait3A_22] : memref<153600x128xf32, #tpu.memory_space<hbm>> -> memref<80x128xf32, #tpu.memory_space<hbm>>
    tpu.wait_dma2 semaphore(%arg12 : memref<!tpu.dma_semaphore, #tpu.memory_space<semaphore_mem>>) src(%dma_wait3A_23 : memref<80x128xf32, #tpu.memory_space<hbm>>) dst(%arg10 : memref<80x128xf32, #tpu.memory_space<vmem>>)
    %add3A_24 = arith.constant 4720 : i32
    %add3A_25 = arith.addi %mul3A_6, %add3A_24 : i32
    %dma_start3A_26 = arith.constant 0 : i32
    %dma_start3A_27 = tpu.memref_slice %arg2[%add3A_25, %dma_start3A_26] : memref<153600x128xf32, #tpu.memory_space<hbm>> -> memref<80x128xf32, #tpu.memory_space<hbm>>
    %dma_start3A_28 = arith.constant 0 : i32
    %dma_start3A_29 = tpu.memref_slice %arg2[%add3A_25, %dma_start3A_28] : memref<153600x128xf32, #tpu.memory_space<hbm>> -> memref<80x128xf32, #tpu.memory_space<hbm>>
    tpu.enqueue_dma source(%dma_start3A_29 : memref<80x128xf32, #tpu.memory_space<hbm>>) target(%arg11 : memref<80x128xf32, #tpu.memory_space<vmem>>) target_semaphore(%arg13 : memref<!tpu.dma_semaphore, #tpu.memory_space<semaphore_mem>>)
    %dma_start3A_30 = arith.constant 4640 : i32
    %dma_start3A_31 = tpu.memref_slice %arg8[%dma_start3A_30] : memref<4800xi32, #tpu.memory_space<vmem>> -> memref<80xi32, #tpu.memory_space<vmem>>
    %dma_start3A_32 = arith.constant 0 : i32
    %dma_start3A_33 = arith.constant 0 : i32
    %dma_start3A_34 = tpu.memref_slice %arg7[%dma_start3A_32, %dma_start3A_33] : memref<10112x128xf32, #tpu.memory_space<vmem_shared>> -> memref<10112x128xf32, #tpu.memory_space<vmem_shared>>
    tpu.enqueue_indirect_dma source(%arg10 : memref<80x128xf32, #tpu.memory_space<vmem>>) target(%dma_start3A_34 : memref<10112x128xf32, #tpu.memory_space<vmem_shared>>) offsets(%dma_start3A_31 : memref<80xi32, #tpu.memory_space<vmem>>) semaphore(%arg14 : memref<!tpu.dma_semaphore, #tpu.memory_space<semaphore_mem>>) {add = true}
    %dma_start3A_35 = arith.constant 4640 : i32
    %dma_start3A_36 = tpu.memref_slice %arg9[%dma_start3A_35] : memref<4800xi32, #tpu.memory_space<vmem>> -> memref<80xi32, #tpu.memory_space<vmem>>
    %dma_start3A_37 = arith.constant 0 : i32
    %dma_start3A_38 = arith.constant 0 : i32
    %dma_start3A_39 = tpu.memref_slice %arg7[%dma_start3A_37, %dma_start3A_38] : memref<10112x128xf32, #tpu.memory_space<vmem_shared>> -> memref<10112x128xf32, #tpu.memory_space<vmem_shared>>
    tpu.enqueue_indirect_dma source(%arg10 : memref<80x128xf32, #tpu.memory_space<vmem>>) target(%dma_start3A_39 : memref<10112x128xf32, #tpu.memory_space<vmem_shared>>) offsets(%dma_start3A_36 : memref<80xi32, #tpu.memory_space<vmem>>) semaphore(%arg16 : memref<!tpu.dma_semaphore, #tpu.memory_space<semaphore_mem>>) {add = true}
    %add3A_40 = arith.constant 4720 : i32
    %add3A_41 = arith.addi %mul3A_6, %add3A_40 : i32
    %dma_wait3A_42 = arith.constant 0 : i32
    %dma_wait3A_43 = tpu.memref_slice %arg2[%add3A_41, %dma_wait3A_42] : memref<153600x128xf32, #tpu.memory_space<hbm>> -> memref<80x128xf32, #tpu.memory_space<hbm>>
    %dma_wait3A_44 = arith.constant 0 : i32
    %dma_wait3A_45 = tpu.memref_slice %arg2[%add3A_41, %dma_wait3A_44] : memref<153600x128xf32, #tpu.memory_space<hbm>> -> memref<80x128xf32, #tpu.memory_space<hbm>>
    tpu.wait_dma2 semaphore(%arg13 : memref<!tpu.dma_semaphore, #tpu.memory_space<semaphore_mem>>) src(%dma_wait3A_45 : memref<80x128xf32, #tpu.memory_space<hbm>>) dst(%arg11 : memref<80x128xf32, #tpu.memory_space<vmem>>)
    %dma_wait3A_46 = arith.constant 4640 : i32
    %dma_wait3A_47 = tpu.memref_slice %arg8[%dma_wait3A_46] : memref<4800xi32, #tpu.memory_space<vmem>> -> memref<80xi32, #tpu.memory_space<vmem>>
    %dma_wait3A_48 = arith.constant 0 : i32
    %dma_wait3A_49 = arith.constant 0 : i32
    %dma_wait3A_50 = tpu.memref_slice %arg7[%dma_wait3A_48, %dma_wait3A_49] : memref<10112x128xf32, #tpu.memory_space<vmem_shared>> -> memref<10112x128xf32, #tpu.memory_space<vmem_shared>>
    tpu.wait_indirect_dma semaphore(%arg14 : memref<!tpu.dma_semaphore, #tpu.memory_space<semaphore_mem>>) src(%arg10 : memref<80x128xf32, #tpu.memory_space<vmem>>) dst(%dma_wait3A_50 : memref<10112x128xf32, #tpu.memory_space<vmem_shared>>)
    %dma_wait3A_51 = arith.constant 4640 : i32
    %dma_wait3A_52 = tpu.memref_slice %arg9[%dma_wait3A_51] : memref<4800xi32, #tpu.memory_space<vmem>> -> memref<80xi32, #tpu.memory_space<vmem>>
    %dma_wait3A_53 = arith.constant 0 : i32
    %dma_wait3A_54 = arith.constant 0 : i32
    %dma_wait3A_55 = tpu.memref_slice %arg7[%dma_wait3A_53, %dma_wait3A_54] : memref<10112x128xf32, #tpu.memory_space<vmem_shared>> -> memref<10112x128xf32, #tpu.memory_space<vmem_shared>>
    tpu.wait_indirect_dma semaphore(%arg16 : memref<!tpu.dma_semaphore, #tpu.memory_space<semaphore_mem>>) src(%arg10 : memref<80x128xf32, #tpu.memory_space<vmem>>) dst(%dma_wait3A_55 : memref<10112x128xf32, #tpu.memory_space<vmem_shared>>)
    %dma_start3A_56 = arith.constant 4720 : i32
    %dma_start3A_57 = tpu.memref_slice %arg8[%dma_start3A_56] : memref<4800xi32, #tpu.memory_space<vmem>> -> memref<80xi32, #tpu.memory_space<vmem>>
    %dma_start3A_58 = arith.constant 0 : i32
    %dma_start3A_59 = arith.constant 0 : i32
    %dma_start3A_60 = tpu.memref_slice %arg7[%dma_start3A_58, %dma_start3A_59] : memref<10112x128xf32, #tpu.memory_space<vmem_shared>> -> memref<10112x128xf32, #tpu.memory_space<vmem_shared>>
    tpu.enqueue_indirect_dma source(%arg11 : memref<80x128xf32, #tpu.memory_space<vmem>>) target(%dma_start3A_60 : memref<10112x128xf32, #tpu.memory_space<vmem_shared>>) offsets(%dma_start3A_57 : memref<80xi32, #tpu.memory_space<vmem>>) semaphore(%arg15 : memref<!tpu.dma_semaphore, #tpu.memory_space<semaphore_mem>>) {add = true}
    %dma_start3A_61 = arith.constant 4720 : i32
    %dma_start3A_62 = tpu.memref_slice %arg9[%dma_start3A_61] : memref<4800xi32, #tpu.memory_space<vmem>> -> memref<80xi32, #tpu.memory_space<vmem>>
    %dma_start3A_63 = arith.constant 0 : i32
    %dma_start3A_64 = arith.constant 0 : i32
    %dma_start3A_65 = tpu.memref_slice %arg7[%dma_start3A_63, %dma_start3A_64] : memref<10112x128xf32, #tpu.memory_space<vmem_shared>> -> memref<10112x128xf32, #tpu.memory_space<vmem_shared>>
    tpu.enqueue_indirect_dma source(%arg11 : memref<80x128xf32, #tpu.memory_space<vmem>>) target(%dma_start3A_65 : memref<10112x128xf32, #tpu.memory_space<vmem_shared>>) offsets(%dma_start3A_62 : memref<80xi32, #tpu.memory_space<vmem>>) semaphore(%arg17 : memref<!tpu.dma_semaphore, #tpu.memory_space<semaphore_mem>>) {add = true}
    %dma_wait3A_66 = arith.constant 4720 : i32
    %dma_wait3A_67 = tpu.memref_slice %arg8[%dma_wait3A_66] : memref<4800xi32, #tpu.memory_space<vmem>> -> memref<80xi32, #tpu.memory_space<vmem>>
    %dma_wait3A_68 = arith.constant 0 : i32
    %dma_wait3A_69 = arith.constant 0 : i32
    %dma_wait3A_70 = tpu.memref_slice %arg7[%dma_wait3A_68, %dma_wait3A_69] : memref<10112x128xf32, #tpu.memory_space<vmem_shared>> -> memref<10112x128xf32, #tpu.memory_space<vmem_shared>>
    tpu.wait_indirect_dma semaphore(%arg15 : memref<!tpu.dma_semaphore, #tpu.memory_space<semaphore_mem>>) src(%arg11 : memref<80x128xf32, #tpu.memory_space<vmem>>) dst(%dma_wait3A_70 : memref<10112x128xf32, #tpu.memory_space<vmem_shared>>)
    %dma_wait3A_71 = arith.constant 4720 : i32
    %dma_wait3A_72 = tpu.memref_slice %arg9[%dma_wait3A_71] : memref<4800xi32, #tpu.memory_space<vmem>> -> memref<80xi32, #tpu.memory_space<vmem>>
    %dma_wait3A_73 = arith.constant 0 : i32
    %dma_wait3A_74 = arith.constant 0 : i32
    %dma_wait3A_75 = tpu.memref_slice %arg7[%dma_wait3A_73, %dma_wait3A_74] : memref<10112x128xf32, #tpu.memory_space<vmem_shared>> -> memref<10112x128xf32, #tpu.memory_space<vmem_shared>>
    tpu.wait_indirect_dma semaphore(%arg17 : memref<!tpu.dma_semaphore, #tpu.memory_space<semaphore_mem>>) src(%arg11 : memref<80x128xf32, #tpu.memory_space<vmem>>) dst(%dma_wait3A_75 : memref<10112x128xf32, #tpu.memory_space<vmem_shared>>)
    %barrier3A_76 = arith.constant 0 : index
    tpu.barrier barrier_id(%barrier3A_76)
    %mul3A_77 = arith.constant 632 : i32
    %mul3A_78 = arith.muli %arg1, %mul3A_77 : i32
    %mul3A_79 = arith.constant 632 : i32
    %mul3A_80 = arith.muli %arg1, %mul3A_79 : i32
    "tpu.region"() ({
      %run_scoped3A = tpu.sem_alloc : memref<!tpu.dma_semaphore, #tpu.memory_space<semaphore_mem>>
      %dma_start3A_81 = arith.constant 0 : i32
      %dma_start3A_82 = tpu.memref_slice %arg6[%arg0, %mul3A_80, %dma_start3A_81] : memref<2x10112x128xf32, #tpu.memory_space<hbm>> -> memref<1x632x128xf32, #tpu.memory_space<hbm>>
      %dma_start3A_83 = tpu.memref_squeeze %dma_start3A_82 : memref<1x632x128xf32, #tpu.memory_space<hbm>> -> memref<632x128xf32, #tpu.memory_space<hbm>>
      %dma_start3A_84 = arith.constant 0 : i32
      %dma_start3A_85 = tpu.memref_slice %arg7[%mul3A_78, %dma_start3A_84] : memref<10112x128xf32, #tpu.memory_space<vmem_shared>> -> memref<632x128xf32, #tpu.memory_space<vmem_shared>>
      tpu.enqueue_dma source(%dma_start3A_85 : memref<632x128xf32, #tpu.memory_space<vmem_shared>>) target(%dma_start3A_83 : memref<632x128xf32, #tpu.memory_space<hbm>>) target_semaphore(%run_scoped3A : memref<!tpu.dma_semaphore, #tpu.memory_space<semaphore_mem>>)
      %dma_wait3A_86 = arith.constant 0 : i32
      %dma_wait3A_87 = tpu.memref_slice %arg6[%arg0, %mul3A_80, %dma_wait3A_86] : memref<2x10112x128xf32, #tpu.memory_space<hbm>> -> memref<1x632x128xf32, #tpu.memory_space<hbm>>
      %dma_wait3A_88 = tpu.memref_squeeze %dma_wait3A_87 : memref<1x632x128xf32, #tpu.memory_space<hbm>> -> memref<632x128xf32, #tpu.memory_space<hbm>>
      %dma_wait3A_89 = arith.constant 0 : i32
      %dma_wait3A_90 = tpu.memref_slice %arg7[%mul3A_78, %dma_wait3A_89] : memref<10112x128xf32, #tpu.memory_space<vmem_shared>> -> memref<632x128xf32, #tpu.memory_space<vmem_shared>>
      tpu.wait_dma2 semaphore(%run_scoped3A : memref<!tpu.dma_semaphore, #tpu.memory_space<semaphore_mem>>) src(%dma_wait3A_90 : memref<632x128xf32, #tpu.memory_space<vmem_shared>>) dst(%dma_wait3A_88 : memref<632x128xf32, #tpu.memory_space<hbm>>)
      tpu.yield
    }) : () -> ()
    return
  }
}

module attributes {stable_mosaic.version = 14 : i64} {
  func.func @_node_pre_body(%arg0: i32, %arg1: memref<5000x128xf32, #tpu.memory_space<vmem>>, %arg2: memref<128x128xf32, #tpu.memory_space<vmem>>, %arg3: memref<1x128xf32, #tpu.memory_space<vmem>>, %arg4: memref<1x128xf32, #tpu.memory_space<vmem>>, %arg5: memref<1x128xf32, #tpu.memory_space<vmem>>, %arg6: memref<128x128xf32, #tpu.memory_space<vmem>>, %arg7: memref<128x128xf32, #tpu.memory_space<vmem>>, %arg8: memref<1x128xf32, #tpu.memory_space<vmem>>, %arg9: memref<5000x128xf32, #tpu.memory_space<vmem>>, %arg10: memref<5000x128xf32, #tpu.memory_space<vmem>>, %arg11: memref<5000x128xf32, #tpu.memory_space<vmem>>) attributes {dimension_semantics = [#tpu.dimension_semantics<arbitrary>], iteration_bounds = array<i64: 2>, scalar_prefetch = 0 : i64, scratch_operands = 0 : i64, tpu.core_type = #tpu.core_type<tc>, window_params = [{transform_indices = @transform_0, window_bounds = array<i64: 5000, 128>}, {pipeline_mode = #tpu.pipeline_mode<synchronous>, transform_indices = @transform_1, window_bounds = array<i64: 128, 128>}, {pipeline_mode = #tpu.pipeline_mode<synchronous>, transform_indices = @transform_2, window_bounds = array<i64: 1, 128>}, {pipeline_mode = #tpu.pipeline_mode<synchronous>, transform_indices = @transform_3, window_bounds = array<i64: 1, 128>}, {pipeline_mode = #tpu.pipeline_mode<synchronous>, transform_indices = @transform_4, window_bounds = array<i64: 1, 128>}, {pipeline_mode = #tpu.pipeline_mode<synchronous>, transform_indices = @transform_5, window_bounds = array<i64: 128, 128>}, {pipeline_mode = #tpu.pipeline_mode<synchronous>, transform_indices = @transform_6, window_bounds = array<i64: 128, 128>}, {pipeline_mode = #tpu.pipeline_mode<synchronous>, transform_indices = @transform_7, window_bounds = array<i64: 1, 128>}, {transform_indices = @transform_8, window_bounds = array<i64: 5000, 128>}, {transform_indices = @transform_9, window_bounds = array<i64: 5000, 128>}, {transform_indices = @transform_10, window_bounds = array<i64: 5000, 128>}]} {
    %get3A = arith.constant 0 : index
    %get3A_0 = arith.constant 0 : index
    %get3A_1 = vector.load %arg1[%get3A, %get3A_0] : memref<5000x128xf32, #tpu.memory_space<vmem>>, vector<5000x128xf32>
    %get3A_2 = arith.constant 0 : index
    %get3A_3 = arith.constant 0 : index
    %get3A_4 = vector.load %arg2[%get3A_2, %get3A_3] : memref<128x128xf32, #tpu.memory_space<vmem>>, vector<128x128xf32>
    %dot_general3A = arith.constant dense<0.000000e+00> : vector<5000x128xf32>
    %dot_general3A_5 = tpu.matmul %get3A_1, %get3A_4, %dot_general3A {dimension_numbers = #tpu.dot_dimension_numbers<[1], [0], [0], [1], [0, 0, 1, 1], [], []>, transpose_lhs_hint = false} : vector<5000x128xf32>, vector<128x128xf32>, vector<5000x128xf32> -> vector<5000x128xf32>
    %get3A_6 = arith.constant 0 : index
    %get3A_7 = arith.constant 0 : index
    %get3A_8 = vector.load %arg3[%get3A_6, %get3A_7] : memref<1x128xf32, #tpu.memory_space<vmem>>, vector<1x128xf32>
    %add3A = vector.broadcast %get3A_8 : vector<1x128xf32> to vector<5000x128xf32>
    %add3A_9 = arith.addf %dot_general3A_5, %add3A : vector<5000x128xf32>
    %get3A_10 = arith.constant 0 : index
    %get3A_11 = arith.constant 0 : index
    %get3A_12 = vector.load %arg4[%get3A_10, %get3A_11] : memref<1x128xf32, #tpu.memory_space<vmem>>, vector<1x128xf32>
    %get3A_13 = arith.constant 0 : index
    %get3A_14 = arith.constant 0 : index
    %get3A_15 = vector.load %arg5[%get3A_13, %get3A_14] : memref<1x128xf32, #tpu.memory_space<vmem>>, vector<1x128xf32>
    %reduce_sum3A = arith.constant dense<0.000000e+00> : vector<5000xf32>
    %reduce_sum3A_16 = vector.multi_reduction <add>, %add3A_9, %reduce_sum3A [1] : vector<5000x128xf32> to vector<5000xf32>
    %broadcast_in_dim3A = vector.shape_cast %reduce_sum3A_16 : vector<5000xf32> to vector<5000x1xf32>
    %div3A = arith.constant 1.280000e+02 : f32
    %div3A_17 = vector.broadcast %div3A : f32 to vector<5000x1xf32>
    %div3A_18 = arith.divf %broadcast_in_dim3A, %div3A_17 : vector<5000x1xf32>
    %sub3A = vector.broadcast %div3A_18 : vector<5000x1xf32> to vector<5000x128xf32>
    %sub3A_19 = arith.subf %add3A_9, %sub3A : vector<5000x128xf32>
    %integer_pow3A = arith.mulf %sub3A_19, %sub3A_19 : vector<5000x128xf32>
    %reduce_sum3A_20 = arith.constant dense<0.000000e+00> : vector<5000xf32>
    %reduce_sum3A_21 = vector.multi_reduction <add>, %integer_pow3A, %reduce_sum3A_20 [1] : vector<5000x128xf32> to vector<5000xf32>
    %broadcast_in_dim3A_22 = vector.shape_cast %reduce_sum3A_21 : vector<5000xf32> to vector<5000x1xf32>
    %div3A_23 = arith.constant 1.280000e+02 : f32
    %div3A_24 = vector.broadcast %div3A_23 : f32 to vector<5000x1xf32>
    %div3A_25 = arith.divf %broadcast_in_dim3A_22, %div3A_24 : vector<5000x1xf32>
    %sub3A_26 = vector.broadcast %div3A_18 : vector<5000x1xf32> to vector<5000x128xf32>
    %sub3A_27 = arith.subf %add3A_9, %sub3A_26 : vector<5000x128xf32>
    %add3A_28 = arith.constant 9.99999974E-6 : f32
    %add3A_29 = vector.broadcast %add3A_28 : f32 to vector<5000x1xf32>
    %add3A_30 = arith.addf %div3A_25, %add3A_29 : vector<5000x1xf32>
    %rsqrt3A = math.rsqrt %add3A_30 : vector<5000x1xf32>
    %mul3A = vector.broadcast %rsqrt3A : vector<5000x1xf32> to vector<5000x128xf32>
    %mul3A_31 = arith.mulf %sub3A_27, %mul3A : vector<5000x128xf32>
    %mul3A_32 = vector.broadcast %get3A_12 : vector<1x128xf32> to vector<5000x128xf32>
    %mul3A_33 = arith.mulf %mul3A_31, %mul3A_32 : vector<5000x128xf32>
    %add3A_34 = vector.broadcast %get3A_15 : vector<1x128xf32> to vector<5000x128xf32>
    %add3A_35 = arith.addf %mul3A_33, %add3A_34 : vector<5000x128xf32>
    %max3A = arith.constant 0.000000e+00 : f32
    %max3A_36 = vector.broadcast %max3A : f32 to vector<5000x128xf32>
    %max3A_37 = arith.maximumf %add3A_35, %max3A_36 : vector<5000x128xf32>
    %swap3A = arith.constant 0 : index
    %swap3A_38 = arith.constant 0 : index
    %swap3A_39 = vector.load %arg9[%swap3A, %swap3A_38] : memref<5000x128xf32, #tpu.memory_space<vmem>>, vector<5000x128xf32>
    tpu.vector_store %arg9[%swap3A, %swap3A_38], %max3A_37 {strides = array<i32>} : memref<5000x128xf32, #tpu.memory_space<vmem>>, vector<5000x128xf32>,
    %get3A_40 = arith.constant 0 : index
    %get3A_41 = arith.constant 0 : index
    %get3A_42 = vector.load %arg6[%get3A_40, %get3A_41] : memref<128x128xf32, #tpu.memory_space<vmem>>, vector<128x128xf32>
    %dot_general3A_43 = arith.constant dense<0.000000e+00> : vector<5000x128xf32>
    %dot_general3A_44 = tpu.matmul %max3A_37, %get3A_42, %dot_general3A_43 {dimension_numbers = #tpu.dot_dimension_numbers<[1], [0], [0], [1], [0, 0, 1, 1], [], []>, transpose_lhs_hint = false} : vector<5000x128xf32>, vector<128x128xf32>, vector<5000x128xf32> -> vector<5000x128xf32>
    %get3A_45 = arith.constant 0 : index
    %get3A_46 = arith.constant 0 : index
    %get3A_47 = vector.load %arg8[%get3A_45, %get3A_46] : memref<1x128xf32, #tpu.memory_space<vmem>>, vector<1x128xf32>
    %add3A_48 = vector.broadcast %get3A_47 : vector<1x128xf32> to vector<5000x128xf32>
    %add3A_49 = arith.addf %dot_general3A_44, %add3A_48 : vector<5000x128xf32>
    %swap3A_50 = arith.constant 0 : index
    %swap3A_51 = arith.constant 0 : index
    %swap3A_52 = vector.load %arg10[%swap3A_50, %swap3A_51] : memref<5000x128xf32, #tpu.memory_space<vmem>>, vector<5000x128xf32>
    tpu.vector_store %arg10[%swap3A_50, %swap3A_51], %add3A_49 {strides = array<i32>} : memref<5000x128xf32, #tpu.memory_space<vmem>>, vector<5000x128xf32>,
    %get3A_53 = arith.constant 0 : index
    %get3A_54 = arith.constant 0 : index
    %get3A_55 = vector.load %arg7[%get3A_53, %get3A_54] : memref<128x128xf32, #tpu.memory_space<vmem>>, vector<128x128xf32>
    %dot_general3A_56 = arith.constant dense<0.000000e+00> : vector<5000x128xf32>
    %dot_general3A_57 = tpu.matmul %max3A_37, %get3A_55, %dot_general3A_56 {dimension_numbers = #tpu.dot_dimension_numbers<[1], [0], [0], [1], [0, 0, 1, 1], [], []>, transpose_lhs_hint = false} : vector<5000x128xf32>, vector<128x128xf32>, vector<5000x128xf32> -> vector<5000x128xf32>
    %swap3A_58 = arith.constant 0 : index
    %swap3A_59 = arith.constant 0 : index
    %swap3A_60 = vector.load %arg11[%swap3A_58, %swap3A_59] : memref<5000x128xf32, #tpu.memory_space<vmem>>, vector<5000x128xf32>
    tpu.vector_store %arg11[%swap3A_58, %swap3A_59], %dot_general3A_57 {strides = array<i32>} : memref<5000x128xf32, #tpu.memory_space<vmem>>, vector<5000x128xf32>,
    return
  }
  func.func @transform_0(%arg0: i32) -> (i32, i32) {
    %c0_i32 = arith.constant 0 : i32
    %c0_i32_0 = arith.constant 0 : i32
    return %arg0, %c0_i32 : i32, i32
  }
  func.func @transform_1(%arg0: i32) -> (i32, i32) {
    %c0_i32 = arith.constant 0 : i32
    %c0_i32_0 = arith.constant 0 : i32
    %c0_i32_1 = arith.constant 0 : i32
    return %c0_i32, %c0_i32_0 : i32, i32
  }
  func.func @transform_2(%arg0: i32) -> (i32, i32) {
    %c0_i32 = arith.constant 0 : i32
    %c0_i32_0 = arith.constant 0 : i32
    %c0_i32_1 = arith.constant 0 : i32
    return %c0_i32, %c0_i32_0 : i32, i32
  }
  func.func @transform_3(%arg0: i32) -> (i32, i32) {
    %c0_i32 = arith.constant 0 : i32
    %c0_i32_0 = arith.constant 0 : i32
    %c0_i32_1 = arith.constant 0 : i32
    return %c0_i32, %c0_i32_0 : i32, i32
  }
  func.func @transform_4(%arg0: i32) -> (i32, i32) {
    %c0_i32 = arith.constant 0 : i32
    %c0_i32_0 = arith.constant 0 : i32
    %c0_i32_1 = arith.constant 0 : i32
    return %c0_i32, %c0_i32_0 : i32, i32
  }
  func.func @transform_5(%arg0: i32) -> (i32, i32) {
    %c0_i32 = arith.constant 0 : i32
    %c0_i32_0 = arith.constant 0 : i32
    %c0_i32_1 = arith.constant 0 : i32
    return %c0_i32, %c0_i32_0 : i32, i32
  }
  func.func @transform_6(%arg0: i32) -> (i32, i32) {
    %c0_i32 = arith.constant 0 : i32
    %c0_i32_0 = arith.constant 0 : i32
    %c0_i32_1 = arith.constant 0 : i32
    return %c0_i32, %c0_i32_0 : i32, i32
  }
  func.func @transform_7(%arg0: i32) -> (i32, i32) {
    %c0_i32 = arith.constant 0 : i32
    %c0_i32_0 = arith.constant 0 : i32
    %c0_i32_1 = arith.constant 0 : i32
    return %c0_i32, %c0_i32_0 : i32, i32
  }
  func.func @transform_8(%arg0: i32) -> (i32, i32) {
    %c0_i32 = arith.constant 0 : i32
    %c0_i32_0 = arith.constant 0 : i32
    return %arg0, %c0_i32 : i32, i32
  }
  func.func @transform_9(%arg0: i32) -> (i32, i32) {
    %c0_i32 = arith.constant 0 : i32
    %c0_i32_0 = arith.constant 0 : i32
    return %arg0, %c0_i32 : i32, i32
  }
  func.func @transform_10(%arg0: i32) -> (i32, i32) {
    %c0_i32 = arith.constant 0 : i32
    %c0_i32_0 = arith.constant 0 : i32
    return %arg0, %c0_i32 : i32, i32
  }
}

module attributes {stable_mosaic.version = 14 : i64} {
  func.func @_msg_body(%arg0: i32, %arg1: memref<6400x16xf32, #tpu.memory_space<vmem>>, %arg2: memref<6400x128xf32, #tpu.memory_space<vmem>>, %arg3: memref<6400x128xf32, #tpu.memory_space<vmem>>, %arg4: memref<16x128xf32, #tpu.memory_space<vmem>>, %arg5: memref<1x128xf32, #tpu.memory_space<vmem>>, %arg6: memref<1x128xf32, #tpu.memory_space<vmem>>, %arg7: memref<1x128xf32, #tpu.memory_space<vmem>>, %arg8: memref<128x128xf32, #tpu.memory_space<vmem>>, %arg9: memref<1x128xf32, #tpu.memory_space<vmem>>, %arg10: memref<1x128xf32, #tpu.memory_space<vmem>>, %arg11: memref<6400x128xf32, #tpu.memory_space<vmem>>) attributes {dimension_semantics = [#tpu.dimension_semantics<arbitrary>], iteration_bounds = array<i64: 26>, scalar_prefetch = 0 : i64, scratch_operands = 0 : i64, tpu.core_type = #tpu.core_type<tc>, window_params = [{transform_indices = @transform_0, window_bounds = array<i64: 6400, 16>}, {transform_indices = @transform_1, window_bounds = array<i64: 6400, 128>}, {transform_indices = @transform_2, window_bounds = array<i64: 6400, 128>}, {pipeline_mode = #tpu.pipeline_mode<synchronous>, transform_indices = @transform_3, window_bounds = array<i64: 16, 128>}, {pipeline_mode = #tpu.pipeline_mode<synchronous>, transform_indices = @transform_4, window_bounds = array<i64: 1, 128>}, {pipeline_mode = #tpu.pipeline_mode<synchronous>, transform_indices = @transform_5, window_bounds = array<i64: 1, 128>}, {pipeline_mode = #tpu.pipeline_mode<synchronous>, transform_indices = @transform_6, window_bounds = array<i64: 1, 128>}, {pipeline_mode = #tpu.pipeline_mode<synchronous>, transform_indices = @transform_7, window_bounds = array<i64: 128, 128>}, {pipeline_mode = #tpu.pipeline_mode<synchronous>, transform_indices = @transform_8, window_bounds = array<i64: 1, 128>}, {pipeline_mode = #tpu.pipeline_mode<synchronous>, transform_indices = @transform_9, window_bounds = array<i64: 1, 128>}, {transform_indices = @transform_10, window_bounds = array<i64: 6400, 128>}]} {
    %get3A = arith.constant 0 : index
    %get3A_0 = arith.constant 0 : index
    %get3A_1 = vector.load %arg1[%get3A, %get3A_0] : memref<6400x16xf32, #tpu.memory_space<vmem>>, vector<6400x16xf32>
    %get3A_2 = arith.constant 0 : index
    %get3A_3 = arith.constant 0 : index
    %get3A_4 = vector.load %arg4[%get3A_2, %get3A_3] : memref<16x128xf32, #tpu.memory_space<vmem>>, vector<16x128xf32>
    %dot_general3A = arith.constant dense<0.000000e+00> : vector<6400x128xf32>
    %dot_general3A_5 = tpu.matmul %get3A_1, %get3A_4, %dot_general3A {dimension_numbers = #tpu.dot_dimension_numbers<[1], [0], [0], [1], [0, 0, 1, 1], [], []>, transpose_lhs_hint = false} : vector<6400x16xf32>, vector<16x128xf32>, vector<6400x128xf32> -> vector<6400x128xf32>
    %get3A_6 = arith.constant 0 : index
    %get3A_7 = arith.constant 0 : index
    %get3A_8 = vector.load %arg5[%get3A_6, %get3A_7] : memref<1x128xf32, #tpu.memory_space<vmem>>, vector<1x128xf32>
    %add3A = vector.broadcast %get3A_8 : vector<1x128xf32> to vector<6400x128xf32>
    %add3A_9 = arith.addf %dot_general3A_5, %add3A : vector<6400x128xf32>
    %get3A_10 = arith.constant 0 : index
    %get3A_11 = arith.constant 0 : index
    %get3A_12 = vector.load %arg6[%get3A_10, %get3A_11] : memref<1x128xf32, #tpu.memory_space<vmem>>, vector<1x128xf32>
    %get3A_13 = arith.constant 0 : index
    %get3A_14 = arith.constant 0 : index
    %get3A_15 = vector.load %arg7[%get3A_13, %get3A_14] : memref<1x128xf32, #tpu.memory_space<vmem>>, vector<1x128xf32>
    %reduce_sum3A = arith.constant dense<0.000000e+00> : vector<6400xf32>
    %reduce_sum3A_16 = vector.multi_reduction <add>, %add3A_9, %reduce_sum3A [1] : vector<6400x128xf32> to vector<6400xf32>
    %broadcast_in_dim3A = vector.shape_cast %reduce_sum3A_16 : vector<6400xf32> to vector<6400x1xf32>
    %div3A = arith.constant 1.280000e+02 : f32
    %div3A_17 = vector.broadcast %div3A : f32 to vector<6400x1xf32>
    %div3A_18 = arith.divf %broadcast_in_dim3A, %div3A_17 : vector<6400x1xf32>
    %sub3A = vector.broadcast %div3A_18 : vector<6400x1xf32> to vector<6400x128xf32>
    %sub3A_19 = arith.subf %add3A_9, %sub3A : vector<6400x128xf32>
    %integer_pow3A = arith.mulf %sub3A_19, %sub3A_19 : vector<6400x128xf32>
    %reduce_sum3A_20 = arith.constant dense<0.000000e+00> : vector<6400xf32>
    %reduce_sum3A_21 = vector.multi_reduction <add>, %integer_pow3A, %reduce_sum3A_20 [1] : vector<6400x128xf32> to vector<6400xf32>
    %broadcast_in_dim3A_22 = vector.shape_cast %reduce_sum3A_21 : vector<6400xf32> to vector<6400x1xf32>
    %div3A_23 = arith.constant 1.280000e+02 : f32
    %div3A_24 = vector.broadcast %div3A_23 : f32 to vector<6400x1xf32>
    %div3A_25 = arith.divf %broadcast_in_dim3A_22, %div3A_24 : vector<6400x1xf32>
    %sub3A_26 = vector.broadcast %div3A_18 : vector<6400x1xf32> to vector<6400x128xf32>
    %sub3A_27 = arith.subf %add3A_9, %sub3A_26 : vector<6400x128xf32>
    %add3A_28 = arith.constant 9.99999974E-6 : f32
    %add3A_29 = vector.broadcast %add3A_28 : f32 to vector<6400x1xf32>
    %add3A_30 = arith.addf %div3A_25, %add3A_29 : vector<6400x1xf32>
    %rsqrt3A = math.rsqrt %add3A_30 : vector<6400x1xf32>
    %mul3A = vector.broadcast %rsqrt3A : vector<6400x1xf32> to vector<6400x128xf32>
    %mul3A_31 = arith.mulf %sub3A_27, %mul3A : vector<6400x128xf32>
    %mul3A_32 = vector.broadcast %get3A_12 : vector<1x128xf32> to vector<6400x128xf32>
    %mul3A_33 = arith.mulf %mul3A_31, %mul3A_32 : vector<6400x128xf32>
    %add3A_34 = vector.broadcast %get3A_15 : vector<1x128xf32> to vector<6400x128xf32>
    %add3A_35 = arith.addf %mul3A_33, %add3A_34 : vector<6400x128xf32>
    %max3A = arith.constant 0.000000e+00 : f32
    %max3A_36 = vector.broadcast %max3A : f32 to vector<6400x128xf32>
    %max3A_37 = arith.maximumf %add3A_35, %max3A_36 : vector<6400x128xf32>
    %get3A_38 = arith.constant 0 : index
    %get3A_39 = arith.constant 0 : index
    %get3A_40 = vector.load %arg2[%get3A_38, %get3A_39] : memref<6400x128xf32, #tpu.memory_space<vmem>>, vector<6400x128xf32>
    %get3A_41 = arith.constant 0 : index
    %get3A_42 = arith.constant 0 : index
    %get3A_43 = vector.load %arg3[%get3A_41, %get3A_42] : memref<6400x128xf32, #tpu.memory_space<vmem>>, vector<6400x128xf32>
    %add3A_44 = arith.addf %get3A_40, %get3A_43 : vector<6400x128xf32>
    %get3A_45 = arith.constant 0 : index
    %get3A_46 = arith.constant 0 : index
    %get3A_47 = vector.load %arg8[%get3A_45, %get3A_46] : memref<128x128xf32, #tpu.memory_space<vmem>>, vector<128x128xf32>
    %dot_general3A_48 = arith.constant dense<0.000000e+00> : vector<6400x128xf32>
    %dot_general3A_49 = tpu.matmul %max3A_37, %get3A_47, %dot_general3A_48 {dimension_numbers = #tpu.dot_dimension_numbers<[1], [0], [0], [1], [0, 0, 1, 1], [], []>, transpose_lhs_hint = false} : vector<6400x128xf32>, vector<128x128xf32>, vector<6400x128xf32> -> vector<6400x128xf32>
    %add3A_50 = arith.addf %add3A_44, %dot_general3A_49 : vector<6400x128xf32>
    %get3A_51 = arith.constant 0 : index
    %get3A_52 = arith.constant 0 : index
    %get3A_53 = vector.load %arg9[%get3A_51, %get3A_52] : memref<1x128xf32, #tpu.memory_space<vmem>>, vector<1x128xf32>
    %get3A_54 = arith.constant 0 : index
    %get3A_55 = arith.constant 0 : index
    %get3A_56 = vector.load %arg10[%get3A_54, %get3A_55] : memref<1x128xf32, #tpu.memory_space<vmem>>, vector<1x128xf32>
    %reduce_sum3A_57 = arith.constant dense<0.000000e+00> : vector<6400xf32>
    %reduce_sum3A_58 = vector.multi_reduction <add>, %add3A_50, %reduce_sum3A_57 [1] : vector<6400x128xf32> to vector<6400xf32>
    %broadcast_in_dim3A_59 = vector.shape_cast %reduce_sum3A_58 : vector<6400xf32> to vector<6400x1xf32>
    %div3A_60 = arith.constant 1.280000e+02 : f32
    %div3A_61 = vector.broadcast %div3A_60 : f32 to vector<6400x1xf32>
    %div3A_62 = arith.divf %broadcast_in_dim3A_59, %div3A_61 : vector<6400x1xf32>
    %sub3A_63 = vector.broadcast %div3A_62 : vector<6400x1xf32> to vector<6400x128xf32>
    %sub3A_64 = arith.subf %add3A_50, %sub3A_63 : vector<6400x128xf32>
    %integer_pow3A_65 = arith.mulf %sub3A_64, %sub3A_64 : vector<6400x128xf32>
    %reduce_sum3A_66 = arith.constant dense<0.000000e+00> : vector<6400xf32>
    %reduce_sum3A_67 = vector.multi_reduction <add>, %integer_pow3A_65, %reduce_sum3A_66 [1] : vector<6400x128xf32> to vector<6400xf32>
    %broadcast_in_dim3A_68 = vector.shape_cast %reduce_sum3A_67 : vector<6400xf32> to vector<6400x1xf32>
    %div3A_69 = arith.constant 1.280000e+02 : f32
    %div3A_70 = vector.broadcast %div3A_69 : f32 to vector<6400x1xf32>
    %div3A_71 = arith.divf %broadcast_in_dim3A_68, %div3A_70 : vector<6400x1xf32>
    %sub3A_72 = vector.broadcast %div3A_62 : vector<6400x1xf32> to vector<6400x128xf32>
    %sub3A_73 = arith.subf %add3A_50, %sub3A_72 : vector<6400x128xf32>
    %add3A_74 = arith.constant 9.99999974E-6 : f32
    %add3A_75 = vector.broadcast %add3A_74 : f32 to vector<6400x1xf32>
    %add3A_76 = arith.addf %div3A_71, %add3A_75 : vector<6400x1xf32>
    %rsqrt3A_77 = math.rsqrt %add3A_76 : vector<6400x1xf32>
    %mul3A_78 = vector.broadcast %rsqrt3A_77 : vector<6400x1xf32> to vector<6400x128xf32>
    %mul3A_79 = arith.mulf %sub3A_73, %mul3A_78 : vector<6400x128xf32>
    %mul3A_80 = vector.broadcast %get3A_53 : vector<1x128xf32> to vector<6400x128xf32>
    %mul3A_81 = arith.mulf %mul3A_79, %mul3A_80 : vector<6400x128xf32>
    %add3A_82 = vector.broadcast %get3A_56 : vector<1x128xf32> to vector<6400x128xf32>
    %add3A_83 = arith.addf %mul3A_81, %add3A_82 : vector<6400x128xf32>
    %max3A_84 = arith.constant 0.000000e+00 : f32
    %max3A_85 = vector.broadcast %max3A_84 : f32 to vector<6400x128xf32>
    %max3A_86 = arith.maximumf %add3A_83, %max3A_85 : vector<6400x128xf32>
    %swap3A = arith.constant 0 : index
    %swap3A_87 = arith.constant 0 : index
    %swap3A_88 = vector.load %arg11[%swap3A, %swap3A_87] : memref<6400x128xf32, #tpu.memory_space<vmem>>, vector<6400x128xf32>
    tpu.vector_store %arg11[%swap3A, %swap3A_87], %max3A_86 {strides = array<i32>} : memref<6400x128xf32, #tpu.memory_space<vmem>>, vector<6400x128xf32>,
    return
  }
  func.func @transform_0(%arg0: i32) -> (i32, i32) {
    %add3A = arith.constant 0 : i32
    %add3A_0 = arith.addi %add3A, %arg0 : i32
    %c0_i32 = arith.constant 0 : i32
    %c0_i32_1 = arith.constant 0 : i32
    return %add3A_0, %c0_i32 : i32, i32
  }
  func.func @transform_1(%arg0: i32) -> (i32, i32) {
    %c0_i32 = arith.constant 0 : i32
    %c0_i32_0 = arith.constant 0 : i32
    return %arg0, %c0_i32 : i32, i32
  }
  func.func @transform_2(%arg0: i32) -> (i32, i32) {
    %c0_i32 = arith.constant 0 : i32
    %c0_i32_0 = arith.constant 0 : i32
    return %arg0, %c0_i32 : i32, i32
  }
  func.func @transform_3(%arg0: i32) -> (i32, i32) {
    %c0_i32 = arith.constant 0 : i32
    %c0_i32_0 = arith.constant 0 : i32
    %c0_i32_1 = arith.constant 0 : i32
    return %c0_i32, %c0_i32_0 : i32, i32
  }
  func.func @transform_4(%arg0: i32) -> (i32, i32) {
    %c0_i32 = arith.constant 0 : i32
    %c0_i32_0 = arith.constant 0 : i32
    %c0_i32_1 = arith.constant 0 : i32
    return %c0_i32, %c0_i32_0 : i32, i32
  }
  func.func @transform_5(%arg0: i32) -> (i32, i32) {
    %c0_i32 = arith.constant 0 : i32
    %c0_i32_0 = arith.constant 0 : i32
    %c0_i32_1 = arith.constant 0 : i32
    return %c0_i32, %c0_i32_0 : i32, i32
  }
  func.func @transform_6(%arg0: i32) -> (i32, i32) {
    %c0_i32 = arith.constant 0 : i32
    %c0_i32_0 = arith.constant 0 : i32
    %c0_i32_1 = arith.constant 0 : i32
    return %c0_i32, %c0_i32_0 : i32, i32
  }
  func.func @transform_7(%arg0: i32) -> (i32, i32) {
    %c0_i32 = arith.constant 0 : i32
    %c0_i32_0 = arith.constant 0 : i32
    %c0_i32_1 = arith.constant 0 : i32
    return %c0_i32, %c0_i32_0 : i32, i32
  }
  func.func @transform_8(%arg0: i32) -> (i32, i32) {
    %c0_i32 = arith.constant 0 : i32
    %c0_i32_0 = arith.constant 0 : i32
    %c0_i32_1 = arith.constant 0 : i32
    return %c0_i32, %c0_i32_0 : i32, i32
  }
  func.func @transform_9(%arg0: i32) -> (i32, i32) {
    %c0_i32 = arith.constant 0 : i32
    %c0_i32_0 = arith.constant 0 : i32
    %c0_i32_1 = arith.constant 0 : i32
    return %c0_i32, %c0_i32_0 : i32, i32
  }
  func.func @transform_10(%arg0: i32) -> (i32, i32) {
    %c0_i32 = arith.constant 0 : i32
    %c0_i32_0 = arith.constant 0 : i32
    return %arg0, %c0_i32 : i32, i32
  }
}

module attributes {stable_mosaic.version = 14 : i64} {
  func.func @_msg_body(%arg0: i32, %arg1: memref<6400x16xf32, #tpu.memory_space<vmem>>, %arg2: memref<6400x128xf32, #tpu.memory_space<vmem>>, %arg3: memref<6400x128xf32, #tpu.memory_space<vmem>>, %arg4: memref<16x128xf32, #tpu.memory_space<vmem>>, %arg5: memref<1x128xf32, #tpu.memory_space<vmem>>, %arg6: memref<1x128xf32, #tpu.memory_space<vmem>>, %arg7: memref<1x128xf32, #tpu.memory_space<vmem>>, %arg8: memref<128x128xf32, #tpu.memory_space<vmem>>, %arg9: memref<1x128xf32, #tpu.memory_space<vmem>>, %arg10: memref<1x128xf32, #tpu.memory_space<vmem>>, %arg11: memref<6400x128xf32, #tpu.memory_space<vmem>>) attributes {dimension_semantics = [#tpu.dimension_semantics<arbitrary>], iteration_bounds = array<i64: 24>, scalar_prefetch = 0 : i64, scratch_operands = 0 : i64, tpu.core_type = #tpu.core_type<tc>, window_params = [{transform_indices = @transform_0, window_bounds = array<i64: 6400, 16>}, {transform_indices = @transform_1, window_bounds = array<i64: 6400, 128>}, {transform_indices = @transform_2, window_bounds = array<i64: 6400, 128>}, {pipeline_mode = #tpu.pipeline_mode<synchronous>, transform_indices = @transform_3, window_bounds = array<i64: 16, 128>}, {pipeline_mode = #tpu.pipeline_mode<synchronous>, transform_indices = @transform_4, window_bounds = array<i64: 1, 128>}, {pipeline_mode = #tpu.pipeline_mode<synchronous>, transform_indices = @transform_5, window_bounds = array<i64: 1, 128>}, {pipeline_mode = #tpu.pipeline_mode<synchronous>, transform_indices = @transform_6, window_bounds = array<i64: 1, 128>}, {pipeline_mode = #tpu.pipeline_mode<synchronous>, transform_indices = @transform_7, window_bounds = array<i64: 128, 128>}, {pipeline_mode = #tpu.pipeline_mode<synchronous>, transform_indices = @transform_8, window_bounds = array<i64: 1, 128>}, {pipeline_mode = #tpu.pipeline_mode<synchronous>, transform_indices = @transform_9, window_bounds = array<i64: 1, 128>}, {transform_indices = @transform_10, window_bounds = array<i64: 6400, 128>}]} {
    %get3A = arith.constant 0 : index
    %get3A_0 = arith.constant 0 : index
    %get3A_1 = vector.load %arg1[%get3A, %get3A_0] : memref<6400x16xf32, #tpu.memory_space<vmem>>, vector<6400x16xf32>
    %get3A_2 = arith.constant 0 : index
    %get3A_3 = arith.constant 0 : index
    %get3A_4 = vector.load %arg4[%get3A_2, %get3A_3] : memref<16x128xf32, #tpu.memory_space<vmem>>, vector<16x128xf32>
    %dot_general3A = arith.constant dense<0.000000e+00> : vector<6400x128xf32>
    %dot_general3A_5 = tpu.matmul %get3A_1, %get3A_4, %dot_general3A {dimension_numbers = #tpu.dot_dimension_numbers<[1], [0], [0], [1], [0, 0, 1, 1], [], []>, transpose_lhs_hint = false} : vector<6400x16xf32>, vector<16x128xf32>, vector<6400x128xf32> -> vector<6400x128xf32>
    %get3A_6 = arith.constant 0 : index
    %get3A_7 = arith.constant 0 : index
    %get3A_8 = vector.load %arg5[%get3A_6, %get3A_7] : memref<1x128xf32, #tpu.memory_space<vmem>>, vector<1x128xf32>
    %add3A = vector.broadcast %get3A_8 : vector<1x128xf32> to vector<6400x128xf32>
    %add3A_9 = arith.addf %dot_general3A_5, %add3A : vector<6400x128xf32>
    %get3A_10 = arith.constant 0 : index
    %get3A_11 = arith.constant 0 : index
    %get3A_12 = vector.load %arg6[%get3A_10, %get3A_11] : memref<1x128xf32, #tpu.memory_space<vmem>>, vector<1x128xf32>
    %get3A_13 = arith.constant 0 : index
    %get3A_14 = arith.constant 0 : index
    %get3A_15 = vector.load %arg7[%get3A_13, %get3A_14] : memref<1x128xf32, #tpu.memory_space<vmem>>, vector<1x128xf32>
    %reduce_sum3A = arith.constant dense<0.000000e+00> : vector<6400xf32>
    %reduce_sum3A_16 = vector.multi_reduction <add>, %add3A_9, %reduce_sum3A [1] : vector<6400x128xf32> to vector<6400xf32>
    %broadcast_in_dim3A = vector.shape_cast %reduce_sum3A_16 : vector<6400xf32> to vector<6400x1xf32>
    %div3A = arith.constant 1.280000e+02 : f32
    %div3A_17 = vector.broadcast %div3A : f32 to vector<6400x1xf32>
    %div3A_18 = arith.divf %broadcast_in_dim3A, %div3A_17 : vector<6400x1xf32>
    %sub3A = vector.broadcast %div3A_18 : vector<6400x1xf32> to vector<6400x128xf32>
    %sub3A_19 = arith.subf %add3A_9, %sub3A : vector<6400x128xf32>
    %integer_pow3A = arith.mulf %sub3A_19, %sub3A_19 : vector<6400x128xf32>
    %reduce_sum3A_20 = arith.constant dense<0.000000e+00> : vector<6400xf32>
    %reduce_sum3A_21 = vector.multi_reduction <add>, %integer_pow3A, %reduce_sum3A_20 [1] : vector<6400x128xf32> to vector<6400xf32>
    %broadcast_in_dim3A_22 = vector.shape_cast %reduce_sum3A_21 : vector<6400xf32> to vector<6400x1xf32>
    %div3A_23 = arith.constant 1.280000e+02 : f32
    %div3A_24 = vector.broadcast %div3A_23 : f32 to vector<6400x1xf32>
    %div3A_25 = arith.divf %broadcast_in_dim3A_22, %div3A_24 : vector<6400x1xf32>
    %sub3A_26 = vector.broadcast %div3A_18 : vector<6400x1xf32> to vector<6400x128xf32>
    %sub3A_27 = arith.subf %add3A_9, %sub3A_26 : vector<6400x128xf32>
    %add3A_28 = arith.constant 9.99999974E-6 : f32
    %add3A_29 = vector.broadcast %add3A_28 : f32 to vector<6400x1xf32>
    %add3A_30 = arith.addf %div3A_25, %add3A_29 : vector<6400x1xf32>
    %rsqrt3A = math.rsqrt %add3A_30 : vector<6400x1xf32>
    %mul3A = vector.broadcast %rsqrt3A : vector<6400x1xf32> to vector<6400x128xf32>
    %mul3A_31 = arith.mulf %sub3A_27, %mul3A : vector<6400x128xf32>
    %mul3A_32 = vector.broadcast %get3A_12 : vector<1x128xf32> to vector<6400x128xf32>
    %mul3A_33 = arith.mulf %mul3A_31, %mul3A_32 : vector<6400x128xf32>
    %add3A_34 = vector.broadcast %get3A_15 : vector<1x128xf32> to vector<6400x128xf32>
    %add3A_35 = arith.addf %mul3A_33, %add3A_34 : vector<6400x128xf32>
    %max3A = arith.constant 0.000000e+00 : f32
    %max3A_36 = vector.broadcast %max3A : f32 to vector<6400x128xf32>
    %max3A_37 = arith.maximumf %add3A_35, %max3A_36 : vector<6400x128xf32>
    %get3A_38 = arith.constant 0 : index
    %get3A_39 = arith.constant 0 : index
    %get3A_40 = vector.load %arg2[%get3A_38, %get3A_39] : memref<6400x128xf32, #tpu.memory_space<vmem>>, vector<6400x128xf32>
    %get3A_41 = arith.constant 0 : index
    %get3A_42 = arith.constant 0 : index
    %get3A_43 = vector.load %arg3[%get3A_41, %get3A_42] : memref<6400x128xf32, #tpu.memory_space<vmem>>, vector<6400x128xf32>
    %add3A_44 = arith.addf %get3A_40, %get3A_43 : vector<6400x128xf32>
    %get3A_45 = arith.constant 0 : index
    %get3A_46 = arith.constant 0 : index
    %get3A_47 = vector.load %arg8[%get3A_45, %get3A_46] : memref<128x128xf32, #tpu.memory_space<vmem>>, vector<128x128xf32>
    %dot_general3A_48 = arith.constant dense<0.000000e+00> : vector<6400x128xf32>
    %dot_general3A_49 = tpu.matmul %max3A_37, %get3A_47, %dot_general3A_48 {dimension_numbers = #tpu.dot_dimension_numbers<[1], [0], [0], [1], [0, 0, 1, 1], [], []>, transpose_lhs_hint = false} : vector<6400x128xf32>, vector<128x128xf32>, vector<6400x128xf32> -> vector<6400x128xf32>
    %add3A_50 = arith.addf %add3A_44, %dot_general3A_49 : vector<6400x128xf32>
    %get3A_51 = arith.constant 0 : index
    %get3A_52 = arith.constant 0 : index
    %get3A_53 = vector.load %arg9[%get3A_51, %get3A_52] : memref<1x128xf32, #tpu.memory_space<vmem>>, vector<1x128xf32>
    %get3A_54 = arith.constant 0 : index
    %get3A_55 = arith.constant 0 : index
    %get3A_56 = vector.load %arg10[%get3A_54, %get3A_55] : memref<1x128xf32, #tpu.memory_space<vmem>>, vector<1x128xf32>
    %reduce_sum3A_57 = arith.constant dense<0.000000e+00> : vector<6400xf32>
    %reduce_sum3A_58 = vector.multi_reduction <add>, %add3A_50, %reduce_sum3A_57 [1] : vector<6400x128xf32> to vector<6400xf32>
    %broadcast_in_dim3A_59 = vector.shape_cast %reduce_sum3A_58 : vector<6400xf32> to vector<6400x1xf32>
    %div3A_60 = arith.constant 1.280000e+02 : f32
    %div3A_61 = vector.broadcast %div3A_60 : f32 to vector<6400x1xf32>
    %div3A_62 = arith.divf %broadcast_in_dim3A_59, %div3A_61 : vector<6400x1xf32>
    %sub3A_63 = vector.broadcast %div3A_62 : vector<6400x1xf32> to vector<6400x128xf32>
    %sub3A_64 = arith.subf %add3A_50, %sub3A_63 : vector<6400x128xf32>
    %integer_pow3A_65 = arith.mulf %sub3A_64, %sub3A_64 : vector<6400x128xf32>
    %reduce_sum3A_66 = arith.constant dense<0.000000e+00> : vector<6400xf32>
    %reduce_sum3A_67 = vector.multi_reduction <add>, %integer_pow3A_65, %reduce_sum3A_66 [1] : vector<6400x128xf32> to vector<6400xf32>
    %broadcast_in_dim3A_68 = vector.shape_cast %reduce_sum3A_67 : vector<6400xf32> to vector<6400x1xf32>
    %div3A_69 = arith.constant 1.280000e+02 : f32
    %div3A_70 = vector.broadcast %div3A_69 : f32 to vector<6400x1xf32>
    %div3A_71 = arith.divf %broadcast_in_dim3A_68, %div3A_70 : vector<6400x1xf32>
    %sub3A_72 = vector.broadcast %div3A_62 : vector<6400x1xf32> to vector<6400x128xf32>
    %sub3A_73 = arith.subf %add3A_50, %sub3A_72 : vector<6400x128xf32>
    %add3A_74 = arith.constant 9.99999974E-6 : f32
    %add3A_75 = vector.broadcast %add3A_74 : f32 to vector<6400x1xf32>
    %add3A_76 = arith.addf %div3A_71, %add3A_75 : vector<6400x1xf32>
    %rsqrt3A_77 = math.rsqrt %add3A_76 : vector<6400x1xf32>
    %mul3A_78 = vector.broadcast %rsqrt3A_77 : vector<6400x1xf32> to vector<6400x128xf32>
    %mul3A_79 = arith.mulf %sub3A_73, %mul3A_78 : vector<6400x128xf32>
    %mul3A_80 = vector.broadcast %get3A_53 : vector<1x128xf32> to vector<6400x128xf32>
    %mul3A_81 = arith.mulf %mul3A_79, %mul3A_80 : vector<6400x128xf32>
    %add3A_82 = vector.broadcast %get3A_56 : vector<1x128xf32> to vector<6400x128xf32>
    %add3A_83 = arith.addf %mul3A_81, %add3A_82 : vector<6400x128xf32>
    %max3A_84 = arith.constant 0.000000e+00 : f32
    %max3A_85 = vector.broadcast %max3A_84 : f32 to vector<6400x128xf32>
    %max3A_86 = arith.maximumf %add3A_83, %max3A_85 : vector<6400x128xf32>
    %swap3A = arith.constant 0 : index
    %swap3A_87 = arith.constant 0 : index
    %swap3A_88 = vector.load %arg11[%swap3A, %swap3A_87] : memref<6400x128xf32, #tpu.memory_space<vmem>>, vector<6400x128xf32>
    tpu.vector_store %arg11[%swap3A, %swap3A_87], %max3A_86 {strides = array<i32>} : memref<6400x128xf32, #tpu.memory_space<vmem>>, vector<6400x128xf32>,
    return
  }
  func.func @transform_0(%arg0: i32) -> (i32, i32) {
    %add3A = arith.constant 26 : i32
    %add3A_0 = arith.addi %add3A, %arg0 : i32
    %c0_i32 = arith.constant 0 : i32
    %c0_i32_1 = arith.constant 0 : i32
    return %add3A_0, %c0_i32 : i32, i32
  }
  func.func @transform_1(%arg0: i32) -> (i32, i32) {
    %c0_i32 = arith.constant 0 : i32
    %c0_i32_0 = arith.constant 0 : i32
    return %arg0, %c0_i32 : i32, i32
  }
  func.func @transform_2(%arg0: i32) -> (i32, i32) {
    %c0_i32 = arith.constant 0 : i32
    %c0_i32_0 = arith.constant 0 : i32
    return %arg0, %c0_i32 : i32, i32
  }
  func.func @transform_3(%arg0: i32) -> (i32, i32) {
    %c0_i32 = arith.constant 0 : i32
    %c0_i32_0 = arith.constant 0 : i32
    %c0_i32_1 = arith.constant 0 : i32
    return %c0_i32, %c0_i32_0 : i32, i32
  }
  func.func @transform_4(%arg0: i32) -> (i32, i32) {
    %c0_i32 = arith.constant 0 : i32
    %c0_i32_0 = arith.constant 0 : i32
    %c0_i32_1 = arith.constant 0 : i32
    return %c0_i32, %c0_i32_0 : i32, i32
  }
  func.func @transform_5(%arg0: i32) -> (i32, i32) {
    %c0_i32 = arith.constant 0 : i32
    %c0_i32_0 = arith.constant 0 : i32
    %c0_i32_1 = arith.constant 0 : i32
    return %c0_i32, %c0_i32_0 : i32, i32
  }
  func.func @transform_6(%arg0: i32) -> (i32, i32) {
    %c0_i32 = arith.constant 0 : i32
    %c0_i32_0 = arith.constant 0 : i32
    %c0_i32_1 = arith.constant 0 : i32
    return %c0_i32, %c0_i32_0 : i32, i32
  }
  func.func @transform_7(%arg0: i32) -> (i32, i32) {
    %c0_i32 = arith.constant 0 : i32
    %c0_i32_0 = arith.constant 0 : i32
    %c0_i32_1 = arith.constant 0 : i32
    return %c0_i32, %c0_i32_0 : i32, i32
  }
  func.func @transform_8(%arg0: i32) -> (i32, i32) {
    %c0_i32 = arith.constant 0 : i32
    %c0_i32_0 = arith.constant 0 : i32
    %c0_i32_1 = arith.constant 0 : i32
    return %c0_i32, %c0_i32_0 : i32, i32
  }
  func.func @transform_9(%arg0: i32) -> (i32, i32) {
    %c0_i32 = arith.constant 0 : i32
    %c0_i32_0 = arith.constant 0 : i32
    %c0_i32_1 = arith.constant 0 : i32
    return %c0_i32, %c0_i32_0 : i32, i32
  }
  func.func @transform_10(%arg0: i32) -> (i32, i32) {
    %c0_i32 = arith.constant 0 : i32
    %c0_i32_0 = arith.constant 0 : i32
    return %arg0, %c0_i32 : i32, i32
  }
}

module attributes {stable_mosaic.version = 14 : i64} {
  func.func @_finish_body(%arg0: i32, %arg1: memref<2000x128xf32, #tpu.memory_space<vmem>>, %arg2: memref<2000x128xf32, #tpu.memory_space<vmem>>, %arg3: memref<2000x128xf32, #tpu.memory_space<vmem>>, %arg4: memref<2000x128xf32, #tpu.memory_space<vmem>>, %arg5: memref<2000x128xf32, #tpu.memory_space<vmem>>, %arg6: memref<2000x1xi32, #tpu.memory_space<vmem>>, %arg7: memref<128x128xf32, #tpu.memory_space<vmem>>, %arg8: memref<128x128xf32, #tpu.memory_space<vmem>>, %arg9: memref<1x128xf32, #tpu.memory_space<vmem>>, %arg10: memref<1x128xf32, #tpu.memory_space<vmem>>, %arg11: memref<1x128xf32, #tpu.memory_space<vmem>>, %arg12: memref<128x128xf32, #tpu.memory_space<vmem>>, %arg13: memref<1x128xf32, #tpu.memory_space<vmem>>, %arg14: memref<1x128xf32, #tpu.memory_space<vmem>>, %arg15: memref<1x128xf32, #tpu.memory_space<vmem>>, %arg16: memref<128x128xf32, #tpu.memory_space<vmem>>, %arg17: memref<1x128xf32, #tpu.memory_space<vmem>>, %arg18: memref<4x128xf32, #tpu.memory_space<vmem>>, %arg19: memref<8x128xf32, #tpu.memory_space<vmem>>, %arg20: memref<8x128xf32, #tpu.memory_space<vmem>>) attributes {dimension_semantics = [#tpu.dimension_semantics<arbitrary>], iteration_bounds = array<i64: 5>, scalar_prefetch = 0 : i64, scratch_operands = 2 : i64, tpu.core_type = #tpu.core_type<tc>, window_params = [{transform_indices = @transform_0, window_bounds = array<i64: 2000, 128>}, {transform_indices = @transform_1, window_bounds = array<i64: 2000, 128>}, {transform_indices = @transform_2, window_bounds = array<i64: 2000, 128>}, {transform_indices = @transform_3, window_bounds = array<i64: 2000, 128>}, {transform_indices = @transform_4, window_bounds = array<i64: 2000, 128>}, {transform_indices = @transform_5, window_bounds = array<i64: 2000, 1>}, {pipeline_mode = #tpu.pipeline_mode<synchronous>, transform_indices = @transform_6, window_bounds = array<i64: 128, 128>}, {pipeline_mode = #tpu.pipeline_mode<synchronous>, transform_indices = @transform_7, window_bounds = array<i64: 128, 128>}, {pipeline_mode = #tpu.pipeline_mode<synchronous>, transform_indices = @transform_8, window_bounds = array<i64: 1, 128>}, {pipeline_mode = #tpu.pipeline_mode<synchronous>, transform_indices = @transform_9, window_bounds = array<i64: 1, 128>}, {pipeline_mode = #tpu.pipeline_mode<synchronous>, transform_indices = @transform_10, window_bounds = array<i64: 1, 128>}, {pipeline_mode = #tpu.pipeline_mode<synchronous>, transform_indices = @transform_11, window_bounds = array<i64: 128, 128>}, {pipeline_mode = #tpu.pipeline_mode<synchronous>, transform_indices = @transform_12, window_bounds = array<i64: 1, 128>}, {pipeline_mode = #tpu.pipeline_mode<synchronous>, transform_indices = @transform_13, window_bounds = array<i64: 1, 128>}, {pipeline_mode = #tpu.pipeline_mode<synchronous>, transform_indices = @transform_14, window_bounds = array<i64: 1, 128>}, {pipeline_mode = #tpu.pipeline_mode<synchronous>, transform_indices = @transform_15, window_bounds = array<i64: 128, 128>}, {pipeline_mode = #tpu.pipeline_mode<synchronous>, transform_indices = @transform_16, window_bounds = array<i64: 1, 128>}, {pipeline_mode = #tpu.pipeline_mode<synchronous>, transform_indices = @transform_17, window_bounds = array<i64: 4, 128>}]} {
    %eq3A = arith.constant 0 : i32
    %eq3A_0 = arith.cmpi eq, %arg0, %eq3A : i32
    %convert_element_type3A = arith.extui %eq3A_0 : i1 to i32
    %cond3A = arith.constant 0 : i32
    %cond3A_1 = arith.cmpi ne, %convert_element_type3A, %cond3A : i32
    scf.if %cond3A_1 {
      %broadcast_in_dim3A_190 = arith.constant 0.000000e+00 : f32
      %broadcast_in_dim3A_191 = vector.broadcast %broadcast_in_dim3A_190 : f32 to vector<8x128xf32>
      %swap3A_192 = arith.constant 0 : index
      %swap3A_193 = arith.constant 0 : index
      %swap3A_194 = vector.load %arg19[%swap3A_192, %swap3A_193] : memref<8x128xf32, #tpu.memory_space<vmem>>, vector<8x128xf32>
      tpu.vector_store %arg19[%swap3A_192, %swap3A_193], %broadcast_in_dim3A_191 {strides = array<i32>} : memref<8x128xf32, #tpu.memory_space<vmem>>, vector<8x128xf32>,
      %broadcast_in_dim3A_195 = arith.constant 0.000000e+00 : f32
      %broadcast_in_dim3A_196 = vector.broadcast %broadcast_in_dim3A_195 : f32 to vector<8x128xf32>
      %swap3A_197 = arith.constant 0 : index
      %swap3A_198 = arith.constant 0 : index
      %swap3A_199 = vector.load %arg20[%swap3A_197, %swap3A_198] : memref<8x128xf32, #tpu.memory_space<vmem>>, vector<8x128xf32>
      tpu.vector_store %arg20[%swap3A_197, %swap3A_198], %broadcast_in_dim3A_196 {strides = array<i32>} : memref<8x128xf32, #tpu.memory_space<vmem>>, vector<8x128xf32>,
    } else {
    }
    %get3A = arith.constant 0 : index
    %get3A_2 = arith.constant 0 : index
    %get3A_3 = vector.load %arg2[%get3A, %get3A_2] : memref<2000x128xf32, #tpu.memory_space<vmem>>, vector<2000x128xf32>
    %get3A_4 = arith.constant 0 : index
    %get3A_5 = arith.constant 0 : index
    %get3A_6 = vector.load %arg3[%get3A_4, %get3A_5] : memref<2000x128xf32, #tpu.memory_space<vmem>>, vector<2000x128xf32>
    %add3A = arith.addf %get3A_3, %get3A_6 : vector<2000x128xf32>
    %get3A_7 = arith.constant 0 : index
    %get3A_8 = arith.constant 0 : index
    %get3A_9 = vector.load %arg4[%get3A_7, %get3A_8] : memref<2000x128xf32, #tpu.memory_space<vmem>>, vector<2000x128xf32>
    %add3A_10 = arith.addf %add3A, %get3A_9 : vector<2000x128xf32>
    %get3A_11 = arith.constant 0 : index
    %get3A_12 = arith.constant 0 : index
    %get3A_13 = vector.load %arg5[%get3A_11, %get3A_12] : memref<2000x128xf32, #tpu.memory_space<vmem>>, vector<2000x128xf32>
    %add3A_14 = arith.addf %add3A_10, %get3A_13 : vector<2000x128xf32>
    %get3A_15 = arith.constant 0 : index
    %get3A_16 = arith.constant 0 : index
    %get3A_17 = vector.load %arg1[%get3A_15, %get3A_16] : memref<2000x128xf32, #tpu.memory_space<vmem>>, vector<2000x128xf32>
    %get3A_18 = arith.constant 0 : index
    %get3A_19 = arith.constant 0 : index
    %get3A_20 = vector.load %arg7[%get3A_18, %get3A_19] : memref<128x128xf32, #tpu.memory_space<vmem>>, vector<128x128xf32>
    %dot_general3A = arith.constant dense<0.000000e+00> : vector<2000x128xf32>
    %dot_general3A_21 = tpu.matmul %get3A_17, %get3A_20, %dot_general3A {dimension_numbers = #tpu.dot_dimension_numbers<[1], [0], [0], [1], [0, 0, 1, 1], [], []>, transpose_lhs_hint = false} : vector<2000x128xf32>, vector<128x128xf32>, vector<2000x128xf32> -> vector<2000x128xf32>
    %get3A_22 = arith.constant 0 : index
    %get3A_23 = arith.constant 0 : index
    %get3A_24 = vector.load %arg8[%get3A_22, %get3A_23] : memref<128x128xf32, #tpu.memory_space<vmem>>, vector<128x128xf32>
    %dot_general3A_25 = arith.constant dense<0.000000e+00> : vector<2000x128xf32>
    %dot_general3A_26 = tpu.matmul %add3A_14, %get3A_24, %dot_general3A_25 {dimension_numbers = #tpu.dot_dimension_numbers<[1], [0], [0], [1], [0, 0, 1, 1], [], []>, transpose_lhs_hint = false} : vector<2000x128xf32>, vector<128x128xf32>, vector<2000x128xf32> -> vector<2000x128xf32>
    %add3A_27 = arith.addf %dot_general3A_21, %dot_general3A_26 : vector<2000x128xf32>
    %get3A_28 = arith.constant 0 : index
    %get3A_29 = arith.constant 0 : index
    %get3A_30 = vector.load %arg9[%get3A_28, %get3A_29] : memref<1x128xf32, #tpu.memory_space<vmem>>, vector<1x128xf32>
    %add3A_31 = vector.broadcast %get3A_30 : vector<1x128xf32> to vector<2000x128xf32>
    %add3A_32 = arith.addf %add3A_27, %add3A_31 : vector<2000x128xf32>
    %get3A_33 = arith.constant 0 : index
    %get3A_34 = arith.constant 0 : index
    %get3A_35 = vector.load %arg10[%get3A_33, %get3A_34] : memref<1x128xf32, #tpu.memory_space<vmem>>, vector<1x128xf32>
    %get3A_36 = arith.constant 0 : index
    %get3A_37 = arith.constant 0 : index
    %get3A_38 = vector.load %arg11[%get3A_36, %get3A_37] : memref<1x128xf32, #tpu.memory_space<vmem>>, vector<1x128xf32>
    %reduce_sum3A = arith.constant dense<0.000000e+00> : vector<2000xf32>
    %reduce_sum3A_39 = vector.multi_reduction <add>, %add3A_32, %reduce_sum3A [1] : vector<2000x128xf32> to vector<2000xf32>
    %broadcast_in_dim3A = vector.shape_cast %reduce_sum3A_39 : vector<2000xf32> to vector<2000x1xf32>
    %div3A = arith.constant 1.280000e+02 : f32
    %div3A_40 = vector.broadcast %div3A : f32 to vector<2000x1xf32>
    %div3A_41 = arith.divf %broadcast_in_dim3A, %div3A_40 : vector<2000x1xf32>
    %sub3A = vector.broadcast %div3A_41 : vector<2000x1xf32> to vector<2000x128xf32>
    %sub3A_42 = arith.subf %add3A_32, %sub3A : vector<2000x128xf32>
    %integer_pow3A = arith.mulf %sub3A_42, %sub3A_42 : vector<2000x128xf32>
    %reduce_sum3A_43 = arith.constant dense<0.000000e+00> : vector<2000xf32>
    %reduce_sum3A_44 = vector.multi_reduction <add>, %integer_pow3A, %reduce_sum3A_43 [1] : vector<2000x128xf32> to vector<2000xf32>
    %broadcast_in_dim3A_45 = vector.shape_cast %reduce_sum3A_44 : vector<2000xf32> to vector<2000x1xf32>
    %div3A_46 = arith.constant 1.280000e+02 : f32
    %div3A_47 = vector.broadcast %div3A_46 : f32 to vector<2000x1xf32>
    %div3A_48 = arith.divf %broadcast_in_dim3A_45, %div3A_47 : vector<2000x1xf32>
    %sub3A_49 = vector.broadcast %div3A_41 : vector<2000x1xf32> to vector<2000x128xf32>
    %sub3A_50 = arith.subf %add3A_32, %sub3A_49 : vector<2000x128xf32>
    %add3A_51 = arith.constant 9.99999974E-6 : f32
    %add3A_52 = vector.broadcast %add3A_51 : f32 to vector<2000x1xf32>
    %add3A_53 = arith.addf %div3A_48, %add3A_52 : vector<2000x1xf32>
    %rsqrt3A = math.rsqrt %add3A_53 : vector<2000x1xf32>
    %mul3A = vector.broadcast %rsqrt3A : vector<2000x1xf32> to vector<2000x128xf32>
    %mul3A_54 = arith.mulf %sub3A_50, %mul3A : vector<2000x128xf32>
    %mul3A_55 = vector.broadcast %get3A_35 : vector<1x128xf32> to vector<2000x128xf32>
    %mul3A_56 = arith.mulf %mul3A_54, %mul3A_55 : vector<2000x128xf32>
    %add3A_57 = vector.broadcast %get3A_38 : vector<1x128xf32> to vector<2000x128xf32>
    %add3A_58 = arith.addf %mul3A_56, %add3A_57 : vector<2000x128xf32>
    %max3A = arith.constant 0.000000e+00 : f32
    %max3A_59 = vector.broadcast %max3A : f32 to vector<2000x128xf32>
    %max3A_60 = arith.maximumf %add3A_58, %max3A_59 : vector<2000x128xf32>
    %get3A_61 = arith.constant 0 : index
    %get3A_62 = arith.constant 0 : index
    %get3A_63 = vector.load %arg6[%get3A_61, %get3A_62] : memref<2000x1xi32, #tpu.memory_space<vmem>>, vector<2000x1xi32>
    %eq3A_64 = arith.constant 0 : i32
    %eq3A_65 = vector.broadcast %eq3A_64 : i32 to vector<2000x1xi32>
    %eq3A_66 = arith.cmpi eq, %get3A_63, %eq3A_65 : vector<2000x1xi32>
    %get3A_67 = arith.constant 0 : index
    %get3A_68 = arith.constant 0 : index
    %get3A_69 = vector.load %arg19[%get3A_67, %get3A_68] : memref<8x128xf32, #tpu.memory_space<vmem>>, vector<1x128xf32>
    %jit3A = arith.constant 0.000000e+00 : f32
    %broadcast_in_dim3A_70 = vector.shape_cast %eq3A_66 : vector<2000x1xi1> to vector<2000x1xi1>
    %broadcast_in_dim3A_71 = vector.broadcast %broadcast_in_dim3A_70 : vector<2000x1xi1> to vector<2000x128xi1>
    %broadcast_in_dim3A_72 = vector.broadcast %jit3A : f32 to vector<2000x128xf32>
    %select_n3A = arith.select %broadcast_in_dim3A_71, %max3A_60, %broadcast_in_dim3A_72 : vector<2000x128xi1>, vector<2000x128xf32>
    %reduce_sum3A_73 = arith.constant dense<0.000000e+00> : vector<128xf32>
    %reduce_sum3A_74 = vector.multi_reduction <add>, %select_n3A, %reduce_sum3A_73 [0] : vector<2000x128xf32> to vector<128xf32>
    %broadcast_in_dim3A_75 = vector.shape_cast %reduce_sum3A_74 : vector<128xf32> to vector<1x128xf32>
    %add3A_76 = arith.addf %get3A_69, %broadcast_in_dim3A_75 : vector<1x128xf32>
    %swap3A = arith.constant 0 : index
    %swap3A_77 = arith.constant 0 : index
    %swap3A_78 = vector.load %arg19[%swap3A, %swap3A_77] : memref<8x128xf32, #tpu.memory_space<vmem>>, vector<1x128xf32>
    tpu.vector_store %arg19[%swap3A, %swap3A_77], %add3A_76 {strides = array<i32>} : memref<8x128xf32, #tpu.memory_space<vmem>>, vector<1x128xf32>,
    %get3A_79 = arith.constant 0 : index
    %get3A_80 = arith.constant 0 : index
    %get3A_81 = vector.load %arg20[%get3A_79, %get3A_80] : memref<8x128xf32, #tpu.memory_space<vmem>>, vector<1x128xf32>
    %convert_element_type3A_82 = arith.extui %eq3A_66 : vector<2000x1xi1> to vector<2000x1xi32>
    %convert_element_type3A_83 = arith.sitofp %convert_element_type3A_82 : vector<2000x1xi32> to vector<2000x1xf32>
    %reduce_sum3A_84 = arith.constant dense<0.000000e+00> : vector<1xf32>
    %reduce_sum3A_85 = vector.multi_reduction <add>, %convert_element_type3A_83, %reduce_sum3A_84 [0] : vector<2000x1xf32> to vector<1xf32>
    %broadcast_in_dim3A_86 = vector.shape_cast %reduce_sum3A_85 : vector<1xf32> to vector<1x1xf32>
    %add3A_87 = vector.broadcast %broadcast_in_dim3A_86 : vector<1x1xf32> to vector<1x128xf32>
    %add3A_88 = arith.addf %get3A_81, %add3A_87 : vector<1x128xf32>
    %swap3A_89 = arith.constant 0 : index
    %swap3A_90 = arith.constant 0 : index
    %swap3A_91 = vector.load %arg20[%swap3A_89, %swap3A_90] : memref<8x128xf32, #tpu.memory_space<vmem>>, vector<1x128xf32>
    tpu.vector_store %arg20[%swap3A_89, %swap3A_90], %add3A_88 {strides = array<i32>} : memref<8x128xf32, #tpu.memory_space<vmem>>, vector<1x128xf32>,
    %eq3A_92 = arith.constant 1 : i32
    %eq3A_93 = vector.broadcast %eq3A_92 : i32 to vector<2000x1xi32>
    %eq3A_94 = arith.cmpi eq, %get3A_63, %eq3A_93 : vector<2000x1xi32>
    %get3A_95 = arith.constant 1 : index
    %get3A_96 = arith.constant 0 : index
    %get3A_97 = vector.load %arg19[%get3A_95, %get3A_96] : memref<8x128xf32, #tpu.memory_space<vmem>>, vector<1x128xf32>
    %jit3A_98 = arith.constant 0.000000e+00 : f32
    %broadcast_in_dim3A_99 = vector.shape_cast %eq3A_94 : vector<2000x1xi1> to vector<2000x1xi1>
    %broadcast_in_dim3A_100 = vector.broadcast %broadcast_in_dim3A_99 : vector<2000x1xi1> to vector<2000x128xi1>
    %broadcast_in_dim3A_101 = vector.broadcast %jit3A_98 : f32 to vector<2000x128xf32>
    %select_n3A_102 = arith.select %broadcast_in_dim3A_100, %max3A_60, %broadcast_in_dim3A_101 : vector<2000x128xi1>, vector<2000x128xf32>
    %reduce_sum3A_103 = arith.constant dense<0.000000e+00> : vector<128xf32>
    %reduce_sum3A_104 = vector.multi_reduction <add>, %select_n3A_102, %reduce_sum3A_103 [0] : vector<2000x128xf32> to vector<128xf32>
    %broadcast_in_dim3A_105 = vector.shape_cast %reduce_sum3A_104 : vector<128xf32> to vector<1x128xf32>
    %add3A_106 = arith.addf %get3A_97, %broadcast_in_dim3A_105 : vector<1x128xf32>
    %swap3A_107 = arith.constant 1 : index
    %swap3A_108 = arith.constant 0 : index
    %swap3A_109 = vector.load %arg19[%swap3A_107, %swap3A_108] : memref<8x128xf32, #tpu.memory_space<vmem>>, vector<1x128xf32>
    tpu.vector_store %arg19[%swap3A_107, %swap3A_108], %add3A_106 {strides = array<i32>} : memref<8x128xf32, #tpu.memory_space<vmem>>, vector<1x128xf32>,
    %get3A_110 = arith.constant 1 : index
    %get3A_111 = arith.constant 0 : index
    %get3A_112 = vector.load %arg20[%get3A_110, %get3A_111] : memref<8x128xf32, #tpu.memory_space<vmem>>, vector<1x128xf32>
    %convert_element_type3A_113 = arith.extui %eq3A_94 : vector<2000x1xi1> to vector<2000x1xi32>
    %convert_element_type3A_114 = arith.sitofp %convert_element_type3A_113 : vector<2000x1xi32> to vector<2000x1xf32>
    %reduce_sum3A_115 = arith.constant dense<0.000000e+00> : vector<1xf32>
    %reduce_sum3A_116 = vector.multi_reduction <add>, %convert_element_type3A_114, %reduce_sum3A_115 [0] : vector<2000x1xf32> to vector<1xf32>
    %broadcast_in_dim3A_117 = vector.shape_cast %reduce_sum3A_116 : vector<1xf32> to vector<1x1xf32>
    %add3A_118 = vector.broadcast %broadcast_in_dim3A_117 : vector<1x1xf32> to vector<1x128xf32>
    %add3A_119 = arith.addf %get3A_112, %add3A_118 : vector<1x128xf32>
    %swap3A_120 = arith.constant 1 : index
    %swap3A_121 = arith.constant 0 : index
    %swap3A_122 = vector.load %arg20[%swap3A_120, %swap3A_121] : memref<8x128xf32, #tpu.memory_space<vmem>>, vector<1x128xf32>
    tpu.vector_store %arg20[%swap3A_120, %swap3A_121], %add3A_119 {strides = array<i32>} : memref<8x128xf32, #tpu.memory_space<vmem>>, vector<1x128xf32>,
    %eq3A_123 = arith.constant 2 : i32
    %eq3A_124 = vector.broadcast %eq3A_123 : i32 to vector<2000x1xi32>
    %eq3A_125 = arith.cmpi eq, %get3A_63, %eq3A_124 : vector<2000x1xi32>
    %get3A_126 = arith.constant 2 : index
    %get3A_127 = arith.constant 0 : index
    %get3A_128 = vector.load %arg19[%get3A_126, %get3A_127] : memref<8x128xf32, #tpu.memory_space<vmem>>, vector<1x128xf32>
    %jit3A_129 = arith.constant 0.000000e+00 : f32
    %broadcast_in_dim3A_130 = vector.shape_cast %eq3A_125 : vector<2000x1xi1> to vector<2000x1xi1>
    %broadcast_in_dim3A_131 = vector.broadcast %broadcast_in_dim3A_130 : vector<2000x1xi1> to vector<2000x128xi1>
    %broadcast_in_dim3A_132 = vector.broadcast %jit3A_129 : f32 to vector<2000x128xf32>
    %select_n3A_133 = arith.select %broadcast_in_dim3A_131, %max3A_60, %broadcast_in_dim3A_132 : vector<2000x128xi1>, vector<2000x128xf32>
    %reduce_sum3A_134 = arith.constant dense<0.000000e+00> : vector<128xf32>
    %reduce_sum3A_135 = vector.multi_reduction <add>, %select_n3A_133, %reduce_sum3A_134 [0] : vector<2000x128xf32> to vector<128xf32>
    %broadcast_in_dim3A_136 = vector.shape_cast %reduce_sum3A_135 : vector<128xf32> to vector<1x128xf32>
    %add3A_137 = arith.addf %get3A_128, %broadcast_in_dim3A_136 : vector<1x128xf32>
    %swap3A_138 = arith.constant 2 : index
    %swap3A_139 = arith.constant 0 : index
    %swap3A_140 = vector.load %arg19[%swap3A_138, %swap3A_139] : memref<8x128xf32, #tpu.memory_space<vmem>>, vector<1x128xf32>
    tpu.vector_store %arg19[%swap3A_138, %swap3A_139], %add3A_137 {strides = array<i32>} : memref<8x128xf32, #tpu.memory_space<vmem>>, vector<1x128xf32>,
    %get3A_141 = arith.constant 2 : index
    %get3A_142 = arith.constant 0 : index
    %get3A_143 = vector.load %arg20[%get3A_141, %get3A_142] : memref<8x128xf32, #tpu.memory_space<vmem>>, vector<1x128xf32>
    %convert_element_type3A_144 = arith.extui %eq3A_125 : vector<2000x1xi1> to vector<2000x1xi32>
    %convert_element_type3A_145 = arith.sitofp %convert_element_type3A_144 : vector<2000x1xi32> to vector<2000x1xf32>
    %reduce_sum3A_146 = arith.constant dense<0.000000e+00> : vector<1xf32>
    %reduce_sum3A_147 = vector.multi_reduction <add>, %convert_element_type3A_145, %reduce_sum3A_146 [0] : vector<2000x1xf32> to vector<1xf32>
    %broadcast_in_dim3A_148 = vector.shape_cast %reduce_sum3A_147 : vector<1xf32> to vector<1x1xf32>
    %add3A_149 = vector.broadcast %broadcast_in_dim3A_148 : vector<1x1xf32> to vector<1x128xf32>
    %add3A_150 = arith.addf %get3A_143, %add3A_149 : vector<1x128xf32>
    %swap3A_151 = arith.constant 2 : index
    %swap3A_152 = arith.constant 0 : index
    %swap3A_153 = vector.load %arg20[%swap3A_151, %swap3A_152] : memref<8x128xf32, #tpu.memory_space<vmem>>, vector<1x128xf32>
    tpu.vector_store %arg20[%swap3A_151, %swap3A_152], %add3A_150 {strides = array<i32>} : memref<8x128xf32, #tpu.memory_space<vmem>>, vector<1x128xf32>,
    %eq3A_154 = arith.constant 3 : i32
    %eq3A_155 = vector.broadcast %eq3A_154 : i32 to vector<2000x1xi32>
    %eq3A_156 = arith.cmpi eq, %get3A_63, %eq3A_155 : vector<2000x1xi32>
    %get3A_157 = arith.constant 3 : index
    %get3A_158 = arith.constant 0 : index
    %get3A_159 = vector.load %arg19[%get3A_157, %get3A_158] : memref<8x128xf32, #tpu.memory_space<vmem>>, vector<1x128xf32>
    %jit3A_160 = arith.constant 0.000000e+00 : f32
    %broadcast_in_dim3A_161 = vector.shape_cast %eq3A_156 : vector<2000x1xi1> to vector<2000x1xi1>
    %broadcast_in_dim3A_162 = vector.broadcast %broadcast_in_dim3A_161 : vector<2000x1xi1> to vector<2000x128xi1>
    %broadcast_in_dim3A_163 = vector.broadcast %jit3A_160 : f32 to vector<2000x128xf32>
    %select_n3A_164 = arith.select %broadcast_in_dim3A_162, %max3A_60, %broadcast_in_dim3A_163 : vector<2000x128xi1>, vector<2000x128xf32>
    %reduce_sum3A_165 = arith.constant dense<0.000000e+00> : vector<128xf32>
    %reduce_sum3A_166 = vector.multi_reduction <add>, %select_n3A_164, %reduce_sum3A_165 [0] : vector<2000x128xf32> to vector<128xf32>
    %broadcast_in_dim3A_167 = vector.shape_cast %reduce_sum3A_166 : vector<128xf32> to vector<1x128xf32>
    %add3A_168 = arith.addf %get3A_159, %broadcast_in_dim3A_167 : vector<1x128xf32>
    %swap3A_169 = arith.constant 3 : index
    %swap3A_170 = arith.constant 0 : index
    %swap3A_171 = vector.load %arg19[%swap3A_169, %swap3A_170] : memref<8x128xf32, #tpu.memory_space<vmem>>, vector<1x128xf32>
    tpu.vector_store %arg19[%swap3A_169, %swap3A_170], %add3A_168 {strides = array<i32>} : memref<8x128xf32, #tpu.memory_space<vmem>>, vector<1x128xf32>,
    %get3A_172 = arith.constant 3 : index
    %get3A_173 = arith.constant 0 : index
    %get3A_174 = vector.load %arg20[%get3A_172, %get3A_173] : memref<8x128xf32, #tpu.memory_space<vmem>>, vector<1x128xf32>
    %convert_element_type3A_175 = arith.extui %eq3A_156 : vector<2000x1xi1> to vector<2000x1xi32>
    %convert_element_type3A_176 = arith.sitofp %convert_element_type3A_175 : vector<2000x1xi32> to vector<2000x1xf32>
    %reduce_sum3A_177 = arith.constant dense<0.000000e+00> : vector<1xf32>
    %reduce_sum3A_178 = vector.multi_reduction <add>, %convert_element_type3A_176, %reduce_sum3A_177 [0] : vector<2000x1xf32> to vector<1xf32>
    %broadcast_in_dim3A_179 = vector.shape_cast %reduce_sum3A_178 : vector<1xf32> to vector<1x1xf32>
    %add3A_180 = vector.broadcast %broadcast_in_dim3A_179 : vector<1x1xf32> to vector<1x128xf32>
    %add3A_181 = arith.addf %get3A_174, %add3A_180 : vector<1x128xf32>
    %swap3A_182 = arith.constant 3 : index
    %swap3A_183 = arith.constant 0 : index
    %swap3A_184 = vector.load %arg20[%swap3A_182, %swap3A_183] : memref<8x128xf32, #tpu.memory_space<vmem>>, vector<1x128xf32>
    tpu.vector_store %arg20[%swap3A_182, %swap3A_183], %add3A_181 {strides = array<i32>} : memref<8x128xf32, #tpu.memory_space<vmem>>, vector<1x128xf32>,
    %eq3A_185 = arith.constant 4 : i32
    %eq3A_186 = arith.cmpi eq, %arg0, %eq3A_185 : i32
    %convert_element_type3A_187 = arith.extui %eq3A_186 : i1 to i32
    %cond3A_188 = arith.constant 0 : i32
    %cond3A_189 = arith.cmpi ne, %convert_element_type3A_187, %cond3A_188 : i32
    scf.if %cond3A_189 {
      %get3A_190 = arith.constant 0 : index
      %get3A_191 = arith.constant 0 : index
      %get3A_192 = vector.load %arg19[%get3A_190, %get3A_191] : memref<8x128xf32, #tpu.memory_space<vmem>>, vector<8x128xf32>
      %get3A_193 = arith.constant 0 : index
      %get3A_194 = arith.constant 0 : index
      %get3A_195 = vector.load %arg20[%get3A_193, %get3A_194] : memref<8x128xf32, #tpu.memory_space<vmem>>, vector<8x128xf32>
      %max3A_196 = arith.constant 1.000000e+00 : f32
      %max3A_197 = vector.broadcast %max3A_196 : f32 to vector<8x128xf32>
      %max3A_198 = arith.maximumf %get3A_195, %max3A_197 : vector<8x128xf32>
      %div3A_199 = arith.divf %get3A_192, %max3A_198 : vector<8x128xf32>
      %get3A_200 = arith.constant 0 : index
      %get3A_201 = arith.constant 0 : index
      %get3A_202 = vector.load %arg12[%get3A_200, %get3A_201] : memref<128x128xf32, #tpu.memory_space<vmem>>, vector<128x128xf32>
      %dot_general3A_203 = arith.constant dense<0.000000e+00> : vector<8x128xf32>
      %dot_general3A_204 = tpu.matmul %div3A_199, %get3A_202, %dot_general3A_203 {dimension_numbers = #tpu.dot_dimension_numbers<[1], [0], [0], [1], [0, 0, 1, 1], [], []>, transpose_lhs_hint = false} : vector<8x128xf32>, vector<128x128xf32>, vector<8x128xf32> -> vector<8x128xf32>
      %get3A_205 = arith.constant 0 : index
      %get3A_206 = arith.constant 0 : index
      %get3A_207 = vector.load %arg13[%get3A_205, %get3A_206] : memref<1x128xf32, #tpu.memory_space<vmem>>, vector<1x128xf32>
      %add3A_208 = vector.broadcast %get3A_207 : vector<1x128xf32> to vector<8x128xf32>
      %add3A_209 = arith.addf %dot_general3A_204, %add3A_208 : vector<8x128xf32>
      %get3A_210 = arith.constant 0 : index
      %get3A_211 = arith.constant 0 : index
      %get3A_212 = vector.load %arg14[%get3A_210, %get3A_211] : memref<1x128xf32, #tpu.memory_space<vmem>>, vector<1x128xf32>
      %get3A_213 = arith.constant 0 : index
      %get3A_214 = arith.constant 0 : index
      %get3A_215 = vector.load %arg15[%get3A_213, %get3A_214] : memref<1x128xf32, #tpu.memory_space<vmem>>, vector<1x128xf32>
      %reduce_sum3A_216 = arith.constant dense<0.000000e+00> : vector<8xf32>
      %reduce_sum3A_217 = vector.multi_reduction <add>, %add3A_209, %reduce_sum3A_216 [1] : vector<8x128xf32> to vector<8xf32>
      %broadcast_in_dim3A_218 = vector.shape_cast %reduce_sum3A_217 : vector<8xf32> to vector<8x1xf32>
      %div3A_219 = arith.constant 1.280000e+02 : f32
      %div3A_220 = vector.broadcast %div3A_219 : f32 to vector<8x1xf32>
      %div3A_221 = arith.divf %broadcast_in_dim3A_218, %div3A_220 : vector<8x1xf32>
      %sub3A_222 = vector.broadcast %div3A_221 : vector<8x1xf32> to vector<8x128xf32>
      %sub3A_223 = arith.subf %add3A_209, %sub3A_222 : vector<8x128xf32>
      %integer_pow3A_224 = arith.mulf %sub3A_223, %sub3A_223 : vector<8x128xf32>
      %reduce_sum3A_225 = arith.constant dense<0.000000e+00> : vector<8xf32>
      %reduce_sum3A_226 = vector.multi_reduction <add>, %integer_pow3A_224, %reduce_sum3A_225 [1] : vector<8x128xf32> to vector<8xf32>
      %broadcast_in_dim3A_227 = vector.shape_cast %reduce_sum3A_226 : vector<8xf32> to vector<8x1xf32>
      %div3A_228 = arith.constant 1.280000e+02 : f32
      %div3A_229 = vector.broadcast %div3A_228 : f32 to vector<8x1xf32>
      %div3A_230 = arith.divf %broadcast_in_dim3A_227, %div3A_229 : vector<8x1xf32>
      %sub3A_231 = vector.broadcast %div3A_221 : vector<8x1xf32> to vector<8x128xf32>
      %sub3A_232 = arith.subf %add3A_209, %sub3A_231 : vector<8x128xf32>
      %add3A_233 = arith.constant 9.99999974E-6 : f32
      %add3A_234 = vector.broadcast %add3A_233 : f32 to vector<8x1xf32>
      %add3A_235 = arith.addf %div3A_230, %add3A_234 : vector<8x1xf32>
      %rsqrt3A_236 = math.rsqrt %add3A_235 : vector<8x1xf32>
      %mul3A_237 = vector.broadcast %rsqrt3A_236 : vector<8x1xf32> to vector<8x128xf32>
      %mul3A_238 = arith.mulf %sub3A_232, %mul3A_237 : vector<8x128xf32>
      %mul3A_239 = vector.broadcast %get3A_212 : vector<1x128xf32> to vector<8x128xf32>
      %mul3A_240 = arith.mulf %mul3A_238, %mul3A_239 : vector<8x128xf32>
      %add3A_241 = vector.broadcast %get3A_215 : vector<1x128xf32> to vector<8x128xf32>
      %add3A_242 = arith.addf %mul3A_240, %add3A_241 : vector<8x128xf32>
      %max3A_243 = arith.constant 0.000000e+00 : f32
      %max3A_244 = vector.broadcast %max3A_243 : f32 to vector<8x128xf32>
      %max3A_245 = arith.maximumf %add3A_242, %max3A_244 : vector<8x128xf32>
      %get3A_246 = arith.constant 0 : index
      %get3A_247 = arith.constant 0 : index
      %get3A_248 = vector.load %arg16[%get3A_246, %get3A_247] : memref<128x128xf32, #tpu.memory_space<vmem>>, vector<128x128xf32>
      %dot_general3A_249 = arith.constant dense<0.000000e+00> : vector<8x128xf32>
      %dot_general3A_250 = tpu.matmul %max3A_245, %get3A_248, %dot_general3A_249 {dimension_numbers = #tpu.dot_dimension_numbers<[1], [0], [0], [1], [0, 0, 1, 1], [], []>, transpose_lhs_hint = false} : vector<8x128xf32>, vector<128x128xf32>, vector<8x128xf32> -> vector<8x128xf32>
      %get3A_251 = arith.constant 0 : index
      %get3A_252 = arith.constant 0 : index
      %get3A_253 = vector.load %arg17[%get3A_251, %get3A_252] : memref<1x128xf32, #tpu.memory_space<vmem>>, vector<1x128xf32>
      %add3A_254 = vector.broadcast %get3A_253 : vector<1x128xf32> to vector<8x128xf32>
      %add3A_255 = arith.addf %dot_general3A_250, %add3A_254 : vector<8x128xf32>
      %slice3A = vector.extract_strided_slice %add3A_255 {offsets = [0, 0], sizes = [4, 128], strides = [1, 1]} : vector<8x128xf32> to vector<4x128xf32>
      %swap3A_256 = arith.constant 0 : index
      %swap3A_257 = arith.constant 0 : index
      %swap3A_258 = vector.load %arg18[%swap3A_256, %swap3A_257] : memref<4x128xf32, #tpu.memory_space<vmem>>, vector<4x128xf32>
      tpu.vector_store %arg18[%swap3A_256, %swap3A_257], %slice3A {strides = array<i32>} : memref<4x128xf32, #tpu.memory_space<vmem>>, vector<4x128xf32>,
    } else {
    }
    return
  }
  func.func @transform_0(%arg0: i32) -> (i32, i32) {
    %c0_i32 = arith.constant 0 : i32
    %c0_i32_0 = arith.constant 0 : i32
    return %arg0, %c0_i32 : i32, i32
  }
  func.func @transform_1(%arg0: i32) -> (i32, i32) {
    %c0_i32 = arith.constant 0 : i32
    %c0_i32_0 = arith.constant 0 : i32
    return %arg0, %c0_i32 : i32, i32
  }
  func.func @transform_2(%arg0: i32) -> (i32, i32) {
    %c0_i32 = arith.constant 0 : i32
    %c0_i32_0 = arith.constant 0 : i32
    return %arg0, %c0_i32 : i32, i32
  }
  func.func @transform_3(%arg0: i32) -> (i32, i32) {
    %c0_i32 = arith.constant 0 : i32
    %c0_i32_0 = arith.constant 0 : i32
    return %arg0, %c0_i32 : i32, i32
  }
  func.func @transform_4(%arg0: i32) -> (i32, i32) {
    %c0_i32 = arith.constant 0 : i32
    %c0_i32_0 = arith.constant 0 : i32
    return %arg0, %c0_i32 : i32, i32
  }
  func.func @transform_5(%arg0: i32) -> (i32, i32) {
    %c0_i32 = arith.constant 0 : i32
    %c0_i32_0 = arith.constant 0 : i32
    return %arg0, %c0_i32 : i32, i32
  }
  func.func @transform_6(%arg0: i32) -> (i32, i32) {
    %c0_i32 = arith.constant 0 : i32
    %c0_i32_0 = arith.constant 0 : i32
    %c0_i32_1 = arith.constant 0 : i32
    return %c0_i32, %c0_i32_0 : i32, i32
  }
  func.func @transform_7(%arg0: i32) -> (i32, i32) {
    %c0_i32 = arith.constant 0 : i32
    %c0_i32_0 = arith.constant 0 : i32
    %c0_i32_1 = arith.constant 0 : i32
    return %c0_i32, %c0_i32_0 : i32, i32
  }
  func.func @transform_8(%arg0: i32) -> (i32, i32) {
    %c0_i32 = arith.constant 0 : i32
    %c0_i32_0 = arith.constant 0 : i32
    %c0_i32_1 = arith.constant 0 : i32
    return %c0_i32, %c0_i32_0 : i32, i32
  }
  func.func @transform_9(%arg0: i32) -> (i32, i32) {
    %c0_i32 = arith.constant 0 : i32
    %c0_i32_0 = arith.constant 0 : i32
    %c0_i32_1 = arith.constant 0 : i32
    return %c0_i32, %c0_i32_0 : i32, i32
  }
  func.func @transform_10(%arg0: i32) -> (i32, i32) {
    %c0_i32 = arith.constant 0 : i32
    %c0_i32_0 = arith.constant 0 : i32
    %c0_i32_1 = arith.constant 0 : i32
    return %c0_i32, %c0_i32_0 : i32, i32
  }
  func.func @transform_11(%arg0: i32) -> (i32, i32) {
    %c0_i32 = arith.constant 0 : i32
    %c0_i32_0 = arith.constant 0 : i32
    %c0_i32_1 = arith.constant 0 : i32
    return %c0_i32, %c0_i32_0 : i32, i32
  }
  func.func @transform_12(%arg0: i32) -> (i32, i32) {
    %c0_i32 = arith.constant 0 : i32
    %c0_i32_0 = arith.constant 0 : i32
    %c0_i32_1 = arith.constant 0 : i32
    return %c0_i32, %c0_i32_0 : i32, i32
  }
  func.func @transform_13(%arg0: i32) -> (i32, i32) {
    %c0_i32 = arith.constant 0 : i32
    %c0_i32_0 = arith.constant 0 : i32
    %c0_i32_1 = arith.constant 0 : i32
    return %c0_i32, %c0_i32_0 : i32, i32
  }
  func.func @transform_14(%arg0: i32) -> (i32, i32) {
    %c0_i32 = arith.constant 0 : i32
    %c0_i32_0 = arith.constant 0 : i32
    %c0_i32_1 = arith.constant 0 : i32
    return %c0_i32, %c0_i32_0 : i32, i32
  }
  func.func @transform_15(%arg0: i32) -> (i32, i32) {
    %c0_i32 = arith.constant 0 : i32
    %c0_i32_0 = arith.constant 0 : i32
    %c0_i32_1 = arith.constant 0 : i32
    return %c0_i32, %c0_i32_0 : i32, i32
  }
  func.func @transform_16(%arg0: i32) -> (i32, i32) {
    %c0_i32 = arith.constant 0 : i32
    %c0_i32_0 = arith.constant 0 : i32
    %c0_i32_1 = arith.constant 0 : i32
    return %c0_i32, %c0_i32_0 : i32, i32
  }
  func.func @transform_17(%arg0: i32) -> (i32, i32) {
    %c0_i32 = arith.constant 0 : i32
    %c0_i32_0 = arith.constant 0 : i32
    %c0_i32_1 = arith.constant 0 : i32
    return %c0_i32, %c0_i32_0 : i32, i32
  }
}

</mosaic_0001>

<sc_bundles>
// kernel: kernel.10.cloned.1.call-start
scs
__scs_entry_jumppad:
0x0: {  	(pc) =	sbr.rel $0x88, $3  }
0x1: {  	(tag) =	ssettag $0x0;
	lr =	simm.s32 $0x1  }
0x2: {  	[smem:$0x3F87] =	sst lr;
	_ =	strace $0xD0000000  }
0x3: {  	_ = 	snop  }
0x4: {  	_ = 	snop  }
0x5: {  	_ = 	snop  }
0x6: {  	_ = 	snop  }
0x7: {  	_ = 	snop  }
__scs_overlays_trampoline_lowered:
0x8: {  	[smem:$0x3F96] =	sst s0  }
0x9: {  	[smem:$0x3F97] =	sst s1  }
0xa: {  	[smem:$0x3F98] =	sst s2  }
0xb: {  	[smem:$0x3F99] =	sst s3  }
0xc: {  	[smem:$0x3F9A] =	sst s4  }
0xd: {  	[smem:$0x3F9B] =	sst s5  }
0xe: {  	[smem:$0x3F9C] =	sst s6  }
0xf: {  	[smem:$0x3F9D] =	sst s7  }
0x10: {  	[smem:$0x3F9E] =	sst s8  }
0x11: {  	[smem:$0x3F9F] =	sst s9;
	s0 =	simm.s32 @!p0 $0x0  }
0x12: {  	s1 =	sld [smem:$0x3F85];
	s0 =	simm.s32 @p0 $0x1  }
0x13: {  	[smem:$0x3FA0] =	sst s0;
	s0 =	simm.s32 @!p1 $0x0  }
0x14: {  	s2 =	sld [smem:$0x3F84];
	s0 =	simm.s32 @p1 $0x1  }
0x15: {  	[smem:$0x3FA1] =	sst s0;
	s0 =	simm.s32 @!p2 $0x0  }
0x16: {  	s3 =	sld [smem:$0x3FDB];
	s0 =	simm.s32 @p2 $0x1  }
0x17: {  	s4 =	simm.s32 $0x1BF5;
	[smem:$0x3FA3] =	sst s0  }
0x18: {  	s0 =	sld [smem:$0x3F86];
	_ =	swait.ge [sflag:s4], $0x0  }
0x19: {  	s7 =	sld [smem:$0x3F87]  }
0x1a: {  	s8 =	sadd.s32 $0xFFFFE003, lr  }
0x1b: {  	s9 =	sadd.s32 $0xFFFFFEF7, lr;
	s5 =	simm.s32 $0xFFFFFFFF;
	p2 =	slt.u32 s8, $0xFFFFF086  }
0x1c: {  	p1 =	slt.u32 s9, $0xF7A;
	s5 =	simm.s32 @!p2 $0x0  }
0x1d: {  	s5 =	simm.s32 @p1 $0x1;
	p0 =	seq.s32 s7, s2  }
0x1e: {  	s7 =	smul.u32 @!p0 $0xF7A, s2;
	p2 =	seq.s32 @!p0 s5, $0x0  }
0x1f: {  	s9 =	smul.u32 $0xF7A, s1;
	s8 =	simm.s32 @!p0 $0x1BF5;
	p2 =	por !p2, p0  }
0x20: {  	[sflag:s8] =	ssyncset.s32 @!p0 $0xFFFFF086;
	s6 =	sadd.s32 @!p0 s3, s7;
	s7 =	simm.s32 @!p0 $0x108  }
0x21: {  	s3 =	sadd.s32 s3, s9;
	s6 =	sadd.s32 @!p0 $0x88, s6;
	s7 =	simm.s32 @p2 $0x1082  }
0x22: {  	[simem:s7], [sflag:s8] =	dma.local @!p0 [hbm:s6], $0xF7A  }
0x23: {  	s9 =	sor.u32 $0xD0000000, s2;
	s6 =	simm.s32 $0x108;
	_ =	swait.ge @!p0 [sflag:s8], $0x0  }
0x24: {  	s3 =	sadd.s32 $0x88, s3;
	s6 =	simm.s32 @!p1 $0x1082;
	[sflag:s4] =	ssyncset.s32 $0xFFFFF086  }
0x25: {  	[simem:s6], [sflag:s4] =	dma.local [hbm:s3], $0xF7A  }
0x26: {  	[smem:$0x3F87] =	sst s1;
	(tag) =	ssettag s2;
	_ =	strace s9  }
0x27: {  	s1 =	sld [smem:$0x3F97]  }
0x28: {  	s2 =	sld [smem:$0x3F98]  }
0x29: {  	s4 =	sld [smem:$0x3F9A]  }
0x2a: {  	p0 =	seq.s32 s5, $0x0;
	s5 =	sld [smem:$0x3F9B]  }
0x2b: {  	s6 =	sld [smem:$0x3F9C]  }
0x2c: {  	s7 =	sld [smem:$0x3F9D]  }
0x2d: {  	s3 =	simm.s32 $0x108;
	s8 =	sld [smem:$0x3F9E]  }
0x2e: {  	s3 =	simm.s32 @!p0 $0x1082;
	s9 =	sld [smem:$0x3F9F]  }
0x2f: {  	lr =	sadd.s32 s0, s3;
	s0 =	sld [smem:$0x3F96]  }
0x30: {  	s3 =	sld [smem:$0x3F99]  }
0x31: {  	[smem:$0x3FA2] =	sst s10  }
0x32: {  	s10 =	sld [smem:$0x3FA0];
	_ =	sdelay $0x3  }
0x33: {  	p0 =	seq.s32 s10, $0x1;
	s10 =	sld [smem:$0x3FA2];
	_ =	sdelay $0x3  }
0x34: {  	[smem:$0x3FA2] =	sst s10  }
0x35: {  	s10 =	sld [smem:$0x3FA1];
	_ =	sdelay $0x3  }
0x36: {  	p1 =	seq.s32 s10, $0x1;
	s10 =	sld [smem:$0x3FA2];
	_ =	sdelay $0x3  }
0x37: {  	[smem:$0x3FA2] =	sst s10  }
0x38: {  	s10 =	sld [smem:$0x3FA3]  }
0x39: {  	_ = 	snop;
	(pc) =	sbr.ind lr, $3  }
0x3a: {  	_ = 	snop  }
0x3b: {  	_ = 	snop  }
0x3c: {  	p2 =	seq.s32 s10, $0x1;
	s10 =	sld [smem:$0x3FA2]  }
0x3d: {  	_ =	shalt  }
0x3e: {  	_ =	shalt  }
0x3f: {  	_ =	shalt  }
0x40: {  	_ =	shalt  }
0x41: {  	_ =	shalt  }
0x42: {  	_ =	shalt  }
0x43: {  	_ =	shalt  }
0x44: {  	_ =	shalt  }
0x45: {  	_ =	shalt  }
0x46: {  	_ =	shalt  }
0x47: {  	_ =	shalt  }
0x48: {  	_ =	shalt  }
0x49: {  	_ =	shalt  }
0x4a: {  	_ =	shalt  }
0x4b: {  	_ =	shalt  }
0x4c: {  	_ =	shalt  }
0x4d: {  	_ =	shalt  }
0x4e: {  	_ =	shalt  }
0x4f: {  	_ =	shalt  }
0x50: {  	_ =	shalt  }
0x51: {  	_ =	shalt  }
0x52: {  	_ =	shalt  }
0x53: {  	_ =	shalt  }
0x54: {  	_ =	shalt  }
0x55: {  	_ =	shalt  }
0x56: {  	_ =	shalt  }
0x57: {  	_ =	shalt  }
0x58: {  	_ =	shalt  }
0x59: {  	_ =	shalt  }
0x5a: {  	_ =	shalt  }
0x5b: {  	_ =	shalt  }
0x5c: {  	_ =	shalt  }
0x5d: {  	_ =	shalt  }
0x5e: {  	_ =	shalt  }
0x5f: {  	_ =	shalt  }
0x60: {  	_ =	shalt  }
0x61: {  	_ =	shalt  }
0x62: {  	_ =	shalt  }
0x63: {  	_ =	shalt  }
0x64: {  	_ =	shalt  }
0x65: {  	_ =	shalt  }
0x66: {  	_ =	shalt  }
0x67: {  	_ =	shalt  }
0x68: {  	_ =	shalt  }
0x69: {  	_ =	shalt  }
0x6a: {  	_ =	shalt  }
0x6b: {  	_ =	shalt  }
0x6c: {  	_ =	shalt  }
0x6d: {  	_ =	shalt  }
0x6e: {  	_ =	shalt  }
0x6f: {  	_ =	shalt  }
0x70: {  	_ =	shalt  }
0x71: {  	_ =	shalt  }
0x72: {  	_ =	shalt  }
0x73: {  	_ =	shalt  }
0x74: {  	_ =	shalt  }
0x75: {  	_ =	shalt  }
0x76: {  	_ =	shalt  }
0x77: {  	_ =	shalt  }
0x78: {  	_ =	shalt  }
0x79: {  	_ =	shalt  }
0x7a: {  	_ =	shalt  }
0x7b: {  	_ =	shalt  }
0x7c: {  	_ =	shalt  }
0x7d: {  	_ =	shalt  }
0x7e: {  	_ =	shalt  }
0x7f: {  	_ =	shalt  }
0x80: {  	_ =	shalt  }
0x81: {  	_ =	shalt  }
0x82: {  	_ =	shalt  }
0x83: {  	_ =	shalt  }
0x84: {  	_ =	shalt  }
0x85: {  	_ =	shalt  }
0x86: {  	_ =	shalt  }
0x87: {  	_ =	shalt  }
.Lfunc_end0:
.L_simem_size_0:
called_computation_lowered:
.L_overlay_start_0:
0x88: {  	s2 =	sld [smem:$0x3FD9]  }
0x89: {  	s3 =	sld [smem:$0x3FFE];
	_ =	sdelay $0x1  }
0x8a: {  	s1 =	srdreg.scid  }
0x8b: {  	s0 =	sand.u32 $0x1, s1  }
0x8c: {  	s16 =	sshll.u32 s0, $0xA;
	s2 =	sadd.s32 s3, s2  }
0x8d: {  	s2 =	sadd.s32 s2, s16  }
0x8e: {  	[smem:$0x3FAE] =	sst s2  }
0x8f: {  	_ = 	snop  }
0x90: {  	(tm) =	ssettm $0x1  }
0x91: {  	s17 =	sld [smem:$0x3FFB];
	_ =	sdelay $0x3  }
0x92: {  	_ =	strace s17  }
0x93: {  	s2 =	sld [smem:$0x3FFC];
	_ =	sdelay $0x3  }
0x94: {  	_ =	strace s2  }
0x95: {  	s2 =	sld [smem:$0x3FFD];
	_ =	sdelay $0x3  }
0x96: {  	_ =	strace s2  }
0x97: {  	_ =	strace $0x8FFFFFFF  }
0x98: {  	s18 =	sld [smem:$0x3FDB];
	_ =	sdelay $0x1  }
0x99: {  	s19 =	simm.s32 $_scs_section_size  }
0x9a: {  	s4 =	simm.s32 $_size__tile_overlayer_lowered;
	s5 =	simm.s32 $_tile_overlayer_lowered  }
0x9b: {  	s22 =	simm.s32 $0x1BFF;
	s21 =	sshll.u32 s5, $0x1;
	s2 =	sadd.s32 s19, s18  }
0x9c: {  	s6 =	simm.s32 $0x0;
	s20 =	sshll.u32 s4, $0x1;
	s4 =	sadd.s32 s21, s2  }
0x9d: {  	[timem:s6], [sflag:s22] =	dma.local [hbm:s4], s20  }
0x9e: {  	_ =	swait.ge [sflag:s22], s20  }
0x9f: {  	s3 =	ssub.s32 $0x0, s20;
	[sflag:s22] =	ssyncset.done $0x0  }
0xa0: {  	[sflag:s22] =	ssyncadd.s32 s3;
	_ =	sdelay $0x1  }
0xa1: {  	s23 =	simm.s32 $0x1B8B  }
0xa2: {  	_ =	swait.ge [sflag:s23], $0x1  }
0xa3: {  	[sflag:s23] =	ssyncset.done $0x0  }
0xa4: {  	s25 =	simm.s32 $0x1B8E;
	s24 =	sld [smem:$0x3FFE];
	[sflag:s23] =	ssyncadd.s32 $0xFFFFFFFF  }
0xa5: {  	s26 =	simm.s32 $execute0_lowered;
	[smem:$0x3FD2] =	sst s25  }
0xa6: {  	s4 =	sshll.u32 s26, $0x1;
	_ =	strace $0x80000046;
	[dreg:$0x1] =	wrdreg $0xFFFFFFFF  }
0xa7: {  	s28 =	simm.s32 $_size_execute0_lowered;
	s2 =	sadd.s32 s2, s4;
	[dreg:$0x0] =	wrdreg $0x0  }
0xa8: {  	s4 =	sshll.u32 s28, $0x1;
	[dreg:$0x2] =	wrdreg s2  }
0xa9: {  	[dreg:$0x3] =	wrdreg s4  }
0xaa: {  	[dreg:$0x4] =	wrdreg $0xC0  }
0xab: {  	_ =	task [dreg:s6], $0x5FFFF  }
0xac: {  	[dreg:$0x1] =	wrdreg $0xFFFFFFFF  }
0xad: {  	[dreg:$0x0] =	wrdreg $0x60  }
0xae: {  	[dreg:$0x2] =	wrdreg s24  }
0xaf: {  	[dreg:$0x3] =	wrdreg $0x0  }
0xb0: {  	[dreg:$0x4] =	wrdreg $0x9  }
0xb1: {  	_ =	task.clear_ibuf [dreg:s6], $0x5FFFF;
	_ =	strace $0x90000046  }
0xb2: {  	s29 =	simm.s32 $0x9;
	_ =	strace $0x80000048  }
0xb3: {  	_ =	swait.ge [sflag:s29], $0x1  }
0xb4: {  	[sflag:s29] =	ssyncadd.s32 $0xFFFFFFFF  }
0xb5: {  	_ =	strace $0x90000048  }
0xb6: {  	_ =	sfence  }
0xb7: {  	s30 =	sld [smem:$0x0];
	_ =	sdelay $0x2  }
0xb8: {  	s31 =	sshll.u32 s1, $0xD;
	s1 =	sshrl.u32 s1, $0x2  }
0xb9: {  	s3 =	sand.u32 $0x4000, s31;
	s1 =	sadd.s32 s1, s30  }
0xba: {  	s0 =	sor.u32 s3, s0;
	s1 =	sshll.u32 s1, $0x11  }
0xbb: {  	s0 =	sor.u32 s1, s0  }
0xbc: {  	s0 =	sadd.s32 $0x8F2B, s0  }
0xbd: {  	[sflag:s0] =	ssyncadd.remote.s32 $0x1  }
0xbe: {  	_ =	sfence.sel $0xFFFF  }
0xbf: {  	[dreg:$0x0] =	wrdreg $0xFFFFFFFF;
	(pc) =	sbr.abs _section_cstart, $3  }
0xc0: {  	[dreg:$0x1] =	wrdreg $0xFFFFFFFF  }
0xc1: {  	_ =	task.clear_ibuf [dreg:s6], $0x2FFFF;
	_ =	strace $0x9FFFFFFF  }
0xc2: {  	(tm) =	ssettm $0x7FFFFFFF  }
0xc3: {  	_ =	shalt  }
tec
execute0_lowered:
.L_overlay_start_1:
0x0: {  	(tag) =	ssettag $0x1  }
0x1: {  	s0 =	srdreg.scid  }
0x2: {  	s1 =	rddreg [dreg:$0x0];
	s13 =	stileid.u32  }
0x3: {  	s2 =	rddreg [dreg:$0x1];
	s28 =	simm.s32 $0x28;
	s29 =	simm.s32 $0x16500  }
0x4: {  	s31 =	simm.s32 $0x17900;
	s30 =	simm.s32 $0x1;
	s4 =	smul.u32 $0x2780, s13  }
0x5: {  	s0 =	sand.u32 $0x1, s0;
	s7 =	sadd.s32 $0x90400, s1;
	s10 =	smul.u32 $0x4F000, s13  }
0x6: {  	s3 =	sshll.u32 s0, $0x4;
	s8 =	ssub.s32 $0x2, s0;
	s0 =	smul.u32 $0x145000, s0  }
0x7: {  	s5 =	sor.u32 s13, s3;
	s3 =	simm.s32 $0x0;
	s4 =	sadd.s32 s4, s1  }
0x8: {  	s9 =	sshrl.u32 s8, $0x1;
	s25 =	sshrl.u32 s10, $0x2;
	s6 =	smul.u32 $0x1450, s5  }
0x9: {  	[smem:$0x7FF] =	sst s3;
	s8 =	ssub.s32 s8, s9;
	s24 =	smul.u32 $0xA2800, s5  }
0xa: {  	s5 =	smul.u32 $0x14500, s5;
	s26 =	sadd.s32 $0x2D800, s4;
	s4 =	sadd.s32 $0x55000, s4  }
0xb: {  	s9 =	simm.s32 $0x7;
	_ =	strace $0x80000047;
	[dreg:$0x6] =	wrdreg s26  }
0xc: {  	[dreg:$0xd] =	wrdreg s4;
	s4 =	simm.s32 $0x2;
	s6 =	sshrl.u32 s6, $0x3  }
0xd: {  	s10 =	sshrl.u32 s24, $0x3;
	s14 =	sadd.s32 s7, s5;
	s6 =	sadd.s32 s6, s1  }
0xe: {  	s24 =	smul.u32 $0x14500, s13;
	[dreg:$0x7] =	wrdreg s14;
	s23 =	sadd.s32 $0x86600, s6  }
0xf: {  	s15 =	sadd.s32 $0x280, s10;
	s6 =	sadd.s32 $0x7C800, s6;
	[dreg:$0x3] =	wrdreg s23  }
0x10: {  	s16 =	sadd.s32 $0x13B00, s10;
	s11 =	sadd.s32 s7, s15;
	[dreg:$0x4] =	wrdreg s6  }
0x11: {  	s18 =	sadd.s32 $0x13D80, s10;
	s17 =	sadd.s32 s7, s16;
	[dreg:$0x8] =	wrdreg s11  }
0x12: {  	s19 =	sadd.s32 $0x14000, s10;
	s12 =	sadd.s32 s7, s18;
	[dreg:$0x9] =	wrdreg s17  }
0x13: {  	s1 =	sadd.s32 $0x31A400, s1;
	s14 =	sadd.s32 s7, s19;
	[dreg:$0xa] =	wrdreg s12  }
0x14: {  	s21 =	sadd.s32 s1, s5;
	s22 =	sadd.s32 s1, s15;
	[dreg:$0xb] =	wrdreg s14  }
0x15: {  	s18 =	sadd.s32 s1, s18;
	s19 =	sadd.s32 s1, s19;
	[dreg:$0xe] =	wrdreg s21  }
0x16: {  	s5 =	simm.s32 $0x5;
	s6 =	sadd.s32 s25, s2;
	[dreg:$0xf] =	wrdreg s22  }
0x17: {  	s23 =	sadd.s32 s1, s16;
	s25 =	sadd.s32 s0, s7;
	s0 =	sadd.s32 s0, s1  }
0x18: {  	s21 =	smax.u32 s8, $0x1;
	s8 =	simm.s32 $0x4;
	[dreg:$0x5] =	wrdreg s6  }
0x19: {  	s11 =	simm.s32 $0x0;
	s6 =	sadd.s32 $0x14280, s10;
	[dreg:$0x10] =	wrdreg s23  }
0x1a: {  	s26 =	sadd.s32 s24, s25;
	s0 =	sadd.s32 s24, s0;
	s24 =	simm.s32 $0x13C00  }
0x1b: {  	s25 =	simm.s32 $0x9;
	s10 =	simm.s32 $0x8;
	s20 =	sadd.s32 s7, s6  }
0x1c: {  	s22 =	sadd.s32 $0x780, s26;
	s23 =	sadd.s32 $0x780, s0;
	s26 =	simm.s32 $0x15080  }
0x1d: {  	s0 =	simm.s32 $0x18D00;
	s7 =	simm.s32 $0x6;
	[dreg:$0xc] =	wrdreg s20  }
0x1e: {  	s20 =	sadd.s32 s1, s6;
	s1 =	simm.s32 $0x1A100;
	s6 =	simm.s32 $0x3  }
.LBB2_1:
0x1f: {  	s12 =	rddreg [dreg:$0x3]  }
0x20: {  	[tilespmem:s24], [sflag:$0x9] =	stream.linear.gather [hbm4b:s12+s3], $0x1450, $0x38;
	[tilespmem:$0x1B500] =	vst v63  }
0x21: {  	_ =	swait.ge [sflag:s25], $0x1450  }
0x22: {  	[sflag:s25] =	ssyncset.done $0x0  }
0x23: {  	s14 =	stileid.u32;
	s13 =	rddreg [dreg:$0x4];
	[sflag:s25] =	ssyncadd.s32 $0xFFFFEBB0  }
0x24: {  	[tilespmem:s26], [sflag:$0x9] =	stream.linear.gather [hbm4b:s13+s3], $0x1450, $0x38;
	[tilespmem:$0x1B500] =	vst v63  }
0x25: {  	s12 =	sshll.u32 s14, $0x6;
	_ =	swait.ge [sflag:s25], $0x1450  }
0x26: {  	s12 =	sor.u32 $0x1C09, s12;
	[sflag:s25] =	ssyncset.done $0x0;
	s13 =	rddreg [dreg:$0x5]  }
0x27: {  	s14 =	rddreg [dreg:$0x6];
	[sflag:s25] =	ssyncadd.s32 $0xFFFFEBB0;
	s13 =	sshrl.u32 s13, $0x3  }
0x28: {  	[spmem:s13], [sflag:s12] =	dma.local [hbm:s14], $0x2780  }
0x29: {  	_ =	swait.ge [sflag:s25], $0x2780  }
0x2a: {  	[sflag:s25] =	ssyncset.done $0x0  }
0x2b: {  	[sflag:s25] =	ssyncadd.s32 $0xFFFFD880  }
0x2c: {  	[bflag:$0x0] =	sbarrier.arrive $0xFFFF  }
0x2d: {  	[tilespmem:s29], [sflag:$0x1] =	stream.indirect.gather [spmem:s2], $0x80, s24, s28, $0xb8;
	[tilespmem:$0x1B500] =	vst v63  }
0x2e: {  	s15 =	simm.s32 $0x13C28  }
0x2f: {  	[tilespmem:s31], [sflag:$0x2] =	stream.indirect.gather [spmem:s2], $0x80, s15, s28, $0xb8;
	[tilespmem:$0x1B500] =	vst v63  }
0x30: {  	s16 =	simm.s32 $0x13C50  }
0x31: {  	[tilespmem:s0], [sflag:$0x3] =	stream.indirect.gather [spmem:s2], $0x80, s16, s28, $0xb8;
	[tilespmem:$0x1B500] =	vst v63  }
0x32: {  	_ =	swait.ge [sflag:s30], $0x1400  }
0x33: {  	[sflag:s30] =	ssyncset.done $0x0  }
0x34: {  	s17 =	rddreg [dreg:$0x7];
	[sflag:s30] =	ssyncadd.s32 $0xFFFFEC00  }
0x35: {  	[hbm4b:s17+s3] =	stream.linear.scatter [tilespmem:s29], [sflag:$0x5], $0x1400, $0x38;
	[tilespmem:$0x1B500] =	vst v63  }
0x36: {  	s15 =	simm.s32 $0x13C78  }
0x37: {  	[tilespmem:s1], [sflag:$0x4] =	stream.indirect.gather [spmem:s2], $0x80, s15, s28, $0xb8;
	[tilespmem:$0x1B500] =	vst v63  }
0x38: {  	_ =	swait.ge [sflag:s4], $0x1400  }
0x39: {  	[sflag:s4] =	ssyncset.done $0x0  }
0x3a: {  	s16 =	rddreg [dreg:$0x8];
	[sflag:s4] =	ssyncadd.s32 $0xFFFFEC00  }
0x3b: {  	[hbm4b:s16+s3] =	stream.linear.scatter [tilespmem:s31], [sflag:$0x6], $0x1400, $0x38;
	[tilespmem:$0x1B500] =	vst v63  }
0x3c: {  	_ =	swait.ge [sflag:s5], $0x1400  }
0x3d: {  	[sflag:s5] =	ssyncset.done $0x0  }
0x3e: {  	s17 =	simm.s32 $0x13CA0;
	[sflag:s5] =	ssyncadd.s32 $0xFFFFEC00  }
0x3f: {  	[tilespmem:s29], [sflag:$0x1] =	stream.indirect.gather [spmem:s2], $0x80, s17, s28, $0xb8;
	[tilespmem:$0x1B500] =	vst v63  }
0x40: {  	_ =	swait.ge [sflag:s6], $0x1400  }
0x41: {  	[sflag:s6] =	ssyncset.done $0x0  }
0x42: {  	s15 =	sadd.s32 $0xFFFFFD80, s22;
	[sflag:s6] =	ssyncadd.s32 $0xFFFFEC00  }
0x43: {  	[hbm4b:s15+s3] =	stream.linear.scatter [tilespmem:s0], [sflag:$0x7], $0x1400, $0x38;
	[tilespmem:$0x1B500] =	vst v63  }
0x44: {  	_ =	swait.ge [sflag:s7], $0x1400  }
0x45: {  	[sflag:s7] =	ssyncset.done $0x0  }
0x46: {  	s16 =	simm.s32 $0x13CC8;
	[sflag:s7] =	ssyncadd.s32 $0xFFFFEC00  }
0x47: {  	[tilespmem:s31], [sflag:$0x2] =	stream.indirect.gather [spmem:s2], $0x80, s16, s28, $0xb8;
	[tilespmem:$0x1B500] =	vst v63  }
0x48: {  	_ =	swait.ge [sflag:s8], $0x1400  }
0x49: {  	[sflag:s8] =	ssyncset.done $0x0  }
0x4a: {  	[sflag:s8] =	ssyncadd.s32 $0xFFFFEC00  }
0x4b: {  	[hbm4b:s22+s3] =	stream.linear.scatter [tilespmem:s1], [sflag:$0x8], $0x1400, $0x38;
	[tilespmem:$0x1B500] =	vst v63  }
0x4c: {  	_ =	swait.ge [sflag:s9], $0x1400  }
0x4d: {  	[sflag:s9] =	ssyncset.done $0x0  }
0x4e: {  	s17 =	simm.s32 $0x13CF0;
	[sflag:s9] =	ssyncadd.s32 $0xFFFFEC00  }
0x4f: {  	[tilespmem:s0], [sflag:$0x3] =	stream.indirect.gather [spmem:s2], $0x80, s17, s28, $0xb8;
	[tilespmem:$0x1B500] =	vst v63  }
0x50: {  	_ =	swait.ge [sflag:s30], $0x1400  }
0x51: {  	[sflag:s30] =	ssyncset.done $0x0  }
0x52: {  	s15 =	sadd.s32 $0x280, s22;
	[sflag:s30] =	ssyncadd.s32 $0xFFFFEC00  }
0x53: {  	[hbm4b:s15+s3] =	stream.linear.scatter [tilespmem:s29], [sflag:$0x5], $0x1400, $0x38;
	[tilespmem:$0x1B500] =	vst v63  }
0x54: {  	_ =	swait.ge [sflag:s10], $0x1400  }
0x55: {  	[sflag:s10] =	ssyncset.done $0x0  }
0x56: {  	s16 =	simm.s32 $0x13D18;
	[sflag:s10] =	ssyncadd.s32 $0xFFFFEC00  }
0x57: {  	[tilespmem:s1], [sflag:$0x4] =	stream.indirect.gather [spmem:s2], $0x80, s16, s28, $0xb8;
	[tilespmem:$0x1B500] =	vst v63  }
0x58: {  	_ =	swait.ge [sflag:s4], $0x1400  }
0x59: {  	[sflag:s4] =	ssyncset.done $0x0  }
0x5a: {  	s17 =	sadd.s32 $0x500, s22;
	[sflag:s4] =	ssyncadd.s32 $0xFFFFEC00  }
0x5b: {  	[hbm4b:s17+s3] =	stream.linear.scatter [tilespmem:s31], [sflag:$0x6], $0x1400, $0x38;
	[tilespmem:$0x1B500] =	vst v63  }
0x5c: {  	_ =	swait.ge [sflag:s5], $0x1400  }
0x5d: {  	s14 =	simm.s32 $0x280;
	[sflag:s5] =	ssyncset.done $0x0  }
0x5e: {  	s15 =	sadd.s32 $0xA00, s22;
	s16 =	simm.s32 $0x13D40;
	[sflag:s5] =	ssyncadd.s32 $0xFFFFEC00  }
.LBB2_2:
0x5f: {  	[tilespmem:s29], [sflag:$0x1] =	stream.indirect.gather [spmem:s2], $0x80, s16, s28, $0xb8;
	[tilespmem:$0x1B500] =	vst v63  }
0x60: {  	s16 =	smov.u32 s14  }
0x61: {  	p0 =	sne.s32 s14, $0x4B00;
	s14 =	sadd.s32 $0x280, s14;
	_ =	swait.ge [sflag:s6], $0x1400  }
0x62: {  	[sflag:s6] =	ssyncset.done $0x0  }
0x63: {  	s17 =	sadd.s32 $0xFFFFFD80, s15;
	[sflag:s6] =	ssyncadd.s32 $0xFFFFEC00  }
0x64: {  	[hbm4b:s17+s3] =	stream.linear.scatter [tilespmem:s0], [sflag:$0x7], $0x1400, $0x38;
	[tilespmem:$0x1B500] =	vst v63  }
0x65: {  	_ =	swait.ge [sflag:s7], $0x1400  }
0x66: {  	s16 =	sshra.s32 s16, $0x2;
	[sflag:s7] =	ssyncset.done $0x0  }
0x67: {  	s17 =	sadd.s32 $0x13CC8, s16;
	[sflag:s7] =	ssyncadd.s32 $0xFFFFEC00  }
0x68: {  	[tilespmem:s31], [sflag:$0x2] =	stream.indirect.gather [spmem:s2], $0x80, s17, s28, $0xb8;
	[tilespmem:$0x1B500] =	vst v63  }
0x69: {  	_ =	swait.ge [sflag:s8], $0x1400  }
0x6a: {  	[sflag:s8] =	ssyncset.done $0x0  }
0x6b: {  	[sflag:s8] =	ssyncadd.s32 $0xFFFFEC00  }
0x6c: {  	[hbm4b:s15+s3] =	stream.linear.scatter [tilespmem:s1], [sflag:$0x8], $0x1400, $0x38;
	[tilespmem:$0x1B500] =	vst v63  }
0x6d: {  	_ =	swait.ge [sflag:s9], $0x1400  }
0x6e: {  	[sflag:s9] =	ssyncset.done $0x0  }
0x6f: {  	s17 =	sadd.s32 $0x13CF0, s16;
	[sflag:s9] =	ssyncadd.s32 $0xFFFFEC00  }
0x70: {  	[tilespmem:s0], [sflag:$0x3] =	stream.indirect.gather [spmem:s2], $0x80, s17, s28, $0xb8;
	[tilespmem:$0x1B500] =	vst v63  }
0x71: {  	_ =	swait.ge [sflag:s30], $0x1400  }
0x72: {  	[sflag:s30] =	ssyncset.done $0x0  }
0x73: {  	s17 =	sadd.s32 $0x280, s15;
	[sflag:s30] =	ssyncadd.s32 $0xFFFFEC00  }
0x74: {  	[hbm4b:s17+s3] =	stream.linear.scatter [tilespmem:s29], [sflag:$0x5], $0x1400, $0x38;
	[tilespmem:$0x1B500] =	vst v63  }
0x75: {  	_ =	swait.ge [sflag:s10], $0x1400  }
0x76: {  	[sflag:s10] =	ssyncset.done $0x0  }
0x77: {  	s17 =	sadd.s32 $0x13D18, s16;
	[sflag:s10] =	ssyncadd.s32 $0xFFFFEC00  }
0x78: {  	[tilespmem:s1], [sflag:$0x4] =	stream.indirect.gather [spmem:s2], $0x80, s17, s28, $0xb8;
	[tilespmem:$0x1B500] =	vst v63  }
0x79: {  	_ =	swait.ge [sflag:s4], $0x1400  }
0x7a: {  	[sflag:s4] =	ssyncset.done $0x0  }
.Ltmp0:
0x7b: {  	s17 =	sadd.s32 $0x500, s15;
	[sflag:s4] =	ssyncadd.s32 $0xFFFFEC00;
	(pc) =	sbr.rel @p0 .LBB2_2-.Ltmp0, $4  }
0x7c: {  	[hbm4b:s17+s3] =	stream.linear.scatter [tilespmem:s31], [sflag:$0x6], $0x1400, $0x38;
	[tilespmem:$0x1B500] =	vst v63  }
0x7d: {  	_ =	swait.ge [sflag:s5], $0x1400  }
0x7e: {  	[sflag:s5] =	ssyncset.done $0x0  }
0x7f: {  	s16 =	sadd.s32 $0x13D40, s16;
	s15 =	sadd.s32 $0xA00, s15;
	[sflag:s5] =	ssyncadd.s32 $0xFFFFEC00  }
0x80: {  	[tilespmem:s29], [sflag:$0x1] =	stream.indirect.gather [spmem:s2], $0x80, s16, s28, $0xb8;
	[tilespmem:$0x1B500] =	vst v63  }
0x81: {  	_ =	swait.ge [sflag:s6], $0x1400  }
0x82: {  	[sflag:s6] =	ssyncset.done $0x0  }
0x83: {  	s14 =	simm.s32 $0x0;
	s15 =	rddreg [dreg:$0x9];
	[sflag:s6] =	ssyncadd.s32 $0xFFFFEC00  }
0x84: {  	[hbm4b:s15+s14] =	stream.linear.scatter [tilespmem:s0], [sflag:$0x7], $0x1400, $0x38;
	[tilespmem:$0x1B500] =	vst v63  }
0x85: {  	_ =	swait.ge [sflag:s7], $0x1400  }
0x86: {  	[sflag:s7] =	ssyncset.done $0x0  }
0x87: {  	s17 =	simm.s32 $0x15028;
	[sflag:s7] =	ssyncadd.s32 $0xFFFFEC00  }
0x88: {  	[tilespmem:s31], [sflag:$0x2] =	stream.indirect.gather [spmem:s2], $0x80, s17, s28, $0xb8;
	[tilespmem:$0x1B500] =	vst v63  }
0x89: {  	_ =	swait.ge [sflag:s8], $0x1400  }
0x8a: {  	[sflag:s8] =	ssyncset.done $0x0  }
0x8b: {  	s16 =	rddreg [dreg:$0xa];
	[sflag:s8] =	ssyncadd.s32 $0xFFFFEC00  }
0x8c: {  	[hbm4b:s16+s14] =	stream.linear.scatter [tilespmem:s1], [sflag:$0x8], $0x1400, $0x38;
	[tilespmem:$0x1B500] =	vst v63  }
0x8d: {  	_ =	swait.ge [sflag:s30], $0x1400  }
0x8e: {  	[sflag:s30] =	ssyncset.done $0x0  }
0x8f: {  	s17 =	rddreg [dreg:$0xb];
	[sflag:s30] =	ssyncadd.s32 $0xFFFFEC00  }
0x90: {  	[hbm4b:s17+s14] =	stream.linear.scatter [tilespmem:s29], [sflag:$0x5], $0x1400, $0x38;
	[tilespmem:$0x1B500] =	vst v63  }
0x91: {  	_ =	swait.ge [sflag:s4], $0x1400  }
0x92: {  	[sflag:s4] =	ssyncset.done $0x0  }
0x93: {  	s16 =	rddreg [dreg:$0xc];
	[sflag:s4] =	ssyncadd.s32 $0xFFFFEC00  }
0x94: {  	[hbm4b:s16+s14] =	stream.linear.scatter [tilespmem:s31], [sflag:$0x6], $0x1400, $0x38;
	[tilespmem:$0x1B500] =	vst v63  }
0x95: {  	_ =	swait.ge [sflag:s9], $0x1400  }
0x96: {  	[sflag:s9] =	ssyncset.done $0x0  }
0x97: {  	[sflag:s9] =	ssyncadd.s32 $0xFFFFEC00  }
0x98: {  	_ =	swait.ge [sflag:s10], $0x1400  }
0x99: {  	[sflag:s10] =	ssyncset.done $0x0  }
0x9a: {  	[sflag:s10] =	ssyncadd.s32 $0xFFFFEC00  }
0x9b: {  	_ =	swait.ge [sflag:s5], $0x1400  }
0x9c: {  	[sflag:s5] =	ssyncset.done $0x0  }
0x9d: {  	[sflag:s5] =	ssyncadd.s32 $0xFFFFEC00  }
0x9e: {  	_ =	swait.ge [sflag:s7], $0x1400  }
0x9f: {  	[sflag:s7] =	ssyncset.done $0x0  }
0xa0: {  	[sflag:s7] =	ssyncadd.s32 $0xFFFFEC00  }
0xa1: {  	[bflag:$0x0] =	sbarrier.arrive $0xFFFF  }
0xa2: {  	s17 =	rddreg [dreg:$0xd]  }
0xa3: {  	[spmem:s13], [sflag:s12] =	dma.local [hbm:s17], $0x2780  }
0xa4: {  	_ =	swait.ge [sflag:s25], $0x2780  }
0xa5: {  	[sflag:s25] =	ssyncset.done $0x0  }
0xa6: {  	[sflag:s25] =	ssyncadd.s32 $0xFFFFD880  }
0xa7: {  	[bflag:$0x0] =	sbarrier.arrive $0xFFFF  }
0xa8: {  	[tilespmem:s29], [sflag:$0x1] =	stream.indirect.gather [spmem:s2], $0x80, s26, s28, $0xb8;
	[tilespmem:$0x1B500] =	vst v63  }
0xa9: {  	s15 =	simm.s32 $0x150A8  }
0xaa: {  	[tilespmem:s31], [sflag:$0x2] =	stream.indirect.gather [spmem:s2], $0x80, s15, s28, $0xb8;
	[tilespmem:$0x1B500] =	vst v63  }
0xab: {  	s16 =	simm.s32 $0x150D0  }
0xac: {  	[tilespmem:s0], [sflag:$0x3] =	stream.indirect.gather [spmem:s2], $0x80, s16, s28, $0xb8;
	[tilespmem:$0x1B500] =	vst v63  }
0xad: {  	_ =	swait.ge [sflag:s30], $0x1400  }
0xae: {  	[sflag:s30] =	ssyncset.done $0x0  }
0xaf: {  	s17 =	rddreg [dreg:$0xe];
	[sflag:s30] =	ssyncadd.s32 $0xFFFFEC00  }
0xb0: {  	[hbm4b:s17+s14] =	stream.linear.scatter [tilespmem:s29], [sflag:$0x5], $0x1400, $0x38;
	[tilespmem:$0x1B500] =	vst v63  }
0xb1: {  	s13 =	simm.s32 $0x150F8  }
0xb2: {  	[tilespmem:s1], [sflag:$0x4] =	stream.indirect.gather [spmem:s2], $0x80, s13, s28, $0xb8;
	[tilespmem:$0x1B500] =	vst v63  }
0xb3: {  	_ =	swait.ge [sflag:s4], $0x1400  }
0xb4: {  	[sflag:s4] =	ssyncset.done $0x0  }
0xb5: {  	s15 =	rddreg [dreg:$0xf];
	[sflag:s4] =	ssyncadd.s32 $0xFFFFEC00  }
0xb6: {  	[hbm4b:s15+s14] =	stream.linear.scatter [tilespmem:s31], [sflag:$0x6], $0x1400, $0x38;
	[tilespmem:$0x1B500] =	vst v63  }
0xb7: {  	_ =	swait.ge [sflag:s5], $0x1400  }
0xb8: {  	[sflag:s5] =	ssyncset.done $0x0  }
0xb9: {  	s16 =	simm.s32 $0x15120;
	[sflag:s5] =	ssyncadd.s32 $0xFFFFEC00  }
0xba: {  	[tilespmem:s29], [sflag:$0x1] =	stream.indirect.gather [spmem:s2], $0x80, s16, s28, $0xb8;
	[tilespmem:$0x1B500] =	vst v63  }
0xbb: {  	_ =	swait.ge [sflag:s6], $0x1400  }
0xbc: {  	[sflag:s6] =	ssyncset.done $0x0  }
0xbd: {  	s17 =	sadd.s32 $0xFFFFFD80, s23;
	[sflag:s6] =	ssyncadd.s32 $0xFFFFEC00  }
0xbe: {  	[hbm4b:s17+s3] =	stream.linear.scatter [tilespmem:s0], [sflag:$0x7], $0x1400, $0x38;
	[tilespmem:$0x1B500] =	vst v63  }
0xbf: {  	_ =	swait.ge [sflag:s7], $0x1400  }
0xc0: {  	[sflag:s7] =	ssyncset.done $0x0  }
0xc1: {  	s13 =	simm.s32 $0x15148;
	[sflag:s7] =	ssyncadd.s32 $0xFFFFEC00  }
0xc2: {  	[tilespmem:s31], [sflag:$0x2] =	stream.indirect.gather [spmem:s2], $0x80, s13, s28, $0xb8;
	[tilespmem:$0x1B500] =	vst v63  }
0xc3: {  	_ =	swait.ge [sflag:s8], $0x1400  }
0xc4: {  	[sflag:s8] =	ssyncset.done $0x0  }
0xc5: {  	[sflag:s8] =	ssyncadd.s32 $0xFFFFEC00  }
0xc6: {  	[hbm4b:s23+s3] =	stream.linear.scatter [tilespmem:s1], [sflag:$0x8], $0x1400, $0x38;
	[tilespmem:$0x1B500] =	vst v63  }
0xc7: {  	_ =	swait.ge [sflag:s9], $0x1400  }
0xc8: {  	[sflag:s9] =	ssyncset.done $0x0  }
0xc9: {  	s14 =	simm.s32 $0x15170;
	[sflag:s9] =	ssyncadd.s32 $0xFFFFEC00  }
0xca: {  	[tilespmem:s0], [sflag:$0x3] =	stream.indirect.gather [spmem:s2], $0x80, s14, s28, $0xb8;
	[tilespmem:$0x1B500] =	vst v63  }
0xcb: {  	_ =	swait.ge [sflag:s30], $0x1400  }
0xcc: {  	[sflag:s30] =	ssyncset.done $0x0  }
0xcd: {  	s15 =	sadd.s32 $0x280, s23;
	[sflag:s30] =	ssyncadd.s32 $0xFFFFEC00  }
0xce: {  	[hbm4b:s15+s3] =	stream.linear.scatter [tilespmem:s29], [sflag:$0x5], $0x1400, $0x38;
	[tilespmem:$0x1B500] =	vst v63  }
0xcf: {  	_ =	swait.ge [sflag:s10], $0x1400  }
0xd0: {  	[sflag:s10] =	ssyncset.done $0x0  }
0xd1: {  	s16 =	simm.s32 $0x15198;
	[sflag:s10] =	ssyncadd.s32 $0xFFFFEC00  }
0xd2: {  	[tilespmem:s1], [sflag:$0x4] =	stream.indirect.gather [spmem:s2], $0x80, s16, s28, $0xb8;
	[tilespmem:$0x1B500] =	vst v63  }
0xd3: {  	_ =	swait.ge [sflag:s4], $0x1400  }
0xd4: {  	[sflag:s4] =	ssyncset.done $0x0  }
0xd5: {  	s17 =	sadd.s32 $0x500, s23;
	[sflag:s4] =	ssyncadd.s32 $0xFFFFEC00  }
0xd6: {  	[hbm4b:s17+s3] =	stream.linear.scatter [tilespmem:s31], [sflag:$0x6], $0x1400, $0x38;
	[tilespmem:$0x1B500] =	vst v63  }
0xd7: {  	_ =	swait.ge [sflag:s5], $0x1400  }
0xd8: {  	s12 =	simm.s32 $0x280;
	[sflag:s5] =	ssyncset.done $0x0  }
0xd9: {  	s13 =	sadd.s32 $0xA00, s23;
	s14 =	simm.s32 $0x151C0;
	[sflag:s5] =	ssyncadd.s32 $0xFFFFEC00  }
.LBB2_4:
0xda: {  	[tilespmem:s29], [sflag:$0x1] =	stream.indirect.gather [spmem:s2], $0x80, s14, s28, $0xb8;
	[tilespmem:$0x1B500] =	vst v63  }
0xdb: {  	s14 =	smov.u32 s12  }
0xdc: {  	p0 =	sne.s32 s12, $0x4B00;
	s12 =	sadd.s32 $0x280, s12;
	_ =	swait.ge [sflag:s6], $0x1400  }
0xdd: {  	[sflag:s6] =	ssyncset.done $0x0  }
0xde: {  	s15 =	sadd.s32 $0xFFFFFD80, s13;
	[sflag:s6] =	ssyncadd.s32 $0xFFFFEC00  }
0xdf: {  	[hbm4b:s15+s3] =	stream.linear.scatter [tilespmem:s0], [sflag:$0x7], $0x1400, $0x38;
	[tilespmem:$0x1B500] =	vst v63  }
0xe0: {  	_ =	swait.ge [sflag:s7], $0x1400  }
0xe1: {  	s14 =	sshra.s32 s14, $0x2;
	[sflag:s7] =	ssyncset.done $0x0  }
0xe2: {  	s15 =	sadd.s32 $0x15148, s14;
	[sflag:s7] =	ssyncadd.s32 $0xFFFFEC00  }
0xe3: {  	[tilespmem:s31], [sflag:$0x2] =	stream.indirect.gather [spmem:s2], $0x80, s15, s28, $0xb8;
	[tilespmem:$0x1B500] =	vst v63  }
0xe4: {  	_ =	swait.ge [sflag:s8], $0x1400  }
0xe5: {  	[sflag:s8] =	ssyncset.done $0x0  }
0xe6: {  	[sflag:s8] =	ssyncadd.s32 $0xFFFFEC00  }
0xe7: {  	[hbm4b:s13+s3] =	stream.linear.scatter [tilespmem:s1], [sflag:$0x8], $0x1400, $0x38;
	[tilespmem:$0x1B500] =	vst v63  }
0xe8: {  	_ =	swait.ge [sflag:s9], $0x1400  }
0xe9: {  	[sflag:s9] =	ssyncset.done $0x0  }
0xea: {  	s15 =	sadd.s32 $0x15170, s14;
	[sflag:s9] =	ssyncadd.s32 $0xFFFFEC00  }
0xeb: {  	[tilespmem:s0], [sflag:$0x3] =	stream.indirect.gather [spmem:s2], $0x80, s15, s28, $0xb8;
	[tilespmem:$0x1B500] =	vst v63  }
0xec: {  	_ =	swait.ge [sflag:s30], $0x1400  }
0xed: {  	[sflag:s30] =	ssyncset.done $0x0  }
0xee: {  	s15 =	sadd.s32 $0x280, s13;
	[sflag:s30] =	ssyncadd.s32 $0xFFFFEC00  }
0xef: {  	[hbm4b:s15+s3] =	stream.linear.scatter [tilespmem:s29], [sflag:$0x5], $0x1400, $0x38;
	[tilespmem:$0x1B500] =	vst v63  }
0xf0: {  	_ =	swait.ge [sflag:s10], $0x1400  }
0xf1: {  	[sflag:s10] =	ssyncset.done $0x0  }
0xf2: {  	s15 =	sadd.s32 $0x15198, s14;
	[sflag:s10] =	ssyncadd.s32 $0xFFFFEC00  }
0xf3: {  	[tilespmem:s1], [sflag:$0x4] =	stream.indirect.gather [spmem:s2], $0x80, s15, s28, $0xb8;
	[tilespmem:$0x1B500] =	vst v63  }
0xf4: {  	_ =	swait.ge [sflag:s4], $0x1400  }
0xf5: {  	[sflag:s4] =	ssyncset.done $0x0  }
.Ltmp1:
0xf6: {  	s15 =	sadd.s32 $0x500, s13;
	[sflag:s4] =	ssyncadd.s32 $0xFFFFEC00;
	(pc) =	sbr.rel @p0 .LBB2_4-.Ltmp1, $4  }
0xf7: {  	[hbm4b:s15+s3] =	stream.linear.scatter [tilespmem:s31], [sflag:$0x6], $0x1400, $0x38;
	[tilespmem:$0x1B500] =	vst v63  }
0xf8: {  	_ =	swait.ge [sflag:s5], $0x1400  }
0xf9: {  	[sflag:s5] =	ssyncset.done $0x0  }
0xfa: {  	s14 =	sadd.s32 $0x151C0, s14;
	s13 =	sadd.s32 $0xA00, s13;
	[sflag:s5] =	ssyncadd.s32 $0xFFFFEC00  }
0xfb: {  	[tilespmem:s29], [sflag:$0x1] =	stream.indirect.gather [spmem:s2], $0x80, s14, s28, $0xb8;
	[tilespmem:$0x1B500] =	vst v63  }
0xfc: {  	_ =	swait.ge [sflag:s6], $0x1400  }
0xfd: {  	[sflag:s6] =	ssyncset.done $0x0  }
0xfe: {  	s12 =	rddreg [dreg:$0x10];
	[sflag:s6] =	ssyncadd.s32 $0xFFFFEC00  }
0xff: {  	[hbm4b:s12+s3] =	stream.linear.scatter [tilespmem:s0], [sflag:$0x7], $0x1400, $0x38;
	[tilespmem:$0x1B500] =	vst v63  }
0x100: {  	_ =	swait.ge [sflag:s7], $0x1400  }
0x101: {  	[sflag:s7] =	ssyncset.done $0x0  }
0x102: {  	s17 =	simm.s32 $0x164A8;
	[sflag:s7] =	ssyncadd.s32 $0xFFFFEC00  }
0x103: {  	[tilespmem:s31], [sflag:$0x2] =	stream.indirect.gather [spmem:s2], $0x80, s17, s28, $0xb8;
	[tilespmem:$0x1B500] =	vst v63  }
0x104: {  	_ =	swait.ge [sflag:s8], $0x1400  }
0x105: {  	[sflag:s8] =	ssyncset.done $0x0  }
0x106: {  	[sflag:s8] =	ssyncadd.s32 $0xFFFFEC00  }
0x107: {  	[hbm4b:s18+s3] =	stream.linear.scatter [tilespmem:s1], [sflag:$0x8], $0x1400, $0x38;
	[tilespmem:$0x1B500] =	vst v63  }
0x108: {  	_ =	swait.ge [sflag:s30], $0x1400  }
0x109: {  	[sflag:s30] =	ssyncset.done $0x0  }
0x10a: {  	[sflag:s30] =	ssyncadd.s32 $0xFFFFEC00  }
0x10b: {  	[hbm4b:s19+s3] =	stream.linear.scatter [tilespmem:s29], [sflag:$0x5], $0x1400, $0x38;
	[tilespmem:$0x1B500] =	vst v63  }
0x10c: {  	_ =	swait.ge [sflag:s4], $0x1400  }
0x10d: {  	[sflag:s4] =	ssyncset.done $0x0  }
0x10e: {  	[sflag:s4] =	ssyncadd.s32 $0xFFFFEC00  }
0x10f: {  	[hbm4b:s20+s3] =	stream.linear.scatter [tilespmem:s31], [sflag:$0x6], $0x1400, $0x38;
	[tilespmem:$0x1B500] =	vst v63  }
0x110: {  	_ =	swait.ge [sflag:s9], $0x1400  }
0x111: {  	[sflag:s9] =	ssyncset.done $0x0  }
0x112: {  	[sflag:s9] =	ssyncadd.s32 $0xFFFFEC00  }
0x113: {  	_ =	swait.ge [sflag:s10], $0x1400  }
0x114: {  	[sflag:s10] =	ssyncset.done $0x0  }
0x115: {  	[sflag:s10] =	ssyncadd.s32 $0xFFFFEC00  }
0x116: {  	_ =	swait.ge [sflag:s5], $0x1400  }
0x117: {  	s11 =	sadd.s32 $0x1, s11;
	[sflag:s5] =	ssyncset.done $0x0  }
0x118: {  	p0 =	sne.s32 s11, s21;
	[sflag:s5] =	ssyncadd.s32 $0xFFFFEC00  }
.Ltmp2:
0x119: {  	_ =	swait.ge [sflag:s7], $0x1400;
	(pc) =	sbr.rel @p0 .LBB2_1-.Ltmp2, $3  }
0x11a: {  	[sflag:s7] =	ssyncset.done $0x0  }
0x11b: {  	[sflag:s7] =	ssyncadd.s32 $0xFFFFEC00  }
0x11c: {  	[bflag:$0x0] =	sbarrier.arrive $0xFFFF;
	_ =	sdelay $0x1  }
0x11d: {  	_ =	sfence.sel $0x180000  }
0x11e: {  	[bflag:$0x0] =	sbarrier.arrive $0xFFFF  }
0x11f: {  	_ =	strace $0x90000047  }
0x120: {  	s0 =	stileid.u32;
	[bflag:$0x2] =	sbarrier.arrive $0xFFFF  }
0x121: {  	p0 =	sne.s32 s0, $0x0;
	s0 =	rddreg [dreg:$0x2]  }
0x122: {  	s0 =	sadd.s32 @!p0 $0x100000, s0  }
0x123: {  	[sflag:s0] =	ssyncadd.tile.s32 @!p0 $0x1;
	_ =	shalt  }
.Lfunc_end2:
_tile_overlayer_lowered:
.L_overlay_start_2:
0x124: {  	(tag) =	ssettag $0x2  }
0x125: {  	s0 =	rddreg [dreg:$0x0];
	s2 =	stileid.u32  }
0x126: {  	s1 =	rddreg [dreg:$0x1];
	p0 =	sne.s32 s2, $0x0  }
0x127: {  	s3 =	rddreg [dreg:$0x2];
	[bflag:$0x3] =	sbarrier.arrive $0xFFFF;
	s2 =	simm.s32 @!p0 $0x1C09  }
0x128: {  	[timem:s3], [sflag:s2] =	dma.local @!p0 [hbm:s0], s1  }
0x129: {  	s0 =	simm.s32 @!p0 $0x9  }
0x12a: {  	_ =	swait.ge @!p0 [sflag:s0], s1  }
0x12b: {  	s1 =	ssub.s32 @!p0 $0x0, s1;
	[sflag:s0] =	ssyncset.done @!p0 $0x0  }
0x12c: {  	[sflag:s0] =	ssyncadd.s32 @!p0 s1  }
0x12d: {  	[bflag:$0x3] =	sbarrier.arrive $0xFFFF  }
0x12e: {  	_ =	shalt  }

// kernel: kernel.13.cloned.1.call-start
scs
__scs_entry_jumppad:
0x0: {  	(pc) =	sbr.rel $0x88, $3  }
0x1: {  	(tag) =	ssettag $0x0;
	lr =	simm.s32 $0x1  }
0x2: {  	[smem:$0x3F87] =	sst lr;
	_ =	strace $0xD0000000  }
0x3: {  	_ = 	snop  }
0x4: {  	_ = 	snop  }
0x5: {  	_ = 	snop  }
0x6: {  	_ = 	snop  }
0x7: {  	_ = 	snop  }
__scs_overlays_trampoline_lowered:
0x8: {  	[smem:$0x3F96] =	sst s0  }
0x9: {  	[smem:$0x3F97] =	sst s1  }
0xa: {  	[smem:$0x3F98] =	sst s2  }
0xb: {  	[smem:$0x3F99] =	sst s3  }
0xc: {  	[smem:$0x3F9A] =	sst s4  }
0xd: {  	[smem:$0x3F9B] =	sst s5  }
0xe: {  	[smem:$0x3F9C] =	sst s6  }
0xf: {  	[smem:$0x3F9D] =	sst s7  }
0x10: {  	[smem:$0x3F9E] =	sst s8  }
0x11: {  	[smem:$0x3F9F] =	sst s9;
	s0 =	simm.s32 @!p0 $0x0  }
0x12: {  	s1 =	sld [smem:$0x3F85];
	s0 =	simm.s32 @p0 $0x1  }
0x13: {  	[smem:$0x3FA0] =	sst s0;
	s0 =	simm.s32 @!p1 $0x0  }
0x14: {  	s2 =	sld [smem:$0x3F84];
	s0 =	simm.s32 @p1 $0x1  }
0x15: {  	[smem:$0x3FA1] =	sst s0;
	s0 =	simm.s32 @!p2 $0x0  }
0x16: {  	s3 =	sld [smem:$0x3FDB];
	s0 =	simm.s32 @p2 $0x1  }
0x17: {  	s4 =	simm.s32 $0x1BF5;
	[smem:$0x3FA3] =	sst s0  }
0x18: {  	s0 =	sld [smem:$0x3F86];
	_ =	swait.ge [sflag:s4], $0x0  }
0x19: {  	s7 =	sld [smem:$0x3F87]  }
0x1a: {  	s8 =	sadd.s32 $0xFFFFE003, lr  }
0x1b: {  	s9 =	sadd.s32 $0xFFFFFEF7, lr;
	s5 =	simm.s32 $0xFFFFFFFF;
	p2 =	slt.u32 s8, $0xFFFFF086  }
0x1c: {  	p1 =	slt.u32 s9, $0xF7A;
	s5 =	simm.s32 @!p2 $0x0  }
0x1d: {  	s5 =	simm.s32 @p1 $0x1;
	p0 =	seq.s32 s7, s2  }
0x1e: {  	s7 =	smul.u32 @!p0 $0xF7A, s2;
	p2 =	seq.s32 @!p0 s5, $0x0  }
0x1f: {  	s9 =	smul.u32 $0xF7A, s1;
	s8 =	simm.s32 @!p0 $0x1BF5;
	p2 =	por !p2, p0  }
0x20: {  	[sflag:s8] =	ssyncset.s32 @!p0 $0xFFFFF086;
	s6 =	sadd.s32 @!p0 s3, s7;
	s7 =	simm.s32 @!p0 $0x108  }
0x21: {  	s3 =	sadd.s32 s3, s9;
	s6 =	sadd.s32 @!p0 $0x88, s6;
	s7 =	simm.s32 @p2 $0x1082  }
0x22: {  	[simem:s7], [sflag:s8] =	dma.local @!p0 [hbm:s6], $0xF7A  }
0x23: {  	s9 =	sor.u32 $0xD0000000, s2;
	s6 =	simm.s32 $0x108;
	_ =	swait.ge @!p0 [sflag:s8], $0x0  }
0x24: {  	s3 =	sadd.s32 $0x88, s3;
	s6 =	simm.s32 @!p1 $0x1082;
	[sflag:s4] =	ssyncset.s32 $0xFFFFF086  }
0x25: {  	[simem:s6], [sflag:s4] =	dma.local [hbm:s3], $0xF7A  }
0x26: {  	[smem:$0x3F87] =	sst s1;
	(tag) =	ssettag s2;
	_ =	strace s9  }
0x27: {  	s1 =	sld [smem:$0x3F97]  }
0x28: {  	s2 =	sld [smem:$0x3F98]  }
0x29: {  	s4 =	sld [smem:$0x3F9A]  }
0x2a: {  	p0 =	seq.s32 s5, $0x0;
	s5 =	sld [smem:$0x3F9B]  }
0x2b: {  	s6 =	sld [smem:$0x3F9C]  }
0x2c: {  	s7 =	sld [smem:$0x3F9D]  }
0x2d: {  	s3 =	simm.s32 $0x108;
	s8 =	sld [smem:$0x3F9E]  }
0x2e: {  	s3 =	simm.s32 @!p0 $0x1082;
	s9 =	sld [smem:$0x3F9F]  }
0x2f: {  	lr =	sadd.s32 s0, s3;
	s0 =	sld [smem:$0x3F96]  }
0x30: {  	s3 =	sld [smem:$0x3F99]  }
0x31: {  	[smem:$0x3FA2] =	sst s10  }
0x32: {  	s10 =	sld [smem:$0x3FA0];
	_ =	sdelay $0x3  }
0x33: {  	p0 =	seq.s32 s10, $0x1;
	s10 =	sld [smem:$0x3FA2];
	_ =	sdelay $0x3  }
0x34: {  	[smem:$0x3FA2] =	sst s10  }
0x35: {  	s10 =	sld [smem:$0x3FA1];
	_ =	sdelay $0x3  }
0x36: {  	p1 =	seq.s32 s10, $0x1;
	s10 =	sld [smem:$0x3FA2];
	_ =	sdelay $0x3  }
0x37: {  	[smem:$0x3FA2] =	sst s10  }
0x38: {  	s10 =	sld [smem:$0x3FA3]  }
0x39: {  	_ = 	snop;
	(pc) =	sbr.ind lr, $3  }
0x3a: {  	_ = 	snop  }
0x3b: {  	_ = 	snop  }
0x3c: {  	p2 =	seq.s32 s10, $0x1;
	s10 =	sld [smem:$0x3FA2]  }
0x3d: {  	_ =	shalt  }
0x3e: {  	_ =	shalt  }
0x3f: {  	_ =	shalt  }
0x40: {  	_ =	shalt  }
0x41: {  	_ =	shalt  }
0x42: {  	_ =	shalt  }
0x43: {  	_ =	shalt  }
0x44: {  	_ =	shalt  }
0x45: {  	_ =	shalt  }
0x46: {  	_ =	shalt  }
0x47: {  	_ =	shalt  }
0x48: {  	_ =	shalt  }
0x49: {  	_ =	shalt  }
0x4a: {  	_ =	shalt  }
0x4b: {  	_ =	shalt  }
0x4c: {  	_ =	shalt  }
0x4d: {  	_ =	shalt  }
0x4e: {  	_ =	shalt  }
0x4f: {  	_ =	shalt  }
0x50: {  	_ =	shalt  }
0x51: {  	_ =	shalt  }
0x52: {  	_ =	shalt  }
0x53: {  	_ =	shalt  }
0x54: {  	_ =	shalt  }
0x55: {  	_ =	shalt  }
0x56: {  	_ =	shalt  }
0x57: {  	_ =	shalt  }
0x58: {  	_ =	shalt  }
0x59: {  	_ =	shalt  }
0x5a: {  	_ =	shalt  }
0x5b: {  	_ =	shalt  }
0x5c: {  	_ =	shalt  }
0x5d: {  	_ =	shalt  }
0x5e: {  	_ =	shalt  }
0x5f: {  	_ =	shalt  }
0x60: {  	_ =	shalt  }
0x61: {  	_ =	shalt  }
0x62: {  	_ =	shalt  }
0x63: {  	_ =	shalt  }
0x64: {  	_ =	shalt  }
0x65: {  	_ =	shalt  }
0x66: {  	_ =	shalt  }
0x67: {  	_ =	shalt  }
0x68: {  	_ =	shalt  }
0x69: {  	_ =	shalt  }
0x6a: {  	_ =	shalt  }
0x6b: {  	_ =	shalt  }
0x6c: {  	_ =	shalt  }
0x6d: {  	_ =	shalt  }
0x6e: {  	_ =	shalt  }
0x6f: {  	_ =	shalt  }
0x70: {  	_ =	shalt  }
0x71: {  	_ =	shalt  }
0x72: {  	_ =	shalt  }
0x73: {  	_ =	shalt  }
0x74: {  	_ =	shalt  }
0x75: {  	_ =	shalt  }
0x76: {  	_ =	shalt  }
0x77: {  	_ =	shalt  }
0x78: {  	_ =	shalt  }
0x79: {  	_ =	shalt  }
0x7a: {  	_ =	shalt  }
0x7b: {  	_ =	shalt  }
0x7c: {  	_ =	shalt  }
0x7d: {  	_ =	shalt  }
0x7e: {  	_ =	shalt  }
0x7f: {  	_ =	shalt  }
0x80: {  	_ =	shalt  }
0x81: {  	_ =	shalt  }
0x82: {  	_ =	shalt  }
0x83: {  	_ =	shalt  }
0x84: {  	_ =	shalt  }
0x85: {  	_ =	shalt  }
0x86: {  	_ =	shalt  }
0x87: {  	_ =	shalt  }
.Lfunc_end0:
.L_simem_size_0:
called_computation.1_lowered:
.L_overlay_start_0:
0x88: {  	s2 =	sld [smem:$0x3FD9]  }
0x89: {  	s3 =	sld [smem:$0x3FFE];
	_ =	sdelay $0x1  }
0x8a: {  	s1 =	srdreg.scid  }
0x8b: {  	s0 =	sand.u32 $0x1, s1  }
0x8c: {  	s17 =	sshll.u32 s0, $0xA;
	s2 =	sadd.s32 s3, s2  }
0x8d: {  	s2 =	sadd.s32 s2, s17  }
0x8e: {  	[smem:$0x3FAE] =	sst s2  }
0x8f: {  	_ = 	snop  }
0x90: {  	(tm) =	ssettm $0x1  }
0x91: {  	s18 =	sld [smem:$0x3FFB];
	_ =	sdelay $0x3  }
0x92: {  	_ =	strace s18  }
0x93: {  	s2 =	sld [smem:$0x3FFC];
	_ =	sdelay $0x3  }
0x94: {  	_ =	strace s2  }
0x95: {  	s2 =	sld [smem:$0x3FFD];
	_ =	sdelay $0x3  }
0x96: {  	_ =	strace s2  }
0x97: {  	_ =	strace $0x8FFFFFFF  }
0x98: {  	s19 =	sld [smem:$0x3FDB];
	_ =	sdelay $0x1  }
0x99: {  	s20 =	simm.s32 $_scs_section_size  }
0x9a: {  	s4 =	simm.s32 $_size__tile_overlayer_lowered;
	s5 =	simm.s32 $_tile_overlayer_lowered  }
0x9b: {  	s6 =	simm.s32 $0x1BFF;
	s21 =	sshll.u32 s5, $0x1;
	s3 =	sadd.s32 s20, s19  }
0x9c: {  	s22 =	simm.s32 $0x0;
	s4 =	sshll.u32 s4, $0x1;
	s5 =	sadd.s32 s21, s3  }
0x9d: {  	[timem:s22], [sflag:s6] =	dma.local [hbm:s5], s4  }
0x9e: {  	_ =	swait.ge [sflag:s6], s4  }
0x9f: {  	s4 =	ssub.s32 $0x0, s4;
	[sflag:s6] =	ssyncset.done $0x0  }
0xa0: {  	[sflag:s6] =	ssyncadd.s32 s4;
	_ =	sdelay $0x1  }
0xa1: {  	s23 =	simm.s32 $0x1B8B  }
0xa2: {  	_ =	swait.ge [sflag:s23], $0x1  }
0xa3: {  	[sflag:s23] =	ssyncset.done $0x0  }
0xa4: {  	[sflag:s23] =	ssyncadd.s32 $0xFFFFFFFF  }
0xa5: {  	s4 =	sld [smem:$0x0]  }
0xa6: {  	s5 =	sand.u32 $0xFFFFFFFE, s1  }
0xa7: {  	p0 =	sne.s32 s1, s5  }
0xa8: {  	s5 =	sshll.u32 @p0 s5, $0xE  }
0xa9: {  	s5 =	sadd.s32 @p0 $0x11B8D, s5;
	s6 =	sshll.u32 @p0 s4, $0x11  }
0xaa: {  	s5 =	sor.u32 @p0 s6, s5  }
0xab: {  	[sflag:s5] =	ssyncadd.remote.s32 @p0 $0x1;
	_ =	sdelay $0x1  }
0xac: {  	s5 =	simm.s32 @p0 $0x1B8D  }
0xad: {  	_ =	swait.eq @p0 [sflag:s5], $0x1  }
0xae: {  	[sflag:s5] =	ssyncadd.s32 @p0 $0xFFFFFFFF  }
0xaf: {  	s6 =	sshll.u32 @!p0 s1, $0xE  }
0xb0: {  	s6 =	sor.u32 @!p0 $0x4000, s6;
	s5 =	simm.s32 @!p0 $0x1B8D  }
0xb1: {  	s4 =	sshll.u32 @!p0 s4, $0x11;
	s6 =	sadd.s32 @!p0 $0x11B8D, s6;
	_ =	swait.eq @!p0 [sflag:s5], $0x1  }
0xb2: {  	s4 =	sor.u32 @!p0 s4, s6;
	[sflag:s5] =	ssyncadd.s32 @!p0 $0xFFFFFFFF  }
0xb3: {  	s25 =	simm.s32 $0x1B8E;
	s24 =	sld [smem:$0x3FFE];
	[sflag:s4] =	ssyncadd.remote.s32 @!p0 $0x1  }
0xb4: {  	s26 =	simm.s32 $execute0_lowered;
	[smem:$0x3FD2] =	sst s25  }
0xb5: {  	s5 =	sshll.u32 s26, $0x1;
	_ =	strace $0x8000004C;
	[dreg:$0x1] =	wrdreg $0xFFFFFFFF  }
0xb6: {  	s28 =	simm.s32 $_size_execute0_lowered;
	s3 =	sadd.s32 s3, s5;
	[dreg:$0x0] =	wrdreg $0x0  }
0xb7: {  	s5 =	sshll.u32 s28, $0x1;
	[dreg:$0x2] =	wrdreg s3  }
0xb8: {  	[dreg:$0x3] =	wrdreg s5  }
0xb9: {  	[dreg:$0x4] =	wrdreg $0xC0  }
0xba: {  	_ =	task [dreg:s22], $0x5FFFF  }
0xbb: {  	[dreg:$0x1] =	wrdreg $0xFFFFFFFF  }
0xbc: {  	[dreg:$0x0] =	wrdreg $0x60  }
0xbd: {  	[dreg:$0x2] =	wrdreg s24  }
0xbe: {  	[dreg:$0x3] =	wrdreg $0x0  }
0xbf: {  	[dreg:$0x4] =	wrdreg $0x9  }
0xc0: {  	_ =	task.clear_ibuf [dreg:s22], $0x5FFFF;
	_ =	strace $0x9000004C  }
0xc1: {  	s29 =	simm.s32 $0x9;
	_ =	strace $0x8000004E  }
0xc2: {  	_ =	swait.ge [sflag:s29], $0x1  }
0xc3: {  	[sflag:s29] =	ssyncadd.s32 $0xFFFFFFFF  }
0xc4: {  	_ =	strace $0x9000004E  }
0xc5: {  	_ =	sfence  }
0xc6: {  	s30 =	sld [smem:$0x0];
	_ =	sdelay $0x2  }
0xc7: {  	s31 =	sshll.u32 s1, $0xD;
	s1 =	sshrl.u32 s1, $0x2  }
0xc8: {  	s4 =	sand.u32 $0x4000, s31;
	s1 =	sadd.s32 s1, s30  }
0xc9: {  	s0 =	sor.u32 s4, s0;
	s1 =	sshll.u32 s1, $0x11  }
0xca: {  	s0 =	sor.u32 s1, s0  }
0xcb: {  	s0 =	sadd.s32 $0x8F2B, s0  }
0xcc: {  	[sflag:s0] =	ssyncadd.remote.s32 $0x1  }
0xcd: {  	_ =	sfence.sel $0xFFFF  }
0xce: {  	[dreg:$0x0] =	wrdreg $0xFFFFFFFF;
	(pc) =	sbr.abs _section_cstart, $3  }
0xcf: {  	[dreg:$0x1] =	wrdreg $0xFFFFFFFF  }
0xd0: {  	_ =	task.clear_ibuf [dreg:s22], $0x2FFFF;
	_ =	strace $0x9FFFFFFF  }
0xd1: {  	(tm) =	ssettm $0x7FFFFFFF  }
tec
execute0_lowered:
.L_overlay_start_1:
0x0: {  	(tag) =	ssettag $0x1  }
0x1: {  	s5 =	rddreg [dreg:$0x0]  }
0x2: {  	s0 =	srdreg.scid;
	s2 =	rddreg [dreg:$0x1]  }
0x3: {  	s3 =	simm.s32 $0x0;
	s16 =	simm.s32 $0x16500;
	s17 =	simm.s32 $0x1  }
0x4: {  	s18 =	simm.s32 $0x18D00;
	s19 =	simm.s32 $0x50;
	s20 =	simm.s32 $0x2  }
0x5: {  	s21 =	simm.s32 $0x3;
	s4 =	sand.u32 $0x1, s0;
	s0 =	stileid.u32  }
0x6: {  	s22 =	simm.s32 $0x5;
	s28 =	simm.s32 $0x0;
	s8 =	smul.u32 $0x13C00, s0  }
0x7: {  	[smem:$0x7FF] =	sst s3;
	s10 =	sadd.s32 $0xF36400, s5;
	s9 =	smul.u32 $0x13C000, s4  }
0x8: {  	s1 =	sshll.u32 s4, $0x4;
	_ =	strace $0x8000004D;
	s12 =	smul.u32 $0x4F000, s0  }
0x9: {  	s23 =	ssub.s32 $0x2, s4;
	s29 =	sshll.u32 s0, $0x6;
	s30 =	smul.u32 $0x145000, s4  }
0xa: {  	s31 =	smul.u32 $0x14500, s0;
	s6 =	sor.u32 s0, s1;
	s24 =	sshrl.u32 s23, $0x1  }
0xb: {  	s7 =	smul.u32 $0x1450, s6;
	s11 =	sshrl.u32 s8, $0x3;
	s8 =	sadd.s32 s8, s9  }
0xc: {  	s14 =	ssub.s32 s23, s24;
	s25 =	sshrl.u32 s12, $0x2;
	s26 =	smul.u32 $0x14500, s6  }
0xd: {  	s15 =	sadd.s32 s30, s10;
	s23 =	simm.s32 $0x4;
	s24 =	simm.s32 $0x6  }
0xe: {  	s8 =	sshrl.u32 s8, $0x3;
	s11 =	sadd.s32 s11, s5;
	s12 =	sadd.s32 s25, s2  }
0xf: {  	s25 =	simm.s32 $0x15000;
	s7 =	sshrl.u32 s7, $0x3;
	s13 =	sadd.s32 s8, s5  }
0x10: {  	s4 =	sadd.s32 $0x90400, s11;
	s8 =	sadd.s32 s10, s26;
	s11 =	sadd.s32 s31, s15  }
0x11: {  	s10 =	smax.u32 s14, $0x1;
	s12 =	sshrl.u32 s12, $0x3;
	s14 =	simm.s32 $0x13C00  }
0x12: {  	s15 =	simm.s32 $0x15080;
	s26 =	simm.s32 $0x16480;
	s7 =	sadd.s32 s7, s5  }
0x13: {  	s5 =	sor.u32 $0x1C07, s29;
	s9 =	sadd.s32 $0xB7C00, s13;
	s11 =	sadd.s32 $0xA00, s11  }
0x14: {  	s13 =	simm.s32 $0x7;
	s6 =	sadd.s32 $0x86600, s7;
	s7 =	sadd.s32 $0x7C800, s7  }
.LBB2_1:
0x15: {  	[spmem:s12], [sflag:s5] =	dma.local [hbm:s4], $0x2780  }
0x16: {  	_ =	swait.ge [sflag:s13], $0x2780  }
0x17: {  	[sflag:s13] =	ssyncset.done $0x0  }
0x18: {  	[sflag:s13] =	ssyncadd.s32 $0xFFFFD880  }
0x19: {  	[tilespmem:s14], [sflag:$0x7] =	stream.linear.gather [hbm4b:s6+s3], $0x1450, $0x38;
	[tilespmem:$0x1B500] =	vst v63  }
0x1a: {  	_ =	swait.ge [sflag:s13], $0x1450  }
0x1b: {  	[sflag:s13] =	ssyncset.done $0x0  }
0x1c: {  	[sflag:s13] =	ssyncadd.s32 $0xFFFFEBB0  }
0x1d: {  	[tilespmem:s15], [sflag:$0x7] =	stream.linear.gather [hbm4b:s7+s3], $0x1450, $0x38;
	[tilespmem:$0x1B500] =	vst v63  }
0x1e: {  	_ =	swait.ge [sflag:s13], $0x1450  }
0x1f: {  	[sflag:s13] =	ssyncset.done $0x0  }
0x20: {  	[sflag:s13] =	ssyncadd.s32 $0xFFFFEBB0  }
0x21: {  	[bflag:$0x0] =	sbarrier.arrive $0xFFFF  }
0x22: {  	[tilespmem:s16], [sflag:$0x1] =	stream.linear.gather [hbm4b:s8+s3], $0x2800, $0x38;
	[tilespmem:$0x1B500] =	vst v63  }
0x23: {  	_ =	swait.ge [sflag:s17], $0x2800  }
0x24: {  	[sflag:s17] =	ssyncset.done $0x0  }
0x25: {  	s29 =	sadd.s32 $0xFFFFFB00, s11;
	[sflag:s17] =	ssyncadd.s32 $0xFFFFD800  }
0x26: {  	[tilespmem:s18], [sflag:$0x2] =	stream.linear.gather [hbm4b:s29+s3], $0x2800, $0x38;
	[tilespmem:$0x1B500] =	vst v63  }
0x27: {  	s29 =	simm.s32 $0x13C00  }
0x28: {  	[spmem:s2] =	stream.indirect.scatter.add.f32 [tilespmem:s16], [sflag:$0x3], $0x80, s29, s19, $0xb8;
	[tilespmem:$0x1B500] =	vst v63  }
0x29: {  	s29 =	simm.s32 $0x15080  }
0x2a: {  	[spmem:s2] =	stream.indirect.scatter.add.f32 [tilespmem:s16], [sflag:$0x5], $0x80, s29, s19, $0xb8;
	[tilespmem:$0x1B500] =	vst v63  }
0x2b: {  	_ =	swait.ge [sflag:s20], $0x2800  }
0x2c: {  	[sflag:s20] =	ssyncset.done $0x0  }
0x2d: {  	[sflag:s20] =	ssyncadd.s32 $0xFFFFD800  }
0x2e: {  	_ =	swait.ge [sflag:s21], $0x2800  }
0x2f: {  	[sflag:s21] =	ssyncset.done $0x0  }
0x30: {  	[sflag:s21] =	ssyncadd.s32 $0xFFFFD800  }
0x31: {  	_ =	swait.ge [sflag:s22], $0x2800  }
0x32: {  	[sflag:s22] =	ssyncset.done $0x0  }
0x33: {  	[sflag:s22] =	ssyncadd.s32 $0xFFFFD800  }
0x34: {  	[tilespmem:s16], [sflag:$0x1] =	stream.linear.gather [hbm4b:s11+s3], $0x2800, $0x38;
	[tilespmem:$0x1B500] =	vst v63  }
0x35: {  	s29 =	simm.s32 $0x13C50  }
0x36: {  	[spmem:s2] =	stream.indirect.scatter.add.f32 [tilespmem:s18], [sflag:$0x4], $0x80, s29, s19, $0xb8;
	[tilespmem:$0x1B500] =	vst v63  }
0x37: {  	s29 =	simm.s32 $0x150D0  }
0x38: {  	[spmem:s2] =	stream.indirect.scatter.add.f32 [tilespmem:s18], [sflag:$0x6], $0x80, s29, s19, $0xb8;
	[tilespmem:$0x1B500] =	vst v63  }
0x39: {  	_ =	swait.ge [sflag:s23], $0x2800  }
0x3a: {  	[sflag:s23] =	ssyncset.done $0x0  }
0x3b: {  	[sflag:s23] =	ssyncadd.s32 $0xFFFFD800  }
0x3c: {  	_ =	swait.ge [sflag:s24], $0x2800  }
0x3d: {  	s30 =	smov.u32 s11;
	s29 =	simm.s32 $0x280;
	[sflag:s24] =	ssyncset.done $0x0  }
.LBB2_2:
0x3e: {  	p0 =	sne.s32 s29, $0x4D80;
	[sflag:s24] =	ssyncadd.s32 $0xFFFFD800;
	s30 =	sadd.s32 $0xA00, s30  }
0x3f: {  	s31 =	smov.u32 s29;
	s29 =	sadd.s32 $0x280, s29;
	_ =	swait.ge [sflag:s17], $0x2800  }
0x40: {  	[sflag:s17] =	ssyncset.done $0x0  }
0x41: {  	s1 =	sadd.s32 $0xFFFFFB00, s30;
	s31 =	sshra.s32 s31, $0x2;
	[sflag:s17] =	ssyncadd.s32 $0xFFFFD800  }
0x42: {  	[tilespmem:s18], [sflag:$0x2] =	stream.linear.gather [hbm4b:s1+s3], $0x2800, $0x38;
	[tilespmem:$0x1B500] =	vst v63  }
0x43: {  	s1 =	sadd.s32 $0x13C00, s31  }
0x44: {  	[spmem:s2] =	stream.indirect.scatter.add.f32 [tilespmem:s16], [sflag:$0x3], $0x80, s1, s19, $0xb8;
	[tilespmem:$0x1B500] =	vst v63  }
0x45: {  	s1 =	sadd.s32 $0x15080, s31  }
0x46: {  	[spmem:s2] =	stream.indirect.scatter.add.f32 [tilespmem:s16], [sflag:$0x5], $0x80, s1, s19, $0xb8;
	[tilespmem:$0x1B500] =	vst v63  }
0x47: {  	_ =	swait.ge [sflag:s20], $0x2800  }
0x48: {  	[sflag:s20] =	ssyncset.done $0x0  }
0x49: {  	[sflag:s20] =	ssyncadd.s32 $0xFFFFD800  }
0x4a: {  	_ =	swait.ge [sflag:s21], $0x2800  }
0x4b: {  	[sflag:s21] =	ssyncset.done $0x0  }
0x4c: {  	[sflag:s21] =	ssyncadd.s32 $0xFFFFD800  }
0x4d: {  	_ =	swait.ge [sflag:s22], $0x2800  }
0x4e: {  	[sflag:s22] =	ssyncset.done $0x0  }
0x4f: {  	[sflag:s22] =	ssyncadd.s32 $0xFFFFD800  }
0x50: {  	[tilespmem:s16], [sflag:$0x1] =	stream.linear.gather [hbm4b:s30+s3], $0x2800, $0x38;
	[tilespmem:$0x1B500] =	vst v63  }
0x51: {  	s1 =	sadd.s32 $0x13C50, s31  }
0x52: {  	[spmem:s2] =	stream.indirect.scatter.add.f32 [tilespmem:s18], [sflag:$0x4], $0x80, s1, s19, $0xb8;
	[tilespmem:$0x1B500] =	vst v63  }
0x53: {  	s1 =	sadd.s32 $0x150D0, s31  }
0x54: {  	[spmem:s2] =	stream.indirect.scatter.add.f32 [tilespmem:s18], [sflag:$0x6], $0x80, s1, s19, $0xb8;
	[tilespmem:$0x1B500] =	vst v63  }
.Ltmp0:
0x55: {  	_ =	swait.ge [sflag:s23], $0x2800;
	(pc) =	sbr.rel @p0 .LBB2_2-.Ltmp0, $4  }
0x56: {  	[sflag:s23] =	ssyncset.done $0x0  }
0x57: {  	[sflag:s23] =	ssyncadd.s32 $0xFFFFD800  }
0x58: {  	_ =	swait.ge [sflag:s24], $0x2800  }
0x59: {  	[sflag:s24] =	ssyncset.done $0x0  }
0x5a: {  	[sflag:s24] =	ssyncadd.s32 $0xFFFFD800  }
0x5b: {  	_ =	swait.ge [sflag:s17], $0x2800  }
0x5c: {  	[sflag:s17] =	ssyncset.done $0x0  }
0x5d: {  	[sflag:s17] =	ssyncadd.s32 $0xFFFFD800  }
0x5e: {  	[spmem:s2] =	stream.indirect.scatter.add.f32 [tilespmem:s16], [sflag:$0x3], $0x80, s25, s19, $0xb8;
	[tilespmem:$0x1B500] =	vst v63  }
0x5f: {  	_ = 	snop  }
0x60: {  	[spmem:s2] =	stream.indirect.scatter.add.f32 [tilespmem:s16], [sflag:$0x5], $0x80, s26, s19, $0xb8;
	[tilespmem:$0x1B500] =	vst v63  }
0x61: {  	_ =	swait.ge [sflag:s21], $0x2800  }
0x62: {  	[sflag:s21] =	ssyncset.done $0x0  }
0x63: {  	[sflag:s21] =	ssyncadd.s32 $0xFFFFD800  }
0x64: {  	_ =	swait.ge [sflag:s22], $0x2800  }
0x65: {  	s28 =	sadd.s32 $0x1, s28;
	[sflag:s22] =	ssyncset.done $0x0  }
0x66: {  	p0 =	sne.s32 s28, s10;
	[sflag:s22] =	ssyncadd.s32 $0xFFFFD800  }
.Ltmp1:
0x67: {  	[bflag:$0x0] =	sbarrier.arrive $0xFFFF;
	(pc) =	sbr.rel @p0 .LBB2_1-.Ltmp1, $4  }
0x68: {  	[hbm:s9], [sflag:s5] =	dma.local [spmem:s12], $0x2780  }
0x69: {  	_ =	swait.ge [sflag:s13], $0x2780  }
0x6a: {  	[sflag:s13] =	ssyncset.done $0x0  }
0x6b: {  	[sflag:s13] =	ssyncadd.s32 $0xFFFFD880  }
0x6c: {  	_ =	sfence.sel $0x180000  }
0x6d: {  	[bflag:$0x0] =	sbarrier.arrive $0xFFFF  }
0x6e: {  	_ =	strace $0x9000004D  }
0x6f: {  	[bflag:$0x2] =	sbarrier.arrive $0xFFFF  }
0x70: {  	p0 =	sne.s32 s0, $0x0;
	s0 =	rddreg [dreg:$0x2]  }
0x71: {  	s0 =	sadd.s32 @!p0 $0x100000, s0  }
0x72: {  	[sflag:s0] =	ssyncadd.tile.s32 @!p0 $0x1;
	_ =	shalt  }
.Lfunc_end2:
_tile_overlayer_lowered:
.L_overlay_start_2:
0x73: {  	(tag) =	ssettag $0x2  }
0x74: {  	s0 =	rddreg [dreg:$0x0];
	s2 =	stileid.u32  }
0x75: {  	s1 =	rddreg [dreg:$0x1];
	p0 =	sne.s32 s2, $0x0  }
0x76: {  	s3 =	rddreg [dreg:$0x2];
	[bflag:$0x3] =	sbarrier.arrive $0xFFFF;
	s2 =	simm.s32 @!p0 $0x1C07  }
0x77: {  	[timem:s3], [sflag:s2] =	dma.local @!p0 [hbm:s0], s1  }
0x78: {  	s0 =	simm.s32 @!p0 $0x7  }
0x79: {  	_ =	swait.ge @!p0 [sflag:s0], s1  }
0x7a: {  	s1 =	ssub.s32 @!p0 $0x0, s1;
	[sflag:s0] =	ssyncset.done @!p0 $0x0  }
0x7b: {  	[sflag:s0] =	ssyncadd.s32 @!p0 s1  }
0x7c: {  	[bflag:$0x3] =	sbarrier.arrive $0xFFFF  }
0x7d: {  	_ =	shalt  }

// kernel: kernel.16.cloned.1.call-start
scs
__scs_entry_jumppad:
0x0: {  	(pc) =	sbr.rel $0x88, $3  }
0x1: {  	(tag) =	ssettag $0x0;
	lr =	simm.s32 $0x1  }
0x2: {  	[smem:$0x3F87] =	sst lr;
	_ =	strace $0xD0000000  }
0x3: {  	_ = 	snop  }
0x4: {  	_ = 	snop  }
0x5: {  	_ = 	snop  }
0x6: {  	_ = 	snop  }
0x7: {  	_ = 	snop  }
__scs_overlays_trampoline_lowered:
0x8: {  	[smem:$0x3F96] =	sst s0  }
0x9: {  	[smem:$0x3F97] =	sst s1  }
0xa: {  	[smem:$0x3F98] =	sst s2  }
0xb: {  	[smem:$0x3F99] =	sst s3  }
0xc: {  	[smem:$0x3F9A] =	sst s4  }
0xd: {  	[smem:$0x3F9B] =	sst s5  }
0xe: {  	[smem:$0x3F9C] =	sst s6  }
0xf: {  	[smem:$0x3F9D] =	sst s7  }
0x10: {  	[smem:$0x3F9E] =	sst s8  }
0x11: {  	[smem:$0x3F9F] =	sst s9;
	s0 =	simm.s32 @!p0 $0x0  }
0x12: {  	s1 =	sld [smem:$0x3F85];
	s0 =	simm.s32 @p0 $0x1  }
0x13: {  	[smem:$0x3FA0] =	sst s0;
	s0 =	simm.s32 @!p1 $0x0  }
0x14: {  	s2 =	sld [smem:$0x3F84];
	s0 =	simm.s32 @p1 $0x1  }
0x15: {  	[smem:$0x3FA1] =	sst s0;
	s0 =	simm.s32 @!p2 $0x0  }
0x16: {  	s3 =	sld [smem:$0x3FDB];
	s0 =	simm.s32 @p2 $0x1  }
0x17: {  	s4 =	simm.s32 $0x1BF5;
	[smem:$0x3FA3] =	sst s0  }
0x18: {  	s0 =	sld [smem:$0x3F86];
	_ =	swait.ge [sflag:s4], $0x0  }
0x19: {  	s7 =	sld [smem:$0x3F87]  }
0x1a: {  	s8 =	sadd.s32 $0xFFFFE003, lr  }
0x1b: {  	s9 =	sadd.s32 $0xFFFFFEF7, lr;
	s5 =	simm.s32 $0xFFFFFFFF;
	p2 =	slt.u32 s8, $0xFFFFF086  }
0x1c: {  	p1 =	slt.u32 s9, $0xF7A;
	s5 =	simm.s32 @!p2 $0x0  }
0x1d: {  	s5 =	simm.s32 @p1 $0x1;
	p0 =	seq.s32 s7, s2  }
0x1e: {  	s7 =	smul.u32 @!p0 $0xF7A, s2;
	p2 =	seq.s32 @!p0 s5, $0x0  }
0x1f: {  	s9 =	smul.u32 $0xF7A, s1;
	s8 =	simm.s32 @!p0 $0x1BF5;
	p2 =	por !p2, p0  }
0x20: {  	[sflag:s8] =	ssyncset.s32 @!p0 $0xFFFFF086;
	s6 =	sadd.s32 @!p0 s3, s7;
	s7 =	simm.s32 @!p0 $0x108  }
0x21: {  	s3 =	sadd.s32 s3, s9;
	s6 =	sadd.s32 @!p0 $0x88, s6;
	s7 =	simm.s32 @p2 $0x1082  }
0x22: {  	[simem:s7], [sflag:s8] =	dma.local @!p0 [hbm:s6], $0xF7A  }
0x23: {  	s9 =	sor.u32 $0xD0000000, s2;
	s6 =	simm.s32 $0x108;
	_ =	swait.ge @!p0 [sflag:s8], $0x0  }
0x24: {  	s3 =	sadd.s32 $0x88, s3;
	s6 =	simm.s32 @!p1 $0x1082;
	[sflag:s4] =	ssyncset.s32 $0xFFFFF086  }
0x25: {  	[simem:s6], [sflag:s4] =	dma.local [hbm:s3], $0xF7A  }
0x26: {  	[smem:$0x3F87] =	sst s1;
	(tag) =	ssettag s2;
	_ =	strace s9  }
0x27: {  	s1 =	sld [smem:$0x3F97]  }
0x28: {  	s2 =	sld [smem:$0x3F98]  }
0x29: {  	s4 =	sld [smem:$0x3F9A]  }
0x2a: {  	p0 =	seq.s32 s5, $0x0;
	s5 =	sld [smem:$0x3F9B]  }
0x2b: {  	s6 =	sld [smem:$0x3F9C]  }
0x2c: {  	s7 =	sld [smem:$0x3F9D]  }
0x2d: {  	s3 =	simm.s32 $0x108;
	s8 =	sld [smem:$0x3F9E]  }
0x2e: {  	s3 =	simm.s32 @!p0 $0x1082;
	s9 =	sld [smem:$0x3F9F]  }
0x2f: {  	lr =	sadd.s32 s0, s3;
	s0 =	sld [smem:$0x3F96]  }
0x30: {  	s3 =	sld [smem:$0x3F99]  }
0x31: {  	[smem:$0x3FA2] =	sst s10  }
0x32: {  	s10 =	sld [smem:$0x3FA0];
	_ =	sdelay $0x3  }
0x33: {  	p0 =	seq.s32 s10, $0x1;
	s10 =	sld [smem:$0x3FA2];
	_ =	sdelay $0x3  }
0x34: {  	[smem:$0x3FA2] =	sst s10  }
0x35: {  	s10 =	sld [smem:$0x3FA1];
	_ =	sdelay $0x3  }
0x36: {  	p1 =	seq.s32 s10, $0x1;
	s10 =	sld [smem:$0x3FA2];
	_ =	sdelay $0x3  }
0x37: {  	[smem:$0x3FA2] =	sst s10  }
0x38: {  	s10 =	sld [smem:$0x3FA3]  }
0x39: {  	_ = 	snop;
	(pc) =	sbr.ind lr, $3  }
0x3a: {  	_ = 	snop  }
0x3b: {  	_ = 	snop  }
0x3c: {  	p2 =	seq.s32 s10, $0x1;
	s10 =	sld [smem:$0x3FA2]  }
0x3d: {  	_ =	shalt  }
0x3e: {  	_ =	shalt  }
0x3f: {  	_ =	shalt  }
0x40: {  	_ =	shalt  }
0x41: {  	_ =	shalt  }
0x42: {  	_ =	shalt  }
0x43: {  	_ =	shalt  }
0x44: {  	_ =	shalt  }
0x45: {  	_ =	shalt  }
0x46: {  	_ =	shalt  }
0x47: {  	_ =	shalt  }
0x48: {  	_ =	shalt  }
0x49: {  	_ =	shalt  }
0x4a: {  	_ =	shalt  }
0x4b: {  	_ =	shalt  }
0x4c: {  	_ =	shalt  }
0x4d: {  	_ =	shalt  }
0x4e: {  	_ =	shalt  }
0x4f: {  	_ =	shalt  }
0x50: {  	_ =	shalt  }
0x51: {  	_ =	shalt  }
0x52: {  	_ =	shalt  }
0x53: {  	_ =	shalt  }
0x54: {  	_ =	shalt  }
0x55: {  	_ =	shalt  }
0x56: {  	_ =	shalt  }
0x57: {  	_ =	shalt  }
0x58: {  	_ =	shalt  }
0x59: {  	_ =	shalt  }
0x5a: {  	_ =	shalt  }
0x5b: {  	_ =	shalt  }
0x5c: {  	_ =	shalt  }
0x5d: {  	_ =	shalt  }
0x5e: {  	_ =	shalt  }
0x5f: {  	_ =	shalt  }
0x60: {  	_ =	shalt  }
0x61: {  	_ =	shalt  }
0x62: {  	_ =	shalt  }
0x63: {  	_ =	shalt  }
0x64: {  	_ =	shalt  }
0x65: {  	_ =	shalt  }
0x66: {  	_ =	shalt  }
0x67: {  	_ =	shalt  }
0x68: {  	_ =	shalt  }
0x69: {  	_ =	shalt  }
0x6a: {  	_ =	shalt  }
0x6b: {  	_ =	shalt  }
0x6c: {  	_ =	shalt  }
0x6d: {  	_ =	shalt  }
0x6e: {  	_ =	shalt  }
0x6f: {  	_ =	shalt  }
0x70: {  	_ =	shalt  }
0x71: {  	_ =	shalt  }
0x72: {  	_ =	shalt  }
0x73: {  	_ =	shalt  }
0x74: {  	_ =	shalt  }
0x75: {  	_ =	shalt  }
0x76: {  	_ =	shalt  }
0x77: {  	_ =	shalt  }
0x78: {  	_ =	shalt  }
0x79: {  	_ =	shalt  }
0x7a: {  	_ =	shalt  }
0x7b: {  	_ =	shalt  }
0x7c: {  	_ =	shalt  }
0x7d: {  	_ =	shalt  }
0x7e: {  	_ =	shalt  }
0x7f: {  	_ =	shalt  }
0x80: {  	_ =	shalt  }
0x81: {  	_ =	shalt  }
0x82: {  	_ =	shalt  }
0x83: {  	_ =	shalt  }
0x84: {  	_ =	shalt  }
0x85: {  	_ =	shalt  }
0x86: {  	_ =	shalt  }
0x87: {  	_ =	shalt  }
.Lfunc_end0:
.L_simem_size_0:
called_computation.2_lowered:
.L_overlay_start_0:
0x88: {  	s2 =	sld [smem:$0x3FD9]  }
0x89: {  	s3 =	sld [smem:$0x3FFE];
	_ =	sdelay $0x1  }
0x8a: {  	s1 =	srdreg.scid  }
0x8b: {  	s0 =	sand.u32 $0x1, s1  }
0x8c: {  	s17 =	sshll.u32 s0, $0xA;
	s2 =	sadd.s32 s3, s2  }
0x8d: {  	s2 =	sadd.s32 s2, s17  }
0x8e: {  	[smem:$0x3FAE] =	sst s2  }
0x8f: {  	_ = 	snop  }
0x90: {  	(tm) =	ssettm $0x1  }
0x91: {  	s18 =	sld [smem:$0x3FFB];
	_ =	sdelay $0x3  }
0x92: {  	_ =	strace s18  }
0x93: {  	s2 =	sld [smem:$0x3FFC];
	_ =	sdelay $0x3  }
0x94: {  	_ =	strace s2  }
0x95: {  	s2 =	sld [smem:$0x3FFD];
	_ =	sdelay $0x3  }
0x96: {  	_ =	strace s2  }
0x97: {  	_ =	strace $0x8FFFFFFF  }
0x98: {  	s19 =	sld [smem:$0x3FDB];
	_ =	sdelay $0x1  }
0x99: {  	s20 =	simm.s32 $_scs_section_size  }
0x9a: {  	s4 =	simm.s32 $_size__tile_overlayer_lowered;
	s5 =	simm.s32 $_tile_overlayer_lowered  }
0x9b: {  	s6 =	simm.s32 $0x1BFF;
	s21 =	sshll.u32 s5, $0x1;
	s3 =	sadd.s32 s20, s19  }
0x9c: {  	s22 =	simm.s32 $0x0;
	s4 =	sshll.u32 s4, $0x1;
	s5 =	sadd.s32 s21, s3  }
0x9d: {  	[timem:s22], [sflag:s6] =	dma.local [hbm:s5], s4  }
0x9e: {  	_ =	swait.ge [sflag:s6], s4  }
0x9f: {  	s4 =	ssub.s32 $0x0, s4;
	[sflag:s6] =	ssyncset.done $0x0  }
0xa0: {  	[sflag:s6] =	ssyncadd.s32 s4;
	_ =	sdelay $0x1  }
0xa1: {  	s23 =	simm.s32 $0x1B8B  }
0xa2: {  	_ =	swait.ge [sflag:s23], $0x1  }
0xa3: {  	[sflag:s23] =	ssyncset.done $0x0  }
0xa4: {  	[sflag:s23] =	ssyncadd.s32 $0xFFFFFFFF  }
0xa5: {  	s4 =	sld [smem:$0x0]  }
0xa6: {  	s5 =	sand.u32 $0xFFFFFFFE, s1  }
0xa7: {  	p0 =	sne.s32 s1, s5  }
0xa8: {  	s5 =	sshll.u32 @p0 s5, $0xE  }
0xa9: {  	s5 =	sadd.s32 @p0 $0x11B8D, s5;
	s6 =	sshll.u32 @p0 s4, $0x11  }
0xaa: {  	s5 =	sor.u32 @p0 s6, s5  }
0xab: {  	[sflag:s5] =	ssyncadd.remote.s32 @p0 $0x1;
	_ =	sdelay $0x1  }
0xac: {  	s5 =	simm.s32 @p0 $0x1B8D  }
0xad: {  	_ =	swait.eq @p0 [sflag:s5], $0x1  }
0xae: {  	[sflag:s5] =	ssyncadd.s32 @p0 $0xFFFFFFFF  }
0xaf: {  	s6 =	sshll.u32 @!p0 s1, $0xE  }
0xb0: {  	s6 =	sor.u32 @!p0 $0x4000, s6;
	s5 =	simm.s32 @!p0 $0x1B8D  }
0xb1: {  	s4 =	sshll.u32 @!p0 s4, $0x11;
	s6 =	sadd.s32 @!p0 $0x11B8D, s6;
	_ =	swait.eq @!p0 [sflag:s5], $0x1  }
0xb2: {  	s4 =	sor.u32 @!p0 s4, s6;
	[sflag:s5] =	ssyncadd.s32 @!p0 $0xFFFFFFFF  }
0xb3: {  	s25 =	simm.s32 $0x1B8E;
	s24 =	sld [smem:$0x3FFE];
	[sflag:s4] =	ssyncadd.remote.s32 @!p0 $0x1  }
0xb4: {  	s26 =	simm.s32 $execute0_lowered;
	[smem:$0x3FD2] =	sst s25  }
0xb5: {  	s5 =	sshll.u32 s26, $0x1;
	_ =	strace $0x80000049;
	[dreg:$0x1] =	wrdreg $0xFFFFFFFF  }
0xb6: {  	s28 =	simm.s32 $_size_execute0_lowered;
	s3 =	sadd.s32 s3, s5;
	[dreg:$0x0] =	wrdreg $0x0  }
0xb7: {  	s5 =	sshll.u32 s28, $0x1;
	[dreg:$0x2] =	wrdreg s3  }
0xb8: {  	[dreg:$0x3] =	wrdreg s5  }
0xb9: {  	[dreg:$0x4] =	wrdreg $0xC0  }
0xba: {  	_ =	task [dreg:s22], $0x5FFFF  }
0xbb: {  	[dreg:$0x1] =	wrdreg $0xFFFFFFFF  }
0xbc: {  	[dreg:$0x0] =	wrdreg $0x60  }
0xbd: {  	[dreg:$0x2] =	wrdreg s24  }
0xbe: {  	[dreg:$0x3] =	wrdreg $0x0  }
0xbf: {  	[dreg:$0x4] =	wrdreg $0xA  }
0xc0: {  	_ =	task.clear_ibuf [dreg:s22], $0x5FFFF;
	_ =	strace $0x90000049  }
0xc1: {  	s29 =	simm.s32 $0xA;
	_ =	strace $0x8000004B  }
0xc2: {  	_ =	swait.ge [sflag:s29], $0x1  }
0xc3: {  	[sflag:s29] =	ssyncadd.s32 $0xFFFFFFFF  }
0xc4: {  	_ =	strace $0x9000004B  }
0xc5: {  	_ =	sfence  }
0xc6: {  	s30 =	sld [smem:$0x0];
	_ =	sdelay $0x2  }
0xc7: {  	s31 =	sshll.u32 s1, $0xD;
	s1 =	sshrl.u32 s1, $0x2  }
0xc8: {  	s4 =	sand.u32 $0x4000, s31;
	s1 =	sadd.s32 s1, s30  }
0xc9: {  	s0 =	sor.u32 s4, s0;
	s1 =	sshll.u32 s1, $0x11  }
0xca: {  	s0 =	sor.u32 s1, s0  }
0xcb: {  	s0 =	sadd.s32 $0x8F2B, s0  }
0xcc: {  	[sflag:s0] =	ssyncadd.remote.s32 $0x1  }
0xcd: {  	_ =	sfence.sel $0xFFFF  }
0xce: {  	[dreg:$0x0] =	wrdreg $0xFFFFFFFF;
	(pc) =	sbr.abs _section_cstart, $3  }
0xcf: {  	[dreg:$0x1] =	wrdreg $0xFFFFFFFF  }
0xd0: {  	_ =	task.clear_ibuf [dreg:s22], $0x2FFFF;
	_ =	strace $0x9FFFFFFF  }
0xd1: {  	(tm) =	ssettm $0x7FFFFFFF  }
tec
execute0_lowered:
.L_overlay_start_1:
0x0: {  	(tag) =	ssettag $0x1  }
0x1: {  	s0 =	rddreg [dreg:$0x0];
	s2 =	srdreg.scid  }
0x2: {  	s1 =	rddreg [dreg:$0x1];
	s16 =	stileid.u32  }
0x3: {  	s29 =	simm.s32 $0x13C00;
	s30 =	simm.s32 $0x9;
	s3 =	sand.u32 $0x1, s2  }
0x4: {  	s31 =	simm.s32 $0x14F00;
	s4 =	smul.u32 $0x2780, s16;
	s5 =	sshll.u32 s3, $0x4  }
0x5: {  	s9 =	ssub.s32 $0x2, s3;
	s3 =	smul.u32 $0x12C000, s3;
	s5 =	sor.u32 s16, s5  }
0x6: {  	s2 =	simm.s32 $0x0;
	s6 =	sadd.s32 $0x5A4400, s0;
	s7 =	smul.u32 $0x12C0, s5  }
0x7: {  	s8 =	sadd.s32 $0x7FC400, s0;
	[smem:$0x7FF] =	sst s2;
	s10 =	smul.u32 $0x12C00, s5  }
0x8: {  	s4 =	sadd.s32 s4, s0;
	s11 =	sshrl.u32 s9, $0x1;
	s5 =	smul.u32 $0x96000, s5  }
0x9: {  	s9 =	ssub.s32 s9, s11;
	s11 =	simm.s32 $0x4;
	s7 =	sshrl.u32 s7, $0x3  }
0xa: {  	s18 =	sor.u32 $0x280, s10;
	s19 =	sadd.s32 s6, s10;
	s5 =	sshrl.u32 s5, $0x3  }
0xb: {  	s10 =	sadd.s32 s8, s10;
	s0 =	sadd.s32 s0, s7;
	[dreg:$0x3] =	wrdreg s19  }
0xc: {  	s20 =	sadd.s32 s6, s18;
	s21 =	sadd.s32 $0x11D00, s5;
	[dreg:$0xb] =	wrdreg s10  }
0xd: {  	s12 =	sadd.s32 $0x11F80, s5;
	s7 =	sadd.s32 s8, s18;
	[dreg:$0x4] =	wrdreg s20  }
0xe: {  	s13 =	sadd.s32 $0x12200, s5;
	s14 =	sadd.s32 s6, s21;
	[dreg:$0xc] =	wrdreg s7  }
0xf: {  	s24 =	sadd.s32 $0x12480, s5;
	s22 =	sadd.s32 s6, s12;
	[dreg:$0x5] =	wrdreg s14  }
0x10: {  	s15 =	sadd.s32 $0x12700, s5;
	s23 =	sadd.s32 s6, s13;
	[dreg:$0x6] =	wrdreg s22  }
0x11: {  	s5 =	sadd.s32 $0x12980, s5;
	s17 =	sadd.s32 s6, s24;
	[dreg:$0x7] =	wrdreg s23  }
0x12: {  	s10 =	simm.s32 $0x6;
	s25 =	sadd.s32 s6, s15;
	[dreg:$0x8] =	wrdreg s17  }
0x13: {  	s26 =	sadd.s32 s6, s5;
	s18 =	sadd.s32 s8, s21;
	[dreg:$0x9] =	wrdreg s25  }
0x14: {  	s19 =	sadd.s32 s8, s12;
	s20 =	sadd.s32 s8, s13;
	[dreg:$0xa] =	wrdreg s26  }
0x15: {  	s21 =	sadd.s32 s8, s24;
	s5 =	sadd.s32 s8, s5;
	[dreg:$0xd] =	wrdreg s18  }
0x16: {  	s24 =	sadd.s32 s3, s6;
	s3 =	sadd.s32 s3, s8;
	[dreg:$0xe] =	wrdreg s19  }
0x17: {  	s7 =	simm.s32 $0x2;
	s12 =	simm.s32 $0x7;
	[dreg:$0xf] =	wrdreg s20  }
0x18: {  	s13 =	simm.s32 $0x8;
	[dreg:$0x10] =	wrdreg s21;
	s23 =	smul.u32 $0x12C00, s16  }
0x19: {  	s22 =	sadd.s32 s8, s15;
	[dreg:$0x12] =	wrdreg s5;
	s25 =	smul.u32 $0x4F000, s16  }
0x1a: {  	s26 =	sadd.s32 $0x8B740, s0;
	s0 =	sadd.s32 $0x81940, s0;
	s18 =	simm.s32 $0x28  }
0x1b: {  	s8 =	simm.s32 $0x5;
	s14 =	simm.s32 $0x0;
	[dreg:$0x11] =	wrdreg s22  }
0x1c: {  	s5 =	sadd.s32 s23, s24;
	_ =	strace $0x8000004A;
	[dreg:$0x13] =	wrdreg s26  }
0x1d: {  	s3 =	sadd.s32 s23, s3;
	s6 =	sshrl.u32 s25, $0x2;
	[dreg:$0x14] =	wrdreg s0  }
0x1e: {  	s23 =	sadd.s32 $0x2D800, s4;
	s24 =	sadd.s32 $0x55000, s4;
	s25 =	smax.u32 s9, $0x1  }
0x1f: {  	s0 =	simm.s32 $0x16200;
	s4 =	simm.s32 $0x18A00;
	s9 =	simm.s32 $0x3  }
0x20: {  	s22 =	sadd.s32 s6, s1;
	s26 =	sadd.s32 $0x780, s5;
	s28 =	sadd.s32 $0x780, s3  }
0x21: {  	s3 =	simm.s32 $0x17600;
	s5 =	simm.s32 $0x1;
	s6 =	simm.s32 $0x19E00  }
.LBB2_1:
0x22: {  	s15 =	rddreg [dreg:$0x13]  }
0x23: {  	[tilespmem:s29], [sflag:$0x9] =	stream.linear.gather [hbm4b:s15+s2], $0x12C0, $0x38;
	[tilespmem:$0x1B200] =	vst v63  }
0x24: {  	_ =	swait.ge [sflag:s30], $0x12C0  }
0x25: {  	[sflag:s30] =	ssyncset.done $0x0  }
0x26: {  	s17 =	rddreg [dreg:$0x14];
	[sflag:s30] =	ssyncadd.s32 $0xFFFFED40  }
0x27: {  	[tilespmem:s31], [sflag:$0x9] =	stream.linear.gather [hbm4b:s17+s2], $0x12C0, $0x38;
	[tilespmem:$0x1B200] =	vst v63  }
0x28: {  	s19 =	stileid.u32;
	_ =	swait.ge [sflag:s30], $0x12C0  }
0x29: {  	s15 =	sshll.u32 s19, $0x6;
	[sflag:s30] =	ssyncset.done $0x0  }
0x2a: {  	s16 =	sshrl.u32 s22, $0x3;
	s15 =	sor.u32 $0x1C09, s15;
	[sflag:s30] =	ssyncadd.s32 $0xFFFFED40  }
0x2b: {  	[spmem:s16], [sflag:s15] =	dma.local [hbm:s23], $0x2780  }
0x2c: {  	_ =	swait.ge [sflag:s30], $0x2780  }
0x2d: {  	[sflag:s30] =	ssyncset.done $0x0  }
0x2e: {  	[sflag:s30] =	ssyncadd.s32 $0xFFFFD880  }
0x2f: {  	[bflag:$0x0] =	sbarrier.arrive $0xFFFF  }
0x30: {  	[tilespmem:s0], [sflag:$0x1] =	stream.indirect.gather [spmem:s1], $0x80, s29, s18, $0xb8;
	[tilespmem:$0x1B200] =	vst v63  }
0x31: {  	s17 =	simm.s32 $0x13C28  }
0x32: {  	[tilespmem:s3], [sflag:$0x2] =	stream.indirect.gather [spmem:s1], $0x80, s17, s18, $0xb8;
	[tilespmem:$0x1B200] =	vst v63  }
0x33: {  	s20 =	simm.s32 $0x13C50  }
0x34: {  	[tilespmem:s4], [sflag:$0x3] =	stream.indirect.gather [spmem:s1], $0x80, s20, s18, $0xb8;
	[tilespmem:$0x1B200] =	vst v63  }
0x35: {  	_ =	swait.ge [sflag:s5], $0x1400  }
0x36: {  	[sflag:s5] =	ssyncset.done $0x0  }
0x37: {  	s21 =	rddreg [dreg:$0x3];
	[sflag:s5] =	ssyncadd.s32 $0xFFFFEC00  }
0x38: {  	[hbm4b:s21+s2] =	stream.linear.scatter [tilespmem:s0], [sflag:$0x5], $0x1400, $0x38;
	[tilespmem:$0x1B200] =	vst v63  }
0x39: {  	s19 =	simm.s32 $0x13C78  }
0x3a: {  	[tilespmem:s6], [sflag:$0x4] =	stream.indirect.gather [spmem:s1], $0x80, s19, s18, $0xb8;
	[tilespmem:$0x1B200] =	vst v63  }
0x3b: {  	_ =	swait.ge [sflag:s7], $0x1400  }
0x3c: {  	[sflag:s7] =	ssyncset.done $0x0  }
0x3d: {  	s20 =	rddreg [dreg:$0x4];
	[sflag:s7] =	ssyncadd.s32 $0xFFFFEC00  }
0x3e: {  	[hbm4b:s20+s2] =	stream.linear.scatter [tilespmem:s3], [sflag:$0x6], $0x1400, $0x38;
	[tilespmem:$0x1B200] =	vst v63  }
0x3f: {  	_ =	swait.ge [sflag:s8], $0x1400  }
0x40: {  	[sflag:s8] =	ssyncset.done $0x0  }
0x41: {  	s21 =	simm.s32 $0x13CA0;
	[sflag:s8] =	ssyncadd.s32 $0xFFFFEC00  }
0x42: {  	[tilespmem:s0], [sflag:$0x1] =	stream.indirect.gather [spmem:s1], $0x80, s21, s18, $0xb8;
	[tilespmem:$0x1B200] =	vst v63  }
0x43: {  	_ =	swait.ge [sflag:s9], $0x1400  }
0x44: {  	[sflag:s9] =	ssyncset.done $0x0  }
0x45: {  	s19 =	sadd.s32 $0xFFFFFD80, s26;
	[sflag:s9] =	ssyncadd.s32 $0xFFFFEC00  }
0x46: {  	[hbm4b:s19+s2] =	stream.linear.scatter [tilespmem:s4], [sflag:$0x7], $0x1400, $0x38;
	[tilespmem:$0x1B200] =	vst v63  }
0x47: {  	_ =	swait.ge [sflag:s10], $0x1400  }
0x48: {  	[sflag:s10] =	ssyncset.done $0x0  }
0x49: {  	s20 =	simm.s32 $0x13CC8;
	[sflag:s10] =	ssyncadd.s32 $0xFFFFEC00  }
0x4a: {  	[tilespmem:s3], [sflag:$0x2] =	stream.indirect.gather [spmem:s1], $0x80, s20, s18, $0xb8;
	[tilespmem:$0x1B200] =	vst v63  }
0x4b: {  	_ =	swait.ge [sflag:s11], $0x1400  }
0x4c: {  	[sflag:s11] =	ssyncset.done $0x0  }
0x4d: {  	[sflag:s11] =	ssyncadd.s32 $0xFFFFEC00  }
0x4e: {  	[hbm4b:s26+s2] =	stream.linear.scatter [tilespmem:s6], [sflag:$0x8], $0x1400, $0x38;
	[tilespmem:$0x1B200] =	vst v63  }
0x4f: {  	_ =	swait.ge [sflag:s12], $0x1400  }
0x50: {  	[sflag:s12] =	ssyncset.done $0x0  }
0x51: {  	s21 =	simm.s32 $0x13CF0;
	[sflag:s12] =	ssyncadd.s32 $0xFFFFEC00  }
0x52: {  	[tilespmem:s4], [sflag:$0x3] =	stream.indirect.gather [spmem:s1], $0x80, s21, s18, $0xb8;
	[tilespmem:$0x1B200] =	vst v63  }
0x53: {  	_ =	swait.ge [sflag:s5], $0x1400  }
0x54: {  	[sflag:s5] =	ssyncset.done $0x0  }
0x55: {  	s19 =	sadd.s32 $0x280, s26;
	[sflag:s5] =	ssyncadd.s32 $0xFFFFEC00  }
0x56: {  	[hbm4b:s19+s2] =	stream.linear.scatter [tilespmem:s0], [sflag:$0x5], $0x1400, $0x38;
	[tilespmem:$0x1B200] =	vst v63  }
0x57: {  	_ =	swait.ge [sflag:s13], $0x1400  }
0x58: {  	[sflag:s13] =	ssyncset.done $0x0  }
0x59: {  	s20 =	simm.s32 $0x13D18;
	[sflag:s13] =	ssyncadd.s32 $0xFFFFEC00  }
0x5a: {  	[tilespmem:s6], [sflag:$0x4] =	stream.indirect.gather [spmem:s1], $0x80, s20, s18, $0xb8;
	[tilespmem:$0x1B200] =	vst v63  }
0x5b: {  	_ =	swait.ge [sflag:s7], $0x1400  }
0x5c: {  	[sflag:s7] =	ssyncset.done $0x0  }
0x5d: {  	s21 =	sadd.s32 $0x500, s26;
	[sflag:s7] =	ssyncadd.s32 $0xFFFFEC00  }
0x5e: {  	[hbm4b:s21+s2] =	stream.linear.scatter [tilespmem:s3], [sflag:$0x6], $0x1400, $0x38;
	[tilespmem:$0x1B200] =	vst v63  }
0x5f: {  	_ =	swait.ge [sflag:s8], $0x1400  }
0x60: {  	s17 =	simm.s32 $0x280;
	[sflag:s8] =	ssyncset.done $0x0  }
0x61: {  	s19 =	sadd.s32 $0xA00, s26;
	s20 =	simm.s32 $0x13D40;
	[sflag:s8] =	ssyncadd.s32 $0xFFFFEC00  }
.LBB2_2:
0x62: {  	[tilespmem:s0], [sflag:$0x1] =	stream.indirect.gather [spmem:s1], $0x80, s20, s18, $0xb8;
	[tilespmem:$0x1B200] =	vst v63  }
0x63: {  	s20 =	smov.u32 s17  }
0x64: {  	p0 =	sne.s32 s17, $0x4380;
	s17 =	sadd.s32 $0x280, s17;
	_ =	swait.ge [sflag:s9], $0x1400  }
0x65: {  	[sflag:s9] =	ssyncset.done $0x0  }
0x66: {  	s21 =	sadd.s32 $0xFFFFFD80, s19;
	[sflag:s9] =	ssyncadd.s32 $0xFFFFEC00  }
0x67: {  	[hbm4b:s21+s2] =	stream.linear.scatter [tilespmem:s4], [sflag:$0x7], $0x1400, $0x38;
	[tilespmem:$0x1B200] =	vst v63  }
0x68: {  	_ =	swait.ge [sflag:s10], $0x1400  }
0x69: {  	s20 =	sshra.s32 s20, $0x2;
	[sflag:s10] =	ssyncset.done $0x0  }
0x6a: {  	s21 =	sadd.s32 $0x13CC8, s20;
	[sflag:s10] =	ssyncadd.s32 $0xFFFFEC00  }
0x6b: {  	[tilespmem:s3], [sflag:$0x2] =	stream.indirect.gather [spmem:s1], $0x80, s21, s18, $0xb8;
	[tilespmem:$0x1B200] =	vst v63  }
0x6c: {  	_ =	swait.ge [sflag:s11], $0x1400  }
0x6d: {  	[sflag:s11] =	ssyncset.done $0x0  }
0x6e: {  	[sflag:s11] =	ssyncadd.s32 $0xFFFFEC00  }
0x6f: {  	[hbm4b:s19+s2] =	stream.linear.scatter [tilespmem:s6], [sflag:$0x8], $0x1400, $0x38;
	[tilespmem:$0x1B200] =	vst v63  }
0x70: {  	_ =	swait.ge [sflag:s12], $0x1400  }
0x71: {  	[sflag:s12] =	ssyncset.done $0x0  }
0x72: {  	s21 =	sadd.s32 $0x13CF0, s20;
	[sflag:s12] =	ssyncadd.s32 $0xFFFFEC00  }
0x73: {  	[tilespmem:s4], [sflag:$0x3] =	stream.indirect.gather [spmem:s1], $0x80, s21, s18, $0xb8;
	[tilespmem:$0x1B200] =	vst v63  }
0x74: {  	_ =	swait.ge [sflag:s5], $0x1400  }
0x75: {  	[sflag:s5] =	ssyncset.done $0x0  }
0x76: {  	s21 =	sadd.s32 $0x280, s19;
	[sflag:s5] =	ssyncadd.s32 $0xFFFFEC00  }
0x77: {  	[hbm4b:s21+s2] =	stream.linear.scatter [tilespmem:s0], [sflag:$0x5], $0x1400, $0x38;
	[tilespmem:$0x1B200] =	vst v63  }
0x78: {  	_ =	swait.ge [sflag:s13], $0x1400  }
0x79: {  	[sflag:s13] =	ssyncset.done $0x0  }
0x7a: {  	s21 =	sadd.s32 $0x13D18, s20;
	[sflag:s13] =	ssyncadd.s32 $0xFFFFEC00  }
0x7b: {  	[tilespmem:s6], [sflag:$0x4] =	stream.indirect.gather [spmem:s1], $0x80, s21, s18, $0xb8;
	[tilespmem:$0x1B200] =	vst v63  }
0x7c: {  	_ =	swait.ge [sflag:s7], $0x1400  }
0x7d: {  	[sflag:s7] =	ssyncset.done $0x0  }
.Ltmp0:
0x7e: {  	s21 =	sadd.s32 $0x500, s19;
	[sflag:s7] =	ssyncadd.s32 $0xFFFFEC00;
	(pc) =	sbr.rel @p0 .LBB2_2-.Ltmp0, $4  }
0x7f: {  	[hbm4b:s21+s2] =	stream.linear.scatter [tilespmem:s3], [sflag:$0x6], $0x1400, $0x38;
	[tilespmem:$0x1B200] =	vst v63  }
0x80: {  	_ =	swait.ge [sflag:s8], $0x1400  }
0x81: {  	[sflag:s8] =	ssyncset.done $0x0  }
0x82: {  	s20 =	sadd.s32 $0x13D40, s20;
	s19 =	sadd.s32 $0xA00, s19;
	[sflag:s8] =	ssyncadd.s32 $0xFFFFEC00  }
0x83: {  	[tilespmem:s0], [sflag:$0x1] =	stream.indirect.gather [spmem:s1], $0x80, s20, s18, $0xb8;
	[tilespmem:$0x1B200] =	vst v63  }
0x84: {  	_ =	swait.ge [sflag:s9], $0x1400  }
0x85: {  	[sflag:s9] =	ssyncset.done $0x0  }
0x86: {  	s17 =	simm.s32 $0x0;
	s19 =	rddreg [dreg:$0x5];
	[sflag:s9] =	ssyncadd.s32 $0xFFFFEC00  }
0x87: {  	[hbm4b:s19+s17] =	stream.linear.scatter [tilespmem:s4], [sflag:$0x7], $0x1400, $0x38;
	[tilespmem:$0x1B200] =	vst v63  }
0x88: {  	_ =	swait.ge [sflag:s10], $0x1400  }
0x89: {  	[sflag:s10] =	ssyncset.done $0x0  }
0x8a: {  	s20 =	simm.s32 $0x14E48;
	[sflag:s10] =	ssyncadd.s32 $0xFFFFEC00  }
0x8b: {  	[tilespmem:s3], [sflag:$0x2] =	stream.indirect.gather [spmem:s1], $0x80, s20, s18, $0xb8;
	[tilespmem:$0x1B200] =	vst v63  }
0x8c: {  	_ =	swait.ge [sflag:s11], $0x1400  }
0x8d: {  	[sflag:s11] =	ssyncset.done $0x0  }
0x8e: {  	s21 =	rddreg [dreg:$0x6];
	[sflag:s11] =	ssyncadd.s32 $0xFFFFEC00  }
0x8f: {  	[hbm4b:s21+s17] =	stream.linear.scatter [tilespmem:s6], [sflag:$0x8], $0x1400, $0x38;
	[tilespmem:$0x1B200] =	vst v63  }
0x90: {  	_ =	swait.ge [sflag:s12], $0x1400  }
0x91: {  	[sflag:s12] =	ssyncset.done $0x0  }
0x92: {  	s20 =	simm.s32 $0x14E70;
	[sflag:s12] =	ssyncadd.s32 $0xFFFFEC00  }
0x93: {  	[tilespmem:s4], [sflag:$0x3] =	stream.indirect.gather [spmem:s1], $0x80, s20, s18, $0xb8;
	[tilespmem:$0x1B200] =	vst v63  }
0x94: {  	_ =	swait.ge [sflag:s5], $0x1400  }
0x95: {  	[sflag:s5] =	ssyncset.done $0x0  }
0x96: {  	s21 =	rddreg [dreg:$0x7];
	[sflag:s5] =	ssyncadd.s32 $0xFFFFEC00  }
0x97: {  	[hbm4b:s21+s17] =	stream.linear.scatter [tilespmem:s0], [sflag:$0x5], $0x1400, $0x38;
	[tilespmem:$0x1B200] =	vst v63  }
0x98: {  	_ =	swait.ge [sflag:s13], $0x1400  }
0x99: {  	[sflag:s13] =	ssyncset.done $0x0  }
0x9a: {  	s20 =	simm.s32 $0x14E98;
	[sflag:s13] =	ssyncadd.s32 $0xFFFFEC00  }
0x9b: {  	[tilespmem:s6], [sflag:$0x4] =	stream.indirect.gather [spmem:s1], $0x80, s20, s18, $0xb8;
	[tilespmem:$0x1B200] =	vst v63  }
0x9c: {  	_ =	swait.ge [sflag:s7], $0x1400  }
0x9d: {  	[sflag:s7] =	ssyncset.done $0x0  }
0x9e: {  	s21 =	rddreg [dreg:$0x8];
	[sflag:s7] =	ssyncadd.s32 $0xFFFFEC00  }
0x9f: {  	[hbm4b:s21+s17] =	stream.linear.scatter [tilespmem:s3], [sflag:$0x6], $0x1400, $0x38;
	[tilespmem:$0x1B200] =	vst v63  }
0xa0: {  	_ =	swait.ge [sflag:s9], $0x1400  }
0xa1: {  	[sflag:s9] =	ssyncset.done $0x0  }
0xa2: {  	s20 =	rddreg [dreg:$0x9];
	[sflag:s9] =	ssyncadd.s32 $0xFFFFEC00  }
0xa3: {  	[hbm4b:s20+s17] =	stream.linear.scatter [tilespmem:s4], [sflag:$0x7], $0x1400, $0x38;
	[tilespmem:$0x1B200] =	vst v63  }
0xa4: {  	_ =	swait.ge [sflag:s11], $0x1400  }
0xa5: {  	[sflag:s11] =	ssyncset.done $0x0  }
0xa6: {  	s21 =	rddreg [dreg:$0xa];
	[sflag:s11] =	ssyncadd.s32 $0xFFFFEC00  }
0xa7: {  	[hbm4b:s21+s17] =	stream.linear.scatter [tilespmem:s6], [sflag:$0x8], $0x1400, $0x38;
	[tilespmem:$0x1B200] =	vst v63  }
0xa8: {  	_ =	swait.ge [sflag:s8], $0x1400  }
0xa9: {  	[sflag:s8] =	ssyncset.done $0x0  }
0xaa: {  	[sflag:s8] =	ssyncadd.s32 $0xFFFFEC00  }
0xab: {  	_ =	swait.ge [sflag:s10], $0x1400  }
0xac: {  	[sflag:s10] =	ssyncset.done $0x0  }
0xad: {  	[sflag:s10] =	ssyncadd.s32 $0xFFFFEC00  }
0xae: {  	_ =	swait.ge [sflag:s12], $0x1400  }
0xaf: {  	[sflag:s12] =	ssyncset.done $0x0  }
0xb0: {  	[sflag:s12] =	ssyncadd.s32 $0xFFFFEC00  }
0xb1: {  	_ =	swait.ge [sflag:s13], $0x1400  }
0xb2: {  	[sflag:s13] =	ssyncset.done $0x0  }
0xb3: {  	[sflag:s13] =	ssyncadd.s32 $0xFFFFEC00  }
0xb4: {  	[bflag:$0x0] =	sbarrier.arrive $0xFFFF  }
0xb5: {  	[spmem:s16], [sflag:s15] =	dma.local [hbm:s24], $0x2780  }
0xb6: {  	_ =	swait.ge [sflag:s30], $0x2780  }
0xb7: {  	[sflag:s30] =	ssyncset.done $0x0  }
0xb8: {  	[sflag:s30] =	ssyncadd.s32 $0xFFFFD880  }
0xb9: {  	[bflag:$0x0] =	sbarrier.arrive $0xFFFF  }
0xba: {  	[tilespmem:s0], [sflag:$0x1] =	stream.indirect.gather [spmem:s1], $0x80, s31, s18, $0xb8;
	[tilespmem:$0x1B200] =	vst v63  }
0xbb: {  	s19 =	simm.s32 $0x14F28  }
0xbc: {  	[tilespmem:s3], [sflag:$0x2] =	stream.indirect.gather [spmem:s1], $0x80, s19, s18, $0xb8;
	[tilespmem:$0x1B200] =	vst v63  }
0xbd: {  	s20 =	simm.s32 $0x14F50  }
0xbe: {  	[tilespmem:s4], [sflag:$0x3] =	stream.indirect.gather [spmem:s1], $0x80, s20, s18, $0xb8;
	[tilespmem:$0x1B200] =	vst v63  }
0xbf: {  	_ =	swait.ge [sflag:s5], $0x1400  }
0xc0: {  	[sflag:s5] =	ssyncset.done $0x0  }
0xc1: {  	s21 =	rddreg [dreg:$0xb];
	[sflag:s5] =	ssyncadd.s32 $0xFFFFEC00  }
0xc2: {  	[hbm4b:s21+s17] =	stream.linear.scatter [tilespmem:s0], [sflag:$0x5], $0x1400, $0x38;
	[tilespmem:$0x1B200] =	vst v63  }
0xc3: {  	s16 =	simm.s32 $0x14F78  }
0xc4: {  	[tilespmem:s6], [sflag:$0x4] =	stream.indirect.gather [spmem:s1], $0x80, s16, s18, $0xb8;
	[tilespmem:$0x1B200] =	vst v63  }
0xc5: {  	_ =	swait.ge [sflag:s7], $0x1400  }
0xc6: {  	[sflag:s7] =	ssyncset.done $0x0  }
0xc7: {  	s19 =	rddreg [dreg:$0xc];
	[sflag:s7] =	ssyncadd.s32 $0xFFFFEC00  }
0xc8: {  	[hbm4b:s19+s17] =	stream.linear.scatter [tilespmem:s3], [sflag:$0x6], $0x1400, $0x38;
	[tilespmem:$0x1B200] =	vst v63  }
0xc9: {  	_ =	swait.ge [sflag:s8], $0x1400  }
0xca: {  	[sflag:s8] =	ssyncset.done $0x0  }
0xcb: {  	s20 =	simm.s32 $0x14FA0;
	[sflag:s8] =	ssyncadd.s32 $0xFFFFEC00  }
0xcc: {  	[tilespmem:s0], [sflag:$0x1] =	stream.indirect.gather [spmem:s1], $0x80, s20, s18, $0xb8;
	[tilespmem:$0x1B200] =	vst v63  }
0xcd: {  	_ =	swait.ge [sflag:s9], $0x1400  }
0xce: {  	[sflag:s9] =	ssyncset.done $0x0  }
0xcf: {  	s21 =	sadd.s32 $0xFFFFFD80, s28;
	[sflag:s9] =	ssyncadd.s32 $0xFFFFEC00  }
0xd0: {  	[hbm4b:s21+s2] =	stream.linear.scatter [tilespmem:s4], [sflag:$0x7], $0x1400, $0x38;
	[tilespmem:$0x1B200] =	vst v63  }
0xd1: {  	_ =	swait.ge [sflag:s10], $0x1400  }
0xd2: {  	[sflag:s10] =	ssyncset.done $0x0  }
0xd3: {  	s16 =	simm.s32 $0x14FC8;
	[sflag:s10] =	ssyncadd.s32 $0xFFFFEC00  }
0xd4: {  	[tilespmem:s3], [sflag:$0x2] =	stream.indirect.gather [spmem:s1], $0x80, s16, s18, $0xb8;
	[tilespmem:$0x1B200] =	vst v63  }
0xd5: {  	_ =	swait.ge [sflag:s11], $0x1400  }
0xd6: {  	[sflag:s11] =	ssyncset.done $0x0  }
0xd7: {  	[sflag:s11] =	ssyncadd.s32 $0xFFFFEC00  }
0xd8: {  	[hbm4b:s28+s2] =	stream.linear.scatter [tilespmem:s6], [sflag:$0x8], $0x1400, $0x38;
	[tilespmem:$0x1B200] =	vst v63  }
0xd9: {  	_ =	swait.ge [sflag:s12], $0x1400  }
0xda: {  	[sflag:s12] =	ssyncset.done $0x0  }
0xdb: {  	s17 =	simm.s32 $0x14FF0;
	[sflag:s12] =	ssyncadd.s32 $0xFFFFEC00  }
0xdc: {  	[tilespmem:s4], [sflag:$0x3] =	stream.indirect.gather [spmem:s1], $0x80, s17, s18, $0xb8;
	[tilespmem:$0x1B200] =	vst v63  }
0xdd: {  	_ =	swait.ge [sflag:s5], $0x1400  }
0xde: {  	[sflag:s5] =	ssyncset.done $0x0  }
0xdf: {  	s19 =	sadd.s32 $0x280, s28;
	[sflag:s5] =	ssyncadd.s32 $0xFFFFEC00  }
0xe0: {  	[hbm4b:s19+s2] =	stream.linear.scatter [tilespmem:s0], [sflag:$0x5], $0x1400, $0x38;
	[tilespmem:$0x1B200] =	vst v63  }
0xe1: {  	_ =	swait.ge [sflag:s13], $0x1400  }
0xe2: {  	[sflag:s13] =	ssyncset.done $0x0  }
0xe3: {  	s20 =	simm.s32 $0x15018;
	[sflag:s13] =	ssyncadd.s32 $0xFFFFEC00  }
0xe4: {  	[tilespmem:s6], [sflag:$0x4] =	stream.indirect.gather [spmem:s1], $0x80, s20, s18, $0xb8;
	[tilespmem:$0x1B200] =	vst v63  }
0xe5: {  	_ =	swait.ge [sflag:s7], $0x1400  }
0xe6: {  	[sflag:s7] =	ssyncset.done $0x0  }
0xe7: {  	s21 =	sadd.s32 $0x500, s28;
	[sflag:s7] =	ssyncadd.s32 $0xFFFFEC00  }
0xe8: {  	[hbm4b:s21+s2] =	stream.linear.scatter [tilespmem:s3], [sflag:$0x6], $0x1400, $0x38;
	[tilespmem:$0x1B200] =	vst v63  }
0xe9: {  	_ =	swait.ge [sflag:s8], $0x1400  }
0xea: {  	s15 =	simm.s32 $0x280;
	[sflag:s8] =	ssyncset.done $0x0  }
0xeb: {  	s16 =	sadd.s32 $0xA00, s28;
	s17 =	simm.s32 $0x15040;
	[sflag:s8] =	ssyncadd.s32 $0xFFFFEC00  }
.LBB2_4:
0xec: {  	[tilespmem:s0], [sflag:$0x1] =	stream.indirect.gather [spmem:s1], $0x80, s17, s18, $0xb8;
	[tilespmem:$0x1B200] =	vst v63  }
0xed: {  	s17 =	smov.u32 s15  }
0xee: {  	p0 =	sne.s32 s15, $0x4380;
	s15 =	sadd.s32 $0x280, s15;
	_ =	swait.ge [sflag:s9], $0x1400  }
0xef: {  	[sflag:s9] =	ssyncset.done $0x0  }
0xf0: {  	s19 =	sadd.s32 $0xFFFFFD80, s16;
	[sflag:s9] =	ssyncadd.s32 $0xFFFFEC00  }
0xf1: {  	[hbm4b:s19+s2] =	stream.linear.scatter [tilespmem:s4], [sflag:$0x7], $0x1400, $0x38;
	[tilespmem:$0x1B200] =	vst v63  }
0xf2: {  	_ =	swait.ge [sflag:s10], $0x1400  }
0xf3: {  	s17 =	sshra.s32 s17, $0x2;
	[sflag:s10] =	ssyncset.done $0x0  }
0xf4: {  	s19 =	sadd.s32 $0x14FC8, s17;
	[sflag:s10] =	ssyncadd.s32 $0xFFFFEC00  }
0xf5: {  	[tilespmem:s3], [sflag:$0x2] =	stream.indirect.gather [spmem:s1], $0x80, s19, s18, $0xb8;
	[tilespmem:$0x1B200] =	vst v63  }
0xf6: {  	_ =	swait.ge [sflag:s11], $0x1400  }
0xf7: {  	[sflag:s11] =	ssyncset.done $0x0  }
0xf8: {  	[sflag:s11] =	ssyncadd.s32 $0xFFFFEC00  }
0xf9: {  	[hbm4b:s16+s2] =	stream.linear.scatter [tilespmem:s6], [sflag:$0x8], $0x1400, $0x38;
	[tilespmem:$0x1B200] =	vst v63  }
0xfa: {  	_ =	swait.ge [sflag:s12], $0x1400  }
0xfb: {  	[sflag:s12] =	ssyncset.done $0x0  }
0xfc: {  	s19 =	sadd.s32 $0x14FF0, s17;
	[sflag:s12] =	ssyncadd.s32 $0xFFFFEC00  }
0xfd: {  	[tilespmem:s4], [sflag:$0x3] =	stream.indirect.gather [spmem:s1], $0x80, s19, s18, $0xb8;
	[tilespmem:$0x1B200] =	vst v63  }
0xfe: {  	_ =	swait.ge [sflag:s5], $0x1400  }
0xff: {  	[sflag:s5] =	ssyncset.done $0x0  }
0x100: {  	s19 =	sadd.s32 $0x280, s16;
	[sflag:s5] =	ssyncadd.s32 $0xFFFFEC00  }
0x101: {  	[hbm4b:s19+s2] =	stream.linear.scatter [tilespmem:s0], [sflag:$0x5], $0x1400, $0x38;
	[tilespmem:$0x1B200] =	vst v63  }
0x102: {  	_ =	swait.ge [sflag:s13], $0x1400  }
0x103: {  	[sflag:s13] =	ssyncset.done $0x0  }
0x104: {  	s19 =	sadd.s32 $0x15018, s17;
	[sflag:s13] =	ssyncadd.s32 $0xFFFFEC00  }
0x105: {  	[tilespmem:s6], [sflag:$0x4] =	stream.indirect.gather [spmem:s1], $0x80, s19, s18, $0xb8;
	[tilespmem:$0x1B200] =	vst v63  }
0x106: {  	_ =	swait.ge [sflag:s7], $0x1400  }
0x107: {  	[sflag:s7] =	ssyncset.done $0x0  }
.Ltmp1:
0x108: {  	s19 =	sadd.s32 $0x500, s16;
	[sflag:s7] =	ssyncadd.s32 $0xFFFFEC00;
	(pc) =	sbr.rel @p0 .LBB2_4-.Ltmp1, $4  }
0x109: {  	[hbm4b:s19+s2] =	stream.linear.scatter [tilespmem:s3], [sflag:$0x6], $0x1400, $0x38;
	[tilespmem:$0x1B200] =	vst v63  }
0x10a: {  	_ =	swait.ge [sflag:s8], $0x1400  }
0x10b: {  	[sflag:s8] =	ssyncset.done $0x0  }
0x10c: {  	s17 =	sadd.s32 $0x15040, s17;
	s16 =	sadd.s32 $0xA00, s16;
	[sflag:s8] =	ssyncadd.s32 $0xFFFFEC00  }
0x10d: {  	[tilespmem:s0], [sflag:$0x1] =	stream.indirect.gather [spmem:s1], $0x80, s17, s18, $0xb8;
	[tilespmem:$0x1B200] =	vst v63  }
0x10e: {  	_ =	swait.ge [sflag:s9], $0x1400  }
0x10f: {  	[sflag:s9] =	ssyncset.done $0x0  }
0x110: {  	s15 =	rddreg [dreg:$0xd];
	[sflag:s9] =	ssyncadd.s32 $0xFFFFEC00  }
0x111: {  	[hbm4b:s15+s2] =	stream.linear.scatter [tilespmem:s4], [sflag:$0x7], $0x1400, $0x38;
	[tilespmem:$0x1B200] =	vst v63  }
0x112: {  	_ =	swait.ge [sflag:s10], $0x1400  }
0x113: {  	[sflag:s10] =	ssyncset.done $0x0  }
0x114: {  	s19 =	simm.s32 $0x16148;
	[sflag:s10] =	ssyncadd.s32 $0xFFFFEC00  }
0x115: {  	[tilespmem:s3], [sflag:$0x2] =	stream.indirect.gather [spmem:s1], $0x80, s19, s18, $0xb8;
	[tilespmem:$0x1B200] =	vst v63  }
0x116: {  	_ =	swait.ge [sflag:s11], $0x1400  }
0x117: {  	[sflag:s11] =	ssyncset.done $0x0  }
0x118: {  	s20 =	rddreg [dreg:$0xe];
	[sflag:s11] =	ssyncadd.s32 $0xFFFFEC00  }
0x119: {  	[hbm4b:s20+s2] =	stream.linear.scatter [tilespmem:s6], [sflag:$0x8], $0x1400, $0x38;
	[tilespmem:$0x1B200] =	vst v63  }
0x11a: {  	_ =	swait.ge [sflag:s12], $0x1400  }
0x11b: {  	[sflag:s12] =	ssyncset.done $0x0  }
0x11c: {  	s21 =	simm.s32 $0x16170;
	[sflag:s12] =	ssyncadd.s32 $0xFFFFEC00  }
0x11d: {  	[tilespmem:s4], [sflag:$0x3] =	stream.indirect.gather [spmem:s1], $0x80, s21, s18, $0xb8;
	[tilespmem:$0x1B200] =	vst v63  }
0x11e: {  	_ =	swait.ge [sflag:s5], $0x1400  }
0x11f: {  	[sflag:s5] =	ssyncset.done $0x0  }
0x120: {  	s16 =	rddreg [dreg:$0xf];
	[sflag:s5] =	ssyncadd.s32 $0xFFFFEC00  }
0x121: {  	[hbm4b:s16+s2] =	stream.linear.scatter [tilespmem:s0], [sflag:$0x5], $0x1400, $0x38;
	[tilespmem:$0x1B200] =	vst v63  }
0x122: {  	_ =	swait.ge [sflag:s13], $0x1400  }
0x123: {  	[sflag:s13] =	ssyncset.done $0x0  }
0x124: {  	s17 =	simm.s32 $0x16198;
	[sflag:s13] =	ssyncadd.s32 $0xFFFFEC00  }
0x125: {  	[tilespmem:s6], [sflag:$0x4] =	stream.indirect.gather [spmem:s1], $0x80, s17, s18, $0xb8;
	[tilespmem:$0x1B200] =	vst v63  }
0x126: {  	_ =	swait.ge [sflag:s7], $0x1400  }
0x127: {  	[sflag:s7] =	ssyncset.done $0x0  }
0x128: {  	s19 =	rddreg [dreg:$0x10];
	[sflag:s7] =	ssyncadd.s32 $0xFFFFEC00  }
0x129: {  	[hbm4b:s19+s2] =	stream.linear.scatter [tilespmem:s3], [sflag:$0x6], $0x1400, $0x38;
	[tilespmem:$0x1B200] =	vst v63  }
0x12a: {  	_ =	swait.ge [sflag:s9], $0x1400  }
0x12b: {  	[sflag:s9] =	ssyncset.done $0x0  }
0x12c: {  	s20 =	rddreg [dreg:$0x11];
	[sflag:s9] =	ssyncadd.s32 $0xFFFFEC00  }
0x12d: {  	[hbm4b:s20+s2] =	stream.linear.scatter [tilespmem:s4], [sflag:$0x7], $0x1400, $0x38;
	[tilespmem:$0x1B200] =	vst v63  }
0x12e: {  	_ =	swait.ge [sflag:s11], $0x1400  }
0x12f: {  	[sflag:s11] =	ssyncset.done $0x0  }
0x130: {  	s21 =	rddreg [dreg:$0x12];
	[sflag:s11] =	ssyncadd.s32 $0xFFFFEC00  }
0x131: {  	[hbm4b:s21+s2] =	stream.linear.scatter [tilespmem:s6], [sflag:$0x8], $0x1400, $0x38;
	[tilespmem:$0x1B200] =	vst v63  }
0x132: {  	_ =	swait.ge [sflag:s8], $0x1400  }
0x133: {  	[sflag:s8] =	ssyncset.done $0x0  }
0x134: {  	[sflag:s8] =	ssyncadd.s32 $0xFFFFEC00  }
0x135: {  	_ =	swait.ge [sflag:s10], $0x1400  }
0x136: {  	[sflag:s10] =	ssyncset.done $0x0  }
0x137: {  	[sflag:s10] =	ssyncadd.s32 $0xFFFFEC00  }
0x138: {  	_ =	swait.ge [sflag:s12], $0x1400  }
0x139: {  	s14 =	sadd.s32 $0x1, s14;
	[sflag:s12] =	ssyncset.done $0x0  }
0x13a: {  	p0 =	sne.s32 s14, s25;
	[sflag:s12] =	ssyncadd.s32 $0xFFFFEC00  }
.Ltmp2:
0x13b: {  	_ =	swait.ge [sflag:s13], $0x1400;
	(pc) =	sbr.rel @p0 .LBB2_1-.Ltmp2, $3  }
0x13c: {  	[sflag:s13] =	ssyncset.done $0x0  }
0x13d: {  	[sflag:s13] =	ssyncadd.s32 $0xFFFFEC00  }
0x13e: {  	[bflag:$0x0] =	sbarrier.arrive $0xFFFF;
	_ =	sdelay $0x1  }
0x13f: {  	_ =	sfence.sel $0x180000  }
0x140: {  	[bflag:$0x0] =	sbarrier.arrive $0xFFFF  }
0x141: {  	_ =	strace $0x9000004A  }
0x142: {  	s0 =	stileid.u32;
	[bflag:$0x2] =	sbarrier.arrive $0xFFFF  }
0x143: {  	p0 =	sne.s32 s0, $0x0;
	s0 =	rddreg [dreg:$0x2]  }
0x144: {  	s0 =	sadd.s32 @!p0 $0x100000, s0  }
0x145: {  	[sflag:s0] =	ssyncadd.tile.s32 @!p0 $0x1;
	_ =	shalt  }
.Lfunc_end2:
_tile_overlayer_lowered:
.L_overlay_start_2:
0x146: {  	(tag) =	ssettag $0x2  }
0x147: {  	s0 =	rddreg [dreg:$0x0];
	s2 =	stileid.u32  }
0x148: {  	s1 =	rddreg [dreg:$0x1];
	p0 =	sne.s32 s2, $0x0  }
0x149: {  	s3 =	rddreg [dreg:$0x2];
	[bflag:$0x3] =	sbarrier.arrive $0xFFFF;
	s2 =	simm.s32 @!p0 $0x1C09  }
0x14a: {  	[timem:s3], [sflag:s2] =	dma.local @!p0 [hbm:s0], s1  }
0x14b: {  	s0 =	simm.s32 @!p0 $0x9  }
0x14c: {  	_ =	swait.ge @!p0 [sflag:s0], s1  }
0x14d: {  	s1 =	ssub.s32 @!p0 $0x0, s1;
	[sflag:s0] =	ssyncset.done @!p0 $0x0  }
0x14e: {  	[sflag:s0] =	ssyncadd.s32 @!p0 s1  }
0x14f: {  	[bflag:$0x3] =	sbarrier.arrive $0xFFFF  }
0x150: {  	_ =	shalt  }

// kernel: kernel.19.cloned.1.call-start
scs
__scs_entry_jumppad:
0x0: {  	(pc) =	sbr.rel $0x88, $3  }
0x1: {  	(tag) =	ssettag $0x0;
	lr =	simm.s32 $0x1  }
0x2: {  	[smem:$0x3F87] =	sst lr;
	_ =	strace $0xD0000000  }
0x3: {  	_ = 	snop  }
0x4: {  	_ = 	snop  }
0x5: {  	_ = 	snop  }
0x6: {  	_ = 	snop  }
0x7: {  	_ = 	snop  }
__scs_overlays_trampoline_lowered:
0x8: {  	[smem:$0x3F96] =	sst s0  }
0x9: {  	[smem:$0x3F97] =	sst s1  }
0xa: {  	[smem:$0x3F98] =	sst s2  }
0xb: {  	[smem:$0x3F99] =	sst s3  }
0xc: {  	[smem:$0x3F9A] =	sst s4  }
0xd: {  	[smem:$0x3F9B] =	sst s5  }
0xe: {  	[smem:$0x3F9C] =	sst s6  }
0xf: {  	[smem:$0x3F9D] =	sst s7  }
0x10: {  	[smem:$0x3F9E] =	sst s8  }
0x11: {  	[smem:$0x3F9F] =	sst s9;
	s0 =	simm.s32 @!p0 $0x0  }
0x12: {  	s1 =	sld [smem:$0x3F85];
	s0 =	simm.s32 @p0 $0x1  }
0x13: {  	[smem:$0x3FA0] =	sst s0;
	s0 =	simm.s32 @!p1 $0x0  }
0x14: {  	s2 =	sld [smem:$0x3F84];
	s0 =	simm.s32 @p1 $0x1  }
0x15: {  	[smem:$0x3FA1] =	sst s0;
	s0 =	simm.s32 @!p2 $0x0  }
0x16: {  	s3 =	sld [smem:$0x3FDB];
	s0 =	simm.s32 @p2 $0x1  }
0x17: {  	s4 =	simm.s32 $0x1BF5;
	[smem:$0x3FA3] =	sst s0  }
0x18: {  	s0 =	sld [smem:$0x3F86];
	_ =	swait.ge [sflag:s4], $0x0  }
0x19: {  	s7 =	sld [smem:$0x3F87]  }
0x1a: {  	s8 =	sadd.s32 $0xFFFFE003, lr  }
0x1b: {  	s9 =	sadd.s32 $0xFFFFFEF7, lr;
	s5 =	simm.s32 $0xFFFFFFFF;
	p2 =	slt.u32 s8, $0xFFFFF086  }
0x1c: {  	p1 =	slt.u32 s9, $0xF7A;
	s5 =	simm.s32 @!p2 $0x0  }
0x1d: {  	s5 =	simm.s32 @p1 $0x1;
	p0 =	seq.s32 s7, s2  }
0x1e: {  	s7 =	smul.u32 @!p0 $0xF7A, s2;
	p2 =	seq.s32 @!p0 s5, $0x0  }
0x1f: {  	s9 =	smul.u32 $0xF7A, s1;
	s8 =	simm.s32 @!p0 $0x1BF5;
	p2 =	por !p2, p0  }
0x20: {  	[sflag:s8] =	ssyncset.s32 @!p0 $0xFFFFF086;
	s6 =	sadd.s32 @!p0 s3, s7;
	s7 =	simm.s32 @!p0 $0x108  }
0x21: {  	s3 =	sadd.s32 s3, s9;
	s6 =	sadd.s32 @!p0 $0x88, s6;
	s7 =	simm.s32 @p2 $0x1082  }
0x22: {  	[simem:s7], [sflag:s8] =	dma.local @!p0 [hbm:s6], $0xF7A  }
0x23: {  	s9 =	sor.u32 $0xD0000000, s2;
	s6 =	simm.s32 $0x108;
	_ =	swait.ge @!p0 [sflag:s8], $0x0  }
0x24: {  	s3 =	sadd.s32 $0x88, s3;
	s6 =	simm.s32 @!p1 $0x1082;
	[sflag:s4] =	ssyncset.s32 $0xFFFFF086  }
0x25: {  	[simem:s6], [sflag:s4] =	dma.local [hbm:s3], $0xF7A  }
0x26: {  	[smem:$0x3F87] =	sst s1;
	(tag) =	ssettag s2;
	_ =	strace s9  }
0x27: {  	s1 =	sld [smem:$0x3F97]  }
0x28: {  	s2 =	sld [smem:$0x3F98]  }
0x29: {  	s4 =	sld [smem:$0x3F9A]  }
0x2a: {  	p0 =	seq.s32 s5, $0x0;
	s5 =	sld [smem:$0x3F9B]  }
0x2b: {  	s6 =	sld [smem:$0x3F9C]  }
0x2c: {  	s7 =	sld [smem:$0x3F9D]  }
0x2d: {  	s3 =	simm.s32 $0x108;
	s8 =	sld [smem:$0x3F9E]  }
0x2e: {  	s3 =	simm.s32 @!p0 $0x1082;
	s9 =	sld [smem:$0x3F9F]  }
0x2f: {  	lr =	sadd.s32 s0, s3;
	s0 =	sld [smem:$0x3F96]  }
0x30: {  	s3 =	sld [smem:$0x3F99]  }
0x31: {  	[smem:$0x3FA2] =	sst s10  }
0x32: {  	s10 =	sld [smem:$0x3FA0];
	_ =	sdelay $0x3  }
0x33: {  	p0 =	seq.s32 s10, $0x1;
	s10 =	sld [smem:$0x3FA2];
	_ =	sdelay $0x3  }
0x34: {  	[smem:$0x3FA2] =	sst s10  }
0x35: {  	s10 =	sld [smem:$0x3FA1];
	_ =	sdelay $0x3  }
0x36: {  	p1 =	seq.s32 s10, $0x1;
	s10 =	sld [smem:$0x3FA2];
	_ =	sdelay $0x3  }
0x37: {  	[smem:$0x3FA2] =	sst s10  }
0x38: {  	s10 =	sld [smem:$0x3FA3]  }
0x39: {  	_ = 	snop;
	(pc) =	sbr.ind lr, $3  }
0x3a: {  	_ = 	snop  }
0x3b: {  	_ = 	snop  }
0x3c: {  	p2 =	seq.s32 s10, $0x1;
	s10 =	sld [smem:$0x3FA2]  }
0x3d: {  	_ =	shalt  }
0x3e: {  	_ =	shalt  }
0x3f: {  	_ =	shalt  }
0x40: {  	_ =	shalt  }
0x41: {  	_ =	shalt  }
0x42: {  	_ =	shalt  }
0x43: {  	_ =	shalt  }
0x44: {  	_ =	shalt  }
0x45: {  	_ =	shalt  }
0x46: {  	_ =	shalt  }
0x47: {  	_ =	shalt  }
0x48: {  	_ =	shalt  }
0x49: {  	_ =	shalt  }
0x4a: {  	_ =	shalt  }
0x4b: {  	_ =	shalt  }
0x4c: {  	_ =	shalt  }
0x4d: {  	_ =	shalt  }
0x4e: {  	_ =	shalt  }
0x4f: {  	_ =	shalt  }
0x50: {  	_ =	shalt  }
0x51: {  	_ =	shalt  }
0x52: {  	_ =	shalt  }
0x53: {  	_ =	shalt  }
0x54: {  	_ =	shalt  }
0x55: {  	_ =	shalt  }
0x56: {  	_ =	shalt  }
0x57: {  	_ =	shalt  }
0x58: {  	_ =	shalt  }
0x59: {  	_ =	shalt  }
0x5a: {  	_ =	shalt  }
0x5b: {  	_ =	shalt  }
0x5c: {  	_ =	shalt  }
0x5d: {  	_ =	shalt  }
0x5e: {  	_ =	shalt  }
0x5f: {  	_ =	shalt  }
0x60: {  	_ =	shalt  }
0x61: {  	_ =	shalt  }
0x62: {  	_ =	shalt  }
0x63: {  	_ =	shalt  }
0x64: {  	_ =	shalt  }
0x65: {  	_ =	shalt  }
0x66: {  	_ =	shalt  }
0x67: {  	_ =	shalt  }
0x68: {  	_ =	shalt  }
0x69: {  	_ =	shalt  }
0x6a: {  	_ =	shalt  }
0x6b: {  	_ =	shalt  }
0x6c: {  	_ =	shalt  }
0x6d: {  	_ =	shalt  }
0x6e: {  	_ =	shalt  }
0x6f: {  	_ =	shalt  }
0x70: {  	_ =	shalt  }
0x71: {  	_ =	shalt  }
0x72: {  	_ =	shalt  }
0x73: {  	_ =	shalt  }
0x74: {  	_ =	shalt  }
0x75: {  	_ =	shalt  }
0x76: {  	_ =	shalt  }
0x77: {  	_ =	shalt  }
0x78: {  	_ =	shalt  }
0x79: {  	_ =	shalt  }
0x7a: {  	_ =	shalt  }
0x7b: {  	_ =	shalt  }
0x7c: {  	_ =	shalt  }
0x7d: {  	_ =	shalt  }
0x7e: {  	_ =	shalt  }
0x7f: {  	_ =	shalt  }
0x80: {  	_ =	shalt  }
0x81: {  	_ =	shalt  }
0x82: {  	_ =	shalt  }
0x83: {  	_ =	shalt  }
0x84: {  	_ =	shalt  }
0x85: {  	_ =	shalt  }
0x86: {  	_ =	shalt  }
0x87: {  	_ =	shalt  }
.Lfunc_end0:
.L_simem_size_0:
called_computation.3_lowered:
.L_overlay_start_0:
0x88: {  	s2 =	sld [smem:$0x3FD9]  }
0x89: {  	s3 =	sld [smem:$0x3FFE];
	_ =	sdelay $0x1  }
0x8a: {  	s1 =	srdreg.scid  }
0x8b: {  	s0 =	sand.u32 $0x1, s1  }
0x8c: {  	s17 =	sshll.u32 s0, $0xA;
	s2 =	sadd.s32 s3, s2  }
0x8d: {  	s2 =	sadd.s32 s2, s17  }
0x8e: {  	[smem:$0x3FAE] =	sst s2  }
0x8f: {  	_ = 	snop  }
0x90: {  	(tm) =	ssettm $0x1  }
0x91: {  	s18 =	sld [smem:$0x3FFB];
	_ =	sdelay $0x3  }
0x92: {  	_ =	strace s18  }
0x93: {  	s2 =	sld [smem:$0x3FFC];
	_ =	sdelay $0x3  }
0x94: {  	_ =	strace s2  }
0x95: {  	s2 =	sld [smem:$0x3FFD];
	_ =	sdelay $0x3  }
0x96: {  	_ =	strace s2  }
0x97: {  	_ =	strace $0x8FFFFFFF  }
0x98: {  	s19 =	sld [smem:$0x3FDB];
	_ =	sdelay $0x1  }
0x99: {  	s20 =	simm.s32 $_scs_section_size  }
0x9a: {  	s4 =	simm.s32 $_size__tile_overlayer_lowered;
	s5 =	simm.s32 $_tile_overlayer_lowered  }
0x9b: {  	s6 =	simm.s32 $0x1BFF;
	s21 =	sshll.u32 s5, $0x1;
	s3 =	sadd.s32 s20, s19  }
0x9c: {  	s22 =	simm.s32 $0x0;
	s4 =	sshll.u32 s4, $0x1;
	s5 =	sadd.s32 s21, s3  }
0x9d: {  	[timem:s22], [sflag:s6] =	dma.local [hbm:s5], s4  }
0x9e: {  	_ =	swait.ge [sflag:s6], s4  }
0x9f: {  	s4 =	ssub.s32 $0x0, s4;
	[sflag:s6] =	ssyncset.done $0x0  }
0xa0: {  	[sflag:s6] =	ssyncadd.s32 s4;
	_ =	sdelay $0x1  }
0xa1: {  	s23 =	simm.s32 $0x1B8B  }
0xa2: {  	_ =	swait.ge [sflag:s23], $0x1  }
0xa3: {  	[sflag:s23] =	ssyncset.done $0x0  }
0xa4: {  	[sflag:s23] =	ssyncadd.s32 $0xFFFFFFFF  }
0xa5: {  	s4 =	sld [smem:$0x0]  }
0xa6: {  	s5 =	sand.u32 $0xFFFFFFFE, s1  }
0xa7: {  	p0 =	sne.s32 s1, s5  }
0xa8: {  	s5 =	sshll.u32 @p0 s5, $0xE  }
0xa9: {  	s5 =	sadd.s32 @p0 $0x11B8D, s5;
	s6 =	sshll.u32 @p0 s4, $0x11  }
0xaa: {  	s5 =	sor.u32 @p0 s6, s5  }
0xab: {  	[sflag:s5] =	ssyncadd.remote.s32 @p0 $0x1;
	_ =	sdelay $0x1  }
0xac: {  	s5 =	simm.s32 @p0 $0x1B8D  }
0xad: {  	_ =	swait.eq @p0 [sflag:s5], $0x1  }
0xae: {  	[sflag:s5] =	ssyncadd.s32 @p0 $0xFFFFFFFF  }
0xaf: {  	s6 =	sshll.u32 @!p0 s1, $0xE  }
0xb0: {  	s6 =	sor.u32 @!p0 $0x4000, s6;
	s5 =	simm.s32 @!p0 $0x1B8D  }
0xb1: {  	s4 =	sshll.u32 @!p0 s4, $0x11;
	s6 =	sadd.s32 @!p0 $0x11B8D, s6;
	_ =	swait.eq @!p0 [sflag:s5], $0x1  }
0xb2: {  	s4 =	sor.u32 @!p0 s4, s6;
	[sflag:s5] =	ssyncadd.s32 @!p0 $0xFFFFFFFF  }
0xb3: {  	s25 =	simm.s32 $0x1B8E;
	s24 =	sld [smem:$0x3FFE];
	[sflag:s4] =	ssyncadd.remote.s32 @!p0 $0x1  }
0xb4: {  	s26 =	simm.s32 $execute0_lowered;
	[smem:$0x3FD2] =	sst s25  }
0xb5: {  	s5 =	sshll.u32 s26, $0x1;
	_ =	strace $0x8000004F;
	[dreg:$0x1] =	wrdreg $0xFFFFFFFF  }
0xb6: {  	s28 =	simm.s32 $_size_execute0_lowered;
	s3 =	sadd.s32 s3, s5;
	[dreg:$0x0] =	wrdreg $0x0  }
0xb7: {  	s5 =	sshll.u32 s28, $0x1;
	[dreg:$0x2] =	wrdreg s3  }
0xb8: {  	[dreg:$0x3] =	wrdreg s5  }
0xb9: {  	[dreg:$0x4] =	wrdreg $0xC0  }
0xba: {  	_ =	task [dreg:s22], $0x5FFFF  }
0xbb: {  	[dreg:$0x1] =	wrdreg $0xFFFFFFFF  }
0xbc: {  	[dreg:$0x0] =	wrdreg $0x60  }
0xbd: {  	[dreg:$0x2] =	wrdreg s24  }
0xbe: {  	[dreg:$0x3] =	wrdreg $0x0  }
0xbf: {  	[dreg:$0x4] =	wrdreg $0xA  }
0xc0: {  	_ =	task.clear_ibuf [dreg:s22], $0x5FFFF;
	_ =	strace $0x9000004F  }
0xc1: {  	s29 =	simm.s32 $0xA;
	_ =	strace $0x80000051  }
0xc2: {  	_ =	swait.ge [sflag:s29], $0x1  }
0xc3: {  	[sflag:s29] =	ssyncadd.s32 $0xFFFFFFFF  }
0xc4: {  	_ =	strace $0x90000051  }
0xc5: {  	_ =	sfence  }
0xc6: {  	s30 =	sld [smem:$0x0];
	_ =	sdelay $0x2  }
0xc7: {  	s31 =	sshll.u32 s1, $0xD;
	s1 =	sshrl.u32 s1, $0x2  }
0xc8: {  	s4 =	sand.u32 $0x4000, s31;
	s1 =	sadd.s32 s1, s30  }
0xc9: {  	s0 =	sor.u32 s4, s0;
	s1 =	sshll.u32 s1, $0x11  }
0xca: {  	s0 =	sor.u32 s1, s0  }
0xcb: {  	s0 =	sadd.s32 $0x8F2B, s0  }
0xcc: {  	[sflag:s0] =	ssyncadd.remote.s32 $0x1  }
0xcd: {  	_ =	sfence.sel $0xFFFF  }
0xce: {  	[dreg:$0x0] =	wrdreg $0xFFFFFFFF;
	(pc) =	sbr.abs _section_cstart, $3  }
0xcf: {  	[dreg:$0x1] =	wrdreg $0xFFFFFFFF  }
0xd0: {  	_ =	task.clear_ibuf [dreg:s22], $0x2FFFF;
	_ =	strace $0x9FFFFFFF  }
0xd1: {  	(tm) =	ssettm $0x7FFFFFFF  }
tec
execute0_lowered:
.L_overlay_start_1:
0x0: {  	(tag) =	ssettag $0x1  }
0x1: {  	s0 =	rddreg [dreg:$0x0];
	s14 =	stileid.u32  }
0x2: {  	s1 =	srdreg.scid;
	s2 =	rddreg [dreg:$0x1]  }
0x3: {  	s3 =	simm.s32 $0x0;
	s17 =	simm.s32 $0x16200;
	s28 =	simm.s32 $0x16120  }
0x4: {  	s29 =	simm.s32 $0x14E70;
	s30 =	simm.s32 $0x16170;
	s31 =	simm.s32 $0x0  }
0x5: {  	s4 =	smul.u32 $0x13C00, s14;
	s1 =	sand.u32 $0x1, s1;
	[smem:$0x7FF] =	sst s3  }
0x6: {  	s8 =	sadd.s32 $0x106C00, s0;
	s9 =	smul.u32 $0x4F000, s14;
	s24 =	sshll.u32 s14, $0x6  }
0x7: {  	s5 =	smul.u32 $0x13C000, s1;
	_ =	strace $0x80000050;
	s19 =	ssub.s32 $0x2, s1  }
0x8: {  	s7 =	sshll.u32 s1, $0x4;
	s1 =	smul.u32 $0x12C000, s1;
	s6 =	sshrl.u32 s4, $0x3  }
0x9: {  	s20 =	sshrl.u32 s19, $0x1;
	s7 =	sor.u32 s14, s7;
	s14 =	smul.u32 $0x12C00, s14  }
0xa: {  	s21 =	sshrl.u32 s9, $0x2;
	s4 =	sadd.s32 s4, s5;
	s22 =	smul.u32 $0x12C0, s7  }
0xb: {  	s18 =	sadd.s32 s6, s0;
	s11 =	ssub.s32 s19, s20;
	s23 =	smul.u32 $0x12C00, s7  }
0xc: {  	s12 =	sadd.s32 s21, s2;
	s7 =	smul.u32 $0x96000, s7;
	s5 =	sor.u32 $0x1C07, s24  }
0xd: {  	s1 =	sadd.s32 s1, s8;
	s19 =	simm.s32 $0x18A00;
	s20 =	simm.s32 $0x50  }
0xe: {  	s21 =	simm.s32 $0x2;
	s24 =	simm.s32 $0x4;
	s4 =	sshrl.u32 s4, $0x3  }
0xf: {  	s26 =	sadd.s32 s14, s1;
	s11 =	smax.u32 s11, $0x1;
	s14 =	simm.s32 $0x7  }
0x10: {  	s10 =	sadd.s32 s4, s0;
	s4 =	sadd.s32 $0x90400, s18;
	s6 =	sshrl.u32 s22, $0x3  }
0x11: {  	s13 =	sshrl.u32 s7, $0x3;
	s18 =	simm.s32 $0x1;
	s22 =	simm.s32 $0x3  }
0x12: {  	s0 =	sadd.s32 s0, s6;
	s25 =	sadd.s32 s8, s13;
	s8 =	sadd.s32 s8, s23  }
0x13: {  	s10 =	sadd.s32 $0x2D800, s10;
	s13 =	sshrl.u32 s12, $0x3;
	s23 =	simm.s32 $0x5  }
0x14: {  	s6 =	sadd.s32 $0x8B740, s0;
	s7 =	sadd.s32 $0x81940, s0;
	s9 =	sadd.s32 $0x12700, s25  }
0x15: {  	s0 =	sadd.s32 $0xA00, s26;
	s25 =	simm.s32 $0x6;
	s26 =	simm.s32 $0x14E20  }
.LBB2_1:
0x16: {  	[spmem:s13], [sflag:s5] =	dma.local [hbm:s4], $0x2780  }
0x17: {  	_ =	swait.ge [sflag:s14], $0x2780  }
0x18: {  	[sflag:s14] =	ssyncset.done $0x0  }
0x19: {  	s1 =	simm.s32 $0x13C00;
	[sflag:s14] =	ssyncadd.s32 $0xFFFFD880  }
0x1a: {  	[tilespmem:s1], [sflag:$0x7] =	stream.linear.gather [hbm4b:s6+s3], $0x12C0, $0x38;
	[tilespmem:$0x1B200] =	vst v63  }
0x1b: {  	_ =	swait.ge [sflag:s14], $0x12C0  }
0x1c: {  	[sflag:s14] =	ssyncset.done $0x0  }
0x1d: {  	s12 =	simm.s32 $0x14F00;
	[sflag:s14] =	ssyncadd.s32 $0xFFFFED40  }
0x1e: {  	[tilespmem:s12], [sflag:$0x7] =	stream.linear.gather [hbm4b:s7+s3], $0x12C0, $0x38;
	[tilespmem:$0x1B200] =	vst v63  }
0x1f: {  	_ =	swait.ge [sflag:s14], $0x12C0  }
0x20: {  	[sflag:s14] =	ssyncset.done $0x0  }
0x21: {  	[sflag:s14] =	ssyncadd.s32 $0xFFFFED40  }
0x22: {  	[bflag:$0x0] =	sbarrier.arrive $0xFFFF  }
0x23: {  	[tilespmem:s17], [sflag:$0x1] =	stream.linear.gather [hbm4b:s8+s3], $0x2800, $0x38;
	[tilespmem:$0x1B200] =	vst v63  }
0x24: {  	_ =	swait.ge [sflag:s18], $0x2800  }
0x25: {  	[sflag:s18] =	ssyncset.done $0x0  }
0x26: {  	s15 =	sadd.s32 $0xFFFFFB00, s0;
	[sflag:s18] =	ssyncadd.s32 $0xFFFFD800  }
0x27: {  	[tilespmem:s19], [sflag:$0x2] =	stream.linear.gather [hbm4b:s15+s3], $0x2800, $0x38;
	[tilespmem:$0x1B200] =	vst v63  }
0x28: {  	s16 =	simm.s32 $0x13C00  }
0x29: {  	[spmem:s2] =	stream.indirect.scatter.add.f32 [tilespmem:s17], [sflag:$0x3], $0x80, s16, s20, $0xb8;
	[tilespmem:$0x1B200] =	vst v63  }
0x2a: {  	s12 =	simm.s32 $0x14F00  }
0x2b: {  	[spmem:s2] =	stream.indirect.scatter.add.f32 [tilespmem:s17], [sflag:$0x5], $0x80, s12, s20, $0xb8;
	[tilespmem:$0x1B200] =	vst v63  }
0x2c: {  	_ =	swait.ge [sflag:s21], $0x2800  }
0x2d: {  	[sflag:s21] =	ssyncset.done $0x0  }
0x2e: {  	[sflag:s21] =	ssyncadd.s32 $0xFFFFD800  }
0x2f: {  	_ =	swait.ge [sflag:s22], $0x2800  }
0x30: {  	[sflag:s22] =	ssyncset.done $0x0  }
0x31: {  	[sflag:s22] =	ssyncadd.s32 $0xFFFFD800  }
0x32: {  	_ =	swait.ge [sflag:s23], $0x2800  }
0x33: {  	[sflag:s23] =	ssyncset.done $0x0  }
0x34: {  	[sflag:s23] =	ssyncadd.s32 $0xFFFFD800  }
0x35: {  	[tilespmem:s17], [sflag:$0x1] =	stream.linear.gather [hbm4b:s0+s3], $0x2800, $0x38;
	[tilespmem:$0x1B200] =	vst v63  }
0x36: {  	s15 =	simm.s32 $0x13C50  }
0x37: {  	[spmem:s2] =	stream.indirect.scatter.add.f32 [tilespmem:s19], [sflag:$0x4], $0x80, s15, s20, $0xb8;
	[tilespmem:$0x1B200] =	vst v63  }
0x38: {  	s16 =	simm.s32 $0x14F50  }
0x39: {  	[spmem:s2] =	stream.indirect.scatter.add.f32 [tilespmem:s19], [sflag:$0x6], $0x80, s16, s20, $0xb8;
	[tilespmem:$0x1B200] =	vst v63  }
0x3a: {  	_ =	swait.ge [sflag:s24], $0x2800  }
0x3b: {  	[sflag:s24] =	ssyncset.done $0x0  }
0x3c: {  	[sflag:s24] =	ssyncadd.s32 $0xFFFFD800  }
0x3d: {  	_ =	swait.ge [sflag:s25], $0x2800  }
0x3e: {  	s1 =	simm.s32 $0x280;
	s12 =	smov.u32 s0;
	[sflag:s25] =	ssyncset.done $0x0  }
.LBB2_2:
0x3f: {  	p0 =	sne.s32 s1, $0x4600;
	[sflag:s25] =	ssyncadd.s32 $0xFFFFD800;
	s12 =	sadd.s32 $0xA00, s12  }
0x40: {  	s15 =	smov.u32 s1;
	s1 =	sadd.s32 $0x280, s1;
	_ =	swait.ge [sflag:s18], $0x2800  }
0x41: {  	[sflag:s18] =	ssyncset.done $0x0  }
0x42: {  	s16 =	sadd.s32 $0xFFFFFB00, s12;
	s15 =	sshra.s32 s15, $0x2;
	[sflag:s18] =	ssyncadd.s32 $0xFFFFD800  }
0x43: {  	[tilespmem:s19], [sflag:$0x2] =	stream.linear.gather [hbm4b:s16+s3], $0x2800, $0x38;
	[tilespmem:$0x1B200] =	vst v63  }
0x44: {  	s16 =	sadd.s32 $0x13C00, s15  }
0x45: {  	[spmem:s2] =	stream.indirect.scatter.add.f32 [tilespmem:s17], [sflag:$0x3], $0x80, s16, s20, $0xb8;
	[tilespmem:$0x1B200] =	vst v63  }
0x46: {  	s16 =	sadd.s32 $0x14F00, s15  }
0x47: {  	[spmem:s2] =	stream.indirect.scatter.add.f32 [tilespmem:s17], [sflag:$0x5], $0x80, s16, s20, $0xb8;
	[tilespmem:$0x1B200] =	vst v63  }
0x48: {  	_ =	swait.ge [sflag:s21], $0x2800  }
0x49: {  	[sflag:s21] =	ssyncset.done $0x0  }
0x4a: {  	[sflag:s21] =	ssyncadd.s32 $0xFFFFD800  }
0x4b: {  	_ =	swait.ge [sflag:s22], $0x2800  }
0x4c: {  	[sflag:s22] =	ssyncset.done $0x0  }
0x4d: {  	[sflag:s22] =	ssyncadd.s32 $0xFFFFD800  }
0x4e: {  	_ =	swait.ge [sflag:s23], $0x2800  }
0x4f: {  	[sflag:s23] =	ssyncset.done $0x0  }
0x50: {  	[sflag:s23] =	ssyncadd.s32 $0xFFFFD800  }
0x51: {  	[tilespmem:s17], [sflag:$0x1] =	stream.linear.gather [hbm4b:s12+s3], $0x2800, $0x38;
	[tilespmem:$0x1B200] =	vst v63  }
0x52: {  	s16 =	sadd.s32 $0x13C50, s15  }
0x53: {  	[spmem:s2] =	stream.indirect.scatter.add.f32 [tilespmem:s19], [sflag:$0x4], $0x80, s16, s20, $0xb8;
	[tilespmem:$0x1B200] =	vst v63  }
0x54: {  	s15 =	sadd.s32 $0x14F50, s15  }
0x55: {  	[spmem:s2] =	stream.indirect.scatter.add.f32 [tilespmem:s19], [sflag:$0x6], $0x80, s15, s20, $0xb8;
	[tilespmem:$0x1B200] =	vst v63  }
.Ltmp0:
0x56: {  	_ =	swait.ge [sflag:s24], $0x2800;
	(pc) =	sbr.rel @p0 .LBB2_2-.Ltmp0, $4  }
0x57: {  	[sflag:s24] =	ssyncset.done $0x0  }
0x58: {  	[sflag:s24] =	ssyncadd.s32 $0xFFFFD800  }
0x59: {  	_ =	swait.ge [sflag:s25], $0x2800  }
0x5a: {  	[sflag:s25] =	ssyncset.done $0x0  }
0x5b: {  	[sflag:s25] =	ssyncadd.s32 $0xFFFFD800  }
0x5c: {  	_ =	swait.ge [sflag:s18], $0x2800  }
0x5d: {  	[sflag:s18] =	ssyncset.done $0x0  }
0x5e: {  	[sflag:s18] =	ssyncadd.s32 $0xFFFFD800  }
0x5f: {  	[tilespmem:s19], [sflag:$0x2] =	stream.linear.gather [hbm4b:s9+s3], $0x2800, $0x38;
	[tilespmem:$0x1B200] =	vst v63  }
0x60: {  	_ = 	snop  }
0x61: {  	[spmem:s2] =	stream.indirect.scatter.add.f32 [tilespmem:s17], [sflag:$0x3], $0x80, s26, s20, $0xb8;
	[tilespmem:$0x1B200] =	vst v63  }
0x62: {  	_ = 	snop  }
0x63: {  	[spmem:s2] =	stream.indirect.scatter.add.f32 [tilespmem:s17], [sflag:$0x5], $0x80, s28, s20, $0xb8;
	[tilespmem:$0x1B200] =	vst v63  }
0x64: {  	_ =	swait.ge [sflag:s21], $0x2800  }
0x65: {  	[sflag:s21] =	ssyncset.done $0x0  }
0x66: {  	[sflag:s21] =	ssyncadd.s32 $0xFFFFD800  }
0x67: {  	_ =	swait.ge [sflag:s22], $0x2800  }
0x68: {  	[sflag:s22] =	ssyncset.done $0x0  }
0x69: {  	[sflag:s22] =	ssyncadd.s32 $0xFFFFD800  }
0x6a: {  	_ =	swait.ge [sflag:s23], $0x2800  }
0x6b: {  	[sflag:s23] =	ssyncset.done $0x0  }
0x6c: {  	[sflag:s23] =	ssyncadd.s32 $0xFFFFD800  }
0x6d: {  	[spmem:s2] =	stream.indirect.scatter.add.f32 [tilespmem:s19], [sflag:$0x4], $0x80, s29, s20, $0xb8;
	[tilespmem:$0x1B200] =	vst v63  }
0x6e: {  	_ = 	snop  }
0x6f: {  	[spmem:s2] =	stream.indirect.scatter.add.f32 [tilespmem:s19], [sflag:$0x6], $0x80, s30, s20, $0xb8;
	[tilespmem:$0x1B200] =	vst v63  }
0x70: {  	_ =	swait.ge [sflag:s24], $0x2800  }
0x71: {  	[sflag:s24] =	ssyncset.done $0x0  }
0x72: {  	[sflag:s24] =	ssyncadd.s32 $0xFFFFD800  }
0x73: {  	_ =	swait.ge [sflag:s25], $0x2800  }
0x74: {  	s31 =	sadd.s32 $0x1, s31;
	[sflag:s25] =	ssyncset.done $0x0  }
0x75: {  	p0 =	sne.s32 s31, s11;
	[sflag:s25] =	ssyncadd.s32 $0xFFFFD800  }
.Ltmp1:
0x76: {  	[bflag:$0x0] =	sbarrier.arrive $0xFFFF;
	(pc) =	sbr.rel @p0 .LBB2_1-.Ltmp1, $4  }
0x77: {  	[hbm:s10], [sflag:s5] =	dma.local [spmem:s13], $0x2780  }
0x78: {  	_ =	swait.ge [sflag:s14], $0x2780  }
0x79: {  	[sflag:s14] =	ssyncset.done $0x0  }
0x7a: {  	[sflag:s14] =	ssyncadd.s32 $0xFFFFD880  }
0x7b: {  	_ =	sfence.sel $0x180000  }
0x7c: {  	[bflag:$0x0] =	sbarrier.arrive $0xFFFF  }
0x7d: {  	_ =	strace $0x90000050  }
0x7e: {  	s0 =	stileid.u32;
	[bflag:$0x2] =	sbarrier.arrive $0xFFFF  }
0x7f: {  	p0 =	sne.s32 s0, $0x0;
	s0 =	rddreg [dreg:$0x2]  }
0x80: {  	s0 =	sadd.s32 @!p0 $0x100000, s0  }
0x81: {  	[sflag:s0] =	ssyncadd.tile.s32 @!p0 $0x1;
	_ =	shalt  }
.Lfunc_end2:
_tile_overlayer_lowered:
.L_overlay_start_2:
0x82: {  	(tag) =	ssettag $0x2  }
0x83: {  	s0 =	rddreg [dreg:$0x0];
	s2 =	stileid.u32  }
0x84: {  	s1 =	rddreg [dreg:$0x1];
	p0 =	sne.s32 s2, $0x0  }
0x85: {  	s3 =	rddreg [dreg:$0x2];
	[bflag:$0x3] =	sbarrier.arrive $0xFFFF;
	s2 =	simm.s32 @!p0 $0x1C07  }
0x86: {  	[timem:s3], [sflag:s2] =	dma.local @!p0 [hbm:s0], s1  }
0x87: {  	s0 =	simm.s32 @!p0 $0x7  }
0x88: {  	_ =	swait.ge @!p0 [sflag:s0], s1  }
0x89: {  	s1 =	ssub.s32 @!p0 $0x0, s1;
	[sflag:s0] =	ssyncset.done @!p0 $0x0  }
0x8a: {  	[sflag:s0] =	ssyncadd.s32 @!p0 s1  }
0x8b: {  	[bflag:$0x3] =	sbarrier.arrive $0xFFFF  }
0x8c: {  	_ =	shalt  }

</sc_bundles>
